<compile_context>
chip_gen: v7x
topology: tpu7x:2x2x1
jax: 0.10.2.dev20260603
libtpu: 0.0.44.dev20260713+nightly
codegen_flags: <defaults>
</compile_context>

<pallas_src>
import math

import jax
import jax.numpy as jnp
from jax import lax
from jax.experimental import pallas as pl
from jax.experimental.pallas import tpu as pltpu
from jax.experimental.pallas import tpu_sc as plsc

RESOLUTION = 1024
TWO_PI = 2.0 * math.pi

NC = 2
NS = 16
L = 16
NW = NC * NS

N_ROWS = 16384
N_COLS = 200
ROWS_PER_W = N_ROWS // NW
ROWS_PER_CHUNK = 32
NCH = ROWS_PER_W // ROWS_PER_CHUNK
NB = 4

COL_OFFS = tuple(16 * j for j in range(N_COLS // L)) + (N_COLS - L,)


def _phase_body(ang_hbm, sin_t_hbm, cos_t_hbm, sin_out_hbm, cos_out_hbm,
                *scratch):
    ang_v = scratch[0:NB]
    sin_v = scratch[NB:2 * NB]
    cos_v = scratch[2 * NB:3 * NB]
    sin_tab, cos_tab = scratch[3 * NB], scratch[3 * NB + 1]
    in_sems = scratch[3 * NB + 2:3 * NB + 2 + NB]
    s_sems = scratch[3 * NB + 2 + NB:3 * NB + 2 + 2 * NB]
    c_sems = scratch[3 * NB + 2 + 2 * NB:3 * NB + 2 + 3 * NB]
    tab_sems = scratch[3 * NB + 2 + 3 * NB:3 * NB + 4 + 3 * NB]

    wid = lax.axis_index("s") * NC + lax.axis_index("c")
    row_base = wid * ROWS_PER_W
    scale = jnp.float32((RESOLUTION - 1) / TWO_PI)
    rpc = ROWS_PER_CHUNK

    st_cp = pltpu.async_copy(sin_t_hbm, sin_tab, tab_sems[0])
    ct_cp = pltpu.async_copy(cos_t_hbm, cos_tab, tab_sems[1])
    for b in range(NB):
        pltpu.async_copy(
            ang_hbm.at[pl.ds(row_base + b * rpc, rpc), :], ang_v[b],
            in_sems[b])
    st_cp.wait()
    ct_cp.wait()

    @pl.loop(0, NCH, step=NB)
    def _round(g):
        for b in range(NB):
            c = g + b
            r0 = row_base + c * rpc
            pltpu.make_async_copy(
                ang_hbm.at[pl.ds(r0, rpc), :], ang_v[b], in_sems[b]).wait()

            @pl.when(g > 0)
            def _():
                pltpu.make_async_copy(
                    sin_v[b], sin_out_hbm.at[pl.ds(r0, rpc), :],
                    s_sems[b]).wait()
                pltpu.make_async_copy(
                    cos_v[b], cos_out_hbm.at[pl.ds(r0, rpc), :],
                    c_sems[b]).wait()

            av, sv, cv = ang_v[b], sin_v[b], cos_v[b]

            @plsc.parallel_loop(0, ROWS_PER_CHUNK)
            def _(r):
                for off in COL_OFFS:
                    sl = pl.ds(off, L)
                    a = av[r, sl]
                    idx = (a * scale).astype(jnp.int32)
                    sv[r, sl] = plsc.load_gather(sin_tab, [idx])
                    cv[r, sl] = plsc.load_gather(cos_tab, [idx])

            pltpu.async_copy(
                sin_v[b], sin_out_hbm.at[pl.ds(r0, rpc), :], s_sems[b])
            pltpu.async_copy(
                cos_v[b], cos_out_hbm.at[pl.ds(r0, rpc), :], c_sems[b])

            @pl.when(c + NB < NCH)
            def _():
                nr0 = row_base + (c + NB) * rpc
                pltpu.async_copy(
                    ang_hbm.at[pl.ds(nr0, rpc), :], ang_v[b], in_sems[b])

    for b in range(NB):
        r0 = row_base + (NCH - NB + b) * rpc
        pltpu.make_async_copy(
            sin_v[b], sin_out_hbm.at[pl.ds(r0, rpc), :], s_sems[b]).wait()
        pltpu.make_async_copy(
            cos_v[b], cos_out_hbm.at[pl.ds(r0, rpc), :], c_sems[b]).wait()


@jax.jit
def kernel(angles, sin_table, cos_table):
    mesh = plsc.VectorSubcoreMesh(core_axis_name="c", subcore_axis_name="s")
    run = pl.kernel(
        _phase_body,
        out_type=(
            jax.ShapeDtypeStruct((N_ROWS, N_COLS), jnp.float32),
            jax.ShapeDtypeStruct((N_ROWS, N_COLS), jnp.float32),
        ),
        mesh=mesh,
        scratch_types=(
            [pltpu.VMEM((ROWS_PER_CHUNK, N_COLS), jnp.float32)
             for _ in range(3 * NB)]
            + [pltpu.VMEM((RESOLUTION,), jnp.float32) for _ in range(2)]
            + [pltpu.SemaphoreType.DMA for _ in range(3 * NB + 2)]
        ),
        compiler_params=pltpu.CompilerParams(
            needs_layout_passes=False, use_tc_tiling_on_sc=True),
    )
    return run(angles, sin_table, cos_table)

# --- scband reference (transcript-rebuilt; emitter-appended) ---
"""Pipeline reference for scband-fast-phase-processor-33603824124326 (READ-ONLY COPY).

The authoritative reference and input builder live on the scoring server;
editing this copy changes nothing except your own understanding.
"""

import jax, jax.numpy as jnp
import numpy as np
import math

RESOLUTION = 1024

def setup_inputs(seed: int = 0) -> dict:
    key = jax.random.key(seed)
    # forward arg: angles in [0, 1) per fill=rand (valid, maps to low table indices)
    angles = jax.random.uniform(jax.random.fold_in(key, 0), (16384, 200), dtype=jnp.float32)
    # buffers (registered in __init__): sin/cos lookup tables over [0, 2*pi]
    lin = jnp.linspace(0.0, 2.0 * math.pi, RESOLUTION, dtype=jnp.float32)
    sin_table = jnp.sin(lin)
    cos_table = jnp.cos(lin)
    return {"angles": angles, "sin_table": sin_table, "cos_table": cos_table}

def reference(angles, sin_table, cos_table):
    # FastPhaseProcessor.fast_phase_transform: quantize angle -> index, gather sin/cos
    indices = (angles / (2.0 * math.pi) * (RESOLUTION - 1)).astype(jnp.int32)
    sin_vals = jnp.take(sin_table, indices, axis=0)
    cos_vals = jnp.take(cos_table, indices, axis=0)
    return (sin_vals, cos_vals)

if __name__ == "__main__":
    import jax
    _d = setup_inputs()
    print(jax.jit(kernel)(*tuple(_d.values())))

</pallas_src>

<mosaic_0001>
#map = affine_map<(d0, d1) -> (0, 0)>
#map1 = affine_map<(d0, d1) -> (0)>
module attributes {stable_mosaic.version = 14 : i64} {
  func.func @_phase_body(%arg0: i32, %arg1: i32, %arg2: memref<16384x200xf32, #tpu.memory_space<hbm>>, %arg3: memref<1024xf32, #tpu.memory_space<hbm>>, %arg4: memref<1024xf32, #tpu.memory_space<hbm>>, %arg5: memref<16384x200xf32, #tpu.memory_space<hbm>>, %arg6: memref<16384x200xf32, #tpu.memory_space<hbm>>, %arg7: memref<32x200xf32, #tpu.memory_space<vmem>>, %arg8: memref<32x200xf32, #tpu.memory_space<vmem>>, %arg9: memref<32x200xf32, #tpu.memory_space<vmem>>, %arg10: memref<32x200xf32, #tpu.memory_space<vmem>>, %arg11: memref<32x200xf32, #tpu.memory_space<vmem>>, %arg12: memref<32x200xf32, #tpu.memory_space<vmem>>, %arg13: memref<32x200xf32, #tpu.memory_space<vmem>>, %arg14: memref<32x200xf32, #tpu.memory_space<vmem>>, %arg15: memref<32x200xf32, #tpu.memory_space<vmem>>, %arg16: memref<32x200xf32, #tpu.memory_space<vmem>>, %arg17: memref<32x200xf32, #tpu.memory_space<vmem>>, %arg18: memref<32x200xf32, #tpu.memory_space<vmem>>, %arg19: memref<1024xf32, #tpu.memory_space<vmem>>, %arg20: memref<1024xf32, #tpu.memory_space<vmem>>, %arg21: memref<!tpu.dma_semaphore, #tpu.memory_space<semaphore_mem>>, %arg22: memref<!tpu.dma_semaphore, #tpu.memory_space<semaphore_mem>>, %arg23: memref<!tpu.dma_semaphore, #tpu.memory_space<semaphore_mem>>, %arg24: memref<!tpu.dma_semaphore, #tpu.memory_space<semaphore_mem>>, %arg25: memref<!tpu.dma_semaphore, #tpu.memory_space<semaphore_mem>>, %arg26: memref<!tpu.dma_semaphore, #tpu.memory_space<semaphore_mem>>, %arg27: memref<!tpu.dma_semaphore, #tpu.memory_space<semaphore_mem>>, %arg28: memref<!tpu.dma_semaphore, #tpu.memory_space<semaphore_mem>>, %arg29: memref<!tpu.dma_semaphore, #tpu.memory_space<semaphore_mem>>, %arg30: memref<!tpu.dma_semaphore, #tpu.memory_space<semaphore_mem>>, %arg31: memref<!tpu.dma_semaphore, #tpu.memory_space<semaphore_mem>>, %arg32: memref<!tpu.dma_semaphore, #tpu.memory_space<semaphore_mem>>, %arg33: memref<!tpu.dma_semaphore, #tpu.memory_space<semaphore_mem>>, %arg34: memref<!tpu.dma_semaphore, #tpu.memory_space<semaphore_mem>>) attributes {dimension_semantics = [#tpu.dimension_semantics<core_parallel>, #tpu.dimension_semantics<subcore_parallel>], iteration_bounds = array<i64: 2, 16>, scalar_prefetch = 0 : i64, scratch_operands = 28 : i64, tpu.core_type = #tpu.core_type<sc_vector_subcore>, window_params = [{transform_indices = #map}, {transform_indices = #map1}, {transform_indices = #map1}, {transform_indices = #map}, {transform_indices = #map}]} {
    %mul3A = arith.constant 2 : i32
    %mul3A_0 = arith.muli %arg1, %mul3A : i32
    %add3A = arith.addi %mul3A_0, %arg0 : i32
    %mul3A_1 = arith.constant 512 : i32
    %mul3A_2 = arith.muli %add3A, %mul3A_1 : i32
    tpu.enqueue_dma source(%arg3 : memref<1024xf32, #tpu.memory_space<hbm>>) target(%arg19 : memref<1024xf32, #tpu.memory_space<vmem>>) target_semaphore(%arg33 : memref<!tpu.dma_semaphore, #tpu.memory_space<semaphore_mem>>)
    tpu.enqueue_dma source(%arg4 : memref<1024xf32, #tpu.memory_space<hbm>>) target(%arg20 : memref<1024xf32, #tpu.memory_space<vmem>>) target_semaphore(%arg34 : memref<!tpu.dma_semaphore, #tpu.memory_space<semaphore_mem>>)
    %add3A_3 = arith.constant 0 : i32
    %add3A_4 = arith.addi %mul3A_2, %add3A_3 : i32
    %dma_start3A = arith.constant 0 : i32
    %dma_start3A_5 = tpu.memref_slice %arg2[%add3A_4, %dma_start3A] : memref<16384x200xf32, #tpu.memory_space<hbm>> -> memref<32x200xf32, #tpu.memory_space<hbm>>
    %dma_start3A_6 = arith.constant 0 : i32
    %dma_start3A_7 = tpu.memref_slice %arg2[%add3A_4, %dma_start3A_6] : memref<16384x200xf32, #tpu.memory_space<hbm>> -> memref<32x200xf32, #tpu.memory_space<hbm>>
    tpu.enqueue_dma source(%dma_start3A_7 : memref<32x200xf32, #tpu.memory_space<hbm>>) target(%arg7 : memref<32x200xf32, #tpu.memory_space<vmem>>) target_semaphore(%arg21 : memref<!tpu.dma_semaphore, #tpu.memory_space<semaphore_mem>>)
    %add3A_8 = arith.constant 32 : i32
    %add3A_9 = arith.addi %mul3A_2, %add3A_8 : i32
    %dma_start3A_10 = arith.constant 0 : i32
    %dma_start3A_11 = tpu.memref_slice %arg2[%add3A_9, %dma_start3A_10] : memref<16384x200xf32, #tpu.memory_space<hbm>> -> memref<32x200xf32, #tpu.memory_space<hbm>>
    %dma_start3A_12 = arith.constant 0 : i32
    %dma_start3A_13 = tpu.memref_slice %arg2[%add3A_9, %dma_start3A_12] : memref<16384x200xf32, #tpu.memory_space<hbm>> -> memref<32x200xf32, #tpu.memory_space<hbm>>
    tpu.enqueue_dma source(%dma_start3A_13 : memref<32x200xf32, #tpu.memory_space<hbm>>) target(%arg8 : memref<32x200xf32, #tpu.memory_space<vmem>>) target_semaphore(%arg22 : memref<!tpu.dma_semaphore, #tpu.memory_space<semaphore_mem>>)
    %add3A_14 = arith.constant 64 : i32
    %add3A_15 = arith.addi %mul3A_2, %add3A_14 : i32
    %dma_start3A_16 = arith.constant 0 : i32
    %dma_start3A_17 = tpu.memref_slice %arg2[%add3A_15, %dma_start3A_16] : memref<16384x200xf32, #tpu.memory_space<hbm>> -> memref<32x200xf32, #tpu.memory_space<hbm>>
    %dma_start3A_18 = arith.constant 0 : i32
    %dma_start3A_19 = tpu.memref_slice %arg2[%add3A_15, %dma_start3A_18] : memref<16384x200xf32, #tpu.memory_space<hbm>> -> memref<32x200xf32, #tpu.memory_space<hbm>>
    tpu.enqueue_dma source(%dma_start3A_19 : memref<32x200xf32, #tpu.memory_space<hbm>>) target(%arg9 : memref<32x200xf32, #tpu.memory_space<vmem>>) target_semaphore(%arg23 : memref<!tpu.dma_semaphore, #tpu.memory_space<semaphore_mem>>)
    %add3A_20 = arith.constant 96 : i32
    %add3A_21 = arith.addi %mul3A_2, %add3A_20 : i32
    %dma_start3A_22 = arith.constant 0 : i32
    %dma_start3A_23 = tpu.memref_slice %arg2[%add3A_21, %dma_start3A_22] : memref<16384x200xf32, #tpu.memory_space<hbm>> -> memref<32x200xf32, #tpu.memory_space<hbm>>
    %dma_start3A_24 = arith.constant 0 : i32
    %dma_start3A_25 = tpu.memref_slice %arg2[%add3A_21, %dma_start3A_24] : memref<16384x200xf32, #tpu.memory_space<hbm>> -> memref<32x200xf32, #tpu.memory_space<hbm>>
    tpu.enqueue_dma source(%dma_start3A_25 : memref<32x200xf32, #tpu.memory_space<hbm>>) target(%arg10 : memref<32x200xf32, #tpu.memory_space<vmem>>) target_semaphore(%arg24 : memref<!tpu.dma_semaphore, #tpu.memory_space<semaphore_mem>>)
    tpu.wait_dma2 semaphore(%arg33 : memref<!tpu.dma_semaphore, #tpu.memory_space<semaphore_mem>>) src(%arg3 : memref<1024xf32, #tpu.memory_space<hbm>>) dst(%arg19 : memref<1024xf32, #tpu.memory_space<vmem>>)
    tpu.wait_dma2 semaphore(%arg34 : memref<!tpu.dma_semaphore, #tpu.memory_space<semaphore_mem>>) src(%arg4 : memref<1024xf32, #tpu.memory_space<hbm>>) dst(%arg20 : memref<1024xf32, #tpu.memory_space<vmem>>)
    %scan3A = arith.constant 162.815506 : f32
    %scan3A_26 = arith.constant 0 : i32
    %scan3A_27 = arith.constant 4 : i32
    %scan3A_28 = arith.addi %scan3A_26, %scan3A_27 : i32
    %scan3A_29 = arith.constant 1 : i32
    scf.for %scan3A_70 = %scan3A_26 to %scan3A_28 step %scan3A_29  : i32 {
      %mul3A_71 = arith.constant 4 : i32
      %mul3A_72 = arith.muli %scan3A_70, %mul3A_71 : i32
      %add3A_73 = arith.constant 0 : i32
      %add3A_74 = arith.addi %add3A_73, %mul3A_72 : i32
      %add3A_75 = arith.constant 0 : i32
      %add3A_76 = arith.addi %add3A_74, %add3A_75 : i32
      %mul3A_77 = arith.constant 32 : i32
      %mul3A_78 = arith.muli %add3A_76, %mul3A_77 : i32
      %add3A_79 = arith.addi %mul3A_2, %mul3A_78 : i32
      %dma_wait3A_80 = arith.constant 0 : i32
      %dma_wait3A_81 = tpu.memref_slice %arg2[%add3A_79, %dma_wait3A_80] : memref<16384x200xf32, #tpu.memory_space<hbm>> -> memref<32x200xf32, #tpu.memory_space<hbm>>
      %dma_wait3A_82 = arith.constant 0 : i32
      %dma_wait3A_83 = tpu.memref_slice %arg2[%add3A_79, %dma_wait3A_82] : memref<16384x200xf32, #tpu.memory_space<hbm>> -> memref<32x200xf32, #tpu.memory_space<hbm>>
      tpu.wait_dma2 semaphore(%arg21 : memref<!tpu.dma_semaphore, #tpu.memory_space<semaphore_mem>>) src(%dma_wait3A_83 : memref<32x200xf32, #tpu.memory_space<hbm>>) dst(%arg7 : memref<32x200xf32, #tpu.memory_space<vmem>>)
      %gt3A = arith.constant 0 : i32
      %gt3A_84 = arith.cmpi sgt, %add3A_74, %gt3A : i32
      %convert_element_type3A = arith.extui %gt3A_84 : i1 to i32
      %cond3A = arith.constant 0 : i32
      %cond3A_85 = arith.cmpi ne, %convert_element_type3A, %cond3A : i32
      scf.if %cond3A_85 {
        %dma_wait3A_198 = arith.constant 0 : i32
        %dma_wait3A_199 = tpu.memref_slice %arg5[%add3A_79, %dma_wait3A_198] : memref<16384x200xf32, #tpu.memory_space<hbm>> -> memref<32x200xf32, #tpu.memory_space<hbm>>
        %dma_wait3A_200 = arith.constant 0 : i32
        %dma_wait3A_201 = tpu.memref_slice %arg5[%add3A_79, %dma_wait3A_200] : memref<16384x200xf32, #tpu.memory_space<hbm>> -> memref<32x200xf32, #tpu.memory_space<hbm>>
        tpu.wait_dma2 semaphore(%arg25 : memref<!tpu.dma_semaphore, #tpu.memory_space<semaphore_mem>>) src(%arg11 : memref<32x200xf32, #tpu.memory_space<vmem>>) dst(%dma_wait3A_201 : memref<32x200xf32, #tpu.memory_space<hbm>>)
        %dma_wait3A_202 = arith.constant 0 : i32
        %dma_wait3A_203 = tpu.memref_slice %arg6[%add3A_79, %dma_wait3A_202] : memref<16384x200xf32, #tpu.memory_space<hbm>> -> memref<32x200xf32, #tpu.memory_space<hbm>>
        %dma_wait3A_204 = arith.constant 0 : i32
        %dma_wait3A_205 = tpu.memref_slice %arg6[%add3A_79, %dma_wait3A_204] : memref<16384x200xf32, #tpu.memory_space<hbm>> -> memref<32x200xf32, #tpu.memory_space<hbm>>
        tpu.wait_dma2 semaphore(%arg29 : memref<!tpu.dma_semaphore, #tpu.memory_space<semaphore_mem>>) src(%arg15 : memref<32x200xf32, #tpu.memory_space<vmem>>) dst(%dma_wait3A_205 : memref<32x200xf32, #tpu.memory_space<hbm>>)
      } else {
      }
      %parallel_loop3A = arith.constant 0 : i32
      %parallel_loop3A_86 = arith.constant 32 : i32
      %parallel_loop3A_87 = arith.constant 1 : i32
      scf.for %parallel_loop3A_198 = %parallel_loop3A to %parallel_loop3A_86 step %parallel_loop3A_87  : i32 {
        %parallel_loop3A_199 = arith.index_cast %parallel_loop3A_198 : i32 to index
        %parallel_loop3A_200 = arith.constant 0 : index
        %parallel_loop3A_201 = tpu.vector_load %arg7[%parallel_loop3A_199, %parallel_loop3A_200] {strides = array<i32>} : memref<32x200xf32, #tpu.memory_space<vmem>>, vector<16xf32>,
        %parallel_loop3A_202 = vector.broadcast %scan3A : f32 to vector<16xf32>
        %parallel_loop3A_203 = arith.mulf %parallel_loop3A_201, %parallel_loop3A_202 : vector<16xf32>
        %parallel_loop3A_204 = arith.fptosi %parallel_loop3A_203 : vector<16xf32> to vector<16xi32>
        %parallel_loop3A_205 = tpu.vector_load_idx %arg19[%parallel_loop3A_204] : memref<1024xf32, #tpu.memory_space<vmem>>[vector<16xi32>], vector<16xf32>,
        %parallel_loop3A_206 = arith.index_cast %parallel_loop3A_198 : i32 to index
        %parallel_loop3A_207 = arith.constant 0 : index
        %parallel_loop3A_208 = tpu.vector_load %arg11[%parallel_loop3A_206, %parallel_loop3A_207] {strides = array<i32>} : memref<32x200xf32, #tpu.memory_space<vmem>>, vector<16xf32>,
        tpu.vector_store %arg11[%parallel_loop3A_206, %parallel_loop3A_207], %parallel_loop3A_205 {strides = array<i32>} : memref<32x200xf32, #tpu.memory_space<vmem>>, vector<16xf32>,
        %parallel_loop3A_209 = tpu.vector_load_idx %arg20[%parallel_loop3A_204] : memref<1024xf32, #tpu.memory_space<vmem>>[vector<16xi32>], vector<16xf32>,
        %parallel_loop3A_210 = arith.index_cast %parallel_loop3A_198 : i32 to index
        %parallel_loop3A_211 = arith.constant 0 : index
        %parallel_loop3A_212 = tpu.vector_load %arg15[%parallel_loop3A_210, %parallel_loop3A_211] {strides = array<i32>} : memref<32x200xf32, #tpu.memory_space<vmem>>, vector<16xf32>,
        tpu.vector_store %arg15[%parallel_loop3A_210, %parallel_loop3A_211], %parallel_loop3A_209 {strides = array<i32>} : memref<32x200xf32, #tpu.memory_space<vmem>>, vector<16xf32>,
        %parallel_loop3A_213 = arith.index_cast %parallel_loop3A_198 : i32 to index
        %parallel_loop3A_214 = arith.constant 16 : index
        %parallel_loop3A_215 = tpu.vector_load %arg7[%parallel_loop3A_213, %parallel_loop3A_214] {strides = array<i32>} : memref<32x200xf32, #tpu.memory_space<vmem>>, vector<16xf32>,
        %parallel_loop3A_216 = vector.broadcast %scan3A : f32 to vector<16xf32>
        %parallel_loop3A_217 = arith.mulf %parallel_loop3A_215, %parallel_loop3A_216 : vector<16xf32>
        %parallel_loop3A_218 = arith.fptosi %parallel_loop3A_217 : vector<16xf32> to vector<16xi32>
        %parallel_loop3A_219 = tpu.vector_load_idx %arg19[%parallel_loop3A_218] : memref<1024xf32, #tpu.memory_space<vmem>>[vector<16xi32>], vector<16xf32>,
        %parallel_loop3A_220 = arith.index_cast %parallel_loop3A_198 : i32 to index
        %parallel_loop3A_221 = arith.constant 16 : index
        %parallel_loop3A_222 = tpu.vector_load %arg11[%parallel_loop3A_220, %parallel_loop3A_221] {strides = array<i32>} : memref<32x200xf32, #tpu.memory_space<vmem>>, vector<16xf32>,
        tpu.vector_store %arg11[%parallel_loop3A_220, %parallel_loop3A_221], %parallel_loop3A_219 {strides = array<i32>} : memref<32x200xf32, #tpu.memory_space<vmem>>, vector<16xf32>,
        %parallel_loop3A_223 = tpu.vector_load_idx %arg20[%parallel_loop3A_218] : memref<1024xf32, #tpu.memory_space<vmem>>[vector<16xi32>], vector<16xf32>,
        %parallel_loop3A_224 = arith.index_cast %parallel_loop3A_198 : i32 to index
        %parallel_loop3A_225 = arith.constant 16 : index
        %parallel_loop3A_226 = tpu.vector_load %arg15[%parallel_loop3A_224, %parallel_loop3A_225] {strides = array<i32>} : memref<32x200xf32, #tpu.memory_space<vmem>>, vector<16xf32>,
        tpu.vector_store %arg15[%parallel_loop3A_224, %parallel_loop3A_225], %parallel_loop3A_223 {strides = array<i32>} : memref<32x200xf32, #tpu.memory_space<vmem>>, vector<16xf32>,
        %parallel_loop3A_227 = arith.index_cast %parallel_loop3A_198 : i32 to index
        %parallel_loop3A_228 = arith.constant 32 : index
        %parallel_loop3A_229 = tpu.vector_load %arg7[%parallel_loop3A_227, %parallel_loop3A_228] {strides = array<i32>} : memref<32x200xf32, #tpu.memory_space<vmem>>, vector<16xf32>,
        %parallel_loop3A_230 = vector.broadcast %scan3A : f32 to vector<16xf32>
        %parallel_loop3A_231 = arith.mulf %parallel_loop3A_229, %parallel_loop3A_230 : vector<16xf32>
        %parallel_loop3A_232 = arith.fptosi %parallel_loop3A_231 : vector<16xf32> to vector<16xi32>
        %parallel_loop3A_233 = tpu.vector_load_idx %arg19[%parallel_loop3A_232] : memref<1024xf32, #tpu.memory_space<vmem>>[vector<16xi32>], vector<16xf32>,
        %parallel_loop3A_234 = arith.index_cast %parallel_loop3A_198 : i32 to index
        %parallel_loop3A_235 = arith.constant 32 : index
        %parallel_loop3A_236 = tpu.vector_load %arg11[%parallel_loop3A_234, %parallel_loop3A_235] {strides = array<i32>} : memref<32x200xf32, #tpu.memory_space<vmem>>, vector<16xf32>,
        tpu.vector_store %arg11[%parallel_loop3A_234, %parallel_loop3A_235], %parallel_loop3A_233 {strides = array<i32>} : memref<32x200xf32, #tpu.memory_space<vmem>>, vector<16xf32>,
        %parallel_loop3A_237 = tpu.vector_load_idx %arg20[%parallel_loop3A_232] : memref<1024xf32, #tpu.memory_space<vmem>>[vector<16xi32>], vector<16xf32>,
        %parallel_loop3A_238 = arith.index_cast %parallel_loop3A_198 : i32 to index
        %parallel_loop3A_239 = arith.constant 32 : index
        %parallel_loop3A_240 = tpu.vector_load %arg15[%parallel_loop3A_238, %parallel_loop3A_239] {strides = array<i32>} : memref<32x200xf32, #tpu.memory_space<vmem>>, vector<16xf32>,
        tpu.vector_store %arg15[%parallel_loop3A_238, %parallel_loop3A_239], %parallel_loop3A_237 {strides = array<i32>} : memref<32x200xf32, #tpu.memory_space<vmem>>, vector<16xf32>,
        %parallel_loop3A_241 = arith.index_cast %parallel_loop3A_198 : i32 to index
        %parallel_loop3A_242 = arith.constant 48 : index
        %parallel_loop3A_243 = tpu.vector_load %arg7[%parallel_loop3A_241, %parallel_loop3A_242] {strides = array<i32>} : memref<32x200xf32, #tpu.memory_space<vmem>>, vector<16xf32>,
        %parallel_loop3A_244 = vector.broadcast %scan3A : f32 to vector<16xf32>
        %parallel_loop3A_245 = arith.mulf %parallel_loop3A_243, %parallel_loop3A_244 : vector<16xf32>
        %parallel_loop3A_246 = arith.fptosi %parallel_loop3A_245 : vector<16xf32> to vector<16xi32>
        %parallel_loop3A_247 = tpu.vector_load_idx %arg19[%parallel_loop3A_246] : memref<1024xf32, #tpu.memory_space<vmem>>[vector<16xi32>], vector<16xf32>,
        %parallel_loop3A_248 = arith.index_cast %parallel_loop3A_198 : i32 to index
        %parallel_loop3A_249 = arith.constant 48 : index
        %parallel_loop3A_250 = tpu.vector_load %arg11[%parallel_loop3A_248, %parallel_loop3A_249] {strides = array<i32>} : memref<32x200xf32, #tpu.memory_space<vmem>>, vector<16xf32>,
        tpu.vector_store %arg11[%parallel_loop3A_248, %parallel_loop3A_249], %parallel_loop3A_247 {strides = array<i32>} : memref<32x200xf32, #tpu.memory_space<vmem>>, vector<16xf32>,
        %parallel_loop3A_251 = tpu.vector_load_idx %arg20[%parallel_loop3A_246] : memref<1024xf32, #tpu.memory_space<vmem>>[vector<16xi32>], vector<16xf32>,
        %parallel_loop3A_252 = arith.index_cast %parallel_loop3A_198 : i32 to index
        %parallel_loop3A_253 = arith.constant 48 : index
        %parallel_loop3A_254 = tpu.vector_load %arg15[%parallel_loop3A_252, %parallel_loop3A_253] {strides = array<i32>} : memref<32x200xf32, #tpu.memory_space<vmem>>, vector<16xf32>,
        tpu.vector_store %arg15[%parallel_loop3A_252, %parallel_loop3A_253], %parallel_loop3A_251 {strides = array<i32>} : memref<32x200xf32, #tpu.memory_space<vmem>>, vector<16xf32>,
        %parallel_loop3A_255 = arith.index_cast %parallel_loop3A_198 : i32 to index
        %parallel_loop3A_256 = arith.constant 64 : index
        %parallel_loop3A_257 = tpu.vector_load %arg7[%parallel_loop3A_255, %parallel_loop3A_256] {strides = array<i32>} : memref<32x200xf32, #tpu.memory_space<vmem>>, vector<16xf32>,
        %parallel_loop3A_258 = vector.broadcast %scan3A : f32 to vector<16xf32>
        %parallel_loop3A_259 = arith.mulf %parallel_loop3A_257, %parallel_loop3A_258 : vector<16xf32>
        %parallel_loop3A_260 = arith.fptosi %parallel_loop3A_259 : vector<16xf32> to vector<16xi32>
        %parallel_loop3A_261 = tpu.vector_load_idx %arg19[%parallel_loop3A_260] : memref<1024xf32, #tpu.memory_space<vmem>>[vector<16xi32>], vector<16xf32>,
        %parallel_loop3A_262 = arith.index_cast %parallel_loop3A_198 : i32 to index
        %parallel_loop3A_263 = arith.constant 64 : index
        %parallel_loop3A_264 = tpu.vector_load %arg11[%parallel_loop3A_262, %parallel_loop3A_263] {strides = array<i32>} : memref<32x200xf32, #tpu.memory_space<vmem>>, vector<16xf32>,
        tpu.vector_store %arg11[%parallel_loop3A_262, %parallel_loop3A_263], %parallel_loop3A_261 {strides = array<i32>} : memref<32x200xf32, #tpu.memory_space<vmem>>, vector<16xf32>,
        %parallel_loop3A_265 = tpu.vector_load_idx %arg20[%parallel_loop3A_260] : memref<1024xf32, #tpu.memory_space<vmem>>[vector<16xi32>], vector<16xf32>,
        %parallel_loop3A_266 = arith.index_cast %parallel_loop3A_198 : i32 to index
        %parallel_loop3A_267 = arith.constant 64 : index
        %parallel_loop3A_268 = tpu.vector_load %arg15[%parallel_loop3A_266, %parallel_loop3A_267] {strides = array<i32>} : memref<32x200xf32, #tpu.memory_space<vmem>>, vector<16xf32>,
        tpu.vector_store %arg15[%parallel_loop3A_266, %parallel_loop3A_267], %parallel_loop3A_265 {strides = array<i32>} : memref<32x200xf32, #tpu.memory_space<vmem>>, vector<16xf32>,
        %parallel_loop3A_269 = arith.index_cast %parallel_loop3A_198 : i32 to index
        %parallel_loop3A_270 = arith.constant 80 : index
        %parallel_loop3A_271 = tpu.vector_load %arg7[%parallel_loop3A_269, %parallel_loop3A_270] {strides = array<i32>} : memref<32x200xf32, #tpu.memory_space<vmem>>, vector<16xf32>,
        %parallel_loop3A_272 = vector.broadcast %scan3A : f32 to vector<16xf32>
        %parallel_loop3A_273 = arith.mulf %parallel_loop3A_271, %parallel_loop3A_272 : vector<16xf32>
        %parallel_loop3A_274 = arith.fptosi %parallel_loop3A_273 : vector<16xf32> to vector<16xi32>
        %parallel_loop3A_275 = tpu.vector_load_idx %arg19[%parallel_loop3A_274] : memref<1024xf32, #tpu.memory_space<vmem>>[vector<16xi32>], vector<16xf32>,
        %parallel_loop3A_276 = arith.index_cast %parallel_loop3A_198 : i32 to index
        %parallel_loop3A_277 = arith.constant 80 : index
        %parallel_loop3A_278 = tpu.vector_load %arg11[%parallel_loop3A_276, %parallel_loop3A_277] {strides = array<i32>} : memref<32x200xf32, #tpu.memory_space<vmem>>, vector<16xf32>,
        tpu.vector_store %arg11[%parallel_loop3A_276, %parallel_loop3A_277], %parallel_loop3A_275 {strides = array<i32>} : memref<32x200xf32, #tpu.memory_space<vmem>>, vector<16xf32>,
        %parallel_loop3A_279 = tpu.vector_load_idx %arg20[%parallel_loop3A_274] : memref<1024xf32, #tpu.memory_space<vmem>>[vector<16xi32>], vector<16xf32>,
        %parallel_loop3A_280 = arith.index_cast %parallel_loop3A_198 : i32 to index
        %parallel_loop3A_281 = arith.constant 80 : index
        %parallel_loop3A_282 = tpu.vector_load %arg15[%parallel_loop3A_280, %parallel_loop3A_281] {strides = array<i32>} : memref<32x200xf32, #tpu.memory_space<vmem>>, vector<16xf32>,
        tpu.vector_store %arg15[%parallel_loop3A_280, %parallel_loop3A_281], %parallel_loop3A_279 {strides = array<i32>} : memref<32x200xf32, #tpu.memory_space<vmem>>, vector<16xf32>,
        %parallel_loop3A_283 = arith.index_cast %parallel_loop3A_198 : i32 to index
        %parallel_loop3A_284 = arith.constant 96 : index
        %parallel_loop3A_285 = tpu.vector_load %arg7[%parallel_loop3A_283, %parallel_loop3A_284] {strides = array<i32>} : memref<32x200xf32, #tpu.memory_space<vmem>>, vector<16xf32>,
        %parallel_loop3A_286 = vector.broadcast %scan3A : f32 to vector<16xf32>
        %parallel_loop3A_287 = arith.mulf %parallel_loop3A_285, %parallel_loop3A_286 : vector<16xf32>
        %parallel_loop3A_288 = arith.fptosi %parallel_loop3A_287 : vector<16xf32> to vector<16xi32>
        %parallel_loop3A_289 = tpu.vector_load_idx %arg19[%parallel_loop3A_288] : memref<1024xf32, #tpu.memory_space<vmem>>[vector<16xi32>], vector<16xf32>,
        %parallel_loop3A_290 = arith.index_cast %parallel_loop3A_198 : i32 to index
        %parallel_loop3A_291 = arith.constant 96 : index
        %parallel_loop3A_292 = tpu.vector_load %arg11[%parallel_loop3A_290, %parallel_loop3A_291] {strides = array<i32>} : memref<32x200xf32, #tpu.memory_space<vmem>>, vector<16xf32>,
        tpu.vector_store %arg11[%parallel_loop3A_290, %parallel_loop3A_291], %parallel_loop3A_289 {strides = array<i32>} : memref<32x200xf32, #tpu.memory_space<vmem>>, vector<16xf32>,
        %parallel_loop3A_293 = tpu.vector_load_idx %arg20[%parallel_loop3A_288] : memref<1024xf32, #tpu.memory_space<vmem>>[vector<16xi32>], vector<16xf32>,
        %parallel_loop3A_294 = arith.index_cast %parallel_loop3A_198 : i32 to index
        %parallel_loop3A_295 = arith.constant 96 : index
        %parallel_loop3A_296 = tpu.vector_load %arg15[%parallel_loop3A_294, %parallel_loop3A_295] {strides = array<i32>} : memref<32x200xf32, #tpu.memory_space<vmem>>, vector<16xf32>,
        tpu.vector_store %arg15[%parallel_loop3A_294, %parallel_loop3A_295], %parallel_loop3A_293 {strides = array<i32>} : memref<32x200xf32, #tpu.memory_space<vmem>>, vector<16xf32>,
        %parallel_loop3A_297 = arith.index_cast %parallel_loop3A_198 : i32 to index
        %parallel_loop3A_298 = arith.constant 112 : index
        %parallel_loop3A_299 = tpu.vector_load %arg7[%parallel_loop3A_297, %parallel_loop3A_298] {strides = array<i32>} : memref<32x200xf32, #tpu.memory_space<vmem>>, vector<16xf32>,
        %parallel_loop3A_300 = vector.broadcast %scan3A : f32 to vector<16xf32>
        %parallel_loop3A_301 = arith.mulf %parallel_loop3A_299, %parallel_loop3A_300 : vector<16xf32>
        %parallel_loop3A_302 = arith.fptosi %parallel_loop3A_301 : vector<16xf32> to vector<16xi32>
        %parallel_loop3A_303 = tpu.vector_load_idx %arg19[%parallel_loop3A_302] : memref<1024xf32, #tpu.memory_space<vmem>>[vector<16xi32>], vector<16xf32>,
        %parallel_loop3A_304 = arith.index_cast %parallel_loop3A_198 : i32 to index
        %parallel_loop3A_305 = arith.constant 112 : index
        %parallel_loop3A_306 = tpu.vector_load %arg11[%parallel_loop3A_304, %parallel_loop3A_305] {strides = array<i32>} : memref<32x200xf32, #tpu.memory_space<vmem>>, vector<16xf32>,
        tpu.vector_store %arg11[%parallel_loop3A_304, %parallel_loop3A_305], %parallel_loop3A_303 {strides = array<i32>} : memref<32x200xf32, #tpu.memory_space<vmem>>, vector<16xf32>,
        %parallel_loop3A_307 = tpu.vector_load_idx %arg20[%parallel_loop3A_302] : memref<1024xf32, #tpu.memory_space<vmem>>[vector<16xi32>], vector<16xf32>,
        %parallel_loop3A_308 = arith.index_cast %parallel_loop3A_198 : i32 to index
        %parallel_loop3A_309 = arith.constant 112 : index
        %parallel_loop3A_310 = tpu.vector_load %arg15[%parallel_loop3A_308, %parallel_loop3A_309] {strides = array<i32>} : memref<32x200xf32, #tpu.memory_space<vmem>>, vector<16xf32>,
        tpu.vector_store %arg15[%parallel_loop3A_308, %parallel_loop3A_309], %parallel_loop3A_307 {strides = array<i32>} : memref<32x200xf32, #tpu.memory_space<vmem>>, vector<16xf32>,
        %parallel_loop3A_311 = arith.index_cast %parallel_loop3A_198 : i32 to index
        %parallel_loop3A_312 = arith.constant 128 : index
        %parallel_loop3A_313 = tpu.vector_load %arg7[%parallel_loop3A_311, %parallel_loop3A_312] {strides = array<i32>} : memref<32x200xf32, #tpu.memory_space<vmem>>, vector<16xf32>,
        %parallel_loop3A_314 = vector.broadcast %scan3A : f32 to vector<16xf32>
        %parallel_loop3A_315 = arith.mulf %parallel_loop3A_313, %parallel_loop3A_314 : vector<16xf32>
        %parallel_loop3A_316 = arith.fptosi %parallel_loop3A_315 : vector<16xf32> to vector<16xi32>
        %parallel_loop3A_317 = tpu.vector_load_idx %arg19[%parallel_loop3A_316] : memref<1024xf32, #tpu.memory_space<vmem>>[vector<16xi32>], vector<16xf32>,
        %parallel_loop3A_318 = arith.index_cast %parallel_loop3A_198 : i32 to index
        %parallel_loop3A_319 = arith.constant 128 : index
        %parallel_loop3A_320 = tpu.vector_load %arg11[%parallel_loop3A_318, %parallel_loop3A_319] {strides = array<i32>} : memref<32x200xf32, #tpu.memory_space<vmem>>, vector<16xf32>,
        tpu.vector_store %arg11[%parallel_loop3A_318, %parallel_loop3A_319], %parallel_loop3A_317 {strides = array<i32>} : memref<32x200xf32, #tpu.memory_space<vmem>>, vector<16xf32>,
        %parallel_loop3A_321 = tpu.vector_load_idx %arg20[%parallel_loop3A_316] : memref<1024xf32, #tpu.memory_space<vmem>>[vector<16xi32>], vector<16xf32>,
        %parallel_loop3A_322 = arith.index_cast %parallel_loop3A_198 : i32 to index
        %parallel_loop3A_323 = arith.constant 128 : index
        %parallel_loop3A_324 = tpu.vector_load %arg15[%parallel_loop3A_322, %parallel_loop3A_323] {strides = array<i32>} : memref<32x200xf32, #tpu.memory_space<vmem>>, vector<16xf32>,
        tpu.vector_store %arg15[%parallel_loop3A_322, %parallel_loop3A_323], %parallel_loop3A_321 {strides = array<i32>} : memref<32x200xf32, #tpu.memory_space<vmem>>, vector<16xf32>,
        %parallel_loop3A_325 = arith.index_cast %parallel_loop3A_198 : i32 to index
        %parallel_loop3A_326 = arith.constant 144 : index
        %parallel_loop3A_327 = tpu.vector_load %arg7[%parallel_loop3A_325, %parallel_loop3A_326] {strides = array<i32>} : memref<32x200xf32, #tpu.memory_space<vmem>>, vector<16xf32>,
        %parallel_loop3A_328 = vector.broadcast %scan3A : f32 to vector<16xf32>
        %parallel_loop3A_329 = arith.mulf %parallel_loop3A_327, %parallel_loop3A_328 : vector<16xf32>
        %parallel_loop3A_330 = arith.fptosi %parallel_loop3A_329 : vector<16xf32> to vector<16xi32>
        %parallel_loop3A_331 = tpu.vector_load_idx %arg19[%parallel_loop3A_330] : memref<1024xf32, #tpu.memory_space<vmem>>[vector<16xi32>], vector<16xf32>,
        %parallel_loop3A_332 = arith.index_cast %parallel_loop3A_198 : i32 to index
        %parallel_loop3A_333 = arith.constant 144 : index
        %parallel_loop3A_334 = tpu.vector_load %arg11[%parallel_loop3A_332, %parallel_loop3A_333] {strides = array<i32>} : memref<32x200xf32, #tpu.memory_space<vmem>>, vector<16xf32>,
        tpu.vector_store %arg11[%parallel_loop3A_332, %parallel_loop3A_333], %parallel_loop3A_331 {strides = array<i32>} : memref<32x200xf32, #tpu.memory_space<vmem>>, vector<16xf32>,
        %parallel_loop3A_335 = tpu.vector_load_idx %arg20[%parallel_loop3A_330] : memref<1024xf32, #tpu.memory_space<vmem>>[vector<16xi32>], vector<16xf32>,
        %parallel_loop3A_336 = arith.index_cast %parallel_loop3A_198 : i32 to index
        %parallel_loop3A_337 = arith.constant 144 : index
        %parallel_loop3A_338 = tpu.vector_load %arg15[%parallel_loop3A_336, %parallel_loop3A_337] {strides = array<i32>} : memref<32x200xf32, #tpu.memory_space<vmem>>, vector<16xf32>,
        tpu.vector_store %arg15[%parallel_loop3A_336, %parallel_loop3A_337], %parallel_loop3A_335 {strides = array<i32>} : memref<32x200xf32, #tpu.memory_space<vmem>>, vector<16xf32>,
        %parallel_loop3A_339 = arith.index_cast %parallel_loop3A_198 : i32 to index
        %parallel_loop3A_340 = arith.constant 160 : index
        %parallel_loop3A_341 = tpu.vector_load %arg7[%parallel_loop3A_339, %parallel_loop3A_340] {strides = array<i32>} : memref<32x200xf32, #tpu.memory_space<vmem>>, vector<16xf32>,
        %parallel_loop3A_342 = vector.broadcast %scan3A : f32 to vector<16xf32>
        %parallel_loop3A_343 = arith.mulf %parallel_loop3A_341, %parallel_loop3A_342 : vector<16xf32>
        %parallel_loop3A_344 = arith.fptosi %parallel_loop3A_343 : vector<16xf32> to vector<16xi32>
        %parallel_loop3A_345 = tpu.vector_load_idx %arg19[%parallel_loop3A_344] : memref<1024xf32, #tpu.memory_space<vmem>>[vector<16xi32>], vector<16xf32>,
        %parallel_loop3A_346 = arith.index_cast %parallel_loop3A_198 : i32 to index
        %parallel_loop3A_347 = arith.constant 160 : index
        %parallel_loop3A_348 = tpu.vector_load %arg11[%parallel_loop3A_346, %parallel_loop3A_347] {strides = array<i32>} : memref<32x200xf32, #tpu.memory_space<vmem>>, vector<16xf32>,
        tpu.vector_store %arg11[%parallel_loop3A_346, %parallel_loop3A_347], %parallel_loop3A_345 {strides = array<i32>} : memref<32x200xf32, #tpu.memory_space<vmem>>, vector<16xf32>,
        %parallel_loop3A_349 = tpu.vector_load_idx %arg20[%parallel_loop3A_344] : memref<1024xf32, #tpu.memory_space<vmem>>[vector<16xi32>], vector<16xf32>,
        %parallel_loop3A_350 = arith.index_cast %parallel_loop3A_198 : i32 to index
        %parallel_loop3A_351 = arith.constant 160 : index
        %parallel_loop3A_352 = tpu.vector_load %arg15[%parallel_loop3A_350, %parallel_loop3A_351] {strides = array<i32>} : memref<32x200xf32, #tpu.memory_space<vmem>>, vector<16xf32>,
        tpu.vector_store %arg15[%parallel_loop3A_350, %parallel_loop3A_351], %parallel_loop3A_349 {strides = array<i32>} : memref<32x200xf32, #tpu.memory_space<vmem>>, vector<16xf32>,
        %parallel_loop3A_353 = arith.index_cast %parallel_loop3A_198 : i32 to index
        %parallel_loop3A_354 = arith.constant 176 : index
        %parallel_loop3A_355 = tpu.vector_load %arg7[%parallel_loop3A_353, %parallel_loop3A_354] {strides = array<i32>} : memref<32x200xf32, #tpu.memory_space<vmem>>, vector<16xf32>,
        %parallel_loop3A_356 = vector.broadcast %scan3A : f32 to vector<16xf32>
        %parallel_loop3A_357 = arith.mulf %parallel_loop3A_355, %parallel_loop3A_356 : vector<16xf32>
        %parallel_loop3A_358 = arith.fptosi %parallel_loop3A_357 : vector<16xf32> to vector<16xi32>
        %parallel_loop3A_359 = tpu.vector_load_idx %arg19[%parallel_loop3A_358] : memref<1024xf32, #tpu.memory_space<vmem>>[vector<16xi32>], vector<16xf32>,
        %parallel_loop3A_360 = arith.index_cast %parallel_loop3A_198 : i32 to index
        %parallel_loop3A_361 = arith.constant 176 : index
        %parallel_loop3A_362 = tpu.vector_load %arg11[%parallel_loop3A_360, %parallel_loop3A_361] {strides = array<i32>} : memref<32x200xf32, #tpu.memory_space<vmem>>, vector<16xf32>,
        tpu.vector_store %arg11[%parallel_loop3A_360, %parallel_loop3A_361], %parallel_loop3A_359 {strides = array<i32>} : memref<32x200xf32, #tpu.memory_space<vmem>>, vector<16xf32>,
        %parallel_loop3A_363 = tpu.vector_load_idx %arg20[%parallel_loop3A_358] : memref<1024xf32, #tpu.memory_space<vmem>>[vector<16xi32>], vector<16xf32>,
        %parallel_loop3A_364 = arith.index_cast %parallel_loop3A_198 : i32 to index
        %parallel_loop3A_365 = arith.constant 176 : index
        %parallel_loop3A_366 = tpu.vector_load %arg15[%parallel_loop3A_364, %parallel_loop3A_365] {strides = array<i32>} : memref<32x200xf32, #tpu.memory_space<vmem>>, vector<16xf32>,
        tpu.vector_store %arg15[%parallel_loop3A_364, %parallel_loop3A_365], %parallel_loop3A_363 {strides = array<i32>} : memref<32x200xf32, #tpu.memory_space<vmem>>, vector<16xf32>,
        %parallel_loop3A_367 = arith.index_cast %parallel_loop3A_198 : i32 to index
        %parallel_loop3A_368 = arith.constant 184 : index
        %parallel_loop3A_369 = tpu.vector_load %arg7[%parallel_loop3A_367, %parallel_loop3A_368] {strides = array<i32>} : memref<32x200xf32, #tpu.memory_space<vmem>>, vector<16xf32>,
        %parallel_loop3A_370 = vector.broadcast %scan3A : f32 to vector<16xf32>
        %parallel_loop3A_371 = arith.mulf %parallel_loop3A_369, %parallel_loop3A_370 : vector<16xf32>
        %parallel_loop3A_372 = arith.fptosi %parallel_loop3A_371 : vector<16xf32> to vector<16xi32>
        %parallel_loop3A_373 = tpu.vector_load_idx %arg19[%parallel_loop3A_372] : memref<1024xf32, #tpu.memory_space<vmem>>[vector<16xi32>], vector<16xf32>,
        %parallel_loop3A_374 = arith.index_cast %parallel_loop3A_198 : i32 to index
        %parallel_loop3A_375 = arith.constant 184 : index
        %parallel_loop3A_376 = tpu.vector_load %arg11[%parallel_loop3A_374, %parallel_loop3A_375] {strides = array<i32>} : memref<32x200xf32, #tpu.memory_space<vmem>>, vector<16xf32>,
        tpu.vector_store %arg11[%parallel_loop3A_374, %parallel_loop3A_375], %parallel_loop3A_373 {strides = array<i32>} : memref<32x200xf32, #tpu.memory_space<vmem>>, vector<16xf32>,
        %parallel_loop3A_377 = tpu.vector_load_idx %arg20[%parallel_loop3A_372] : memref<1024xf32, #tpu.memory_space<vmem>>[vector<16xi32>], vector<16xf32>,
        %parallel_loop3A_378 = arith.index_cast %parallel_loop3A_198 : i32 to index
        %parallel_loop3A_379 = arith.constant 184 : index
        %parallel_loop3A_380 = tpu.vector_load %arg15[%parallel_loop3A_378, %parallel_loop3A_379] {strides = array<i32>} : memref<32x200xf32, #tpu.memory_space<vmem>>, vector<16xf32>,
        tpu.vector_store %arg15[%parallel_loop3A_378, %parallel_loop3A_379], %parallel_loop3A_377 {strides = array<i32>} : memref<32x200xf32, #tpu.memory_space<vmem>>, vector<16xf32>,
      } {sc.loop_unroll_factor = 1 : i64, sc.parallel_access}
      %dma_start3A_88 = arith.constant 0 : i32
      %dma_start3A_89 = tpu.memref_slice %arg5[%add3A_79, %dma_start3A_88] : memref<16384x200xf32, #tpu.memory_space<hbm>> -> memref<32x200xf32, #tpu.memory_space<hbm>>
      %dma_start3A_90 = arith.constant 0 : i32
      %dma_start3A_91 = tpu.memref_slice %arg5[%add3A_79, %dma_start3A_90] : memref<16384x200xf32, #tpu.memory_space<hbm>> -> memref<32x200xf32, #tpu.memory_space<hbm>>
      tpu.enqueue_dma source(%arg11 : memref<32x200xf32, #tpu.memory_space<vmem>>) target(%dma_start3A_91 : memref<32x200xf32, #tpu.memory_space<hbm>>) target_semaphore(%arg25 : memref<!tpu.dma_semaphore, #tpu.memory_space<semaphore_mem>>)
      %dma_start3A_92 = arith.constant 0 : i32
      %dma_start3A_93 = tpu.memref_slice %arg6[%add3A_79, %dma_start3A_92] : memref<16384x200xf32, #tpu.memory_space<hbm>> -> memref<32x200xf32, #tpu.memory_space<hbm>>
      %dma_start3A_94 = arith.constant 0 : i32
      %dma_start3A_95 = tpu.memref_slice %arg6[%add3A_79, %dma_start3A_94] : memref<16384x200xf32, #tpu.memory_space<hbm>> -> memref<32x200xf32, #tpu.memory_space<hbm>>
      tpu.enqueue_dma source(%arg15 : memref<32x200xf32, #tpu.memory_space<vmem>>) target(%dma_start3A_95 : memref<32x200xf32, #tpu.memory_space<hbm>>) target_semaphore(%arg29 : memref<!tpu.dma_semaphore, #tpu.memory_space<semaphore_mem>>)
      %add3A_96 = arith.constant 4 : i32
      %add3A_97 = arith.addi %add3A_76, %add3A_96 : i32
      %lt3A = arith.constant 16 : i32
      %lt3A_98 = arith.cmpi slt, %add3A_97, %lt3A : i32
      %convert_element_type3A_99 = arith.extui %lt3A_98 : i1 to i32
      %cond3A_100 = arith.constant 0 : i32
      %cond3A_101 = arith.cmpi ne, %convert_element_type3A_99, %cond3A_100 : i32
      scf.if %cond3A_101 {
        %add3A_198 = arith.constant 4 : i32
        %add3A_199 = arith.addi %add3A_76, %add3A_198 : i32
        %mul3A_200 = arith.constant 32 : i32
        %mul3A_201 = arith.muli %add3A_199, %mul3A_200 : i32
        %add3A_202 = arith.addi %mul3A_2, %mul3A_201 : i32
        %dma_start3A_203 = arith.constant 0 : i32
        %dma_start3A_204 = tpu.memref_slice %arg2[%add3A_202, %dma_start3A_203] : memref<16384x200xf32, #tpu.memory_space<hbm>> -> memref<32x200xf32, #tpu.memory_space<hbm>>
        %dma_start3A_205 = arith.constant 0 : i32
        %dma_start3A_206 = tpu.memref_slice %arg2[%add3A_202, %dma_start3A_205] : memref<16384x200xf32, #tpu.memory_space<hbm>> -> memref<32x200xf32, #tpu.memory_space<hbm>>
        tpu.enqueue_dma source(%dma_start3A_206 : memref<32x200xf32, #tpu.memory_space<hbm>>) target(%arg7 : memref<32x200xf32, #tpu.memory_space<vmem>>) target_semaphore(%arg21 : memref<!tpu.dma_semaphore, #tpu.memory_space<semaphore_mem>>)
      } else {
      }
      %add3A_102 = arith.constant 1 : i32
      %add3A_103 = arith.addi %add3A_74, %add3A_102 : i32
      %mul3A_104 = arith.constant 32 : i32
      %mul3A_105 = arith.muli %add3A_103, %mul3A_104 : i32
      %add3A_106 = arith.addi %mul3A_2, %mul3A_105 : i32
      %dma_wait3A_107 = arith.constant 0 : i32
      %dma_wait3A_108 = tpu.memref_slice %arg2[%add3A_106, %dma_wait3A_107] : memref<16384x200xf32, #tpu.memory_space<hbm>> -> memref<32x200xf32, #tpu.memory_space<hbm>>
      %dma_wait3A_109 = arith.constant 0 : i32
      %dma_wait3A_110 = tpu.memref_slice %arg2[%add3A_106, %dma_wait3A_109] : memref<16384x200xf32, #tpu.memory_space<hbm>> -> memref<32x200xf32, #tpu.memory_space<hbm>>
      tpu.wait_dma2 semaphore(%arg22 : memref<!tpu.dma_semaphore, #tpu.memory_space<semaphore_mem>>) src(%dma_wait3A_110 : memref<32x200xf32, #tpu.memory_space<hbm>>) dst(%arg8 : memref<32x200xf32, #tpu.memory_space<vmem>>)
      %gt3A_111 = arith.constant 0 : i32
      %gt3A_112 = arith.cmpi sgt, %add3A_74, %gt3A_111 : i32
      %convert_element_type3A_113 = arith.extui %gt3A_112 : i1 to i32
      %cond3A_114 = arith.constant 0 : i32
      %cond3A_115 = arith.cmpi ne, %convert_element_type3A_113, %cond3A_114 : i32
      scf.if %cond3A_115 {
        %dma_wait3A_198 = arith.constant 0 : i32
        %dma_wait3A_199 = tpu.memref_slice %arg5[%add3A_106, %dma_wait3A_198] : memref<16384x200xf32, #tpu.memory_space<hbm>> -> memref<32x200xf32, #tpu.memory_space<hbm>>
        %dma_wait3A_200 = arith.constant 0 : i32
        %dma_wait3A_201 = tpu.memref_slice %arg5[%add3A_106, %dma_wait3A_200] : memref<16384x200xf32, #tpu.memory_space<hbm>> -> memref<32x200xf32, #tpu.memory_space<hbm>>
        tpu.wait_dma2 semaphore(%arg26 : memref<!tpu.dma_semaphore, #tpu.memory_space<semaphore_mem>>) src(%arg12 : memref<32x200xf32, #tpu.memory_space<vmem>>) dst(%dma_wait3A_201 : memref<32x200xf32, #tpu.memory_space<hbm>>)
        %dma_wait3A_202 = arith.constant 0 : i32
        %dma_wait3A_203 = tpu.memref_slice %arg6[%add3A_106, %dma_wait3A_202] : memref<16384x200xf32, #tpu.memory_space<hbm>> -> memref<32x200xf32, #tpu.memory_space<hbm>>
        %dma_wait3A_204 = arith.constant 0 : i32
        %dma_wait3A_205 = tpu.memref_slice %arg6[%add3A_106, %dma_wait3A_204] : memref<16384x200xf32, #tpu.memory_space<hbm>> -> memref<32x200xf32, #tpu.memory_space<hbm>>
        tpu.wait_dma2 semaphore(%arg30 : memref<!tpu.dma_semaphore, #tpu.memory_space<semaphore_mem>>) src(%arg16 : memref<32x200xf32, #tpu.memory_space<vmem>>) dst(%dma_wait3A_205 : memref<32x200xf32, #tpu.memory_space<hbm>>)
      } else {
      }
      %parallel_loop3A_116 = arith.constant 0 : i32
      %parallel_loop3A_117 = arith.constant 32 : i32
      %parallel_loop3A_118 = arith.constant 1 : i32
      scf.for %parallel_loop3A_198 = %parallel_loop3A_116 to %parallel_loop3A_117 step %parallel_loop3A_118  : i32 {
        %parallel_loop3A_199 = arith.index_cast %parallel_loop3A_198 : i32 to index
        %parallel_loop3A_200 = arith.constant 0 : index
        %parallel_loop3A_201 = tpu.vector_load %arg8[%parallel_loop3A_199, %parallel_loop3A_200] {strides = array<i32>} : memref<32x200xf32, #tpu.memory_space<vmem>>, vector<16xf32>,
        %parallel_loop3A_202 = vector.broadcast %scan3A : f32 to vector<16xf32>
        %parallel_loop3A_203 = arith.mulf %parallel_loop3A_201, %parallel_loop3A_202 : vector<16xf32>
        %parallel_loop3A_204 = arith.fptosi %parallel_loop3A_203 : vector<16xf32> to vector<16xi32>
        %parallel_loop3A_205 = tpu.vector_load_idx %arg19[%parallel_loop3A_204] : memref<1024xf32, #tpu.memory_space<vmem>>[vector<16xi32>], vector<16xf32>,
        %parallel_loop3A_206 = arith.index_cast %parallel_loop3A_198 : i32 to index
        %parallel_loop3A_207 = arith.constant 0 : index
        %parallel_loop3A_208 = tpu.vector_load %arg12[%parallel_loop3A_206, %parallel_loop3A_207] {strides = array<i32>} : memref<32x200xf32, #tpu.memory_space<vmem>>, vector<16xf32>,
        tpu.vector_store %arg12[%parallel_loop3A_206, %parallel_loop3A_207], %parallel_loop3A_205 {strides = array<i32>} : memref<32x200xf32, #tpu.memory_space<vmem>>, vector<16xf32>,
        %parallel_loop3A_209 = tpu.vector_load_idx %arg20[%parallel_loop3A_204] : memref<1024xf32, #tpu.memory_space<vmem>>[vector<16xi32>], vector<16xf32>,
        %parallel_loop3A_210 = arith.index_cast %parallel_loop3A_198 : i32 to index
        %parallel_loop3A_211 = arith.constant 0 : index
        %parallel_loop3A_212 = tpu.vector_load %arg16[%parallel_loop3A_210, %parallel_loop3A_211] {strides = array<i32>} : memref<32x200xf32, #tpu.memory_space<vmem>>, vector<16xf32>,
        tpu.vector_store %arg16[%parallel_loop3A_210, %parallel_loop3A_211], %parallel_loop3A_209 {strides = array<i32>} : memref<32x200xf32, #tpu.memory_space<vmem>>, vector<16xf32>,
        %parallel_loop3A_213 = arith.index_cast %parallel_loop3A_198 : i32 to index
        %parallel_loop3A_214 = arith.constant 16 : index
        %parallel_loop3A_215 = tpu.vector_load %arg8[%parallel_loop3A_213, %parallel_loop3A_214] {strides = array<i32>} : memref<32x200xf32, #tpu.memory_space<vmem>>, vector<16xf32>,
        %parallel_loop3A_216 = vector.broadcast %scan3A : f32 to vector<16xf32>
        %parallel_loop3A_217 = arith.mulf %parallel_loop3A_215, %parallel_loop3A_216 : vector<16xf32>
        %parallel_loop3A_218 = arith.fptosi %parallel_loop3A_217 : vector<16xf32> to vector<16xi32>
        %parallel_loop3A_219 = tpu.vector_load_idx %arg19[%parallel_loop3A_218] : memref<1024xf32, #tpu.memory_space<vmem>>[vector<16xi32>], vector<16xf32>,
        %parallel_loop3A_220 = arith.index_cast %parallel_loop3A_198 : i32 to index
        %parallel_loop3A_221 = arith.constant 16 : index
        %parallel_loop3A_222 = tpu.vector_load %arg12[%parallel_loop3A_220, %parallel_loop3A_221] {strides = array<i32>} : memref<32x200xf32, #tpu.memory_space<vmem>>, vector<16xf32>,
        tpu.vector_store %arg12[%parallel_loop3A_220, %parallel_loop3A_221], %parallel_loop3A_219 {strides = array<i32>} : memref<32x200xf32, #tpu.memory_space<vmem>>, vector<16xf32>,
        %parallel_loop3A_223 = tpu.vector_load_idx %arg20[%parallel_loop3A_218] : memref<1024xf32, #tpu.memory_space<vmem>>[vector<16xi32>], vector<16xf32>,
        %parallel_loop3A_224 = arith.index_cast %parallel_loop3A_198 : i32 to index
        %parallel_loop3A_225 = arith.constant 16 : index
        %parallel_loop3A_226 = tpu.vector_load %arg16[%parallel_loop3A_224, %parallel_loop3A_225] {strides = array<i32>} : memref<32x200xf32, #tpu.memory_space<vmem>>, vector<16xf32>,
        tpu.vector_store %arg16[%parallel_loop3A_224, %parallel_loop3A_225], %parallel_loop3A_223 {strides = array<i32>} : memref<32x200xf32, #tpu.memory_space<vmem>>, vector<16xf32>,
        %parallel_loop3A_227 = arith.index_cast %parallel_loop3A_198 : i32 to index
        %parallel_loop3A_228 = arith.constant 32 : index
        %parallel_loop3A_229 = tpu.vector_load %arg8[%parallel_loop3A_227, %parallel_loop3A_228] {strides = array<i32>} : memref<32x200xf32, #tpu.memory_space<vmem>>, vector<16xf32>,
        %parallel_loop3A_230 = vector.broadcast %scan3A : f32 to vector<16xf32>
        %parallel_loop3A_231 = arith.mulf %parallel_loop3A_229, %parallel_loop3A_230 : vector<16xf32>
        %parallel_loop3A_232 = arith.fptosi %parallel_loop3A_231 : vector<16xf32> to vector<16xi32>
        %parallel_loop3A_233 = tpu.vector_load_idx %arg19[%parallel_loop3A_232] : memref<1024xf32, #tpu.memory_space<vmem>>[vector<16xi32>], vector<16xf32>,
        %parallel_loop3A_234 = arith.index_cast %parallel_loop3A_198 : i32 to index
        %parallel_loop3A_235 = arith.constant 32 : index
        %parallel_loop3A_236 = tpu.vector_load %arg12[%parallel_loop3A_234, %parallel_loop3A_235] {strides = array<i32>} : memref<32x200xf32, #tpu.memory_space<vmem>>, vector<16xf32>,
        tpu.vector_store %arg12[%parallel_loop3A_234, %parallel_loop3A_235], %parallel_loop3A_233 {strides = array<i32>} : memref<32x200xf32, #tpu.memory_space<vmem>>, vector<16xf32>,
        %parallel_loop3A_237 = tpu.vector_load_idx %arg20[%parallel_loop3A_232] : memref<1024xf32, #tpu.memory_space<vmem>>[vector<16xi32>], vector<16xf32>,
        %parallel_loop3A_238 = arith.index_cast %parallel_loop3A_198 : i32 to index
        %parallel_loop3A_239 = arith.constant 32 : index
        %parallel_loop3A_240 = tpu.vector_load %arg16[%parallel_loop3A_238, %parallel_loop3A_239] {strides = array<i32>} : memref<32x200xf32, #tpu.memory_space<vmem>>, vector<16xf32>,
        tpu.vector_store %arg16[%parallel_loop3A_238, %parallel_loop3A_239], %parallel_loop3A_237 {strides = array<i32>} : memref<32x200xf32, #tpu.memory_space<vmem>>, vector<16xf32>,
        %parallel_loop3A_241 = arith.index_cast %parallel_loop3A_198 : i32 to index
        %parallel_loop3A_242 = arith.constant 48 : index
        %parallel_loop3A_243 = tpu.vector_load %arg8[%parallel_loop3A_241, %parallel_loop3A_242] {strides = array<i32>} : memref<32x200xf32, #tpu.memory_space<vmem>>, vector<16xf32>,
        %parallel_loop3A_244 = vector.broadcast %scan3A : f32 to vector<16xf32>
        %parallel_loop3A_245 = arith.mulf %parallel_loop3A_243, %parallel_loop3A_244 : vector<16xf32>
        %parallel_loop3A_246 = arith.fptosi %parallel_loop3A_245 : vector<16xf32> to vector<16xi32>
        %parallel_loop3A_247 = tpu.vector_load_idx %arg19[%parallel_loop3A_246] : memref<1024xf32, #tpu.memory_space<vmem>>[vector<16xi32>], vector<16xf32>,
        %parallel_loop3A_248 = arith.index_cast %parallel_loop3A_198 : i32 to index
        %parallel_loop3A_249 = arith.constant 48 : index
        %parallel_loop3A_250 = tpu.vector_load %arg12[%parallel_loop3A_248, %parallel_loop3A_249] {strides = array<i32>} : memref<32x200xf32, #tpu.memory_space<vmem>>, vector<16xf32>,
        tpu.vector_store %arg12[%parallel_loop3A_248, %parallel_loop3A_249], %parallel_loop3A_247 {strides = array<i32>} : memref<32x200xf32, #tpu.memory_space<vmem>>, vector<16xf32>,
        %parallel_loop3A_251 = tpu.vector_load_idx %arg20[%parallel_loop3A_246] : memref<1024xf32, #tpu.memory_space<vmem>>[vector<16xi32>], vector<16xf32>,
        %parallel_loop3A_252 = arith.index_cast %parallel_loop3A_198 : i32 to index
        %parallel_loop3A_253 = arith.constant 48 : index
        %parallel_loop3A_254 = tpu.vector_load %arg16[%parallel_loop3A_252, %parallel_loop3A_253] {strides = array<i32>} : memref<32x200xf32, #tpu.memory_space<vmem>>, vector<16xf32>,
        tpu.vector_store %arg16[%parallel_loop3A_252, %parallel_loop3A_253], %parallel_loop3A_251 {strides = array<i32>} : memref<32x200xf32, #tpu.memory_space<vmem>>, vector<16xf32>,
        %parallel_loop3A_255 = arith.index_cast %parallel_loop3A_198 : i32 to index
        %parallel_loop3A_256 = arith.constant 64 : index
        %parallel_loop3A_257 = tpu.vector_load %arg8[%parallel_loop3A_255, %parallel_loop3A_256] {strides = array<i32>} : memref<32x200xf32, #tpu.memory_space<vmem>>, vector<16xf32>,
        %parallel_loop3A_258 = vector.broadcast %scan3A : f32 to vector<16xf32>
        %parallel_loop3A_259 = arith.mulf %parallel_loop3A_257, %parallel_loop3A_258 : vector<16xf32>
        %parallel_loop3A_260 = arith.fptosi %parallel_loop3A_259 : vector<16xf32> to vector<16xi32>
        %parallel_loop3A_261 = tpu.vector_load_idx %arg19[%parallel_loop3A_260] : memref<1024xf32, #tpu.memory_space<vmem>>[vector<16xi32>], vector<16xf32>,
        %parallel_loop3A_262 = arith.index_cast %parallel_loop3A_198 : i32 to index
        %parallel_loop3A_263 = arith.constant 64 : index
        %parallel_loop3A_264 = tpu.vector_load %arg12[%parallel_loop3A_262, %parallel_loop3A_263] {strides = array<i32>} : memref<32x200xf32, #tpu.memory_space<vmem>>, vector<16xf32>,
        tpu.vector_store %arg12[%parallel_loop3A_262, %parallel_loop3A_263], %parallel_loop3A_261 {strides = array<i32>} : memref<32x200xf32, #tpu.memory_space<vmem>>, vector<16xf32>,
        %parallel_loop3A_265 = tpu.vector_load_idx %arg20[%parallel_loop3A_260] : memref<1024xf32, #tpu.memory_space<vmem>>[vector<16xi32>], vector<16xf32>,
        %parallel_loop3A_266 = arith.index_cast %parallel_loop3A_198 : i32 to index
        %parallel_loop3A_267 = arith.constant 64 : index
        %parallel_loop3A_268 = tpu.vector_load %arg16[%parallel_loop3A_266, %parallel_loop3A_267] {strides = array<i32>} : memref<32x200xf32, #tpu.memory_space<vmem>>, vector<16xf32>,
        tpu.vector_store %arg16[%parallel_loop3A_266, %parallel_loop3A_267], %parallel_loop3A_265 {strides = array<i32>} : memref<32x200xf32, #tpu.memory_space<vmem>>, vector<16xf32>,
        %parallel_loop3A_269 = arith.index_cast %parallel_loop3A_198 : i32 to index
        %parallel_loop3A_270 = arith.constant 80 : index
        %parallel_loop3A_271 = tpu.vector_load %arg8[%parallel_loop3A_269, %parallel_loop3A_270] {strides = array<i32>} : memref<32x200xf32, #tpu.memory_space<vmem>>, vector<16xf32>,
        %parallel_loop3A_272 = vector.broadcast %scan3A : f32 to vector<16xf32>
        %parallel_loop3A_273 = arith.mulf %parallel_loop3A_271, %parallel_loop3A_272 : vector<16xf32>
        %parallel_loop3A_274 = arith.fptosi %parallel_loop3A_273 : vector<16xf32> to vector<16xi32>
        %parallel_loop3A_275 = tpu.vector_load_idx %arg19[%parallel_loop3A_274] : memref<1024xf32, #tpu.memory_space<vmem>>[vector<16xi32>], vector<16xf32>,
        %parallel_loop3A_276 = arith.index_cast %parallel_loop3A_198 : i32 to index
        %parallel_loop3A_277 = arith.constant 80 : index
        %parallel_loop3A_278 = tpu.vector_load %arg12[%parallel_loop3A_276, %parallel_loop3A_277] {strides = array<i32>} : memref<32x200xf32, #tpu.memory_space<vmem>>, vector<16xf32>,
        tpu.vector_store %arg12[%parallel_loop3A_276, %parallel_loop3A_277], %parallel_loop3A_275 {strides = array<i32>} : memref<32x200xf32, #tpu.memory_space<vmem>>, vector<16xf32>,
        %parallel_loop3A_279 = tpu.vector_load_idx %arg20[%parallel_loop3A_274] : memref<1024xf32, #tpu.memory_space<vmem>>[vector<16xi32>], vector<16xf32>,
        %parallel_loop3A_280 = arith.index_cast %parallel_loop3A_198 : i32 to index
        %parallel_loop3A_281 = arith.constant 80 : index
        %parallel_loop3A_282 = tpu.vector_load %arg16[%parallel_loop3A_280, %parallel_loop3A_281] {strides = array<i32>} : memref<32x200xf32, #tpu.memory_space<vmem>>, vector<16xf32>,
        tpu.vector_store %arg16[%parallel_loop3A_280, %parallel_loop3A_281], %parallel_loop3A_279 {strides = array<i32>} : memref<32x200xf32, #tpu.memory_space<vmem>>, vector<16xf32>,
        %parallel_loop3A_283 = arith.index_cast %parallel_loop3A_198 : i32 to index
        %parallel_loop3A_284 = arith.constant 96 : index
        %parallel_loop3A_285 = tpu.vector_load %arg8[%parallel_loop3A_283, %parallel_loop3A_284] {strides = array<i32>} : memref<32x200xf32, #tpu.memory_space<vmem>>, vector<16xf32>,
        %parallel_loop3A_286 = vector.broadcast %scan3A : f32 to vector<16xf32>
        %parallel_loop3A_287 = arith.mulf %parallel_loop3A_285, %parallel_loop3A_286 : vector<16xf32>
        %parallel_loop3A_288 = arith.fptosi %parallel_loop3A_287 : vector<16xf32> to vector<16xi32>
        %parallel_loop3A_289 = tpu.vector_load_idx %arg19[%parallel_loop3A_288] : memref<1024xf32, #tpu.memory_space<vmem>>[vector<16xi32>], vector<16xf32>,
        %parallel_loop3A_290 = arith.index_cast %parallel_loop3A_198 : i32 to index
        %parallel_loop3A_291 = arith.constant 96 : index
        %parallel_loop3A_292 = tpu.vector_load %arg12[%parallel_loop3A_290, %parallel_loop3A_291] {strides = array<i32>} : memref<32x200xf32, #tpu.memory_space<vmem>>, vector<16xf32>,
        tpu.vector_store %arg12[%parallel_loop3A_290, %parallel_loop3A_291], %parallel_loop3A_289 {strides = array<i32>} : memref<32x200xf32, #tpu.memory_space<vmem>>, vector<16xf32>,
        %parallel_loop3A_293 = tpu.vector_load_idx %arg20[%parallel_loop3A_288] : memref<1024xf32, #tpu.memory_space<vmem>>[vector<16xi32>], vector<16xf32>,
        %parallel_loop3A_294 = arith.index_cast %parallel_loop3A_198 : i32 to index
        %parallel_loop3A_295 = arith.constant 96 : index
        %parallel_loop3A_296 = tpu.vector_load %arg16[%parallel_loop3A_294, %parallel_loop3A_295] {strides = array<i32>} : memref<32x200xf32, #tpu.memory_space<vmem>>, vector<16xf32>,
        tpu.vector_store %arg16[%parallel_loop3A_294, %parallel_loop3A_295], %parallel_loop3A_293 {strides = array<i32>} : memref<32x200xf32, #tpu.memory_space<vmem>>, vector<16xf32>,
        %parallel_loop3A_297 = arith.index_cast %parallel_loop3A_198 : i32 to index
        %parallel_loop3A_298 = arith.constant 112 : index
        %parallel_loop3A_299 = tpu.vector_load %arg8[%parallel_loop3A_297, %parallel_loop3A_298] {strides = array<i32>} : memref<32x200xf32, #tpu.memory_space<vmem>>, vector<16xf32>,
        %parallel_loop3A_300 = vector.broadcast %scan3A : f32 to vector<16xf32>
        %parallel_loop3A_301 = arith.mulf %parallel_loop3A_299, %parallel_loop3A_300 : vector<16xf32>
        %parallel_loop3A_302 = arith.fptosi %parallel_loop3A_301 : vector<16xf32> to vector<16xi32>
        %parallel_loop3A_303 = tpu.vector_load_idx %arg19[%parallel_loop3A_302] : memref<1024xf32, #tpu.memory_space<vmem>>[vector<16xi32>], vector<16xf32>,
        %parallel_loop3A_304 = arith.index_cast %parallel_loop3A_198 : i32 to index
        %parallel_loop3A_305 = arith.constant 112 : index
        %parallel_loop3A_306 = tpu.vector_load %arg12[%parallel_loop3A_304, %parallel_loop3A_305] {strides = array<i32>} : memref<32x200xf32, #tpu.memory_space<vmem>>, vector<16xf32>,
        tpu.vector_store %arg12[%parallel_loop3A_304, %parallel_loop3A_305], %parallel_loop3A_303 {strides = array<i32>} : memref<32x200xf32, #tpu.memory_space<vmem>>, vector<16xf32>,
        %parallel_loop3A_307 = tpu.vector_load_idx %arg20[%parallel_loop3A_302] : memref<1024xf32, #tpu.memory_space<vmem>>[vector<16xi32>], vector<16xf32>,
        %parallel_loop3A_308 = arith.index_cast %parallel_loop3A_198 : i32 to index
        %parallel_loop3A_309 = arith.constant 112 : index
        %parallel_loop3A_310 = tpu.vector_load %arg16[%parallel_loop3A_308, %parallel_loop3A_309] {strides = array<i32>} : memref<32x200xf32, #tpu.memory_space<vmem>>, vector<16xf32>,
        tpu.vector_store %arg16[%parallel_loop3A_308, %parallel_loop3A_309], %parallel_loop3A_307 {strides = array<i32>} : memref<32x200xf32, #tpu.memory_space<vmem>>, vector<16xf32>,
        %parallel_loop3A_311 = arith.index_cast %parallel_loop3A_198 : i32 to index
        %parallel_loop3A_312 = arith.constant 128 : index
        %parallel_loop3A_313 = tpu.vector_load %arg8[%parallel_loop3A_311, %parallel_loop3A_312] {strides = array<i32>} : memref<32x200xf32, #tpu.memory_space<vmem>>, vector<16xf32>,
        %parallel_loop3A_314 = vector.broadcast %scan3A : f32 to vector<16xf32>
        %parallel_loop3A_315 = arith.mulf %parallel_loop3A_313, %parallel_loop3A_314 : vector<16xf32>
        %parallel_loop3A_316 = arith.fptosi %parallel_loop3A_315 : vector<16xf32> to vector<16xi32>
        %parallel_loop3A_317 = tpu.vector_load_idx %arg19[%parallel_loop3A_316] : memref<1024xf32, #tpu.memory_space<vmem>>[vector<16xi32>], vector<16xf32>,
        %parallel_loop3A_318 = arith.index_cast %parallel_loop3A_198 : i32 to index
        %parallel_loop3A_319 = arith.constant 128 : index
        %parallel_loop3A_320 = tpu.vector_load %arg12[%parallel_loop3A_318, %parallel_loop3A_319] {strides = array<i32>} : memref<32x200xf32, #tpu.memory_space<vmem>>, vector<16xf32>,
        tpu.vector_store %arg12[%parallel_loop3A_318, %parallel_loop3A_319], %parallel_loop3A_317 {strides = array<i32>} : memref<32x200xf32, #tpu.memory_space<vmem>>, vector<16xf32>,
        %parallel_loop3A_321 = tpu.vector_load_idx %arg20[%parallel_loop3A_316] : memref<1024xf32, #tpu.memory_space<vmem>>[vector<16xi32>], vector<16xf32>,
        %parallel_loop3A_322 = arith.index_cast %parallel_loop3A_198 : i32 to index
        %parallel_loop3A_323 = arith.constant 128 : index
        %parallel_loop3A_324 = tpu.vector_load %arg16[%parallel_loop3A_322, %parallel_loop3A_323] {strides = array<i32>} : memref<32x200xf32, #tpu.memory_space<vmem>>, vector<16xf32>,
        tpu.vector_store %arg16[%parallel_loop3A_322, %parallel_loop3A_323], %parallel_loop3A_321 {strides = array<i32>} : memref<32x200xf32, #tpu.memory_space<vmem>>, vector<16xf32>,
        %parallel_loop3A_325 = arith.index_cast %parallel_loop3A_198 : i32 to index
        %parallel_loop3A_326 = arith.constant 144 : index
        %parallel_loop3A_327 = tpu.vector_load %arg8[%parallel_loop3A_325, %parallel_loop3A_326] {strides = array<i32>} : memref<32x200xf32, #tpu.memory_space<vmem>>, vector<16xf32>,
        %parallel_loop3A_328 = vector.broadcast %scan3A : f32 to vector<16xf32>
        %parallel_loop3A_329 = arith.mulf %parallel_loop3A_327, %parallel_loop3A_328 : vector<16xf32>
        %parallel_loop3A_330 = arith.fptosi %parallel_loop3A_329 : vector<16xf32> to vector<16xi32>
        %parallel_loop3A_331 = tpu.vector_load_idx %arg19[%parallel_loop3A_330] : memref<1024xf32, #tpu.memory_space<vmem>>[vector<16xi32>], vector<16xf32>,
        %parallel_loop3A_332 = arith.index_cast %parallel_loop3A_198 : i32 to index
        %parallel_loop3A_333 = arith.constant 144 : index
        %parallel_loop3A_334 = tpu.vector_load %arg12[%parallel_loop3A_332, %parallel_loop3A_333] {strides = array<i32>} : memref<32x200xf32, #tpu.memory_space<vmem>>, vector<16xf32>,
        tpu.vector_store %arg12[%parallel_loop3A_332, %parallel_loop3A_333], %parallel_loop3A_331 {strides = array<i32>} : memref<32x200xf32, #tpu.memory_space<vmem>>, vector<16xf32>,
        %parallel_loop3A_335 = tpu.vector_load_idx %arg20[%parallel_loop3A_330] : memref<1024xf32, #tpu.memory_space<vmem>>[vector<16xi32>], vector<16xf32>,
        %parallel_loop3A_336 = arith.index_cast %parallel_loop3A_198 : i32 to index
        %parallel_loop3A_337 = arith.constant 144 : index
        %parallel_loop3A_338 = tpu.vector_load %arg16[%parallel_loop3A_336, %parallel_loop3A_337] {strides = array<i32>} : memref<32x200xf32, #tpu.memory_space<vmem>>, vector<16xf32>,
        tpu.vector_store %arg16[%parallel_loop3A_336, %parallel_loop3A_337], %parallel_loop3A_335 {strides = array<i32>} : memref<32x200xf32, #tpu.memory_space<vmem>>, vector<16xf32>,
        %parallel_loop3A_339 = arith.index_cast %parallel_loop3A_198 : i32 to index
        %parallel_loop3A_340 = arith.constant 160 : index
        %parallel_loop3A_341 = tpu.vector_load %arg8[%parallel_loop3A_339, %parallel_loop3A_340] {strides = array<i32>} : memref<32x200xf32, #tpu.memory_space<vmem>>, vector<16xf32>,
        %parallel_loop3A_342 = vector.broadcast %scan3A : f32 to vector<16xf32>
        %parallel_loop3A_343 = arith.mulf %parallel_loop3A_341, %parallel_loop3A_342 : vector<16xf32>
        %parallel_loop3A_344 = arith.fptosi %parallel_loop3A_343 : vector<16xf32> to vector<16xi32>
        %parallel_loop3A_345 = tpu.vector_load_idx %arg19[%parallel_loop3A_344] : memref<1024xf32, #tpu.memory_space<vmem>>[vector<16xi32>], vector<16xf32>,
        %parallel_loop3A_346 = arith.index_cast %parallel_loop3A_198 : i32 to index
        %parallel_loop3A_347 = arith.constant 160 : index
        %parallel_loop3A_348 = tpu.vector_load %arg12[%parallel_loop3A_346, %parallel_loop3A_347] {strides = array<i32>} : memref<32x200xf32, #tpu.memory_space<vmem>>, vector<16xf32>,
        tpu.vector_store %arg12[%parallel_loop3A_346, %parallel_loop3A_347], %parallel_loop3A_345 {strides = array<i32>} : memref<32x200xf32, #tpu.memory_space<vmem>>, vector<16xf32>,
        %parallel_loop3A_349 = tpu.vector_load_idx %arg20[%parallel_loop3A_344] : memref<1024xf32, #tpu.memory_space<vmem>>[vector<16xi32>], vector<16xf32>,
        %parallel_loop3A_350 = arith.index_cast %parallel_loop3A_198 : i32 to index
        %parallel_loop3A_351 = arith.constant 160 : index
        %parallel_loop3A_352 = tpu.vector_load %arg16[%parallel_loop3A_350, %parallel_loop3A_351] {strides = array<i32>} : memref<32x200xf32, #tpu.memory_space<vmem>>, vector<16xf32>,
        tpu.vector_store %arg16[%parallel_loop3A_350, %parallel_loop3A_351], %parallel_loop3A_349 {strides = array<i32>} : memref<32x200xf32, #tpu.memory_space<vmem>>, vector<16xf32>,
        %parallel_loop3A_353 = arith.index_cast %parallel_loop3A_198 : i32 to index
        %parallel_loop3A_354 = arith.constant 176 : index
        %parallel_loop3A_355 = tpu.vector_load %arg8[%parallel_loop3A_353, %parallel_loop3A_354] {strides = array<i32>} : memref<32x200xf32, #tpu.memory_space<vmem>>, vector<16xf32>,
        %parallel_loop3A_356 = vector.broadcast %scan3A : f32 to vector<16xf32>
        %parallel_loop3A_357 = arith.mulf %parallel_loop3A_355, %parallel_loop3A_356 : vector<16xf32>
        %parallel_loop3A_358 = arith.fptosi %parallel_loop3A_357 : vector<16xf32> to vector<16xi32>
        %parallel_loop3A_359 = tpu.vector_load_idx %arg19[%parallel_loop3A_358] : memref<1024xf32, #tpu.memory_space<vmem>>[vector<16xi32>], vector<16xf32>,
        %parallel_loop3A_360 = arith.index_cast %parallel_loop3A_198 : i32 to index
        %parallel_loop3A_361 = arith.constant 176 : index
        %parallel_loop3A_362 = tpu.vector_load %arg12[%parallel_loop3A_360, %parallel_loop3A_361] {strides = array<i32>} : memref<32x200xf32, #tpu.memory_space<vmem>>, vector<16xf32>,
        tpu.vector_store %arg12[%parallel_loop3A_360, %parallel_loop3A_361], %parallel_loop3A_359 {strides = array<i32>} : memref<32x200xf32, #tpu.memory_space<vmem>>, vector<16xf32>,
        %parallel_loop3A_363 = tpu.vector_load_idx %arg20[%parallel_loop3A_358] : memref<1024xf32, #tpu.memory_space<vmem>>[vector<16xi32>], vector<16xf32>,
        %parallel_loop3A_364 = arith.index_cast %parallel_loop3A_198 : i32 to index
        %parallel_loop3A_365 = arith.constant 176 : index
        %parallel_loop3A_366 = tpu.vector_load %arg16[%parallel_loop3A_364, %parallel_loop3A_365] {strides = array<i32>} : memref<32x200xf32, #tpu.memory_space<vmem>>, vector<16xf32>,
        tpu.vector_store %arg16[%parallel_loop3A_364, %parallel_loop3A_365], %parallel_loop3A_363 {strides = array<i32>} : memref<32x200xf32, #tpu.memory_space<vmem>>, vector<16xf32>,
        %parallel_loop3A_367 = arith.index_cast %parallel_loop3A_198 : i32 to index
        %parallel_loop3A_368 = arith.constant 184 : index
        %parallel_loop3A_369 = tpu.vector_load %arg8[%parallel_loop3A_367, %parallel_loop3A_368] {strides = array<i32>} : memref<32x200xf32, #tpu.memory_space<vmem>>, vector<16xf32>,
        %parallel_loop3A_370 = vector.broadcast %scan3A : f32 to vector<16xf32>
        %parallel_loop3A_371 = arith.mulf %parallel_loop3A_369, %parallel_loop3A_370 : vector<16xf32>
        %parallel_loop3A_372 = arith.fptosi %parallel_loop3A_371 : vector<16xf32> to vector<16xi32>
        %parallel_loop3A_373 = tpu.vector_load_idx %arg19[%parallel_loop3A_372] : memref<1024xf32, #tpu.memory_space<vmem>>[vector<16xi32>], vector<16xf32>,
        %parallel_loop3A_374 = arith.index_cast %parallel_loop3A_198 : i32 to index
        %parallel_loop3A_375 = arith.constant 184 : index
        %parallel_loop3A_376 = tpu.vector_load %arg12[%parallel_loop3A_374, %parallel_loop3A_375] {strides = array<i32>} : memref<32x200xf32, #tpu.memory_space<vmem>>, vector<16xf32>,
        tpu.vector_store %arg12[%parallel_loop3A_374, %parallel_loop3A_375], %parallel_loop3A_373 {strides = array<i32>} : memref<32x200xf32, #tpu.memory_space<vmem>>, vector<16xf32>,
        %parallel_loop3A_377 = tpu.vector_load_idx %arg20[%parallel_loop3A_372] : memref<1024xf32, #tpu.memory_space<vmem>>[vector<16xi32>], vector<16xf32>,
        %parallel_loop3A_378 = arith.index_cast %parallel_loop3A_198 : i32 to index
        %parallel_loop3A_379 = arith.constant 184 : index
        %parallel_loop3A_380 = tpu.vector_load %arg16[%parallel_loop3A_378, %parallel_loop3A_379] {strides = array<i32>} : memref<32x200xf32, #tpu.memory_space<vmem>>, vector<16xf32>,
        tpu.vector_store %arg16[%parallel_loop3A_378, %parallel_loop3A_379], %parallel_loop3A_377 {strides = array<i32>} : memref<32x200xf32, #tpu.memory_space<vmem>>, vector<16xf32>,
      } {sc.loop_unroll_factor = 1 : i64, sc.parallel_access}
      %dma_start3A_119 = arith.constant 0 : i32
      %dma_start3A_120 = tpu.memref_slice %arg5[%add3A_106, %dma_start3A_119] : memref<16384x200xf32, #tpu.memory_space<hbm>> -> memref<32x200xf32, #tpu.memory_space<hbm>>
      %dma_start3A_121 = arith.constant 0 : i32
      %dma_start3A_122 = tpu.memref_slice %arg5[%add3A_106, %dma_start3A_121] : memref<16384x200xf32, #tpu.memory_space<hbm>> -> memref<32x200xf32, #tpu.memory_space<hbm>>
      tpu.enqueue_dma source(%arg12 : memref<32x200xf32, #tpu.memory_space<vmem>>) target(%dma_start3A_122 : memref<32x200xf32, #tpu.memory_space<hbm>>) target_semaphore(%arg26 : memref<!tpu.dma_semaphore, #tpu.memory_space<semaphore_mem>>)
      %dma_start3A_123 = arith.constant 0 : i32
      %dma_start3A_124 = tpu.memref_slice %arg6[%add3A_106, %dma_start3A_123] : memref<16384x200xf32, #tpu.memory_space<hbm>> -> memref<32x200xf32, #tpu.memory_space<hbm>>
      %dma_start3A_125 = arith.constant 0 : i32
      %dma_start3A_126 = tpu.memref_slice %arg6[%add3A_106, %dma_start3A_125] : memref<16384x200xf32, #tpu.memory_space<hbm>> -> memref<32x200xf32, #tpu.memory_space<hbm>>
      tpu.enqueue_dma source(%arg16 : memref<32x200xf32, #tpu.memory_space<vmem>>) target(%dma_start3A_126 : memref<32x200xf32, #tpu.memory_space<hbm>>) target_semaphore(%arg30 : memref<!tpu.dma_semaphore, #tpu.memory_space<semaphore_mem>>)
      %add3A_127 = arith.constant 4 : i32
      %add3A_128 = arith.addi %add3A_103, %add3A_127 : i32
      %lt3A_129 = arith.constant 16 : i32
      %lt3A_130 = arith.cmpi slt, %add3A_128, %lt3A_129 : i32
      %convert_element_type3A_131 = arith.extui %lt3A_130 : i1 to i32
      %cond3A_132 = arith.constant 0 : i32
      %cond3A_133 = arith.cmpi ne, %convert_element_type3A_131, %cond3A_132 : i32
      scf.if %cond3A_133 {
        %add3A_198 = arith.constant 4 : i32
        %add3A_199 = arith.addi %add3A_103, %add3A_198 : i32
        %mul3A_200 = arith.constant 32 : i32
        %mul3A_201 = arith.muli %add3A_199, %mul3A_200 : i32
        %add3A_202 = arith.addi %mul3A_2, %mul3A_201 : i32
        %dma_start3A_203 = arith.constant 0 : i32
        %dma_start3A_204 = tpu.memref_slice %arg2[%add3A_202, %dma_start3A_203] : memref<16384x200xf32, #tpu.memory_space<hbm>> -> memref<32x200xf32, #tpu.memory_space<hbm>>
        %dma_start3A_205 = arith.constant 0 : i32
        %dma_start3A_206 = tpu.memref_slice %arg2[%add3A_202, %dma_start3A_205] : memref<16384x200xf32, #tpu.memory_space<hbm>> -> memref<32x200xf32, #tpu.memory_space<hbm>>
        tpu.enqueue_dma source(%dma_start3A_206 : memref<32x200xf32, #tpu.memory_space<hbm>>) target(%arg8 : memref<32x200xf32, #tpu.memory_space<vmem>>) target_semaphore(%arg22 : memref<!tpu.dma_semaphore, #tpu.memory_space<semaphore_mem>>)
      } else {
      }
      %add3A_134 = arith.constant 2 : i32
      %add3A_135 = arith.addi %add3A_74, %add3A_134 : i32
      %mul3A_136 = arith.constant 32 : i32
      %mul3A_137 = arith.muli %add3A_135, %mul3A_136 : i32
      %add3A_138 = arith.addi %mul3A_2, %mul3A_137 : i32
      %dma_wait3A_139 = arith.constant 0 : i32
      %dma_wait3A_140 = tpu.memref_slice %arg2[%add3A_138, %dma_wait3A_139] : memref<16384x200xf32, #tpu.memory_space<hbm>> -> memref<32x200xf32, #tpu.memory_space<hbm>>
      %dma_wait3A_141 = arith.constant 0 : i32
      %dma_wait3A_142 = tpu.memref_slice %arg2[%add3A_138, %dma_wait3A_141] : memref<16384x200xf32, #tpu.memory_space<hbm>> -> memref<32x200xf32, #tpu.memory_space<hbm>>
      tpu.wait_dma2 semaphore(%arg23 : memref<!tpu.dma_semaphore, #tpu.memory_space<semaphore_mem>>) src(%dma_wait3A_142 : memref<32x200xf32, #tpu.memory_space<hbm>>) dst(%arg9 : memref<32x200xf32, #tpu.memory_space<vmem>>)
      %gt3A_143 = arith.constant 0 : i32
      %gt3A_144 = arith.cmpi sgt, %add3A_74, %gt3A_143 : i32
      %convert_element_type3A_145 = arith.extui %gt3A_144 : i1 to i32
      %cond3A_146 = arith.constant 0 : i32
      %cond3A_147 = arith.cmpi ne, %convert_element_type3A_145, %cond3A_146 : i32
      scf.if %cond3A_147 {
        %dma_wait3A_198 = arith.constant 0 : i32
        %dma_wait3A_199 = tpu.memref_slice %arg5[%add3A_138, %dma_wait3A_198] : memref<16384x200xf32, #tpu.memory_space<hbm>> -> memref<32x200xf32, #tpu.memory_space<hbm>>
        %dma_wait3A_200 = arith.constant 0 : i32
        %dma_wait3A_201 = tpu.memref_slice %arg5[%add3A_138, %dma_wait3A_200] : memref<16384x200xf32, #tpu.memory_space<hbm>> -> memref<32x200xf32, #tpu.memory_space<hbm>>
        tpu.wait_dma2 semaphore(%arg27 : memref<!tpu.dma_semaphore, #tpu.memory_space<semaphore_mem>>) src(%arg13 : memref<32x200xf32, #tpu.memory_space<vmem>>) dst(%dma_wait3A_201 : memref<32x200xf32, #tpu.memory_space<hbm>>)
        %dma_wait3A_202 = arith.constant 0 : i32
        %dma_wait3A_203 = tpu.memref_slice %arg6[%add3A_138, %dma_wait3A_202] : memref<16384x200xf32, #tpu.memory_space<hbm>> -> memref<32x200xf32, #tpu.memory_space<hbm>>
        %dma_wait3A_204 = arith.constant 0 : i32
        %dma_wait3A_205 = tpu.memref_slice %arg6[%add3A_138, %dma_wait3A_204] : memref<16384x200xf32, #tpu.memory_space<hbm>> -> memref<32x200xf32, #tpu.memory_space<hbm>>
        tpu.wait_dma2 semaphore(%arg31 : memref<!tpu.dma_semaphore, #tpu.memory_space<semaphore_mem>>) src(%arg17 : memref<32x200xf32, #tpu.memory_space<vmem>>) dst(%dma_wait3A_205 : memref<32x200xf32, #tpu.memory_space<hbm>>)
      } else {
      }
      %parallel_loop3A_148 = arith.constant 0 : i32
      %parallel_loop3A_149 = arith.constant 32 : i32
      %parallel_loop3A_150 = arith.constant 1 : i32
      scf.for %parallel_loop3A_198 = %parallel_loop3A_148 to %parallel_loop3A_149 step %parallel_loop3A_150  : i32 {
        %parallel_loop3A_199 = arith.index_cast %parallel_loop3A_198 : i32 to index
        %parallel_loop3A_200 = arith.constant 0 : index
        %parallel_loop3A_201 = tpu.vector_load %arg9[%parallel_loop3A_199, %parallel_loop3A_200] {strides = array<i32>} : memref<32x200xf32, #tpu.memory_space<vmem>>, vector<16xf32>,
        %parallel_loop3A_202 = vector.broadcast %scan3A : f32 to vector<16xf32>
        %parallel_loop3A_203 = arith.mulf %parallel_loop3A_201, %parallel_loop3A_202 : vector<16xf32>
        %parallel_loop3A_204 = arith.fptosi %parallel_loop3A_203 : vector<16xf32> to vector<16xi32>
        %parallel_loop3A_205 = tpu.vector_load_idx %arg19[%parallel_loop3A_204] : memref<1024xf32, #tpu.memory_space<vmem>>[vector<16xi32>], vector<16xf32>,
        %parallel_loop3A_206 = arith.index_cast %parallel_loop3A_198 : i32 to index
        %parallel_loop3A_207 = arith.constant 0 : index
        %parallel_loop3A_208 = tpu.vector_load %arg13[%parallel_loop3A_206, %parallel_loop3A_207] {strides = array<i32>} : memref<32x200xf32, #tpu.memory_space<vmem>>, vector<16xf32>,
        tpu.vector_store %arg13[%parallel_loop3A_206, %parallel_loop3A_207], %parallel_loop3A_205 {strides = array<i32>} : memref<32x200xf32, #tpu.memory_space<vmem>>, vector<16xf32>,
        %parallel_loop3A_209 = tpu.vector_load_idx %arg20[%parallel_loop3A_204] : memref<1024xf32, #tpu.memory_space<vmem>>[vector<16xi32>], vector<16xf32>,
        %parallel_loop3A_210 = arith.index_cast %parallel_loop3A_198 : i32 to index
        %parallel_loop3A_211 = arith.constant 0 : index
        %parallel_loop3A_212 = tpu.vector_load %arg17[%parallel_loop3A_210, %parallel_loop3A_211] {strides = array<i32>} : memref<32x200xf32, #tpu.memory_space<vmem>>, vector<16xf32>,
        tpu.vector_store %arg17[%parallel_loop3A_210, %parallel_loop3A_211], %parallel_loop3A_209 {strides = array<i32>} : memref<32x200xf32, #tpu.memory_space<vmem>>, vector<16xf32>,
        %parallel_loop3A_213 = arith.index_cast %parallel_loop3A_198 : i32 to index
        %parallel_loop3A_214 = arith.constant 16 : index
        %parallel_loop3A_215 = tpu.vector_load %arg9[%parallel_loop3A_213, %parallel_loop3A_214] {strides = array<i32>} : memref<32x200xf32, #tpu.memory_space<vmem>>, vector<16xf32>,
        %parallel_loop3A_216 = vector.broadcast %scan3A : f32 to vector<16xf32>
        %parallel_loop3A_217 = arith.mulf %parallel_loop3A_215, %parallel_loop3A_216 : vector<16xf32>
        %parallel_loop3A_218 = arith.fptosi %parallel_loop3A_217 : vector<16xf32> to vector<16xi32>
        %parallel_loop3A_219 = tpu.vector_load_idx %arg19[%parallel_loop3A_218] : memref<1024xf32, #tpu.memory_space<vmem>>[vector<16xi32>], vector<16xf32>,
        %parallel_loop3A_220 = arith.index_cast %parallel_loop3A_198 : i32 to index
        %parallel_loop3A_221 = arith.constant 16 : index
        %parallel_loop3A_222 = tpu.vector_load %arg13[%parallel_loop3A_220, %parallel_loop3A_221] {strides = array<i32>} : memref<32x200xf32, #tpu.memory_space<vmem>>, vector<16xf32>,
        tpu.vector_store %arg13[%parallel_loop3A_220, %parallel_loop3A_221], %parallel_loop3A_219 {strides = array<i32>} : memref<32x200xf32, #tpu.memory_space<vmem>>, vector<16xf32>,
        %parallel_loop3A_223 = tpu.vector_load_idx %arg20[%parallel_loop3A_218] : memref<1024xf32, #tpu.memory_space<vmem>>[vector<16xi32>], vector<16xf32>,
        %parallel_loop3A_224 = arith.index_cast %parallel_loop3A_198 : i32 to index
        %parallel_loop3A_225 = arith.constant 16 : index
        %parallel_loop3A_226 = tpu.vector_load %arg17[%parallel_loop3A_224, %parallel_loop3A_225] {strides = array<i32>} : memref<32x200xf32, #tpu.memory_space<vmem>>, vector<16xf32>,
        tpu.vector_store %arg17[%parallel_loop3A_224, %parallel_loop3A_225], %parallel_loop3A_223 {strides = array<i32>} : memref<32x200xf32, #tpu.memory_space<vmem>>, vector<16xf32>,
        %parallel_loop3A_227 = arith.index_cast %parallel_loop3A_198 : i32 to index
        %parallel_loop3A_228 = arith.constant 32 : index
        %parallel_loop3A_229 = tpu.vector_load %arg9[%parallel_loop3A_227, %parallel_loop3A_228] {strides = array<i32>} : memref<32x200xf32, #tpu.memory_space<vmem>>, vector<16xf32>,
        %parallel_loop3A_230 = vector.broadcast %scan3A : f32 to vector<16xf32>
        %parallel_loop3A_231 = arith.mulf %parallel_loop3A_229, %parallel_loop3A_230 : vector<16xf32>
        %parallel_loop3A_232 = arith.fptosi %parallel_loop3A_231 : vector<16xf32> to vector<16xi32>
        %parallel_loop3A_233 = tpu.vector_load_idx %arg19[%parallel_loop3A_232] : memref<1024xf32, #tpu.memory_space<vmem>>[vector<16xi32>], vector<16xf32>,
        %parallel_loop3A_234 = arith.index_cast %parallel_loop3A_198 : i32 to index
        %parallel_loop3A_235 = arith.constant 32 : index
        %parallel_loop3A_236 = tpu.vector_load %arg13[%parallel_loop3A_234, %parallel_loop3A_235] {strides = array<i32>} : memref<32x200xf32, #tpu.memory_space<vmem>>, vector<16xf32>,
        tpu.vector_store %arg13[%parallel_loop3A_234, %parallel_loop3A_235], %parallel_loop3A_233 {strides = array<i32>} : memref<32x200xf32, #tpu.memory_space<vmem>>, vector<16xf32>,
        %parallel_loop3A_237 = tpu.vector_load_idx %arg20[%parallel_loop3A_232] : memref<1024xf32, #tpu.memory_space<vmem>>[vector<16xi32>], vector<16xf32>,
        %parallel_loop3A_238 = arith.index_cast %parallel_loop3A_198 : i32 to index
        %parallel_loop3A_239 = arith.constant 32 : index
        %parallel_loop3A_240 = tpu.vector_load %arg17[%parallel_loop3A_238, %parallel_loop3A_239] {strides = array<i32>} : memref<32x200xf32, #tpu.memory_space<vmem>>, vector<16xf32>,
        tpu.vector_store %arg17[%parallel_loop3A_238, %parallel_loop3A_239], %parallel_loop3A_237 {strides = array<i32>} : memref<32x200xf32, #tpu.memory_space<vmem>>, vector<16xf32>,
        %parallel_loop3A_241 = arith.index_cast %parallel_loop3A_198 : i32 to index
        %parallel_loop3A_242 = arith.constant 48 : index
        %parallel_loop3A_243 = tpu.vector_load %arg9[%parallel_loop3A_241, %parallel_loop3A_242] {strides = array<i32>} : memref<32x200xf32, #tpu.memory_space<vmem>>, vector<16xf32>,
        %parallel_loop3A_244 = vector.broadcast %scan3A : f32 to vector<16xf32>
        %parallel_loop3A_245 = arith.mulf %parallel_loop3A_243, %parallel_loop3A_244 : vector<16xf32>
        %parallel_loop3A_246 = arith.fptosi %parallel_loop3A_245 : vector<16xf32> to vector<16xi32>
        %parallel_loop3A_247 = tpu.vector_load_idx %arg19[%parallel_loop3A_246] : memref<1024xf32, #tpu.memory_space<vmem>>[vector<16xi32>], vector<16xf32>,
        %parallel_loop3A_248 = arith.index_cast %parallel_loop3A_198 : i32 to index
        %parallel_loop3A_249 = arith.constant 48 : index
        %parallel_loop3A_250 = tpu.vector_load %arg13[%parallel_loop3A_248, %parallel_loop3A_249] {strides = array<i32>} : memref<32x200xf32, #tpu.memory_space<vmem>>, vector<16xf32>,
        tpu.vector_store %arg13[%parallel_loop3A_248, %parallel_loop3A_249], %parallel_loop3A_247 {strides = array<i32>} : memref<32x200xf32, #tpu.memory_space<vmem>>, vector<16xf32>,
        %parallel_loop3A_251 = tpu.vector_load_idx %arg20[%parallel_loop3A_246] : memref<1024xf32, #tpu.memory_space<vmem>>[vector<16xi32>], vector<16xf32>,
        %parallel_loop3A_252 = arith.index_cast %parallel_loop3A_198 : i32 to index
        %parallel_loop3A_253 = arith.constant 48 : index
        %parallel_loop3A_254 = tpu.vector_load %arg17[%parallel_loop3A_252, %parallel_loop3A_253] {strides = array<i32>} : memref<32x200xf32, #tpu.memory_space<vmem>>, vector<16xf32>,
        tpu.vector_store %arg17[%parallel_loop3A_252, %parallel_loop3A_253], %parallel_loop3A_251 {strides = array<i32>} : memref<32x200xf32, #tpu.memory_space<vmem>>, vector<16xf32>,
        %parallel_loop3A_255 = arith.index_cast %parallel_loop3A_198 : i32 to index
        %parallel_loop3A_256 = arith.constant 64 : index
        %parallel_loop3A_257 = tpu.vector_load %arg9[%parallel_loop3A_255, %parallel_loop3A_256] {strides = array<i32>} : memref<32x200xf32, #tpu.memory_space<vmem>>, vector<16xf32>,
        %parallel_loop3A_258 = vector.broadcast %scan3A : f32 to vector<16xf32>
        %parallel_loop3A_259 = arith.mulf %parallel_loop3A_257, %parallel_loop3A_258 : vector<16xf32>
        %parallel_loop3A_260 = arith.fptosi %parallel_loop3A_259 : vector<16xf32> to vector<16xi32>
        %parallel_loop3A_261 = tpu.vector_load_idx %arg19[%parallel_loop3A_260] : memref<1024xf32, #tpu.memory_space<vmem>>[vector<16xi32>], vector<16xf32>,
        %parallel_loop3A_262 = arith.index_cast %parallel_loop3A_198 : i32 to index
        %parallel_loop3A_263 = arith.constant 64 : index
        %parallel_loop3A_264 = tpu.vector_load %arg13[%parallel_loop3A_262, %parallel_loop3A_263] {strides = array<i32>} : memref<32x200xf32, #tpu.memory_space<vmem>>, vector<16xf32>,
        tpu.vector_store %arg13[%parallel_loop3A_262, %parallel_loop3A_263], %parallel_loop3A_261 {strides = array<i32>} : memref<32x200xf32, #tpu.memory_space<vmem>>, vector<16xf32>,
        %parallel_loop3A_265 = tpu.vector_load_idx %arg20[%parallel_loop3A_260] : memref<1024xf32, #tpu.memory_space<vmem>>[vector<16xi32>], vector<16xf32>,
        %parallel_loop3A_266 = arith.index_cast %parallel_loop3A_198 : i32 to index
        %parallel_loop3A_267 = arith.constant 64 : index
        %parallel_loop3A_268 = tpu.vector_load %arg17[%parallel_loop3A_266, %parallel_loop3A_267] {strides = array<i32>} : memref<32x200xf32, #tpu.memory_space<vmem>>, vector<16xf32>,
        tpu.vector_store %arg17[%parallel_loop3A_266, %parallel_loop3A_267], %parallel_loop3A_265 {strides = array<i32>} : memref<32x200xf32, #tpu.memory_space<vmem>>, vector<16xf32>,
        %parallel_loop3A_269 = arith.index_cast %parallel_loop3A_198 : i32 to index
        %parallel_loop3A_270 = arith.constant 80 : index
        %parallel_loop3A_271 = tpu.vector_load %arg9[%parallel_loop3A_269, %parallel_loop3A_270] {strides = array<i32>} : memref<32x200xf32, #tpu.memory_space<vmem>>, vector<16xf32>,
        %parallel_loop3A_272 = vector.broadcast %scan3A : f32 to vector<16xf32>
        %parallel_loop3A_273 = arith.mulf %parallel_loop3A_271, %parallel_loop3A_272 : vector<16xf32>
        %parallel_loop3A_274 = arith.fptosi %parallel_loop3A_273 : vector<16xf32> to vector<16xi32>
        %parallel_loop3A_275 = tpu.vector_load_idx %arg19[%parallel_loop3A_274] : memref<1024xf32, #tpu.memory_space<vmem>>[vector<16xi32>], vector<16xf32>,
        %parallel_loop3A_276 = arith.index_cast %parallel_loop3A_198 : i32 to index
        %parallel_loop3A_277 = arith.constant 80 : index
        %parallel_loop3A_278 = tpu.vector_load %arg13[%parallel_loop3A_276, %parallel_loop3A_277] {strides = array<i32>} : memref<32x200xf32, #tpu.memory_space<vmem>>, vector<16xf32>,
        tpu.vector_store %arg13[%parallel_loop3A_276, %parallel_loop3A_277], %parallel_loop3A_275 {strides = array<i32>} : memref<32x200xf32, #tpu.memory_space<vmem>>, vector<16xf32>,
        %parallel_loop3A_279 = tpu.vector_load_idx %arg20[%parallel_loop3A_274] : memref<1024xf32, #tpu.memory_space<vmem>>[vector<16xi32>], vector<16xf32>,
        %parallel_loop3A_280 = arith.index_cast %parallel_loop3A_198 : i32 to index
        %parallel_loop3A_281 = arith.constant 80 : index
        %parallel_loop3A_282 = tpu.vector_load %arg17[%parallel_loop3A_280, %parallel_loop3A_281] {strides = array<i32>} : memref<32x200xf32, #tpu.memory_space<vmem>>, vector<16xf32>,
        tpu.vector_store %arg17[%parallel_loop3A_280, %parallel_loop3A_281], %parallel_loop3A_279 {strides = array<i32>} : memref<32x200xf32, #tpu.memory_space<vmem>>, vector<16xf32>,
        %parallel_loop3A_283 = arith.index_cast %parallel_loop3A_198 : i32 to index
        %parallel_loop3A_284 = arith.constant 96 : index
        %parallel_loop3A_285 = tpu.vector_load %arg9[%parallel_loop3A_283, %parallel_loop3A_284] {strides = array<i32>} : memref<32x200xf32, #tpu.memory_space<vmem>>, vector<16xf32>,
        %parallel_loop3A_286 = vector.broadcast %scan3A : f32 to vector<16xf32>
        %parallel_loop3A_287 = arith.mulf %parallel_loop3A_285, %parallel_loop3A_286 : vector<16xf32>
        %parallel_loop3A_288 = arith.fptosi %parallel_loop3A_287 : vector<16xf32> to vector<16xi32>
        %parallel_loop3A_289 = tpu.vector_load_idx %arg19[%parallel_loop3A_288] : memref<1024xf32, #tpu.memory_space<vmem>>[vector<16xi32>], vector<16xf32>,
        %parallel_loop3A_290 = arith.index_cast %parallel_loop3A_198 : i32 to index
        %parallel_loop3A_291 = arith.constant 96 : index
        %parallel_loop3A_292 = tpu.vector_load %arg13[%parallel_loop3A_290, %parallel_loop3A_291] {strides = array<i32>} : memref<32x200xf32, #tpu.memory_space<vmem>>, vector<16xf32>,
        tpu.vector_store %arg13[%parallel_loop3A_290, %parallel_loop3A_291], %parallel_loop3A_289 {strides = array<i32>} : memref<32x200xf32, #tpu.memory_space<vmem>>, vector<16xf32>,
        %parallel_loop3A_293 = tpu.vector_load_idx %arg20[%parallel_loop3A_288] : memref<1024xf32, #tpu.memory_space<vmem>>[vector<16xi32>], vector<16xf32>,
        %parallel_loop3A_294 = arith.index_cast %parallel_loop3A_198 : i32 to index
        %parallel_loop3A_295 = arith.constant 96 : index
        %parallel_loop3A_296 = tpu.vector_load %arg17[%parallel_loop3A_294, %parallel_loop3A_295] {strides = array<i32>} : memref<32x200xf32, #tpu.memory_space<vmem>>, vector<16xf32>,
        tpu.vector_store %arg17[%parallel_loop3A_294, %parallel_loop3A_295], %parallel_loop3A_293 {strides = array<i32>} : memref<32x200xf32, #tpu.memory_space<vmem>>, vector<16xf32>,
        %parallel_loop3A_297 = arith.index_cast %parallel_loop3A_198 : i32 to index
        %parallel_loop3A_298 = arith.constant 112 : index
        %parallel_loop3A_299 = tpu.vector_load %arg9[%parallel_loop3A_297, %parallel_loop3A_298] {strides = array<i32>} : memref<32x200xf32, #tpu.memory_space<vmem>>, vector<16xf32>,
        %parallel_loop3A_300 = vector.broadcast %scan3A : f32 to vector<16xf32>
        %parallel_loop3A_301 = arith.mulf %parallel_loop3A_299, %parallel_loop3A_300 : vector<16xf32>
        %parallel_loop3A_302 = arith.fptosi %parallel_loop3A_301 : vector<16xf32> to vector<16xi32>
        %parallel_loop3A_303 = tpu.vector_load_idx %arg19[%parallel_loop3A_302] : memref<1024xf32, #tpu.memory_space<vmem>>[vector<16xi32>], vector<16xf32>,
        %parallel_loop3A_304 = arith.index_cast %parallel_loop3A_198 : i32 to index
        %parallel_loop3A_305 = arith.constant 112 : index
        %parallel_loop3A_306 = tpu.vector_load %arg13[%parallel_loop3A_304, %parallel_loop3A_305] {strides = array<i32>} : memref<32x200xf32, #tpu.memory_space<vmem>>, vector<16xf32>,
        tpu.vector_store %arg13[%parallel_loop3A_304, %parallel_loop3A_305], %parallel_loop3A_303 {strides = array<i32>} : memref<32x200xf32, #tpu.memory_space<vmem>>, vector<16xf32>,
        %parallel_loop3A_307 = tpu.vector_load_idx %arg20[%parallel_loop3A_302] : memref<1024xf32, #tpu.memory_space<vmem>>[vector<16xi32>], vector<16xf32>,
        %parallel_loop3A_308 = arith.index_cast %parallel_loop3A_198 : i32 to index
        %parallel_loop3A_309 = arith.constant 112 : index
        %parallel_loop3A_310 = tpu.vector_load %arg17[%parallel_loop3A_308, %parallel_loop3A_309] {strides = array<i32>} : memref<32x200xf32, #tpu.memory_space<vmem>>, vector<16xf32>,
        tpu.vector_store %arg17[%parallel_loop3A_308, %parallel_loop3A_309], %parallel_loop3A_307 {strides = array<i32>} : memref<32x200xf32, #tpu.memory_space<vmem>>, vector<16xf32>,
        %parallel_loop3A_311 = arith.index_cast %parallel_loop3A_198 : i32 to index
        %parallel_loop3A_312 = arith.constant 128 : index
        %parallel_loop3A_313 = tpu.vector_load %arg9[%parallel_loop3A_311, %parallel_loop3A_312] {strides = array<i32>} : memref<32x200xf32, #tpu.memory_space<vmem>>, vector<16xf32>,
        %parallel_loop3A_314 = vector.broadcast %scan3A : f32 to vector<16xf32>
        %parallel_loop3A_315 = arith.mulf %parallel_loop3A_313, %parallel_loop3A_314 : vector<16xf32>
        %parallel_loop3A_316 = arith.fptosi %parallel_loop3A_315 : vector<16xf32> to vector<16xi32>
        %parallel_loop3A_317 = tpu.vector_load_idx %arg19[%parallel_loop3A_316] : memref<1024xf32, #tpu.memory_space<vmem>>[vector<16xi32>], vector<16xf32>,
        %parallel_loop3A_318 = arith.index_cast %parallel_loop3A_198 : i32 to index
        %parallel_loop3A_319 = arith.constant 128 : index
        %parallel_loop3A_320 = tpu.vector_load %arg13[%parallel_loop3A_318, %parallel_loop3A_319] {strides = array<i32>} : memref<32x200xf32, #tpu.memory_space<vmem>>, vector<16xf32>,
        tpu.vector_store %arg13[%parallel_loop3A_318, %parallel_loop3A_319], %parallel_loop3A_317 {strides = array<i32>} : memref<32x200xf32, #tpu.memory_space<vmem>>, vector<16xf32>,
        %parallel_loop3A_321 = tpu.vector_load_idx %arg20[%parallel_loop3A_316] : memref<1024xf32, #tpu.memory_space<vmem>>[vector<16xi32>], vector<16xf32>,
        %parallel_loop3A_322 = arith.index_cast %parallel_loop3A_198 : i32 to index
        %parallel_loop3A_323 = arith.constant 128 : index
        %parallel_loop3A_324 = tpu.vector_load %arg17[%parallel_loop3A_322, %parallel_loop3A_323] {strides = array<i32>} : memref<32x200xf32, #tpu.memory_space<vmem>>, vector<16xf32>,
        tpu.vector_store %arg17[%parallel_loop3A_322, %parallel_loop3A_323], %parallel_loop3A_321 {strides = array<i32>} : memref<32x200xf32, #tpu.memory_space<vmem>>, vector<16xf32>,
        %parallel_loop3A_325 = arith.index_cast %parallel_loop3A_198 : i32 to index
        %parallel_loop3A_326 = arith.constant 144 : index
        %parallel_loop3A_327 = tpu.vector_load %arg9[%parallel_loop3A_325, %parallel_loop3A_326] {strides = array<i32>} : memref<32x200xf32, #tpu.memory_space<vmem>>, vector<16xf32>,
        %parallel_loop3A_328 = vector.broadcast %scan3A : f32 to vector<16xf32>
        %parallel_loop3A_329 = arith.mulf %parallel_loop3A_327, %parallel_loop3A_328 : vector<16xf32>
        %parallel_loop3A_330 = arith.fptosi %parallel_loop3A_329 : vector<16xf32> to vector<16xi32>
        %parallel_loop3A_331 = tpu.vector_load_idx %arg19[%parallel_loop3A_330] : memref<1024xf32, #tpu.memory_space<vmem>>[vector<16xi32>], vector<16xf32>,
        %parallel_loop3A_332 = arith.index_cast %parallel_loop3A_198 : i32 to index
        %parallel_loop3A_333 = arith.constant 144 : index
        %parallel_loop3A_334 = tpu.vector_load %arg13[%parallel_loop3A_332, %parallel_loop3A_333] {strides = array<i32>} : memref<32x200xf32, #tpu.memory_space<vmem>>, vector<16xf32>,
        tpu.vector_store %arg13[%parallel_loop3A_332, %parallel_loop3A_333], %parallel_loop3A_331 {strides = array<i32>} : memref<32x200xf32, #tpu.memory_space<vmem>>, vector<16xf32>,
        %parallel_loop3A_335 = tpu.vector_load_idx %arg20[%parallel_loop3A_330] : memref<1024xf32, #tpu.memory_space<vmem>>[vector<16xi32>], vector<16xf32>,
        %parallel_loop3A_336 = arith.index_cast %parallel_loop3A_198 : i32 to index
        %parallel_loop3A_337 = arith.constant 144 : index
        %parallel_loop3A_338 = tpu.vector_load %arg17[%parallel_loop3A_336, %parallel_loop3A_337] {strides = array<i32>} : memref<32x200xf32, #tpu.memory_space<vmem>>, vector<16xf32>,
        tpu.vector_store %arg17[%parallel_loop3A_336, %parallel_loop3A_337], %parallel_loop3A_335 {strides = array<i32>} : memref<32x200xf32, #tpu.memory_space<vmem>>, vector<16xf32>,
        %parallel_loop3A_339 = arith.index_cast %parallel_loop3A_198 : i32 to index
        %parallel_loop3A_340 = arith.constant 160 : index
        %parallel_loop3A_341 = tpu.vector_load %arg9[%parallel_loop3A_339, %parallel_loop3A_340] {strides = array<i32>} : memref<32x200xf32, #tpu.memory_space<vmem>>, vector<16xf32>,
        %parallel_loop3A_342 = vector.broadcast %scan3A : f32 to vector<16xf32>
        %parallel_loop3A_343 = arith.mulf %parallel_loop3A_341, %parallel_loop3A_342 : vector<16xf32>
        %parallel_loop3A_344 = arith.fptosi %parallel_loop3A_343 : vector<16xf32> to vector<16xi32>
        %parallel_loop3A_345 = tpu.vector_load_idx %arg19[%parallel_loop3A_344] : memref<1024xf32, #tpu.memory_space<vmem>>[vector<16xi32>], vector<16xf32>,
        %parallel_loop3A_346 = arith.index_cast %parallel_loop3A_198 : i32 to index
        %parallel_loop3A_347 = arith.constant 160 : index
        %parallel_loop3A_348 = tpu.vector_load %arg13[%parallel_loop3A_346, %parallel_loop3A_347] {strides = array<i32>} : memref<32x200xf32, #tpu.memory_space<vmem>>, vector<16xf32>,
        tpu.vector_store %arg13[%parallel_loop3A_346, %parallel_loop3A_347], %parallel_loop3A_345 {strides = array<i32>} : memref<32x200xf32, #tpu.memory_space<vmem>>, vector<16xf32>,
        %parallel_loop3A_349 = tpu.vector_load_idx %arg20[%parallel_loop3A_344] : memref<1024xf32, #tpu.memory_space<vmem>>[vector<16xi32>], vector<16xf32>,
        %parallel_loop3A_350 = arith.index_cast %parallel_loop3A_198 : i32 to index
        %parallel_loop3A_351 = arith.constant 160 : index
        %parallel_loop3A_352 = tpu.vector_load %arg17[%parallel_loop3A_350, %parallel_loop3A_351] {strides = array<i32>} : memref<32x200xf32, #tpu.memory_space<vmem>>, vector<16xf32>,
        tpu.vector_store %arg17[%parallel_loop3A_350, %parallel_loop3A_351], %parallel_loop3A_349 {strides = array<i32>} : memref<32x200xf32, #tpu.memory_space<vmem>>, vector<16xf32>,
        %parallel_loop3A_353 = arith.index_cast %parallel_loop3A_198 : i32 to index
        %parallel_loop3A_354 = arith.constant 176 : index
        %parallel_loop3A_355 = tpu.vector_load %arg9[%parallel_loop3A_353, %parallel_loop3A_354] {strides = array<i32>} : memref<32x200xf32, #tpu.memory_space<vmem>>, vector<16xf32>,
        %parallel_loop3A_356 = vector.broadcast %scan3A : f32 to vector<16xf32>
        %parallel_loop3A_357 = arith.mulf %parallel_loop3A_355, %parallel_loop3A_356 : vector<16xf32>
        %parallel_loop3A_358 = arith.fptosi %parallel_loop3A_357 : vector<16xf32> to vector<16xi32>
        %parallel_loop3A_359 = tpu.vector_load_idx %arg19[%parallel_loop3A_358] : memref<1024xf32, #tpu.memory_space<vmem>>[vector<16xi32>], vector<16xf32>,
        %parallel_loop3A_360 = arith.index_cast %parallel_loop3A_198 : i32 to index
        %parallel_loop3A_361 = arith.constant 176 : index
        %parallel_loop3A_362 = tpu.vector_load %arg13[%parallel_loop3A_360, %parallel_loop3A_361] {strides = array<i32>} : memref<32x200xf32, #tpu.memory_space<vmem>>, vector<16xf32>,
        tpu.vector_store %arg13[%parallel_loop3A_360, %parallel_loop3A_361], %parallel_loop3A_359 {strides = array<i32>} : memref<32x200xf32, #tpu.memory_space<vmem>>, vector<16xf32>,
        %parallel_loop3A_363 = tpu.vector_load_idx %arg20[%parallel_loop3A_358] : memref<1024xf32, #tpu.memory_space<vmem>>[vector<16xi32>], vector<16xf32>,
        %parallel_loop3A_364 = arith.index_cast %parallel_loop3A_198 : i32 to index
        %parallel_loop3A_365 = arith.constant 176 : index
        %parallel_loop3A_366 = tpu.vector_load %arg17[%parallel_loop3A_364, %parallel_loop3A_365] {strides = array<i32>} : memref<32x200xf32, #tpu.memory_space<vmem>>, vector<16xf32>,
        tpu.vector_store %arg17[%parallel_loop3A_364, %parallel_loop3A_365], %parallel_loop3A_363 {strides = array<i32>} : memref<32x200xf32, #tpu.memory_space<vmem>>, vector<16xf32>,
        %parallel_loop3A_367 = arith.index_cast %parallel_loop3A_198 : i32 to index
        %parallel_loop3A_368 = arith.constant 184 : index
        %parallel_loop3A_369 = tpu.vector_load %arg9[%parallel_loop3A_367, %parallel_loop3A_368] {strides = array<i32>} : memref<32x200xf32, #tpu.memory_space<vmem>>, vector<16xf32>,
        %parallel_loop3A_370 = vector.broadcast %scan3A : f32 to vector<16xf32>
        %parallel_loop3A_371 = arith.mulf %parallel_loop3A_369, %parallel_loop3A_370 : vector<16xf32>
        %parallel_loop3A_372 = arith.fptosi %parallel_loop3A_371 : vector<16xf32> to vector<16xi32>
        %parallel_loop3A_373 = tpu.vector_load_idx %arg19[%parallel_loop3A_372] : memref<1024xf32, #tpu.memory_space<vmem>>[vector<16xi32>], vector<16xf32>,
        %parallel_loop3A_374 = arith.index_cast %parallel_loop3A_198 : i32 to index
        %parallel_loop3A_375 = arith.constant 184 : index
        %parallel_loop3A_376 = tpu.vector_load %arg13[%parallel_loop3A_374, %parallel_loop3A_375] {strides = array<i32>} : memref<32x200xf32, #tpu.memory_space<vmem>>, vector<16xf32>,
        tpu.vector_store %arg13[%parallel_loop3A_374, %parallel_loop3A_375], %parallel_loop3A_373 {strides = array<i32>} : memref<32x200xf32, #tpu.memory_space<vmem>>, vector<16xf32>,
        %parallel_loop3A_377 = tpu.vector_load_idx %arg20[%parallel_loop3A_372] : memref<1024xf32, #tpu.memory_space<vmem>>[vector<16xi32>], vector<16xf32>,
        %parallel_loop3A_378 = arith.index_cast %parallel_loop3A_198 : i32 to index
        %parallel_loop3A_379 = arith.constant 184 : index
        %parallel_loop3A_380 = tpu.vector_load %arg17[%parallel_loop3A_378, %parallel_loop3A_379] {strides = array<i32>} : memref<32x200xf32, #tpu.memory_space<vmem>>, vector<16xf32>,
        tpu.vector_store %arg17[%parallel_loop3A_378, %parallel_loop3A_379], %parallel_loop3A_377 {strides = array<i32>} : memref<32x200xf32, #tpu.memory_space<vmem>>, vector<16xf32>,
      } {sc.loop_unroll_factor = 1 : i64, sc.parallel_access}
      %dma_start3A_151 = arith.constant 0 : i32
      %dma_start3A_152 = tpu.memref_slice %arg5[%add3A_138, %dma_start3A_151] : memref<16384x200xf32, #tpu.memory_space<hbm>> -> memref<32x200xf32, #tpu.memory_space<hbm>>
      %dma_start3A_153 = arith.constant 0 : i32
      %dma_start3A_154 = tpu.memref_slice %arg5[%add3A_138, %dma_start3A_153] : memref<16384x200xf32, #tpu.memory_space<hbm>> -> memref<32x200xf32, #tpu.memory_space<hbm>>
      tpu.enqueue_dma source(%arg13 : memref<32x200xf32, #tpu.memory_space<vmem>>) target(%dma_start3A_154 : memref<32x200xf32, #tpu.memory_space<hbm>>) target_semaphore(%arg27 : memref<!tpu.dma_semaphore, #tpu.memory_space<semaphore_mem>>)
      %dma_start3A_155 = arith.constant 0 : i32
      %dma_start3A_156 = tpu.memref_slice %arg6[%add3A_138, %dma_start3A_155] : memref<16384x200xf32, #tpu.memory_space<hbm>> -> memref<32x200xf32, #tpu.memory_space<hbm>>
      %dma_start3A_157 = arith.constant 0 : i32
      %dma_start3A_158 = tpu.memref_slice %arg6[%add3A_138, %dma_start3A_157] : memref<16384x200xf32, #tpu.memory_space<hbm>> -> memref<32x200xf32, #tpu.memory_space<hbm>>
      tpu.enqueue_dma source(%arg17 : memref<32x200xf32, #tpu.memory_space<vmem>>) target(%dma_start3A_158 : memref<32x200xf32, #tpu.memory_space<hbm>>) target_semaphore(%arg31 : memref<!tpu.dma_semaphore, #tpu.memory_space<semaphore_mem>>)
      %add3A_159 = arith.constant 4 : i32
      %add3A_160 = arith.addi %add3A_135, %add3A_159 : i32
      %lt3A_161 = arith.constant 16 : i32
      %lt3A_162 = arith.cmpi slt, %add3A_160, %lt3A_161 : i32
      %convert_element_type3A_163 = arith.extui %lt3A_162 : i1 to i32
      %cond3A_164 = arith.constant 0 : i32
      %cond3A_165 = arith.cmpi ne, %convert_element_type3A_163, %cond3A_164 : i32
      scf.if %cond3A_165 {
        %add3A_198 = arith.constant 4 : i32
        %add3A_199 = arith.addi %add3A_135, %add3A_198 : i32
        %mul3A_200 = arith.constant 32 : i32
        %mul3A_201 = arith.muli %add3A_199, %mul3A_200 : i32
        %add3A_202 = arith.addi %mul3A_2, %mul3A_201 : i32
        %dma_start3A_203 = arith.constant 0 : i32
        %dma_start3A_204 = tpu.memref_slice %arg2[%add3A_202, %dma_start3A_203] : memref<16384x200xf32, #tpu.memory_space<hbm>> -> memref<32x200xf32, #tpu.memory_space<hbm>>
        %dma_start3A_205 = arith.constant 0 : i32
        %dma_start3A_206 = tpu.memref_slice %arg2[%add3A_202, %dma_start3A_205] : memref<16384x200xf32, #tpu.memory_space<hbm>> -> memref<32x200xf32, #tpu.memory_space<hbm>>
        tpu.enqueue_dma source(%dma_start3A_206 : memref<32x200xf32, #tpu.memory_space<hbm>>) target(%arg9 : memref<32x200xf32, #tpu.memory_space<vmem>>) target_semaphore(%arg23 : memref<!tpu.dma_semaphore, #tpu.memory_space<semaphore_mem>>)
      } else {
      }
      %add3A_166 = arith.constant 3 : i32
      %add3A_167 = arith.addi %add3A_74, %add3A_166 : i32
      %mul3A_168 = arith.constant 32 : i32
      %mul3A_169 = arith.muli %add3A_167, %mul3A_168 : i32
      %add3A_170 = arith.addi %mul3A_2, %mul3A_169 : i32
      %dma_wait3A_171 = arith.constant 0 : i32
      %dma_wait3A_172 = tpu.memref_slice %arg2[%add3A_170, %dma_wait3A_171] : memref<16384x200xf32, #tpu.memory_space<hbm>> -> memref<32x200xf32, #tpu.memory_space<hbm>>
      %dma_wait3A_173 = arith.constant 0 : i32
      %dma_wait3A_174 = tpu.memref_slice %arg2[%add3A_170, %dma_wait3A_173] : memref<16384x200xf32, #tpu.memory_space<hbm>> -> memref<32x200xf32, #tpu.memory_space<hbm>>
      tpu.wait_dma2 semaphore(%arg24 : memref<!tpu.dma_semaphore, #tpu.memory_space<semaphore_mem>>) src(%dma_wait3A_174 : memref<32x200xf32, #tpu.memory_space<hbm>>) dst(%arg10 : memref<32x200xf32, #tpu.memory_space<vmem>>)
      %gt3A_175 = arith.constant 0 : i32
      %gt3A_176 = arith.cmpi sgt, %add3A_74, %gt3A_175 : i32
      %convert_element_type3A_177 = arith.extui %gt3A_176 : i1 to i32
      %cond3A_178 = arith.constant 0 : i32
      %cond3A_179 = arith.cmpi ne, %convert_element_type3A_177, %cond3A_178 : i32
      scf.if %cond3A_179 {
        %dma_wait3A_198 = arith.constant 0 : i32
        %dma_wait3A_199 = tpu.memref_slice %arg5[%add3A_170, %dma_wait3A_198] : memref<16384x200xf32, #tpu.memory_space<hbm>> -> memref<32x200xf32, #tpu.memory_space<hbm>>
        %dma_wait3A_200 = arith.constant 0 : i32
        %dma_wait3A_201 = tpu.memref_slice %arg5[%add3A_170, %dma_wait3A_200] : memref<16384x200xf32, #tpu.memory_space<hbm>> -> memref<32x200xf32, #tpu.memory_space<hbm>>
        tpu.wait_dma2 semaphore(%arg28 : memref<!tpu.dma_semaphore, #tpu.memory_space<semaphore_mem>>) src(%arg14 : memref<32x200xf32, #tpu.memory_space<vmem>>) dst(%dma_wait3A_201 : memref<32x200xf32, #tpu.memory_space<hbm>>)
        %dma_wait3A_202 = arith.constant 0 : i32
        %dma_wait3A_203 = tpu.memref_slice %arg6[%add3A_170, %dma_wait3A_202] : memref<16384x200xf32, #tpu.memory_space<hbm>> -> memref<32x200xf32, #tpu.memory_space<hbm>>
        %dma_wait3A_204 = arith.constant 0 : i32
        %dma_wait3A_205 = tpu.memref_slice %arg6[%add3A_170, %dma_wait3A_204] : memref<16384x200xf32, #tpu.memory_space<hbm>> -> memref<32x200xf32, #tpu.memory_space<hbm>>
        tpu.wait_dma2 semaphore(%arg32 : memref<!tpu.dma_semaphore, #tpu.memory_space<semaphore_mem>>) src(%arg18 : memref<32x200xf32, #tpu.memory_space<vmem>>) dst(%dma_wait3A_205 : memref<32x200xf32, #tpu.memory_space<hbm>>)
      } else {
      }
      %parallel_loop3A_180 = arith.constant 0 : i32
      %parallel_loop3A_181 = arith.constant 32 : i32
      %parallel_loop3A_182 = arith.constant 1 : i32
      scf.for %parallel_loop3A_198 = %parallel_loop3A_180 to %parallel_loop3A_181 step %parallel_loop3A_182  : i32 {
        %parallel_loop3A_199 = arith.index_cast %parallel_loop3A_198 : i32 to index
        %parallel_loop3A_200 = arith.constant 0 : index
        %parallel_loop3A_201 = tpu.vector_load %arg10[%parallel_loop3A_199, %parallel_loop3A_200] {strides = array<i32>} : memref<32x200xf32, #tpu.memory_space<vmem>>, vector<16xf32>,
        %parallel_loop3A_202 = vector.broadcast %scan3A : f32 to vector<16xf32>
        %parallel_loop3A_203 = arith.mulf %parallel_loop3A_201, %parallel_loop3A_202 : vector<16xf32>
        %parallel_loop3A_204 = arith.fptosi %parallel_loop3A_203 : vector<16xf32> to vector<16xi32>
        %parallel_loop3A_205 = tpu.vector_load_idx %arg19[%parallel_loop3A_204] : memref<1024xf32, #tpu.memory_space<vmem>>[vector<16xi32>], vector<16xf32>,
        %parallel_loop3A_206 = arith.index_cast %parallel_loop3A_198 : i32 to index
        %parallel_loop3A_207 = arith.constant 0 : index
        %parallel_loop3A_208 = tpu.vector_load %arg14[%parallel_loop3A_206, %parallel_loop3A_207] {strides = array<i32>} : memref<32x200xf32, #tpu.memory_space<vmem>>, vector<16xf32>,
        tpu.vector_store %arg14[%parallel_loop3A_206, %parallel_loop3A_207], %parallel_loop3A_205 {strides = array<i32>} : memref<32x200xf32, #tpu.memory_space<vmem>>, vector<16xf32>,
        %parallel_loop3A_209 = tpu.vector_load_idx %arg20[%parallel_loop3A_204] : memref<1024xf32, #tpu.memory_space<vmem>>[vector<16xi32>], vector<16xf32>,
        %parallel_loop3A_210 = arith.index_cast %parallel_loop3A_198 : i32 to index
        %parallel_loop3A_211 = arith.constant 0 : index
        %parallel_loop3A_212 = tpu.vector_load %arg18[%parallel_loop3A_210, %parallel_loop3A_211] {strides = array<i32>} : memref<32x200xf32, #tpu.memory_space<vmem>>, vector<16xf32>,
        tpu.vector_store %arg18[%parallel_loop3A_210, %parallel_loop3A_211], %parallel_loop3A_209 {strides = array<i32>} : memref<32x200xf32, #tpu.memory_space<vmem>>, vector<16xf32>,
        %parallel_loop3A_213 = arith.index_cast %parallel_loop3A_198 : i32 to index
        %parallel_loop3A_214 = arith.constant 16 : index
        %parallel_loop3A_215 = tpu.vector_load %arg10[%parallel_loop3A_213, %parallel_loop3A_214] {strides = array<i32>} : memref<32x200xf32, #tpu.memory_space<vmem>>, vector<16xf32>,
        %parallel_loop3A_216 = vector.broadcast %scan3A : f32 to vector<16xf32>
        %parallel_loop3A_217 = arith.mulf %parallel_loop3A_215, %parallel_loop3A_216 : vector<16xf32>
        %parallel_loop3A_218 = arith.fptosi %parallel_loop3A_217 : vector<16xf32> to vector<16xi32>
        %parallel_loop3A_219 = tpu.vector_load_idx %arg19[%parallel_loop3A_218] : memref<1024xf32, #tpu.memory_space<vmem>>[vector<16xi32>], vector<16xf32>,
        %parallel_loop3A_220 = arith.index_cast %parallel_loop3A_198 : i32 to index
        %parallel_loop3A_221 = arith.constant 16 : index
        %parallel_loop3A_222 = tpu.vector_load %arg14[%parallel_loop3A_220, %parallel_loop3A_221] {strides = array<i32>} : memref<32x200xf32, #tpu.memory_space<vmem>>, vector<16xf32>,
        tpu.vector_store %arg14[%parallel_loop3A_220, %parallel_loop3A_221], %parallel_loop3A_219 {strides = array<i32>} : memref<32x200xf32, #tpu.memory_space<vmem>>, vector<16xf32>,
        %parallel_loop3A_223 = tpu.vector_load_idx %arg20[%parallel_loop3A_218] : memref<1024xf32, #tpu.memory_space<vmem>>[vector<16xi32>], vector<16xf32>,
        %parallel_loop3A_224 = arith.index_cast %parallel_loop3A_198 : i32 to index
        %parallel_loop3A_225 = arith.constant 16 : index
        %parallel_loop3A_226 = tpu.vector_load %arg18[%parallel_loop3A_224, %parallel_loop3A_225] {strides = array<i32>} : memref<32x200xf32, #tpu.memory_space<vmem>>, vector<16xf32>,
        tpu.vector_store %arg18[%parallel_loop3A_224, %parallel_loop3A_225], %parallel_loop3A_223 {strides = array<i32>} : memref<32x200xf32, #tpu.memory_space<vmem>>, vector<16xf32>,
        %parallel_loop3A_227 = arith.index_cast %parallel_loop3A_198 : i32 to index
        %parallel_loop3A_228 = arith.constant 32 : index
        %parallel_loop3A_229 = tpu.vector_load %arg10[%parallel_loop3A_227, %parallel_loop3A_228] {strides = array<i32>} : memref<32x200xf32, #tpu.memory_space<vmem>>, vector<16xf32>,
        %parallel_loop3A_230 = vector.broadcast %scan3A : f32 to vector<16xf32>
        %parallel_loop3A_231 = arith.mulf %parallel_loop3A_229, %parallel_loop3A_230 : vector<16xf32>
        %parallel_loop3A_232 = arith.fptosi %parallel_loop3A_231 : vector<16xf32> to vector<16xi32>
        %parallel_loop3A_233 = tpu.vector_load_idx %arg19[%parallel_loop3A_232] : memref<1024xf32, #tpu.memory_space<vmem>>[vector<16xi32>], vector<16xf32>,
        %parallel_loop3A_234 = arith.index_cast %parallel_loop3A_198 : i32 to index
        %parallel_loop3A_235 = arith.constant 32 : index
        %parallel_loop3A_236 = tpu.vector_load %arg14[%parallel_loop3A_234, %parallel_loop3A_235] {strides = array<i32>} : memref<32x200xf32, #tpu.memory_space<vmem>>, vector<16xf32>,
        tpu.vector_store %arg14[%parallel_loop3A_234, %parallel_loop3A_235], %parallel_loop3A_233 {strides = array<i32>} : memref<32x200xf32, #tpu.memory_space<vmem>>, vector<16xf32>,
        %parallel_loop3A_237 = tpu.vector_load_idx %arg20[%parallel_loop3A_232] : memref<1024xf32, #tpu.memory_space<vmem>>[vector<16xi32>], vector<16xf32>,
        %parallel_loop3A_238 = arith.index_cast %parallel_loop3A_198 : i32 to index
        %parallel_loop3A_239 = arith.constant 32 : index
        %parallel_loop3A_240 = tpu.vector_load %arg18[%parallel_loop3A_238, %parallel_loop3A_239] {strides = array<i32>} : memref<32x200xf32, #tpu.memory_space<vmem>>, vector<16xf32>,
        tpu.vector_store %arg18[%parallel_loop3A_238, %parallel_loop3A_239], %parallel_loop3A_237 {strides = array<i32>} : memref<32x200xf32, #tpu.memory_space<vmem>>, vector<16xf32>,
        %parallel_loop3A_241 = arith.index_cast %parallel_loop3A_198 : i32 to index
        %parallel_loop3A_242 = arith.constant 48 : index
        %parallel_loop3A_243 = tpu.vector_load %arg10[%parallel_loop3A_241, %parallel_loop3A_242] {strides = array<i32>} : memref<32x200xf32, #tpu.memory_space<vmem>>, vector<16xf32>,
        %parallel_loop3A_244 = vector.broadcast %scan3A : f32 to vector<16xf32>
        %parallel_loop3A_245 = arith.mulf %parallel_loop3A_243, %parallel_loop3A_244 : vector<16xf32>
        %parallel_loop3A_246 = arith.fptosi %parallel_loop3A_245 : vector<16xf32> to vector<16xi32>
        %parallel_loop3A_247 = tpu.vector_load_idx %arg19[%parallel_loop3A_246] : memref<1024xf32, #tpu.memory_space<vmem>>[vector<16xi32>], vector<16xf32>,
        %parallel_loop3A_248 = arith.index_cast %parallel_loop3A_198 : i32 to index
        %parallel_loop3A_249 = arith.constant 48 : index
        %parallel_loop3A_250 = tpu.vector_load %arg14[%parallel_loop3A_248, %parallel_loop3A_249] {strides = array<i32>} : memref<32x200xf32, #tpu.memory_space<vmem>>, vector<16xf32>,
        tpu.vector_store %arg14[%parallel_loop3A_248, %parallel_loop3A_249], %parallel_loop3A_247 {strides = array<i32>} : memref<32x200xf32, #tpu.memory_space<vmem>>, vector<16xf32>,
        %parallel_loop3A_251 = tpu.vector_load_idx %arg20[%parallel_loop3A_246] : memref<1024xf32, #tpu.memory_space<vmem>>[vector<16xi32>], vector<16xf32>,
        %parallel_loop3A_252 = arith.index_cast %parallel_loop3A_198 : i32 to index
        %parallel_loop3A_253 = arith.constant 48 : index
        %parallel_loop3A_254 = tpu.vector_load %arg18[%parallel_loop3A_252, %parallel_loop3A_253] {strides = array<i32>} : memref<32x200xf32, #tpu.memory_space<vmem>>, vector<16xf32>,
        tpu.vector_store %arg18[%parallel_loop3A_252, %parallel_loop3A_253], %parallel_loop3A_251 {strides = array<i32>} : memref<32x200xf32, #tpu.memory_space<vmem>>, vector<16xf32>,
        %parallel_loop3A_255 = arith.index_cast %parallel_loop3A_198 : i32 to index
        %parallel_loop3A_256 = arith.constant 64 : index
        %parallel_loop3A_257 = tpu.vector_load %arg10[%parallel_loop3A_255, %parallel_loop3A_256] {strides = array<i32>} : memref<32x200xf32, #tpu.memory_space<vmem>>, vector<16xf32>,
        %parallel_loop3A_258 = vector.broadcast %scan3A : f32 to vector<16xf32>
        %parallel_loop3A_259 = arith.mulf %parallel_loop3A_257, %parallel_loop3A_258 : vector<16xf32>
        %parallel_loop3A_260 = arith.fptosi %parallel_loop3A_259 : vector<16xf32> to vector<16xi32>
        %parallel_loop3A_261 = tpu.vector_load_idx %arg19[%parallel_loop3A_260] : memref<1024xf32, #tpu.memory_space<vmem>>[vector<16xi32>], vector<16xf32>,
        %parallel_loop3A_262 = arith.index_cast %parallel_loop3A_198 : i32 to index
        %parallel_loop3A_263 = arith.constant 64 : index
        %parallel_loop3A_264 = tpu.vector_load %arg14[%parallel_loop3A_262, %parallel_loop3A_263] {strides = array<i32>} : memref<32x200xf32, #tpu.memory_space<vmem>>, vector<16xf32>,
        tpu.vector_store %arg14[%parallel_loop3A_262, %parallel_loop3A_263], %parallel_loop3A_261 {strides = array<i32>} : memref<32x200xf32, #tpu.memory_space<vmem>>, vector<16xf32>,
        %parallel_loop3A_265 = tpu.vector_load_idx %arg20[%parallel_loop3A_260] : memref<1024xf32, #tpu.memory_space<vmem>>[vector<16xi32>], vector<16xf32>,
        %parallel_loop3A_266 = arith.index_cast %parallel_loop3A_198 : i32 to index
        %parallel_loop3A_267 = arith.constant 64 : index
        %parallel_loop3A_268 = tpu.vector_load %arg18[%parallel_loop3A_266, %parallel_loop3A_267] {strides = array<i32>} : memref<32x200xf32, #tpu.memory_space<vmem>>, vector<16xf32>,
        tpu.vector_store %arg18[%parallel_loop3A_266, %parallel_loop3A_267], %parallel_loop3A_265 {strides = array<i32>} : memref<32x200xf32, #tpu.memory_space<vmem>>, vector<16xf32>,
        %parallel_loop3A_269 = arith.index_cast %parallel_loop3A_198 : i32 to index
        %parallel_loop3A_270 = arith.constant 80 : index
        %parallel_loop3A_271 = tpu.vector_load %arg10[%parallel_loop3A_269, %parallel_loop3A_270] {strides = array<i32>} : memref<32x200xf32, #tpu.memory_space<vmem>>, vector<16xf32>,
        %parallel_loop3A_272 = vector.broadcast %scan3A : f32 to vector<16xf32>
        %parallel_loop3A_273 = arith.mulf %parallel_loop3A_271, %parallel_loop3A_272 : vector<16xf32>
        %parallel_loop3A_274 = arith.fptosi %parallel_loop3A_273 : vector<16xf32> to vector<16xi32>
        %parallel_loop3A_275 = tpu.vector_load_idx %arg19[%parallel_loop3A_274] : memref<1024xf32, #tpu.memory_space<vmem>>[vector<16xi32>], vector<16xf32>,
        %parallel_loop3A_276 = arith.index_cast %parallel_loop3A_198 : i32 to index
        %parallel_loop3A_277 = arith.constant 80 : index
        %parallel_loop3A_278 = tpu.vector_load %arg14[%parallel_loop3A_276, %parallel_loop3A_277] {strides = array<i32>} : memref<32x200xf32, #tpu.memory_space<vmem>>, vector<16xf32>,
        tpu.vector_store %arg14[%parallel_loop3A_276, %parallel_loop3A_277], %parallel_loop3A_275 {strides = array<i32>} : memref<32x200xf32, #tpu.memory_space<vmem>>, vector<16xf32>,
        %parallel_loop3A_279 = tpu.vector_load_idx %arg20[%parallel_loop3A_274] : memref<1024xf32, #tpu.memory_space<vmem>>[vector<16xi32>], vector<16xf32>,
        %parallel_loop3A_280 = arith.index_cast %parallel_loop3A_198 : i32 to index
        %parallel_loop3A_281 = arith.constant 80 : index
        %parallel_loop3A_282 = tpu.vector_load %arg18[%parallel_loop3A_280, %parallel_loop3A_281] {strides = array<i32>} : memref<32x200xf32, #tpu.memory_space<vmem>>, vector<16xf32>,
        tpu.vector_store %arg18[%parallel_loop3A_280, %parallel_loop3A_281], %parallel_loop3A_279 {strides = array<i32>} : memref<32x200xf32, #tpu.memory_space<vmem>>, vector<16xf32>,
        %parallel_loop3A_283 = arith.index_cast %parallel_loop3A_198 : i32 to index
        %parallel_loop3A_284 = arith.constant 96 : index
        %parallel_loop3A_285 = tpu.vector_load %arg10[%parallel_loop3A_283, %parallel_loop3A_284] {strides = array<i32>} : memref<32x200xf32, #tpu.memory_space<vmem>>, vector<16xf32>,
        %parallel_loop3A_286 = vector.broadcast %scan3A : f32 to vector<16xf32>
        %parallel_loop3A_287 = arith.mulf %parallel_loop3A_285, %parallel_loop3A_286 : vector<16xf32>
        %parallel_loop3A_288 = arith.fptosi %parallel_loop3A_287 : vector<16xf32> to vector<16xi32>
        %parallel_loop3A_289 = tpu.vector_load_idx %arg19[%parallel_loop3A_288] : memref<1024xf32, #tpu.memory_space<vmem>>[vector<16xi32>], vector<16xf32>,
        %parallel_loop3A_290 = arith.index_cast %parallel_loop3A_198 : i32 to index
        %parallel_loop3A_291 = arith.constant 96 : index
        %parallel_loop3A_292 = tpu.vector_load %arg14[%parallel_loop3A_290, %parallel_loop3A_291] {strides = array<i32>} : memref<32x200xf32, #tpu.memory_space<vmem>>, vector<16xf32>,
        tpu.vector_store %arg14[%parallel_loop3A_290, %parallel_loop3A_291], %parallel_loop3A_289 {strides = array<i32>} : memref<32x200xf32, #tpu.memory_space<vmem>>, vector<16xf32>,
        %parallel_loop3A_293 = tpu.vector_load_idx %arg20[%parallel_loop3A_288] : memref<1024xf32, #tpu.memory_space<vmem>>[vector<16xi32>], vector<16xf32>,
        %parallel_loop3A_294 = arith.index_cast %parallel_loop3A_198 : i32 to index
        %parallel_loop3A_295 = arith.constant 96 : index
        %parallel_loop3A_296 = tpu.vector_load %arg18[%parallel_loop3A_294, %parallel_loop3A_295] {strides = array<i32>} : memref<32x200xf32, #tpu.memory_space<vmem>>, vector<16xf32>,
        tpu.vector_store %arg18[%parallel_loop3A_294, %parallel_loop3A_295], %parallel_loop3A_293 {strides = array<i32>} : memref<32x200xf32, #tpu.memory_space<vmem>>, vector<16xf32>,
        %parallel_loop3A_297 = arith.index_cast %parallel_loop3A_198 : i32 to index
        %parallel_loop3A_298 = arith.constant 112 : index
        %parallel_loop3A_299 = tpu.vector_load %arg10[%parallel_loop3A_297, %parallel_loop3A_298] {strides = array<i32>} : memref<32x200xf32, #tpu.memory_space<vmem>>, vector<16xf32>,
        %parallel_loop3A_300 = vector.broadcast %scan3A : f32 to vector<16xf32>
        %parallel_loop3A_301 = arith.mulf %parallel_loop3A_299, %parallel_loop3A_300 : vector<16xf32>
        %parallel_loop3A_302 = arith.fptosi %parallel_loop3A_301 : vector<16xf32> to vector<16xi32>
        %parallel_loop3A_303 = tpu.vector_load_idx %arg19[%parallel_loop3A_302] : memref<1024xf32, #tpu.memory_space<vmem>>[vector<16xi32>], vector<16xf32>,
        %parallel_loop3A_304 = arith.index_cast %parallel_loop3A_198 : i32 to index
        %parallel_loop3A_305 = arith.constant 112 : index
        %parallel_loop3A_306 = tpu.vector_load %arg14[%parallel_loop3A_304, %parallel_loop3A_305] {strides = array<i32>} : memref<32x200xf32, #tpu.memory_space<vmem>>, vector<16xf32>,
        tpu.vector_store %arg14[%parallel_loop3A_304, %parallel_loop3A_305], %parallel_loop3A_303 {strides = array<i32>} : memref<32x200xf32, #tpu.memory_space<vmem>>, vector<16xf32>,
        %parallel_loop3A_307 = tpu.vector_load_idx %arg20[%parallel_loop3A_302] : memref<1024xf32, #tpu.memory_space<vmem>>[vector<16xi32>], vector<16xf32>,
        %parallel_loop3A_308 = arith.index_cast %parallel_loop3A_198 : i32 to index
        %parallel_loop3A_309 = arith.constant 112 : index
        %parallel_loop3A_310 = tpu.vector_load %arg18[%parallel_loop3A_308, %parallel_loop3A_309] {strides = array<i32>} : memref<32x200xf32, #tpu.memory_space<vmem>>, vector<16xf32>,
        tpu.vector_store %arg18[%parallel_loop3A_308, %parallel_loop3A_309], %parallel_loop3A_307 {strides = array<i32>} : memref<32x200xf32, #tpu.memory_space<vmem>>, vector<16xf32>,
        %parallel_loop3A_311 = arith.index_cast %parallel_loop3A_198 : i32 to index
        %parallel_loop3A_312 = arith.constant 128 : index
        %parallel_loop3A_313 = tpu.vector_load %arg10[%parallel_loop3A_311, %parallel_loop3A_312] {strides = array<i32>} : memref<32x200xf32, #tpu.memory_space<vmem>>, vector<16xf32>,
        %parallel_loop3A_314 = vector.broadcast %scan3A : f32 to vector<16xf32>
        %parallel_loop3A_315 = arith.mulf %parallel_loop3A_313, %parallel_loop3A_314 : vector<16xf32>
        %parallel_loop3A_316 = arith.fptosi %parallel_loop3A_315 : vector<16xf32> to vector<16xi32>
        %parallel_loop3A_317 = tpu.vector_load_idx %arg19[%parallel_loop3A_316] : memref<1024xf32, #tpu.memory_space<vmem>>[vector<16xi32>], vector<16xf32>,
        %parallel_loop3A_318 = arith.index_cast %parallel_loop3A_198 : i32 to index
        %parallel_loop3A_319 = arith.constant 128 : index
        %parallel_loop3A_320 = tpu.vector_load %arg14[%parallel_loop3A_318, %parallel_loop3A_319] {strides = array<i32>} : memref<32x200xf32, #tpu.memory_space<vmem>>, vector<16xf32>,
        tpu.vector_store %arg14[%parallel_loop3A_318, %parallel_loop3A_319], %parallel_loop3A_317 {strides = array<i32>} : memref<32x200xf32, #tpu.memory_space<vmem>>, vector<16xf32>,
        %parallel_loop3A_321 = tpu.vector_load_idx %arg20[%parallel_loop3A_316] : memref<1024xf32, #tpu.memory_space<vmem>>[vector<16xi32>], vector<16xf32>,
        %parallel_loop3A_322 = arith.index_cast %parallel_loop3A_198 : i32 to index
        %parallel_loop3A_323 = arith.constant 128 : index
        %parallel_loop3A_324 = tpu.vector_load %arg18[%parallel_loop3A_322, %parallel_loop3A_323] {strides = array<i32>} : memref<32x200xf32, #tpu.memory_space<vmem>>, vector<16xf32>,
        tpu.vector_store %arg18[%parallel_loop3A_322, %parallel_loop3A_323], %parallel_loop3A_321 {strides = array<i32>} : memref<32x200xf32, #tpu.memory_space<vmem>>, vector<16xf32>,
        %parallel_loop3A_325 = arith.index_cast %parallel_loop3A_198 : i32 to index
        %parallel_loop3A_326 = arith.constant 144 : index
        %parallel_loop3A_327 = tpu.vector_load %arg10[%parallel_loop3A_325, %parallel_loop3A_326] {strides = array<i32>} : memref<32x200xf32, #tpu.memory_space<vmem>>, vector<16xf32>,
        %parallel_loop3A_328 = vector.broadcast %scan3A : f32 to vector<16xf32>
        %parallel_loop3A_329 = arith.mulf %parallel_loop3A_327, %parallel_loop3A_328 : vector<16xf32>
        %parallel_loop3A_330 = arith.fptosi %parallel_loop3A_329 : vector<16xf32> to vector<16xi32>
        %parallel_loop3A_331 = tpu.vector_load_idx %arg19[%parallel_loop3A_330] : memref<1024xf32, #tpu.memory_space<vmem>>[vector<16xi32>], vector<16xf32>,
        %parallel_loop3A_332 = arith.index_cast %parallel_loop3A_198 : i32 to index
        %parallel_loop3A_333 = arith.constant 144 : index
        %parallel_loop3A_334 = tpu.vector_load %arg14[%parallel_loop3A_332, %parallel_loop3A_333] {strides = array<i32>} : memref<32x200xf32, #tpu.memory_space<vmem>>, vector<16xf32>,
        tpu.vector_store %arg14[%parallel_loop3A_332, %parallel_loop3A_333], %parallel_loop3A_331 {strides = array<i32>} : memref<32x200xf32, #tpu.memory_space<vmem>>, vector<16xf32>,
        %parallel_loop3A_335 = tpu.vector_load_idx %arg20[%parallel_loop3A_330] : memref<1024xf32, #tpu.memory_space<vmem>>[vector<16xi32>], vector<16xf32>,
        %parallel_loop3A_336 = arith.index_cast %parallel_loop3A_198 : i32 to index
        %parallel_loop3A_337 = arith.constant 144 : index
        %parallel_loop3A_338 = tpu.vector_load %arg18[%parallel_loop3A_336, %parallel_loop3A_337] {strides = array<i32>} : memref<32x200xf32, #tpu.memory_space<vmem>>, vector<16xf32>,
        tpu.vector_store %arg18[%parallel_loop3A_336, %parallel_loop3A_337], %parallel_loop3A_335 {strides = array<i32>} : memref<32x200xf32, #tpu.memory_space<vmem>>, vector<16xf32>,
        %parallel_loop3A_339 = arith.index_cast %parallel_loop3A_198 : i32 to index
        %parallel_loop3A_340 = arith.constant 160 : index
        %parallel_loop3A_341 = tpu.vector_load %arg10[%parallel_loop3A_339, %parallel_loop3A_340] {strides = array<i32>} : memref<32x200xf32, #tpu.memory_space<vmem>>, vector<16xf32>,
        %parallel_loop3A_342 = vector.broadcast %scan3A : f32 to vector<16xf32>
        %parallel_loop3A_343 = arith.mulf %parallel_loop3A_341, %parallel_loop3A_342 : vector<16xf32>
        %parallel_loop3A_344 = arith.fptosi %parallel_loop3A_343 : vector<16xf32> to vector<16xi32>
        %parallel_loop3A_345 = tpu.vector_load_idx %arg19[%parallel_loop3A_344] : memref<1024xf32, #tpu.memory_space<vmem>>[vector<16xi32>], vector<16xf32>,
        %parallel_loop3A_346 = arith.index_cast %parallel_loop3A_198 : i32 to index
        %parallel_loop3A_347 = arith.constant 160 : index
        %parallel_loop3A_348 = tpu.vector_load %arg14[%parallel_loop3A_346, %parallel_loop3A_347] {strides = array<i32>} : memref<32x200xf32, #tpu.memory_space<vmem>>, vector<16xf32>,
        tpu.vector_store %arg14[%parallel_loop3A_346, %parallel_loop3A_347], %parallel_loop3A_345 {strides = array<i32>} : memref<32x200xf32, #tpu.memory_space<vmem>>, vector<16xf32>,
        %parallel_loop3A_349 = tpu.vector_load_idx %arg20[%parallel_loop3A_344] : memref<1024xf32, #tpu.memory_space<vmem>>[vector<16xi32>], vector<16xf32>,
        %parallel_loop3A_350 = arith.index_cast %parallel_loop3A_198 : i32 to index
        %parallel_loop3A_351 = arith.constant 160 : index
        %parallel_loop3A_352 = tpu.vector_load %arg18[%parallel_loop3A_350, %parallel_loop3A_351] {strides = array<i32>} : memref<32x200xf32, #tpu.memory_space<vmem>>, vector<16xf32>,
        tpu.vector_store %arg18[%parallel_loop3A_350, %parallel_loop3A_351], %parallel_loop3A_349 {strides = array<i32>} : memref<32x200xf32, #tpu.memory_space<vmem>>, vector<16xf32>,
        %parallel_loop3A_353 = arith.index_cast %parallel_loop3A_198 : i32 to index
        %parallel_loop3A_354 = arith.constant 176 : index
        %parallel_loop3A_355 = tpu.vector_load %arg10[%parallel_loop3A_353, %parallel_loop3A_354] {strides = array<i32>} : memref<32x200xf32, #tpu.memory_space<vmem>>, vector<16xf32>,
        %parallel_loop3A_356 = vector.broadcast %scan3A : f32 to vector<16xf32>
        %parallel_loop3A_357 = arith.mulf %parallel_loop3A_355, %parallel_loop3A_356 : vector<16xf32>
        %parallel_loop3A_358 = arith.fptosi %parallel_loop3A_357 : vector<16xf32> to vector<16xi32>
        %parallel_loop3A_359 = tpu.vector_load_idx %arg19[%parallel_loop3A_358] : memref<1024xf32, #tpu.memory_space<vmem>>[vector<16xi32>], vector<16xf32>,
        %parallel_loop3A_360 = arith.index_cast %parallel_loop3A_198 : i32 to index
        %parallel_loop3A_361 = arith.constant 176 : index
        %parallel_loop3A_362 = tpu.vector_load %arg14[%parallel_loop3A_360, %parallel_loop3A_361] {strides = array<i32>} : memref<32x200xf32, #tpu.memory_space<vmem>>, vector<16xf32>,
        tpu.vector_store %arg14[%parallel_loop3A_360, %parallel_loop3A_361], %parallel_loop3A_359 {strides = array<i32>} : memref<32x200xf32, #tpu.memory_space<vmem>>, vector<16xf32>,
        %parallel_loop3A_363 = tpu.vector_load_idx %arg20[%parallel_loop3A_358] : memref<1024xf32, #tpu.memory_space<vmem>>[vector<16xi32>], vector<16xf32>,
        %parallel_loop3A_364 = arith.index_cast %parallel_loop3A_198 : i32 to index
        %parallel_loop3A_365 = arith.constant 176 : index
        %parallel_loop3A_366 = tpu.vector_load %arg18[%parallel_loop3A_364, %parallel_loop3A_365] {strides = array<i32>} : memref<32x200xf32, #tpu.memory_space<vmem>>, vector<16xf32>,
        tpu.vector_store %arg18[%parallel_loop3A_364, %parallel_loop3A_365], %parallel_loop3A_363 {strides = array<i32>} : memref<32x200xf32, #tpu.memory_space<vmem>>, vector<16xf32>,
        %parallel_loop3A_367 = arith.index_cast %parallel_loop3A_198 : i32 to index
        %parallel_loop3A_368 = arith.constant 184 : index
        %parallel_loop3A_369 = tpu.vector_load %arg10[%parallel_loop3A_367, %parallel_loop3A_368] {strides = array<i32>} : memref<32x200xf32, #tpu.memory_space<vmem>>, vector<16xf32>,
        %parallel_loop3A_370 = vector.broadcast %scan3A : f32 to vector<16xf32>
        %parallel_loop3A_371 = arith.mulf %parallel_loop3A_369, %parallel_loop3A_370 : vector<16xf32>
        %parallel_loop3A_372 = arith.fptosi %parallel_loop3A_371 : vector<16xf32> to vector<16xi32>
        %parallel_loop3A_373 = tpu.vector_load_idx %arg19[%parallel_loop3A_372] : memref<1024xf32, #tpu.memory_space<vmem>>[vector<16xi32>], vector<16xf32>,
        %parallel_loop3A_374 = arith.index_cast %parallel_loop3A_198 : i32 to index
        %parallel_loop3A_375 = arith.constant 184 : index
        %parallel_loop3A_376 = tpu.vector_load %arg14[%parallel_loop3A_374, %parallel_loop3A_375] {strides = array<i32>} : memref<32x200xf32, #tpu.memory_space<vmem>>, vector<16xf32>,
        tpu.vector_store %arg14[%parallel_loop3A_374, %parallel_loop3A_375], %parallel_loop3A_373 {strides = array<i32>} : memref<32x200xf32, #tpu.memory_space<vmem>>, vector<16xf32>,
        %parallel_loop3A_377 = tpu.vector_load_idx %arg20[%parallel_loop3A_372] : memref<1024xf32, #tpu.memory_space<vmem>>[vector<16xi32>], vector<16xf32>,
        %parallel_loop3A_378 = arith.index_cast %parallel_loop3A_198 : i32 to index
        %parallel_loop3A_379 = arith.constant 184 : index
        %parallel_loop3A_380 = tpu.vector_load %arg18[%parallel_loop3A_378, %parallel_loop3A_379] {strides = array<i32>} : memref<32x200xf32, #tpu.memory_space<vmem>>, vector<16xf32>,
        tpu.vector_store %arg18[%parallel_loop3A_378, %parallel_loop3A_379], %parallel_loop3A_377 {strides = array<i32>} : memref<32x200xf32, #tpu.memory_space<vmem>>, vector<16xf32>,
      } {sc.loop_unroll_factor = 1 : i64, sc.parallel_access}
      %dma_start3A_183 = arith.constant 0 : i32
      %dma_start3A_184 = tpu.memref_slice %arg5[%add3A_170, %dma_start3A_183] : memref<16384x200xf32, #tpu.memory_space<hbm>> -> memref<32x200xf32, #tpu.memory_space<hbm>>
      %dma_start3A_185 = arith.constant 0 : i32
      %dma_start3A_186 = tpu.memref_slice %arg5[%add3A_170, %dma_start3A_185] : memref<16384x200xf32, #tpu.memory_space<hbm>> -> memref<32x200xf32, #tpu.memory_space<hbm>>
      tpu.enqueue_dma source(%arg14 : memref<32x200xf32, #tpu.memory_space<vmem>>) target(%dma_start3A_186 : memref<32x200xf32, #tpu.memory_space<hbm>>) target_semaphore(%arg28 : memref<!tpu.dma_semaphore, #tpu.memory_space<semaphore_mem>>)
      %dma_start3A_187 = arith.constant 0 : i32
      %dma_start3A_188 = tpu.memref_slice %arg6[%add3A_170, %dma_start3A_187] : memref<16384x200xf32, #tpu.memory_space<hbm>> -> memref<32x200xf32, #tpu.memory_space<hbm>>
      %dma_start3A_189 = arith.constant 0 : i32
      %dma_start3A_190 = tpu.memref_slice %arg6[%add3A_170, %dma_start3A_189] : memref<16384x200xf32, #tpu.memory_space<hbm>> -> memref<32x200xf32, #tpu.memory_space<hbm>>
      tpu.enqueue_dma source(%arg18 : memref<32x200xf32, #tpu.memory_space<vmem>>) target(%dma_start3A_190 : memref<32x200xf32, #tpu.memory_space<hbm>>) target_semaphore(%arg32 : memref<!tpu.dma_semaphore, #tpu.memory_space<semaphore_mem>>)
      %add3A_191 = arith.constant 4 : i32
      %add3A_192 = arith.addi %add3A_167, %add3A_191 : i32
      %lt3A_193 = arith.constant 16 : i32
      %lt3A_194 = arith.cmpi slt, %add3A_192, %lt3A_193 : i32
      %convert_element_type3A_195 = arith.extui %lt3A_194 : i1 to i32
      %cond3A_196 = arith.constant 0 : i32
      %cond3A_197 = arith.cmpi ne, %convert_element_type3A_195, %cond3A_196 : i32
      scf.if %cond3A_197 {
        %add3A_198 = arith.constant 4 : i32
        %add3A_199 = arith.addi %add3A_167, %add3A_198 : i32
        %mul3A_200 = arith.constant 32 : i32
        %mul3A_201 = arith.muli %add3A_199, %mul3A_200 : i32
        %add3A_202 = arith.addi %mul3A_2, %mul3A_201 : i32
        %dma_start3A_203 = arith.constant 0 : i32
        %dma_start3A_204 = tpu.memref_slice %arg2[%add3A_202, %dma_start3A_203] : memref<16384x200xf32, #tpu.memory_space<hbm>> -> memref<32x200xf32, #tpu.memory_space<hbm>>
        %dma_start3A_205 = arith.constant 0 : i32
        %dma_start3A_206 = tpu.memref_slice %arg2[%add3A_202, %dma_start3A_205] : memref<16384x200xf32, #tpu.memory_space<hbm>> -> memref<32x200xf32, #tpu.memory_space<hbm>>
        tpu.enqueue_dma source(%dma_start3A_206 : memref<32x200xf32, #tpu.memory_space<hbm>>) target(%arg10 : memref<32x200xf32, #tpu.memory_space<vmem>>) target_semaphore(%arg24 : memref<!tpu.dma_semaphore, #tpu.memory_space<semaphore_mem>>)
      } else {
      }
    }
    %scan3A_30 = arith.constant 4 : i32
    %add3A_31 = arith.constant 384 : i32
    %add3A_32 = arith.addi %mul3A_2, %add3A_31 : i32
    %dma_wait3A = arith.constant 0 : i32
    %dma_wait3A_33 = tpu.memref_slice %arg5[%add3A_32, %dma_wait3A] : memref<16384x200xf32, #tpu.memory_space<hbm>> -> memref<32x200xf32, #tpu.memory_space<hbm>>
    %dma_wait3A_34 = arith.constant 0 : i32
    %dma_wait3A_35 = tpu.memref_slice %arg5[%add3A_32, %dma_wait3A_34] : memref<16384x200xf32, #tpu.memory_space<hbm>> -> memref<32x200xf32, #tpu.memory_space<hbm>>
    tpu.wait_dma2 semaphore(%arg25 : memref<!tpu.dma_semaphore, #tpu.memory_space<semaphore_mem>>) src(%arg11 : memref<32x200xf32, #tpu.memory_space<vmem>>) dst(%dma_wait3A_35 : memref<32x200xf32, #tpu.memory_space<hbm>>)
    %dma_wait3A_36 = arith.constant 0 : i32
    %dma_wait3A_37 = tpu.memref_slice %arg6[%add3A_32, %dma_wait3A_36] : memref<16384x200xf32, #tpu.memory_space<hbm>> -> memref<32x200xf32, #tpu.memory_space<hbm>>
    %dma_wait3A_38 = arith.constant 0 : i32
    %dma_wait3A_39 = tpu.memref_slice %arg6[%add3A_32, %dma_wait3A_38] : memref<16384x200xf32, #tpu.memory_space<hbm>> -> memref<32x200xf32, #tpu.memory_space<hbm>>
    tpu.wait_dma2 semaphore(%arg29 : memref<!tpu.dma_semaphore, #tpu.memory_space<semaphore_mem>>) src(%arg15 : memref<32x200xf32, #tpu.memory_space<vmem>>) dst(%dma_wait3A_39 : memref<32x200xf32, #tpu.memory_space<hbm>>)
    %add3A_40 = arith.constant 416 : i32
    %add3A_41 = arith.addi %mul3A_2, %add3A_40 : i32
    %dma_wait3A_42 = arith.constant 0 : i32
    %dma_wait3A_43 = tpu.memref_slice %arg5[%add3A_41, %dma_wait3A_42] : memref<16384x200xf32, #tpu.memory_space<hbm>> -> memref<32x200xf32, #tpu.memory_space<hbm>>
    %dma_wait3A_44 = arith.constant 0 : i32
    %dma_wait3A_45 = tpu.memref_slice %arg5[%add3A_41, %dma_wait3A_44] : memref<16384x200xf32, #tpu.memory_space<hbm>> -> memref<32x200xf32, #tpu.memory_space<hbm>>
    tpu.wait_dma2 semaphore(%arg26 : memref<!tpu.dma_semaphore, #tpu.memory_space<semaphore_mem>>) src(%arg12 : memref<32x200xf32, #tpu.memory_space<vmem>>) dst(%dma_wait3A_45 : memref<32x200xf32, #tpu.memory_space<hbm>>)
    %dma_wait3A_46 = arith.constant 0 : i32
    %dma_wait3A_47 = tpu.memref_slice %arg6[%add3A_41, %dma_wait3A_46] : memref<16384x200xf32, #tpu.memory_space<hbm>> -> memref<32x200xf32, #tpu.memory_space<hbm>>
    %dma_wait3A_48 = arith.constant 0 : i32
    %dma_wait3A_49 = tpu.memref_slice %arg6[%add3A_41, %dma_wait3A_48] : memref<16384x200xf32, #tpu.memory_space<hbm>> -> memref<32x200xf32, #tpu.memory_space<hbm>>
    tpu.wait_dma2 semaphore(%arg30 : memref<!tpu.dma_semaphore, #tpu.memory_space<semaphore_mem>>) src(%arg16 : memref<32x200xf32, #tpu.memory_space<vmem>>) dst(%dma_wait3A_49 : memref<32x200xf32, #tpu.memory_space<hbm>>)
    %add3A_50 = arith.constant 448 : i32
    %add3A_51 = arith.addi %mul3A_2, %add3A_50 : i32
    %dma_wait3A_52 = arith.constant 0 : i32
    %dma_wait3A_53 = tpu.memref_slice %arg5[%add3A_51, %dma_wait3A_52] : memref<16384x200xf32, #tpu.memory_space<hbm>> -> memref<32x200xf32, #tpu.memory_space<hbm>>
    %dma_wait3A_54 = arith.constant 0 : i32
    %dma_wait3A_55 = tpu.memref_slice %arg5[%add3A_51, %dma_wait3A_54] : memref<16384x200xf32, #tpu.memory_space<hbm>> -> memref<32x200xf32, #tpu.memory_space<hbm>>
    tpu.wait_dma2 semaphore(%arg27 : memref<!tpu.dma_semaphore, #tpu.memory_space<semaphore_mem>>) src(%arg13 : memref<32x200xf32, #tpu.memory_space<vmem>>) dst(%dma_wait3A_55 : memref<32x200xf32, #tpu.memory_space<hbm>>)
    %dma_wait3A_56 = arith.constant 0 : i32
    %dma_wait3A_57 = tpu.memref_slice %arg6[%add3A_51, %dma_wait3A_56] : memref<16384x200xf32, #tpu.memory_space<hbm>> -> memref<32x200xf32, #tpu.memory_space<hbm>>
    %dma_wait3A_58 = arith.constant 0 : i32
    %dma_wait3A_59 = tpu.memref_slice %arg6[%add3A_51, %dma_wait3A_58] : memref<16384x200xf32, #tpu.memory_space<hbm>> -> memref<32x200xf32, #tpu.memory_space<hbm>>
    tpu.wait_dma2 semaphore(%arg31 : memref<!tpu.dma_semaphore, #tpu.memory_space<semaphore_mem>>) src(%arg17 : memref<32x200xf32, #tpu.memory_space<vmem>>) dst(%dma_wait3A_59 : memref<32x200xf32, #tpu.memory_space<hbm>>)
    %add3A_60 = arith.constant 480 : i32
    %add3A_61 = arith.addi %mul3A_2, %add3A_60 : i32
    %dma_wait3A_62 = arith.constant 0 : i32
    %dma_wait3A_63 = tpu.memref_slice %arg5[%add3A_61, %dma_wait3A_62] : memref<16384x200xf32, #tpu.memory_space<hbm>> -> memref<32x200xf32, #tpu.memory_space<hbm>>
    %dma_wait3A_64 = arith.constant 0 : i32
    %dma_wait3A_65 = tpu.memref_slice %arg5[%add3A_61, %dma_wait3A_64] : memref<16384x200xf32, #tpu.memory_space<hbm>> -> memref<32x200xf32, #tpu.memory_space<hbm>>
    tpu.wait_dma2 semaphore(%arg28 : memref<!tpu.dma_semaphore, #tpu.memory_space<semaphore_mem>>) src(%arg14 : memref<32x200xf32, #tpu.memory_space<vmem>>) dst(%dma_wait3A_65 : memref<32x200xf32, #tpu.memory_space<hbm>>)
    %dma_wait3A_66 = arith.constant 0 : i32
    %dma_wait3A_67 = tpu.memref_slice %arg6[%add3A_61, %dma_wait3A_66] : memref<16384x200xf32, #tpu.memory_space<hbm>> -> memref<32x200xf32, #tpu.memory_space<hbm>>
    %dma_wait3A_68 = arith.constant 0 : i32
    %dma_wait3A_69 = tpu.memref_slice %arg6[%add3A_61, %dma_wait3A_68] : memref<16384x200xf32, #tpu.memory_space<hbm>> -> memref<32x200xf32, #tpu.memory_space<hbm>>
    tpu.wait_dma2 semaphore(%arg32 : memref<!tpu.dma_semaphore, #tpu.memory_space<semaphore_mem>>) src(%arg18 : memref<32x200xf32, #tpu.memory_space<vmem>>) dst(%dma_wait3A_69 : memref<32x200xf32, #tpu.memory_space<hbm>>)
    return
  }
}

</mosaic_0001>

<sc_bundles>
// kernel: kernel.3.cloned.1.call-start
scs
__scs_entry_jumppad:
0x0: {  	(pc) =	sbr.rel $0x88, $3  }
0x1: {  	(tag) =	ssettag $0x0;
	lr =	simm.s32 $0x1  }
0x2: {  	[smem:$0x3F9E] =	sst lr;
	_ =	strace $0xD0000000  }
0x3: {  	_ = 	snop  }
0x4: {  	_ = 	snop  }
0x5: {  	_ = 	snop  }
0x6: {  	_ = 	snop  }
0x7: {  	_ = 	snop  }
__scs_overlays_trampoline_lowered:
0x8: {  	[smem:$0x3FAD] =	sst s0  }
0x9: {  	[smem:$0x3FAE] =	sst s1  }
0xa: {  	[smem:$0x3FAF] =	sst s2  }
0xb: {  	[smem:$0x3FB0] =	sst s3  }
0xc: {  	[smem:$0x3FB1] =	sst s4  }
0xd: {  	[smem:$0x3FB2] =	sst s5  }
0xe: {  	[smem:$0x3FB3] =	sst s6  }
0xf: {  	[smem:$0x3FB4] =	sst s7  }
0x10: {  	[smem:$0x3FB5] =	sst s8  }
0x11: {  	[smem:$0x3FB6] =	sst s9;
	s0 =	simm.s32 @!p0 $0x0  }
0x12: {  	s1 =	sld [smem:$0x3F9C];
	s0 =	simm.s32 @p0 $0x1  }
0x13: {  	[smem:$0x3FB7] =	sst s0;
	s0 =	simm.s32 @!p1 $0x0  }
0x14: {  	s2 =	sld [smem:$0x3F9B];
	s0 =	simm.s32 @p1 $0x1  }
0x15: {  	[smem:$0x3FB8] =	sst s0;
	s0 =	simm.s32 @!p2 $0x0  }
0x16: {  	s3 =	sld [smem:$0x3FDB];
	s0 =	simm.s32 @p2 $0x1  }
0x17: {  	s4 =	simm.s32 $0x1BF5;
	[smem:$0x3FBA] =	sst s0  }
0x18: {  	s0 =	sld [smem:$0x3F9D];
	_ =	swait.ge [sflag:s4], $0x0  }
0x19: {  	s7 =	sld [smem:$0x3F9E]  }
0x1a: {  	s8 =	sadd.s32 $0xFFFFE003, lr  }
0x1b: {  	s9 =	sadd.s32 $0xFFFFFEF7, lr;
	s5 =	simm.s32 $0xFFFFFFFF;
	p2 =	slt.u32 s8, $0xFFFFF086  }
0x1c: {  	p1 =	slt.u32 s9, $0xF7A;
	s5 =	simm.s32 @!p2 $0x0  }
0x1d: {  	s5 =	simm.s32 @p1 $0x1;
	p0 =	seq.s32 s7, s2  }
0x1e: {  	s7 =	smul.u32 @!p0 $0xF7A, s2;
	p2 =	seq.s32 @!p0 s5, $0x0  }
0x1f: {  	s9 =	smul.u32 $0xF7A, s1;
	s8 =	simm.s32 @!p0 $0x1BF5;
	p2 =	por !p2, p0  }
0x20: {  	[sflag:s8] =	ssyncset.s32 @!p0 $0xFFFFF086;
	s6 =	sadd.s32 @!p0 s3, s7;
	s7 =	simm.s32 @!p0 $0x108  }
0x21: {  	s3 =	sadd.s32 s3, s9;
	s6 =	sadd.s32 @!p0 $0x88, s6;
	s7 =	simm.s32 @p2 $0x1082  }
0x22: {  	[simem:s7], [sflag:s8] =	dma.local @!p0 [hbm:s6], $0xF7A  }
0x23: {  	s9 =	sor.u32 $0xD0000000, s2;
	s6 =	simm.s32 $0x108;
	_ =	swait.ge @!p0 [sflag:s8], $0x0  }
0x24: {  	s3 =	sadd.s32 $0x88, s3;
	s6 =	simm.s32 @!p1 $0x1082;
	[sflag:s4] =	ssyncset.s32 $0xFFFFF086  }
0x25: {  	[simem:s6], [sflag:s4] =	dma.local [hbm:s3], $0xF7A  }
0x26: {  	[smem:$0x3F9E] =	sst s1;
	(tag) =	ssettag s2;
	_ =	strace s9  }
0x27: {  	s1 =	sld [smem:$0x3FAE]  }
0x28: {  	s2 =	sld [smem:$0x3FAF]  }
0x29: {  	s4 =	sld [smem:$0x3FB1]  }
0x2a: {  	p0 =	seq.s32 s5, $0x0;
	s5 =	sld [smem:$0x3FB2]  }
0x2b: {  	s6 =	sld [smem:$0x3FB3]  }
0x2c: {  	s7 =	sld [smem:$0x3FB4]  }
0x2d: {  	s3 =	simm.s32 $0x108;
	s8 =	sld [smem:$0x3FB5]  }
0x2e: {  	s3 =	simm.s32 @!p0 $0x1082;
	s9 =	sld [smem:$0x3FB6]  }
0x2f: {  	lr =	sadd.s32 s0, s3;
	s0 =	sld [smem:$0x3FAD]  }
0x30: {  	s3 =	sld [smem:$0x3FB0]  }
0x31: {  	[smem:$0x3FB9] =	sst s10  }
0x32: {  	s10 =	sld [smem:$0x3FB7];
	_ =	sdelay $0x3  }
0x33: {  	p0 =	seq.s32 s10, $0x1;
	s10 =	sld [smem:$0x3FB9];
	_ =	sdelay $0x3  }
0x34: {  	[smem:$0x3FB9] =	sst s10  }
0x35: {  	s10 =	sld [smem:$0x3FB8];
	_ =	sdelay $0x3  }
0x36: {  	p1 =	seq.s32 s10, $0x1;
	s10 =	sld [smem:$0x3FB9];
	_ =	sdelay $0x3  }
0x37: {  	[smem:$0x3FB9] =	sst s10  }
0x38: {  	s10 =	sld [smem:$0x3FBA]  }
0x39: {  	_ = 	snop;
	(pc) =	sbr.ind lr, $3  }
0x3a: {  	_ = 	snop  }
0x3b: {  	_ = 	snop  }
0x3c: {  	p2 =	seq.s32 s10, $0x1;
	s10 =	sld [smem:$0x3FB9]  }
0x3d: {  	_ =	shalt  }
0x3e: {  	_ =	shalt  }
0x3f: {  	_ =	shalt  }
0x40: {  	_ =	shalt  }
0x41: {  	_ =	shalt  }
0x42: {  	_ =	shalt  }
0x43: {  	_ =	shalt  }
0x44: {  	_ =	shalt  }
0x45: {  	_ =	shalt  }
0x46: {  	_ =	shalt  }
0x47: {  	_ =	shalt  }
0x48: {  	_ =	shalt  }
0x49: {  	_ =	shalt  }
0x4a: {  	_ =	shalt  }
0x4b: {  	_ =	shalt  }
0x4c: {  	_ =	shalt  }
0x4d: {  	_ =	shalt  }
0x4e: {  	_ =	shalt  }
0x4f: {  	_ =	shalt  }
0x50: {  	_ =	shalt  }
0x51: {  	_ =	shalt  }
0x52: {  	_ =	shalt  }
0x53: {  	_ =	shalt  }
0x54: {  	_ =	shalt  }
0x55: {  	_ =	shalt  }
0x56: {  	_ =	shalt  }
0x57: {  	_ =	shalt  }
0x58: {  	_ =	shalt  }
0x59: {  	_ =	shalt  }
0x5a: {  	_ =	shalt  }
0x5b: {  	_ =	shalt  }
0x5c: {  	_ =	shalt  }
0x5d: {  	_ =	shalt  }
0x5e: {  	_ =	shalt  }
0x5f: {  	_ =	shalt  }
0x60: {  	_ =	shalt  }
0x61: {  	_ =	shalt  }
0x62: {  	_ =	shalt  }
0x63: {  	_ =	shalt  }
0x64: {  	_ =	shalt  }
0x65: {  	_ =	shalt  }
0x66: {  	_ =	shalt  }
0x67: {  	_ =	shalt  }
0x68: {  	_ =	shalt  }
0x69: {  	_ =	shalt  }
0x6a: {  	_ =	shalt  }
0x6b: {  	_ =	shalt  }
0x6c: {  	_ =	shalt  }
0x6d: {  	_ =	shalt  }
0x6e: {  	_ =	shalt  }
0x6f: {  	_ =	shalt  }
0x70: {  	_ =	shalt  }
0x71: {  	_ =	shalt  }
0x72: {  	_ =	shalt  }
0x73: {  	_ =	shalt  }
0x74: {  	_ =	shalt  }
0x75: {  	_ =	shalt  }
0x76: {  	_ =	shalt  }
0x77: {  	_ =	shalt  }
0x78: {  	_ =	shalt  }
0x79: {  	_ =	shalt  }
0x7a: {  	_ =	shalt  }
0x7b: {  	_ =	shalt  }
0x7c: {  	_ =	shalt  }
0x7d: {  	_ =	shalt  }
0x7e: {  	_ =	shalt  }
0x7f: {  	_ =	shalt  }
0x80: {  	_ =	shalt  }
0x81: {  	_ =	shalt  }
0x82: {  	_ =	shalt  }
0x83: {  	_ =	shalt  }
0x84: {  	_ =	shalt  }
0x85: {  	_ =	shalt  }
0x86: {  	_ =	shalt  }
0x87: {  	_ =	shalt  }
.Lfunc_end0:
.L_simem_size_0:
called_computation_lowered:
.L_overlay_start_0:
0x88: {  	s2 =	sld [smem:$0x3FD9]  }
0x89: {  	s3 =	sld [smem:$0x3FFE];
	_ =	sdelay $0x1  }
0x8a: {  	s1 =	srdreg.scid  }
0x8b: {  	s0 =	sand.u32 $0x1, s1  }
0x8c: {  	s17 =	sshll.u32 s0, $0xA;
	s2 =	sadd.s32 s3, s2  }
0x8d: {  	s2 =	sadd.s32 s2, s17  }
0x8e: {  	[smem:$0x3FC5] =	sst s2  }
0x8f: {  	_ = 	snop  }
0x90: {  	s2 =	sld [smem:$0x3FC8]  }
0x91: {  	s18 =	sld [smem:$0x3FC7];
	(tm) =	ssettm $0x1  }
0x92: {  	s4 =	sld [smem:$0x3FFB];
	_ =	sdelay $0x3  }
0x93: {  	_ =	strace s4  }
0x94: {  	s4 =	sld [smem:$0x3FFC];
	_ =	sdelay $0x3  }
0x95: {  	_ =	strace s4  }
0x96: {  	s4 =	sld [smem:$0x3FFD];
	_ =	sdelay $0x3  }
0x97: {  	_ =	strace s4  }
0x98: {  	_ =	strace $0x8FFFFFFF  }
0x99: {  	s19 =	sld [smem:$0x3FDB];
	_ =	sdelay $0x1  }
0x9a: {  	s5 =	simm.s32 $_scs_section_size  }
0x9b: {  	s6 =	simm.s32 $_size__tile_overlayer_lowered;
	s7 =	simm.s32 $_tile_overlayer_lowered  }
0x9c: {  	s22 =	simm.s32 $0x1BFF;
	s21 =	sshll.u32 s7, $0x1;
	s4 =	sadd.s32 s5, s19  }
0x9d: {  	s8 =	simm.s32 $0x0;
	s20 =	sshll.u32 s6, $0x1;
	s6 =	sadd.s32 s21, s4  }
0x9e: {  	[timem:s8], [sflag:s22] =	dma.local [hbm:s6], s20  }
0x9f: {  	_ =	swait.ge [sflag:s22], s20  }
0xa0: {  	s5 =	ssub.s32 $0x0, s20;
	[sflag:s22] =	ssyncset.done $0x0  }
0xa1: {  	[sflag:s22] =	ssyncadd.s32 s5;
	_ =	sdelay $0x1  }
0xa2: {  	s23 =	simm.s32 $0x1B8B  }
0xa3: {  	_ =	swait.ge [sflag:s23], $0x1  }
0xa4: {  	[sflag:s23] =	ssyncset.done $0x0  }
0xa5: {  	s25 =	simm.s32 $0x1B8E;
	s24 =	sld [smem:$0x3FFE];
	[sflag:s23] =	ssyncadd.s32 $0xFFFFFFFF  }
0xa6: {  	s26 =	simm.s32 $execute0_lowered;
	[smem:$0x3FD2] =	sst s25  }
0xa7: {  	s6 =	sshll.u32 s26, $0x1;
	_ =	strace $0x80000046;
	[dreg:$0x1] =	wrdreg $0xFFFFFFFF  }
0xa8: {  	s28 =	simm.s32 $_size_execute0_lowered;
	s4 =	sadd.s32 s4, s6;
	[dreg:$0x0] =	wrdreg $0x0  }
0xa9: {  	s6 =	sshll.u32 s28, $0x1;
	[dreg:$0x2] =	wrdreg s4  }
0xaa: {  	[dreg:$0x3] =	wrdreg s6  }
0xab: {  	[dreg:$0x4] =	wrdreg $0xC0  }
0xac: {  	_ =	task [dreg:s8], $0x5FFFF  }
0xad: {  	[dreg:$0x1] =	wrdreg $0xFFFFFFFF  }
0xae: {  	[dreg:$0x0] =	wrdreg $0x60  }
0xaf: {  	[dreg:$0x2] =	wrdreg s24  }
0xb0: {  	[dreg:$0x3] =	wrdreg s2  }
0xb1: {  	[dreg:$0x4] =	wrdreg s18  }
0xb2: {  	[dreg:$0x5] =	wrdreg $0x9  }
0xb3: {  	_ =	task.clear_ibuf [dreg:s8], $0x6FFFF;
	_ =	strace $0x90000046  }
0xb4: {  	s29 =	simm.s32 $0x9;
	_ =	strace $0x80000048  }
0xb5: {  	_ =	swait.ge [sflag:s29], $0x1  }
0xb6: {  	[sflag:s29] =	ssyncadd.s32 $0xFFFFFFFF  }
0xb7: {  	_ =	strace $0x90000048  }
0xb8: {  	_ =	sfence  }
0xb9: {  	s30 =	sld [smem:$0x0];
	_ =	sdelay $0x2  }
0xba: {  	s31 =	sshll.u32 s1, $0xD;
	s1 =	sshrl.u32 s1, $0x2  }
0xbb: {  	s3 =	sand.u32 $0x4000, s31;
	s1 =	sadd.s32 s1, s30  }
0xbc: {  	s0 =	sor.u32 s3, s0;
	s1 =	sshll.u32 s1, $0x11  }
0xbd: {  	s0 =	sor.u32 s1, s0  }
0xbe: {  	s0 =	sadd.s32 $0x8F2B, s0  }
0xbf: {  	[sflag:s0] =	ssyncadd.remote.s32 $0x1  }
0xc0: {  	_ =	sfence.sel $0xFFFF  }
0xc1: {  	[dreg:$0x0] =	wrdreg $0xFFFFFFFF;
	(pc) =	sbr.abs _section_cstart, $3  }
0xc2: {  	[dreg:$0x1] =	wrdreg $0xFFFFFFFF  }
0xc3: {  	_ =	task.clear_ibuf [dreg:s8], $0x2FFFF;
	_ =	strace $0x9FFFFFFF  }
0xc4: {  	(tm) =	ssettm $0x7FFFFFFF  }
0xc5: {  	_ =	shalt  }
tec
execute0_lowered:
.L_overlay_start_1:
0x0: {  	(tag) =	ssettag $0x1  }
0x1: {  	s0 =	rddreg [dreg:$0x0]  }
0x2: {  	s1 =	srdreg.scid;
	s4 =	simm.s32 $0x0;
	s2 =	stileid.u32  }
0x3: {  	s17 =	simm.s32 $0x18000;
	s18 =	simm.s32 $0x18400;
	s28 =	simm.s32 $0x2  }
0x4: {  	s29 =	simm.s32 $0x6;
	s30 =	simm.s32 $0xA;
	s1 =	sand.u32 $0x1, s1  }
0x5: {  	s10 =	simm.s32 $0x4;
	s2 =	sshll.u32 s2, $0xF;
	s3 =	sshll.u32 s1, $0xE  }
0x6: {  	s11 =	simm.s32 $0x8;
	s16 =	simm.s32 $0xC;
	s5 =	sor.u32 s3, s2  }
0x7: {  	s8 =	simm.s32 $0x0;
	[smem:$0x7FF] =	sst s4;
	s2 =	sadd.s32 s5, s0  }
0x8: {  	s6 =	sadd.s32 $0x80A00, s0;
	s7 =	sadd.s32 $0x100A00, s0;
	s21 =	sadd.s32 $0xA00, s2  }
0x9: {  	_ =	strace $0x80000047;
	s22 =	sadd.s32 $0xE00, s2;
	[dreg:$0x4] =	wrdreg s21  }
0xa: {  	s1 =	ssub.s32 $0x2, s1;
	s23 =	sadd.s32 $0x1200, s2;
	[dreg:$0x5] =	wrdreg s22  }
0xb: {  	s19 =	sshrl.u32 s1, $0x1;
	s24 =	sadd.s32 $0x1600, s2;
	[dreg:$0x6] =	wrdreg s23  }
0xc: {  	s3 =	simm.s32 $0xB;
	s25 =	sadd.s32 $0x1A00, s2;
	[dreg:$0x7] =	wrdreg s24  }
.Ltmp0:
0xd: {  	s26 =	sadd.s32 $0x1E00, s2;
	[dreg:$0x8] =	wrdreg s25;
	(pc) =	sbr.rel .LBB2_1-.Ltmp0, $4  }
0xe: {  	s20 =	ssub.s32 s1, s19;
	s31 =	sadd.s32 $0x2200, s2;
	[dreg:$0x9] =	wrdreg s26  }
0xf: {  	s1 =	simm.s32 $0x7;
	s0 =	smax.u32 s20, $0x1;
	[dreg:$0xa] =	wrdreg s31  }
0x10: {  	s15 =	sadd.s32 $0x2600, s2;
	s2 =	simm.s32 $0x3;
	[dreg:$0xb] =	wrdreg s0  }
0x11: {  	s24 =	simm.s32 $0x1;
	s22 =	simm.s32 $0xE000;
	s23 =	simm.s32 $0x16000  }
.LBB2_24:
0x12: {  	s0 =	simm.s32 $0x5  }
0x13: {  	_ =	swait.ge [sflag:s0], $0x2000  }
0x14: {  	[sflag:s0] =	ssyncset.done $0x0  }
0x15: {  	s26 =	simm.s32 $0x9;
	[sflag:s0] =	ssyncadd.s32 $0xFFFFE000  }
0x16: {  	_ =	swait.ge [sflag:s26], $0x2000  }
0x17: {  	[sflag:s26] =	ssyncset.done $0x0  }
0x18: {  	[sflag:s26] =	ssyncadd.s32 $0xFFFFE000  }
0x19: {  	_ =	swait.ge [sflag:s29], $0x2000  }
0x1a: {  	[sflag:s29] =	ssyncset.done $0x0  }
0x1b: {  	[sflag:s29] =	ssyncadd.s32 $0xFFFFE000  }
0x1c: {  	_ =	swait.ge [sflag:s30], $0x2000  }
0x1d: {  	[sflag:s30] =	ssyncset.done $0x0  }
0x1e: {  	[sflag:s30] =	ssyncadd.s32 $0xFFFFE000  }
0x1f: {  	_ =	swait.ge [sflag:s1], $0x2000  }
0x20: {  	[sflag:s1] =	ssyncset.done $0x0  }
0x21: {  	[sflag:s1] =	ssyncadd.s32 $0xFFFFE000  }
0x22: {  	_ =	swait.ge [sflag:s3], $0x2000  }
0x23: {  	[sflag:s3] =	ssyncset.done $0x0  }
0x24: {  	[sflag:s3] =	ssyncadd.s32 $0xFFFFE000  }
0x25: {  	_ =	swait.ge [sflag:s11], $0x2000  }
0x26: {  	[sflag:s11] =	ssyncset.done $0x0  }
0x27: {  	[sflag:s11] =	ssyncadd.s32 $0xFFFFE000  }
0x28: {  	_ =	swait.ge [sflag:s16], $0x2000  }
0x29: {  	s8 =	rddreg [dreg:$0xc]  }
0x2a: {  	s31 =	rddreg [dreg:$0xb];
	s8 =	sadd.s32 $0x1, s8  }
0x2b: {  	p0 =	sne.s32 s8, s31  }
.Ltmp1:
0x2c: {  	_ = 	snop;
	(pc) =	sbr.rel @!p0 .LBB2_25-.Ltmp1, $3  }
0x2d: {  	_ =	sdelay $0x1  }
0x2e: {  	[sflag:s16] =	ssyncset.done $0x0  }
0x2f: {  	[sflag:s16] =	ssyncadd.s32 $0xFFFFE000  }
.LBB2_1:
0x30: {  	[dreg:$0xc] =	wrdreg s8  }
0x31: {  	s0 =	rddreg [dreg:$0x1]  }
0x32: {  	[tilespmem:s17], [sflag:$0xD] =	stream.linear.gather [hbm4b:s0+s4], $0x400, $0x38;
	[tilespmem:$0x18800] =	vst v63  }
0x33: {  	s9 =	rddreg [dreg:$0x2]  }
0x34: {  	[tilespmem:s18], [sflag:$0xE] =	stream.linear.gather [hbm4b:s9+s4], $0x400, $0x38;
	[tilespmem:$0x18800] =	vst v63  }
0x35: {  	s12 =	rddreg [dreg:$0x4]  }
0x36: {  	[tilespmem:s4], [sflag:$0x1] =	stream.linear.gather [hbm4b:s12+s4], $0x2000, $0x38;
	[tilespmem:$0x18800] =	vst v63  }
0x37: {  	s13 =	rddreg [dreg:$0x5];
	s14 =	simm.s32 $0x2000  }
0x38: {  	[tilespmem:s14], [sflag:$0x2] =	stream.linear.gather [hbm4b:s13+s4], $0x2000, $0x38;
	[tilespmem:$0x18800] =	vst v63  }
0x39: {  	s19 =	rddreg [dreg:$0x6];
	s20 =	simm.s32 $0x4000  }
0x3a: {  	[tilespmem:s20], [sflag:$0x3] =	stream.linear.gather [hbm4b:s19+s4], $0x2000, $0x38;
	[tilespmem:$0x18800] =	vst v63  }
0x3b: {  	s21 =	rddreg [dreg:$0x7];
	s25 =	simm.s32 $0x6000;
	s26 =	simm.s32 $0xD  }
0x3c: {  	[tilespmem:s25], [sflag:$0x4] =	stream.linear.gather [hbm4b:s21+s4], $0x2000, $0x38;
	[tilespmem:$0x18800] =	vst v63  }
0x3d: {  	_ =	swait.ge [sflag:s26], $0x400  }
0x3e: {  	[sflag:s26] =	ssyncset.done $0x0  }
0x3f: {  	s31 =	simm.s32 $0xE;
	[sflag:s26] =	ssyncadd.s32 $0xFFFFFC00  }
0x40: {  	_ =	swait.ge [sflag:s31], $0x400  }
0x41: {  	[sflag:s31] =	ssyncset.done $0x0  }
0x42: {  	s19 =	simm.s32 $0x0;
	[sflag:s31] =	ssyncadd.s32 $0xFFFFFC00  }
.LBB2_2:
0x43: {  	_ =	swait.ge [sflag:s24], $0x2000  }
0x44: {  	p0 =	seq.s32 s19, $0x0;
	[sflag:s24] =	ssyncset.done $0x0  }
0x45: {  	s0 =	simm.s32 @!p0 $0x5;
	[sflag:s24] =	ssyncadd.s32 $0xFFFFE000  }
0x46: {  	_ =	swait.ge @!p0 [sflag:s0], $0x2000  }
0x47: {  	[sflag:s0] =	ssyncset.done @!p0 $0x0  }
0x48: {  	[sflag:s0] =	ssyncadd.s32 @!p0 $0xFFFFE000;
	s0 =	simm.s32 @!p0 $0x9  }
0x49: {  	s8 =	simm.s32 $0x0;
	_ =	swait.ge @!p0 [sflag:s0], $0x2000  }
0x4a: {  	s9 =	sand.u32 $0x1800, s8;
	s8 =	sand.u32 $0x380, s8;
	[sflag:s0] =	ssyncset.done @!p0 $0x0  }
0x4b: {  	s12 =	sor.u32 s8, s9;
	[sflag:s0] =	ssyncadd.s32 @!p0 $0xFFFFE000  }
0x4c: {  	v0 =	vld [tilespmem:s12+$0x0];
	_ =	sdelay $0x4  }
0x4d: {  	v0 =	vmul.f32 $1.628155060e+02, v0;
	_ =	sdelay $0x1  }
0x4e: {  	v0 =	vtrunc.f32 v0  }
0x4f: {  	v0 =	vcvt.f32.s32 v0;
	_ =	sdelay $0x3  }
0x50: {  	v1 =	vld [tilespmem:s12+$0x10];
	_ =	sdelay $0x1  }
0x51: {  	v2 =	vld.idx.msk [tilespmem:v0+s17+$0x0], $0xffff;
	_ =	sdelay $0x2  }
0x52: {  	v1 =	vmul.f32 $1.628155060e+02, v1;
	_ =	sdelay $0x1  }
0x53: {  	v1 =	vtrunc.f32 v1;
	[tilespmem:s12+$0x8000] =	vst v2  }
0x54: {  	v1 =	vcvt.f32.s32 v1;
	v0 =	vld.idx.msk [tilespmem:v0+s18+$0x0], $0xffff;
	_ =	sdelay $0x3  }
0x55: {  	v2 =	vld [tilespmem:s12+$0x20]  }
0x56: {  	[tilespmem:s12+$0x10000] =	vst v0  }
0x57: {  	v0 =	vld.idx.msk [tilespmem:v1+s17+$0x0], $0xffff;
	_ =	sdelay $0x2  }
0x58: {  	v2 =	vmul.f32 $1.628155060e+02, v2;
	_ =	sdelay $0x1  }
0x59: {  	s25 =	simm.s32 $0x100;
	s26 =	simm.s32 $0x80;
	[tilespmem:s12+$0x8010] =	vst v0;
	v0 =	vtrunc.f32 v2  }
0x5a: {  	s8 =	sand.u32 $0x380, s26;
	s0 =	sand.u32 $0x1800, s25;
	v1 =	vld.idx.msk [tilespmem:v1+s18+$0x0], $0xffff;
	v0 =	vcvt.f32.s32 v0  }
0x5b: {  	s13 =	sor.u32 s8, s0  }
0x5c: {  	v2 =	vld [tilespmem:s13+$0x0];
	_ =	sdelay $0x1  }
0x5d: {  	v3 =	vld [tilespmem:s12+$0x30]  }
0x5e: {  	[tilespmem:s12+$0x10010] =	vst v1  }
0x5f: {  	v1 =	vld.idx.msk [tilespmem:v0+s17+$0x0], $0xffff  }
0x60: {  	v2 =	vmul.f32 $1.628155060e+02, v2;
	_ =	sdelay $0x1  }
0x61: {  	v3 =	vmul.f32 $1.628155060e+02, v3;
	v2 =	vtrunc.f32 v2  }
0x62: {  	v2 =	vcvt.f32.s32 v2  }
0x63: {  	[tilespmem:s12+$0x8020] =	vst v1;
	v1 =	vtrunc.f32 v3  }
0x64: {  	v0 =	vld.idx.msk [tilespmem:v0+s18+$0x0], $0xffff;
	v1 =	vcvt.f32.s32 v1;
	_ =	sdelay $0x1  }
0x65: {  	v3 =	vld [tilespmem:s13+$0x10]  }
0x66: {  	v5 =	vld [tilespmem:s12+$0x40]  }
0x67: {  	v4 =	vld.idx.msk [tilespmem:v2+s17+$0x0], $0xffff  }
0x68: {  	[tilespmem:s12+$0x10020] =	vst v0  }
0x69: {  	v0 =	vld.idx.msk [tilespmem:v1+s17+$0x0], $0xffff  }
0x6a: {  	v3 =	vmul.f32 $1.628155060e+02, v3;
	_ =	sdelay $0x1  }
0x6b: {  	[tilespmem:s13+$0x8000] =	vst v4;
	v3 =	vtrunc.f32 v3;
	v4 =	vmul.f32 $1.628155060e+02, v5  }
0x6c: {  	v2 =	vld.idx.msk [tilespmem:v2+s18+$0x0], $0xffff;
	v3 =	vcvt.f32.s32 v3  }
0x6d: {  	[tilespmem:s12+$0x8030] =	vst v0;
	v0 =	vtrunc.f32 v4  }
0x6e: {  	v1 =	vld.idx.msk [tilespmem:v1+s18+$0x0], $0xffff;
	v0 =	vcvt.f32.s32 v0;
	_ =	sdelay $0x1  }
0x6f: {  	v4 =	vld [tilespmem:s13+$0x20]  }
0x70: {  	v5 =	vld [tilespmem:s12+$0x50];
	[tilespmem:s13+$0x10000] =	vst v2  }
0x71: {  	v2 =	vld.idx.msk [tilespmem:v3+s17+$0x0], $0xffff  }
0x72: {  	[tilespmem:s12+$0x10030] =	vst v1  }
0x73: {  	v1 =	vld.idx.msk [tilespmem:v0+s17+$0x0], $0xffff  }
0x74: {  	v4 =	vmul.f32 $1.628155060e+02, v4  }
0x75: {  	s14 =	simm.s32 $0x100;
	s9 =	simm.s32 $0x200  }
0x76: {  	s0 =	sand.u32 $0x1800, s9;
	s8 =	sand.u32 $0x380, s14;
	[tilespmem:s13+$0x8010] =	vst v2;
	v2 =	vtrunc.f32 v4;
	v4 =	vmul.f32 $1.628155060e+02, v5  }
0x77: {  	s14 =	sor.u32 s8, s0;
	v3 =	vld.idx.msk [tilespmem:v3+s18+$0x0], $0xffff  }
0x78: {  	v2 =	vcvt.f32.s32 v2;
	[tilespmem:s12+$0x8040] =	vst v1;
	v1 =	vtrunc.f32 v4;
	v4 =	vld [tilespmem:s14+$0x0]  }
0x79: {  	v0 =	vld.idx.msk [tilespmem:v0+s18+$0x0], $0xffff;
	v1 =	vcvt.f32.s32 v1;
	_ =	sdelay $0x2  }
0x7a: {  	v5 =	vld [tilespmem:s13+$0x30]  }
0x7b: {  	v6 =	vld [tilespmem:s12+$0x60];
	[tilespmem:s13+$0x10010] =	vst v3  }
0x7c: {  	v3 =	vld.idx.msk [tilespmem:v2+s17+$0x0], $0xffff;
	v4 =	vmul.f32 $1.628155060e+02, v4;
	[tilespmem:s12+$0x10040] =	vst v0  }
0x7d: {  	v0 =	vld.idx.msk [tilespmem:v1+s17+$0x0], $0xffff  }
0x7e: {  	v4 =	vtrunc.f32 v4  }
0x7f: {  	v5 =	vmul.f32 $1.628155060e+02, v5;
	v4 =	vcvt.f32.s32 v4;
	_ =	sdelay $0x1  }
0x80: {  	[tilespmem:s13+$0x8020] =	vst v3;
	v3 =	vtrunc.f32 v5;
	v5 =	vmul.f32 $1.628155060e+02, v6;
	v6 =	vld [tilespmem:s14+$0x10]  }
0x81: {  	v2 =	vld.idx.msk [tilespmem:v2+s18+$0x0], $0xffff;
	v3 =	vcvt.f32.s32 v3;
	[tilespmem:s12+$0x8050] =	vst v0  }
0x82: {  	v0 =	vld.idx.msk [tilespmem:v1+s18+$0x0], $0xffff;
	v1 =	vtrunc.f32 v5  }
0x83: {  	v1 =	vcvt.f32.s32 v1  }
0x84: {  	v5 =	vld.idx.msk [tilespmem:v4+s17+$0x0], $0xffff  }
0x85: {  	v7 =	vld [tilespmem:s13+$0x40]  }
0x86: {  	[tilespmem:s13+$0x10020] =	vst v2  }
0x87: {  	v6 =	vmul.f32 $1.628155060e+02, v6;
	v2 =	vld.idx.msk [tilespmem:v3+s17+$0x0], $0xffff  }
0x88: {  	v8 =	vld [tilespmem:s12+$0x70];
	[tilespmem:s12+$0x10050] =	vst v0  }
0x89: {  	[tilespmem:s14+$0x8000] =	vst v5;
	v5 =	vtrunc.f32 v6;
	v0 =	vld.idx.msk [tilespmem:v1+s17+$0x0], $0xffff  }
0x8a: {  	v6 =	vmul.f32 $1.628155060e+02, v7;
	v4 =	vld.idx.msk [tilespmem:v4+s18+$0x0], $0xffff;
	v5 =	vcvt.f32.s32 v5;
	_ =	sdelay $0x1  }
0x8b: {  	[tilespmem:s13+$0x8030] =	vst v2;
	v2 =	vtrunc.f32 v6  }
0x8c: {  	v3 =	vld.idx.msk [tilespmem:v3+s18+$0x0], $0xffff;
	v2 =	vcvt.f32.s32 v2  }
0x8d: {  	v7 =	vld [tilespmem:s14+$0x20];
	v6 =	vmul.f32 $1.628155060e+02, v8;
	[tilespmem:s12+$0x8060] =	vst v0  }
0x8e: {  	[tilespmem:s14+$0x10000] =	vst v4;
	v0 =	vld.idx.msk [tilespmem:v1+s18+$0x0], $0xffff  }
0x8f: {  	v1 =	vtrunc.f32 v6;
	v4 =	vld.idx.msk [tilespmem:v5+s17+$0x0], $0xffff  }
0x90: {  	v6 =	vld [tilespmem:s13+$0x50];
	v1 =	vcvt.f32.s32 v1  }
0x91: {  	[tilespmem:s13+$0x10030] =	vst v3  }
0x92: {  	v7 =	vmul.f32 $1.628155060e+02, v7;
	v3 =	vld.idx.msk [tilespmem:v2+s17+$0x0], $0xffff;
	_ =	sdelay $0x1  }
0x93: {  	v8 =	vld [tilespmem:s12+$0x400];
	[tilespmem:s14+$0x8010] =	vst v4;
	v4 =	vtrunc.f32 v7  }
0x94: {  	[tilespmem:s12+$0x10060] =	vst v0;
	v6 =	vmul.f32 $1.628155060e+02, v6;
	v5 =	vld.idx.msk [tilespmem:v5+s18+$0x0], $0xffff;
	v4 =	vcvt.f32.s32 v4  }
0x95: {  	s20 =	simm.s32 $0x300;
	s21 =	simm.s32 $0x180;
	v0 =	vld.idx.msk [tilespmem:v1+s17+$0x0], $0xffff  }
0x96: {  	s0 =	sand.u32 $0x1800, s20;
	s8 =	sand.u32 $0x380, s21;
	[tilespmem:s13+$0x8040] =	vst v3;
	v3 =	vtrunc.f32 v6  }
0x97: {  	s21 =	sor.u32 s8, s0;
	v2 =	vld.idx.msk [tilespmem:v2+s18+$0x0], $0xffff;
	v3 =	vcvt.f32.s32 v3  }
0x98: {  	v6 =	vld [tilespmem:s21+$0x0]  }
0x99: {  	v7 =	vmul.f32 $1.628155060e+02, v8;
	v8 =	vld [tilespmem:s14+$0x30];
	[tilespmem:s14+$0x10010] =	vst v5  }
0x9a: {  	[tilespmem:s12+$0x8070] =	vst v0;
	v5 =	vld.idx.msk [tilespmem:v4+s17+$0x0], $0xffff  }
0x9b: {  	v0 =	vld.idx.msk [tilespmem:v1+s18+$0x0], $0xffff;
	v1 =	vtrunc.f32 v7  }
0x9c: {  	v7 =	vld [tilespmem:s13+$0x60];
	[tilespmem:s13+$0x10040] =	vst v2;
	v1 =	vcvt.f32.s32 v1  }
0x9d: {  	v6 =	vmul.f32 $1.628155060e+02, v6;
	v2 =	vld.idx.msk [tilespmem:v3+s17+$0x0], $0xffff  }
0x9e: {  	v10 =	vld [tilespmem:s14+$0x40];
	v8 =	vmul.f32 $1.628155060e+02, v8  }
0x9f: {  	v9 =	vld [tilespmem:s21+$0x10];
	v6 =	vtrunc.f32 v6;
	[tilespmem:s14+$0x8020] =	vst v5  }
0xa0: {  	v8 =	vtrunc.f32 v8;
	v6 =	vcvt.f32.s32 v6;
	[tilespmem:s12+$0x10070] =	vst v0;
	v0 =	vld [tilespmem:s12+$0x410]  }
0xa1: {  	v8 =	vcvt.f32.s32 v8;
	v4 =	vld.idx.msk [tilespmem:v4+s18+$0x0], $0xffff;
	v7 =	vmul.f32 $1.628155060e+02, v7  }
0xa2: {  	[tilespmem:s13+$0x8050] =	vst v2;
	v5 =	vld.idx.msk [tilespmem:v1+s17+$0x0], $0xffff  }
0xa3: {  	v2 =	vld.idx.msk [tilespmem:v3+s18+$0x0], $0xffff;
	v3 =	vtrunc.f32 v7  }
0xa4: {  	v11 =	vld [tilespmem:s21+$0x30];
	v3 =	vcvt.f32.s32 v3  }
0xa5: {  	v13 =	vld [tilespmem:s21+$0x40];
	v0 =	vmul.f32 $1.628155060e+02, v0  }
0xa6: {  	v7 =	vld.idx.msk [tilespmem:v6+s17+$0x0], $0xffff;
	[tilespmem:s14+$0x10020] =	vst v4  }
0xa7: {  	v4 =	vld.idx.msk [tilespmem:v8+s17+$0x0], $0xffff;
	[tilespmem:s12+$0x8400] =	vst v5;
	v0 =	vtrunc.f32 v0  }
0xa8: {  	s26 =	simm.s32 $0x200;
	s25 =	simm.s32 $0x400;
	v1 =	vld.idx.msk [tilespmem:v1+s18+$0x0], $0xffff;
	v0 =	vcvt.f32.s32 v0  }
0xa9: {  	s0 =	sand.u32 $0x1800, s25;
	s8 =	sand.u32 $0x380, s26;
	v9 =	vmul.f32 $1.628155060e+02, v9;
	v5 =	vld [tilespmem:s13+$0x70];
	[tilespmem:s13+$0x10050] =	vst v2  }
0xaa: {  	s25 =	sor.u32 s8, s0;
	v2 =	vld.idx.msk [tilespmem:v3+s17+$0x0], $0xffff  }
0xab: {  	v12 =	vld [tilespmem:s25+$0x10];
	[tilespmem:s21+$0x8000] =	vst v7;
	v7 =	vtrunc.f32 v9  }
0xac: {  	v6 =	vld.idx.msk [tilespmem:v6+s18+$0x0], $0xffff;
	v7 =	vcvt.f32.s32 v7  }
0xad: {  	v9 =	vmul.f32 $1.628155060e+02, v10;
	[tilespmem:s12+$0x10400] =	vst v1;
	v1 =	vld [tilespmem:s12+$0x420]  }
0xae: {  	[tilespmem:s14+$0x8030] =	vst v4;
	v5 =	vmul.f32 $1.628155060e+02, v5;
	v4 =	vld.idx.msk [tilespmem:v0+s17+$0x0], $0xffff  }
0xaf: {  	v9 =	vtrunc.f32 v9;
	v8 =	vld.idx.msk [tilespmem:v8+s18+$0x0], $0xffff;
	[tilespmem:s13+$0x8060] =	vst v2  }
0xb0: {  	v9 =	vcvt.f32.s32 v9;
	v2 =	vld.idx.msk [tilespmem:v3+s18+$0x0], $0xffff;
	v3 =	vtrunc.f32 v5  }
0xb1: {  	v10 =	vld [tilespmem:s21+$0x20];
	[tilespmem:s21+$0x10000] =	vst v6;
	v3 =	vcvt.f32.s32 v3  }
0xb2: {  	v5 =	vld.idx.msk [tilespmem:v7+s17+$0x0], $0xffff;
	v1 =	vmul.f32 $1.628155060e+02, v1  }
0xb3: {  	v6 =	vld [tilespmem:s14+$0x50];
	[tilespmem:s12+$0x8410] =	vst v4  }
0xb4: {  	v0 =	vld.idx.msk [tilespmem:v0+s18+$0x0], $0xffff;
	v1 =	vtrunc.f32 v1  }
0xb5: {  	[tilespmem:s14+$0x10030] =	vst v8;
	v8 =	vld [tilespmem:s13+$0x400];
	v1 =	vcvt.f32.s32 v1  }
0xb6: {  	v10 =	vmul.f32 $1.628155060e+02, v10;
	v4 =	vld.idx.msk [tilespmem:v9+s17+$0x0], $0xffff;
	[tilespmem:s13+$0x10060] =	vst v2  }
0xb7: {  	[tilespmem:s21+$0x8010] =	vst v5;
	v2 =	vld.idx.msk [tilespmem:v3+s17+$0x0], $0xffff  }
0xb8: {  	v5 =	vld.idx.msk [tilespmem:v7+s18+$0x0], $0xffff;
	v7 =	vtrunc.f32 v10  }
0xb9: {  	v6 =	vmul.f32 $1.628155060e+02, v6;
	[tilespmem:s12+$0x10410] =	vst v0;
	v0 =	vcvt.f32.s32 v7;
	v7 =	vld [tilespmem:s12+$0x430]  }
0xba: {  	v10 =	vld [tilespmem:s25+$0x0]  }
0xbb: {  	v6 =	vtrunc.f32 v6;
	v8 =	vmul.f32 $1.628155060e+02, v8;
	[tilespmem:s14+$0x8040] =	vst v4;
	v4 =	vld.idx.msk [tilespmem:v1+s17+$0x0], $0xffff  }
0xbc: {  	v6 =	vcvt.f32.s32 v6;
	v9 =	vld.idx.msk [tilespmem:v9+s18+$0x0], $0xffff;
	[tilespmem:s13+$0x8070] =	vst v2  }
0xbd: {  	v2 =	vld.idx.msk [tilespmem:v3+s18+$0x0], $0xffff;
	v3 =	vtrunc.f32 v8  }
0xbe: {  	v63 =	vld [tilespmem:s25+$0x20];
	[tilespmem:s21+$0x10010] =	vst v5;
	v3 =	vcvt.f32.s32 v3;
	v7 =	vmul.f32 $1.628155060e+02, v7  }
0xbf: {  	v5 =	vld.idx.msk [tilespmem:v0+s17+$0x0], $0xffff  }
0xc0: {  	v8 =	vld [tilespmem:s14+$0x60];
	[tilespmem:s12+$0x8420] =	vst v4;
	v4 =	vmul.f32 $1.628155060e+02, v10;
	v7 =	vtrunc.f32 v7  }
0xc1: {  	[tilespmem:s14+$0x10040] =	vst v9;
	v1 =	vld.idx.msk [tilespmem:v1+s18+$0x0], $0xffff;
	v7 =	vcvt.f32.s32 v7  }
0xc2: {  	v9 =	vld.idx.msk [tilespmem:v6+s17+$0x0], $0xffff;
	v4 =	vtrunc.f32 v4  }
0xc3: {  	[tilespmem:s13+$0x10070] =	vst v2;
	v2 =	vcvt.f32.s32 v4;
	v4 =	vmul.f32 $1.628155060e+02, v11;
	v11 =	vld [tilespmem:s13+$0x410]  }
0xc4: {  	[tilespmem:s21+$0x8020] =	vst v5;
	v5 =	vld.idx.msk [tilespmem:v3+s17+$0x0], $0xffff  }
0xc5: {  	v8 =	vmul.f32 $1.628155060e+02, v8;
	v0 =	vld.idx.msk [tilespmem:v0+s18+$0x0], $0xffff;
	v4 =	vtrunc.f32 v4  }
0xc6: {  	v10 =	vld [tilespmem:s12+$0x438];
	v4 =	vcvt.f32.s32 v4;
	[tilespmem:s12+$0x10420] =	vst v1  }
0xc7: {  	v8 =	vtrunc.f32 v8;
	[tilespmem:s14+$0x8050] =	vst v9;
	v1 =	vld.idx.msk [tilespmem:v7+s17+$0x0], $0xffff  }
0xc8: {  	v8 =	vcvt.f32.s32 v8;
	v6 =	vld.idx.msk [tilespmem:v6+s18+$0x0], $0xffff;
	v11 =	vmul.f32 $1.628155060e+02, v11  }
0xc9: {  	v9 =	vld.idx.msk [tilespmem:v2+s17+$0x0], $0xffff;
	[tilespmem:s13+$0x8400] =	vst v5  }
0xca: {  	[tilespmem:s21+$0x10020] =	vst v0;
	v0 =	vld.idx.msk [tilespmem:v3+s18+$0x0], $0xffff;
	v3 =	vtrunc.f32 v11  }
0xcb: {  	v11 =	vcvt.f32.s32 v3;
	v3 =	vmul.f32 $1.628155060e+02, v10;
	v10 =	vld [tilespmem:s14+$0x70]  }
0xcc: {  	v5 =	vld.idx.msk [tilespmem:v4+s17+$0x0], $0xffff;
	[tilespmem:s12+$0x8430] =	vst v1  }
0xcd: {  	[tilespmem:s14+$0x10050] =	vst v6;
	v1 =	vmul.f32 $1.628155060e+02, v12;
	v6 =	vld.idx.msk [tilespmem:v7+s18+$0x0], $0xffff;
	v3 =	vtrunc.f32 v3  }
0xce: {  	[tilespmem:s25+$0x8000] =	vst v9;
	v9 =	vld.idx.msk [tilespmem:v8+s17+$0x0], $0xffff;
	v62 =	vcvt.f32.s32 v3  }
0xcf: {  	v1 =	vtrunc.f32 v1;
	v2 =	vld.idx.msk [tilespmem:v2+s18+$0x0], $0xffff;
	[tilespmem:s13+$0x10400] =	vst v0;
	v0 =	vmul.f32 $1.628155060e+02, v13  }
0xd0: {  	v14 =	vcvt.f32.s32 v1;
	v1 =	vld [tilespmem:s13+$0x420]  }
0xd1: {  	[tilespmem:s21+$0x8030] =	vst v5;
	v5 =	vld.idx.msk [tilespmem:v11+s17+$0x0], $0xffff;
	v0 =	vtrunc.f32 v0  }
0xd2: {  	v4 =	vld.idx.msk [tilespmem:v4+s18+$0x0], $0xffff;
	v7 =	vcvt.f32.s32 v0;
	v0 =	vmul.f32 $1.628155060e+02, v10;
	[tilespmem:s12+$0x10430] =	vst v6  }
0xd3: {  	[tilespmem:s14+$0x8060] =	vst v9;
	v9 =	vld [tilespmem:s21+$0x50]  }
0xd4: {  	v6 =	vld.idx.msk [tilespmem:v62+s17+$0x0], $0xffff;
	v0 =	vtrunc.f32 v0  }
0xd5: {  	[tilespmem:s25+$0x10000] =	vst v2;
	v2 =	vld.idx.msk [tilespmem:v8+s18+$0x0], $0xffff;
	v3 =	vcvt.f32.s32 v0;
	v0 =	vmul.f32 $1.628155060e+02, v1  }
0xd6: {  	v8 =	vld.idx.msk [tilespmem:v14+s17+$0x0], $0xffff;
	[tilespmem:s13+$0x8410] =	vst v5  }
0xd7: {  	[tilespmem:s21+$0x10030] =	vst v4;
	v4 =	vld.idx.msk [tilespmem:v11+s18+$0x0], $0xffff;
	v0 =	vtrunc.f32 v0  }
0xd8: {  	v5 =	vld [tilespmem:s14+$0x400];
	v1 =	vcvt.f32.s32 v0  }
0xd9: {  	v11 =	vld.idx.msk [tilespmem:v7+s17+$0x0], $0xffff;
	[tilespmem:s12+$0x8438] =	vst v6  }
0xda: {  	[tilespmem:s14+$0x10060] =	vst v2;
	v2 =	vmul.f32 $1.628155060e+02, v63;
	v0 =	vld.idx.msk [tilespmem:v62+s18+$0x0], $0xffff  }
0xdb: {  	[tilespmem:s25+$0x8010] =	vst v8;
	v6 =	vld.idx.msk [tilespmem:v3+s17+$0x0], $0xffff  }
0xdc: {  	s31 =	simm.s32 $0x600;
	v10 =	vld.idx.msk [tilespmem:v14+s18+$0x0], $0xffff;
	[tilespmem:s13+$0x10410] =	vst v4;
	v4 =	vtrunc.f32 v2  }
0xdd: {  	s9 =	simm.s32 $0x500;
	s26 =	simm.s32 $0x280;
	v9 =	vmul.f32 $1.628155060e+02, v9;
	v2 =	vld [tilespmem:s13+$0x430];
	v8 =	vcvt.f32.s32 v4  }
0xde: {  	s20 =	sshll.u32 s19, $0xC;
	s0 =	sand.u32 $0x1800, s9;
	s8 =	sand.u32 $0x380, s26;
	[tilespmem:s21+$0x8040] =	vst v11;
	v4 =	vld.idx.msk [tilespmem:v1+s17+$0x0], $0xffff  }
.LBB2_3:
0xdf: {  	p1 =	sne.s32 s31, $0x1F00;
	s0 =	sor.u32 s8, s0;
	v7 =	vld.idx.msk [tilespmem:v7+s18+$0x0], $0xffff;
	v9 =	vtrunc.f32 v9  }
0xe0: {  	v5 =	vmul.f32 $1.628155060e+02, v5;
	v11 =	vld [tilespmem:s0+$0x0];
	v9 =	vcvt.f32.s32 v9;
	[tilespmem:s12+$0x10438] =	vst v0;
	s12 =	smov.u32 s13;
	s13 =	smov.u32 s14;
	s14 =	smov.u32 s21  }
0xe1: {  	s21 =	smov.u32 s25;
	v0 =	vld [tilespmem:s25+$0x30];
	[tilespmem:s13+$0x8070] =	vst v6;
	s25 =	smov.u32 s0  }
0xe2: {  	v5 =	vtrunc.f32 v5;
	[tilespmem:s21+$0x10010] =	vst v10;
	v3 =	vld.idx.msk [tilespmem:v3+s18+$0x0], $0xffff  }
0xe3: {  	v5 =	vcvt.f32.s32 v5;
	v2 =	vmul.f32 $1.628155060e+02, v2;
	v6 =	vld.idx.msk [tilespmem:v8+s17+$0x0], $0xffff  }
0xe4: {  	v10 =	vld [tilespmem:s14+$0x60];
	[tilespmem:s12+$0x8420] =	vst v4  }
0xe5: {  	v2 =	vtrunc.f32 v2;
	v4 =	vmul.f32 $1.628155060e+02, v11;
	[tilespmem:s14+$0x10040] =	vst v7;
	v1 =	vld.idx.msk [tilespmem:v1+s18+$0x0], $0xffff  }
0xe6: {  	v2 =	vcvt.f32.s32 v2;
	v7 =	vld.idx.msk [tilespmem:v9+s17+$0x0], $0xffff  }
0xe7: {  	v4 =	vtrunc.f32 v4;
	v11 =	vld [tilespmem:s12+$0x438]  }
0xe8: {  	v0 =	vmul.f32 $1.628155060e+02, v0;
	v4 =	vcvt.f32.s32 v4;
	[tilespmem:s13+$0x10070] =	vst v3;
	v3 =	vld [tilespmem:s13+$0x410]  }
0xe9: {  	[tilespmem:s21+$0x8020] =	vst v6;
	v6 =	vld.idx.msk [tilespmem:v5+s17+$0x0], $0xffff  }
0xea: {  	v0 =	vtrunc.f32 v0;
	v8 =	vld.idx.msk [tilespmem:v8+s18+$0x0], $0xffff  }
0xeb: {  	v0 =	vcvt.f32.s32 v0;
	v10 =	vmul.f32 $1.628155060e+02, v10;
	v12 =	vld [tilespmem:s25+$0x10];
	[tilespmem:s12+$0x10420] =	vst v1  }
0xec: {  	[tilespmem:s14+$0x8050] =	vst v7;
	v1 =	vld.idx.msk [tilespmem:v2+s17+$0x0], $0xffff  }
0xed: {  	v7 =	vld.idx.msk [tilespmem:v9+s18+$0x0], $0xffff;
	v9 =	vtrunc.f32 v10  }
0xee: {  	v3 =	vmul.f32 $1.628155060e+02, v3;
	v10 =	vld.idx.msk [tilespmem:v4+s17+$0x0], $0xffff;
	v9 =	vcvt.f32.s32 v9  }
0xef: {  	v13 =	vld [tilespmem:s21+$0x40];
	[tilespmem:s13+$0x8400] =	vst v6  }
0xf0: {  	v3 =	vtrunc.f32 v3;
	[tilespmem:s21+$0x10020] =	vst v8;
	v5 =	vld.idx.msk [tilespmem:v5+s18+$0x0], $0xffff  }
0xf1: {  	v8 =	vcvt.f32.s32 v3;
	v3 =	vmul.f32 $1.628155060e+02, v11;
	v6 =	vld.idx.msk [tilespmem:v0+s17+$0x0], $0xffff  }
0xf2: {  	v11 =	vld [tilespmem:s14+$0x70];
	[tilespmem:s12+$0x8430] =	vst v1  }
0xf3: {  	v1 =	vmul.f32 $1.628155060e+02, v12;
	v3 =	vtrunc.f32 v3;
	[tilespmem:s14+$0x10050] =	vst v7;
	v2 =	vld.idx.msk [tilespmem:v2+s18+$0x0], $0xffff  }
0xf4: {  	v12 =	vcvt.f32.s32 v3;
	[tilespmem:s25+$0x8000] =	vst v10;
	v10 =	vld.idx.msk [tilespmem:v9+s17+$0x0], $0xffff  }
0xf5: {  	v1 =	vtrunc.f32 v1;
	v3 =	vld.idx.msk [tilespmem:v4+s18+$0x0], $0xffff  }
0xf6: {  	v4 =	vcvt.f32.s32 v1;
	v1 =	vmul.f32 $1.628155060e+02, v13;
	[tilespmem:s13+$0x10400] =	vst v5;
	v5 =	vld [tilespmem:s13+$0x420]  }
0xf7: {  	[tilespmem:s21+$0x8030] =	vst v6;
	v6 =	vld.idx.msk [tilespmem:v8+s17+$0x0], $0xffff  }
0xf8: {  	v1 =	vtrunc.f32 v1;
	v0 =	vld.idx.msk [tilespmem:v0+s18+$0x0], $0xffff  }
0xf9: {  	v7 =	vcvt.f32.s32 v1;
	v1 =	vmul.f32 $1.628155060e+02, v11;
	v13 =	vld [tilespmem:s25+$0x20];
	[tilespmem:s12+$0x10430] =	vst v2  }
0xfa: {  	[tilespmem:s14+$0x8060] =	vst v10;
	v2 =	vld.idx.msk [tilespmem:v12+s17+$0x0], $0xffff  }
0xfb: {  	v1 =	vtrunc.f32 v1;
	[tilespmem:s25+$0x10000] =	vst v3;
	v9 =	vld.idx.msk [tilespmem:v9+s18+$0x0], $0xffff  }
0xfc: {  	v3 =	vcvt.f32.s32 v1;
	v1 =	vmul.f32 $1.628155060e+02, v5;
	v10 =	vld.idx.msk [tilespmem:v4+s17+$0x0], $0xffff  }
0xfd: {  	v11 =	vld [tilespmem:s21+$0x50];
	[tilespmem:s13+$0x8410] =	vst v6  }
0xfe: {  	[tilespmem:s21+$0x10030] =	vst v0;
	v14 =	vld.idx.msk [tilespmem:v8+s18+$0x0], $0xffff;
	v0 =	vtrunc.f32 v1  }
0xff: {  	v15 =	vld.idx.msk [tilespmem:v7+s17+$0x0], $0xffff;
	v1 =	vcvt.f32.s32 v0  }
0x100: {  	v5 =	vld [tilespmem:s14+$0x400];
	[tilespmem:s12+$0x8438] =	vst v2  }
.Ltmp2:
0x101: {  	v2 =	vmul.f32 $1.628155060e+02, v13;
	[tilespmem:s14+$0x10060] =	vst v9;
	v0 =	vld.idx.msk [tilespmem:v12+s18+$0x0], $0xffff;
	(pc) =	sbr.rel @p1 .LBB2_3-.Ltmp2, $4  }
0x102: {  	[tilespmem:s25+$0x8010] =	vst v10;
	v6 =	vld.idx.msk [tilespmem:v3+s17+$0x0], $0xffff  }
0x103: {  	v2 =	vtrunc.f32 v2;
	v10 =	vld.idx.msk [tilespmem:v4+s18+$0x0], $0xffff  }
0x104: {  	s26 =	sadd.s32 $0x80, s26;
	v9 =	vmul.f32 $1.628155060e+02, v11;
	v8 =	vcvt.f32.s32 v2;
	[tilespmem:s13+$0x10410] =	vst v14;
	v2 =	vld [tilespmem:s13+$0x430]  }
0x105: {  	s8 =	sand.u32 $0x380, s26;
	s0 =	sand.u32 $0x1800, s31;
	s31 =	sadd.s32 $0x100, s31;
	[tilespmem:s21+$0x8040] =	vst v15;
	v4 =	vld.idx.msk [tilespmem:v1+s17+$0x0], $0xffff  }
0x106: {  	s26 =	sor.u32 s8, s0  }
0x107: {  	v11 =	vld [tilespmem:s26+$0x0];
	_ =	sdelay $0x4  }
0x108: {  	v11 =	vmul.f32 $1.628155060e+02, v11;
	_ =	sdelay $0x1  }
0x109: {  	v11 =	vtrunc.f32 v11  }
0x10a: {  	v11 =	vcvt.f32.s32 v11;
	_ =	sdelay $0x3  }
0x10b: {  	v12 =	vld [tilespmem:s26+$0x10];
	_ =	sdelay $0x1  }
0x10c: {  	v13 =	vld.idx.msk [tilespmem:v11+s17+$0x0], $0xffff;
	_ =	sdelay $0x2  }
0x10d: {  	v12 =	vmul.f32 $1.628155060e+02, v12;
	_ =	sdelay $0x1  }
0x10e: {  	v12 =	vtrunc.f32 v12;
	[tilespmem:s26+$0x8000] =	vst v13  }
0x10f: {  	v12 =	vcvt.f32.s32 v12;
	v11 =	vld.idx.msk [tilespmem:v11+s18+$0x0], $0xffff;
	_ =	sdelay $0x3  }
0x110: {  	v29 =	vld [tilespmem:s26+$0x20]  }
0x111: {  	[tilespmem:s26+$0x10000] =	vst v11  }
0x112: {  	v11 =	vld.idx.msk [tilespmem:v12+s17+$0x0], $0xffff;
	_ =	sdelay $0x2  }
0x113: {  	v13 =	vmul.f32 $1.628155060e+02, v29;
	_ =	sdelay $0x1  }
0x114: {  	v30 =	vtrunc.f32 v13;
	[tilespmem:s26+$0x8010] =	vst v11  }
0x115: {  	v11 =	vcvt.f32.s32 v30;
	v31 =	vld.idx.msk [tilespmem:v12+s18+$0x0], $0xffff  }
0x116: {  	v14 =	vld [tilespmem:s25+$0x30]  }
0x117: {  	[tilespmem:s25+$0x10010] =	vst v10  }
0x118: {  	v32 =	vld.idx.msk [tilespmem:v8+s17+$0x0], $0xffff  }
0x119: {  	v34 =	vld [tilespmem:s26+$0x30]  }
0x11a: {  	[tilespmem:s26+$0x10010] =	vst v31  }
0x11b: {  	v33 =	vmul.f32 $1.628155060e+02, v14;
	v36 =	vld.idx.msk [tilespmem:v11+s17+$0x0], $0xffff;
	_ =	sdelay $0x1  }
0x11c: {  	v35 =	vtrunc.f32 v33;
	[tilespmem:s25+$0x8020] =	vst v32  }
0x11d: {  	v38 =	vmul.f32 $1.628155060e+02, v34;
	v10 =	vcvt.f32.s32 v35;
	v37 =	vld.idx.msk [tilespmem:v8+s18+$0x0], $0xffff;
	_ =	sdelay $0x1  }
0x11e: {  	v40 =	vtrunc.f32 v38;
	[tilespmem:s26+$0x8020] =	vst v36  }
0x11f: {  	v42 =	vcvt.f32.s32 v40;
	v41 =	vld.idx.msk [tilespmem:v11+s18+$0x0], $0xffff  }
0x120: {  	v39 =	vld [tilespmem:s25+$0x40]  }
0x121: {  	[tilespmem:s25+$0x10020] =	vst v37  }
0x122: {  	v43 =	vld.idx.msk [tilespmem:v10+s17+$0x0], $0xffff  }
0x123: {  	v45 =	vld [tilespmem:s26+$0x40]  }
0x124: {  	[tilespmem:s26+$0x10020] =	vst v41  }
0x125: {  	v44 =	vmul.f32 $1.628155060e+02, v39;
	v47 =	vld.idx.msk [tilespmem:v42+s17+$0x0], $0xffff;
	_ =	sdelay $0x1  }
0x126: {  	v46 =	vtrunc.f32 v44;
	[tilespmem:s25+$0x8030] =	vst v43  }
0x127: {  	v48 =	vmul.f32 $1.628155060e+02, v45;
	v8 =	vcvt.f32.s32 v46;
	v10 =	vld.idx.msk [tilespmem:v10+s18+$0x0], $0xffff;
	_ =	sdelay $0x1  }
0x128: {  	v50 =	vtrunc.f32 v48;
	[tilespmem:s26+$0x8030] =	vst v47  }
0x129: {  	v52 =	vcvt.f32.s32 v50;
	v51 =	vld.idx.msk [tilespmem:v42+s18+$0x0], $0xffff  }
0x12a: {  	v49 =	vld [tilespmem:s25+$0x50]  }
0x12b: {  	[tilespmem:s25+$0x10030] =	vst v10  }
0x12c: {  	v53 =	vld.idx.msk [tilespmem:v8+s17+$0x0], $0xffff  }
0x12d: {  	v9 =	vtrunc.f32 v9;
	v55 =	vld [tilespmem:s26+$0x50]  }
0x12e: {  	v7 =	vld.idx.msk [tilespmem:v7+s18+$0x0], $0xffff;
	v9 =	vcvt.f32.s32 v9;
	[tilespmem:s26+$0x10030] =	vst v51  }
0x12f: {  	v54 =	vmul.f32 $1.628155060e+02, v49;
	v57 =	vld.idx.msk [tilespmem:v52+s17+$0x0], $0xffff;
	_ =	sdelay $0x1  }
0x130: {  	v15 =	vld [tilespmem:s21+$0x60];
	v56 =	vtrunc.f32 v54;
	[tilespmem:s25+$0x8040] =	vst v53  }
0x131: {  	v61 =	vmul.f32 $1.628155060e+02, v55;
	v59 =	vcvt.f32.s32 v56;
	v58 =	vld.idx.msk [tilespmem:v8+s18+$0x0], $0xffff  }
0x132: {  	[tilespmem:s21+$0x10040] =	vst v7  }
0x133: {  	v60 =	vld.idx.msk [tilespmem:v9+s17+$0x0], $0xffff;
	v18 =	vtrunc.f32 v61;
	[tilespmem:s26+$0x8040] =	vst v57  }
0x134: {  	v20 =	vcvt.f32.s32 v18;
	v19 =	vld.idx.msk [tilespmem:v52+s18+$0x0], $0xffff  }
0x135: {  	v63 =	vld [tilespmem:s25+$0x60]  }
0x136: {  	v62 =	vmul.f32 $1.628155060e+02, v15;
	[tilespmem:s25+$0x10040] =	vst v58  }
0x137: {  	v22 =	vld.idx.msk [tilespmem:v59+s17+$0x0], $0xffff  }
0x138: {  	v24 =	vld [tilespmem:s26+$0x60];
	v21 =	vtrunc.f32 v62;
	[tilespmem:s21+$0x8050] =	vst v60  }
0x139: {  	v9 =	vld.idx.msk [tilespmem:v9+s18+$0x0], $0xffff;
	v10 =	vcvt.f32.s32 v21;
	[tilespmem:s26+$0x10040] =	vst v19  }
0x13a: {  	v23 =	vmul.f32 $1.628155060e+02, v63;
	v27 =	vld.idx.msk [tilespmem:v20+s17+$0x0], $0xffff;
	_ =	sdelay $0x1  }
0x13b: {  	v26 =	vtrunc.f32 v23;
	[tilespmem:s25+$0x8050] =	vst v22  }
0x13c: {  	v28 =	vmul.f32 $1.628155060e+02, v24;
	v7 =	vcvt.f32.s32 v26;
	v8 =	vld.idx.msk [tilespmem:v59+s18+$0x0], $0xffff  }
0x13d: {  	[tilespmem:s21+$0x10050] =	vst v9  }
0x13e: {  	v9 =	vld.idx.msk [tilespmem:v10+s17+$0x0], $0xffff;
	v31 =	vtrunc.f32 v28;
	[tilespmem:s26+$0x8050] =	vst v27  }
0x13f: {  	v33 =	vcvt.f32.s32 v31;
	v32 =	vld.idx.msk [tilespmem:v20+s18+$0x0], $0xffff  }
0x140: {  	v30 =	vld [tilespmem:s25+$0x70]  }
0x141: {  	v25 =	vld [tilespmem:s21+$0x70];
	[tilespmem:s25+$0x10050] =	vst v8  }
0x142: {  	v35 =	vld.idx.msk [tilespmem:v7+s17+$0x0], $0xffff  }
0x143: {  	v37 =	vld [tilespmem:s26+$0x70];
	[tilespmem:s21+$0x8060] =	vst v9  }
0x144: {  	v10 =	vld.idx.msk [tilespmem:v10+s18+$0x0], $0xffff;
	[tilespmem:s26+$0x10050] =	vst v32  }
0x145: {  	v36 =	vmul.f32 $1.628155060e+02, v30;
	v40 =	vld.idx.msk [tilespmem:v33+s17+$0x0], $0xffff  }
0x146: {  	[tilespmem:s14+$0x8070] =	vst v6  }
0x147: {  	v3 =	vld.idx.msk [tilespmem:v3+s18+$0x0], $0xffff;
	v29 =	vmul.f32 $1.628155060e+02, v25;
	v39 =	vtrunc.f32 v36;
	[tilespmem:s25+$0x8060] =	vst v35  }
0x148: {  	[tilespmem:s13+$0x8420] =	vst v4;
	v8 =	vcvt.f32.s32 v39;
	v7 =	vld.idx.msk [tilespmem:v7+s18+$0x0], $0xffff;
	v42 =	vmul.f32 $1.628155060e+02, v37  }
0x149: {  	v49 =	vld [tilespmem:s14+$0x410];
	v34 =	vtrunc.f32 v29;
	[tilespmem:s21+$0x10060] =	vst v10  }
0x14a: {  	v1 =	vld.idx.msk [tilespmem:v1+s18+$0x0], $0xffff;
	v9 =	vcvt.f32.s32 v34;
	v10 =	vtrunc.f32 v42;
	[tilespmem:s26+$0x8060] =	vst v40  }
0x14b: {  	v10 =	vcvt.f32.s32 v10;
	v45 =	vld.idx.msk [tilespmem:v33+s18+$0x0], $0xffff  }
0x14c: {  	v43 =	vld [tilespmem:s25+$0x400]  }
0x14d: {  	v38 =	vld [tilespmem:s21+$0x400];
	[tilespmem:s25+$0x10060] =	vst v7  }
0x14e: {  	v46 =	vld.idx.msk [tilespmem:v8+s17+$0x0], $0xffff  }
0x14f: {  	v5 =	vmul.f32 $1.628155060e+02, v5;
	v50 =	vld [tilespmem:s26+$0x400]  }
0x150: {  	v41 =	vld.idx.msk [tilespmem:v9+s17+$0x0], $0xffff;
	[tilespmem:s26+$0x10060] =	vst v45  }
0x151: {  	v5 =	vtrunc.f32 v5;
	v13 =	vmul.f32 $1.628155060e+02, v43;
	v52 =	vld.idx.msk [tilespmem:v10+s17+$0x0], $0xffff  }
0x152: {  	v5 =	vcvt.f32.s32 v5;
	v63 =	vld [tilespmem:s13+$0x438]  }
0x153: {  	v55 =	vld [tilespmem:s21+$0x410];
	v44 =	vmul.f32 $1.628155060e+02, v38;
	v54 =	vtrunc.f32 v13;
	[tilespmem:s25+$0x8070] =	vst v46  }
0x154: {  	v12 =	vmul.f32 $1.628155060e+02, v50;
	v7 =	vcvt.f32.s32 v54;
	v53 =	vld.idx.msk [tilespmem:v8+s18+$0x0], $0xffff  }
0x155: {  	v60 =	vld [tilespmem:s25+$0x410];
	v48 =	vtrunc.f32 v44;
	[tilespmem:s21+$0x8070] =	vst v41  }
0x156: {  	v47 =	vld.idx.msk [tilespmem:v9+s18+$0x0], $0xffff;
	v9 =	vcvt.f32.s32 v48;
	v57 =	vtrunc.f32 v12;
	[tilespmem:s26+$0x8070] =	vst v52  }
0x157: {  	[tilespmem:s14+$0x10070] =	vst v3;
	v6 =	vcvt.f32.s32 v57;
	v58 =	vld.idx.msk [tilespmem:v10+s18+$0x0], $0xffff  }
0x158: {  	v51 =	vld.idx.msk [tilespmem:v5+s17+$0x0], $0xffff  }
0x159: {  	v62 =	vld [tilespmem:s26+$0x410];
	[tilespmem:s25+$0x10070] =	vst v53  }
0x15a: {  	v61 =	vld.idx.msk [tilespmem:v7+s17+$0x0], $0xffff  }
0x15b: {  	v26 =	vld [tilespmem:s25+$0x420];
	[tilespmem:s21+$0x10070] =	vst v47  }
0x15c: {  	v17 =	vmul.f32 $1.628155060e+02, v60;
	v56 =	vld.idx.msk [tilespmem:v9+s17+$0x0], $0xffff;
	[tilespmem:s26+$0x10070] =	vst v58  }
0x15d: {  	[tilespmem:s14+$0x8400] =	vst v51;
	v18 =	vld.idx.msk [tilespmem:v6+s17+$0x0], $0xffff  }
0x15e: {  	v3 =	vtrunc.f32 v17;
	v11 =	vmul.f32 $1.628155060e+02, v49;
	v5 =	vld.idx.msk [tilespmem:v5+s18+$0x0], $0xffff  }
0x15f: {  	v3 =	vcvt.f32.s32 v3;
	v28 =	vld [tilespmem:s26+$0x420];
	v8 =	vmul.f32 $1.628155060e+02, v55;
	[tilespmem:s25+$0x8400] =	vst v61  }
0x160: {  	v21 =	vmul.f32 $1.628155060e+02, v62;
	v11 =	vtrunc.f32 v11;
	v4 =	vld.idx.msk [tilespmem:v7+s18+$0x0], $0xffff  }
0x161: {  	v22 =	vld [tilespmem:s21+$0x420];
	v59 =	vcvt.f32.s32 v11;
	[tilespmem:s21+$0x8400] =	vst v56;
	v8 =	vtrunc.f32 v8  }
0x162: {  	v24 =	vtrunc.f32 v21;
	v9 =	vld.idx.msk [tilespmem:v9+s18+$0x0], $0xffff;
	v8 =	vcvt.f32.s32 v8;
	[tilespmem:s26+$0x8400] =	vst v18  }
0x163: {  	[tilespmem:s14+$0x10400] =	vst v5;
	v5 =	vcvt.f32.s32 v24;
	v6 =	vld.idx.msk [tilespmem:v6+s18+$0x0], $0xffff  }
0x164: {  	v36 =	vld [tilespmem:s21+$0x430]  }
0x165: {  	v20 =	vld [tilespmem:s14+$0x420];
	[tilespmem:s25+$0x10400] =	vst v4  }
0x166: {  	v27 =	vld.idx.msk [tilespmem:v3+s17+$0x0], $0xffff  }
0x167: {  	[tilespmem:s21+$0x10400] =	vst v9;
	v19 =	vld.idx.msk [tilespmem:v59+s17+$0x0], $0xffff  }
0x168: {  	v23 =	vld.idx.msk [tilespmem:v8+s17+$0x0], $0xffff;
	[tilespmem:s26+$0x10400] =	vst v6  }
0x169: {  	v4 =	vmul.f32 $1.628155060e+02, v26;
	v30 =	vld.idx.msk [tilespmem:v5+s17+$0x0], $0xffff  }
0x16a: {  	v34 =	vmul.f32 $1.628155060e+02, v28;
	v41 =	vld [tilespmem:s26+$0x430];
	v7 =	vmul.f32 $1.628155060e+02, v20  }
0x16b: {  	v35 =	vld [tilespmem:s14+$0x430];
	v12 =	vmul.f32 $1.628155060e+02, v22;
	v4 =	vtrunc.f32 v4;
	[tilespmem:s25+$0x8410] =	vst v27  }
0x16c: {  	[tilespmem:s14+$0x8410] =	vst v19;
	v29 =	vtrunc.f32 v7;
	v4 =	vcvt.f32.s32 v4;
	v3 =	vld.idx.msk [tilespmem:v3+s18+$0x0], $0xffff  }
0x16d: {  	v25 =	vld.idx.msk [tilespmem:v59+s18+$0x0], $0xffff;
	[tilespmem:s21+$0x8410] =	vst v23;
	v32 =	vtrunc.f32 v12;
	v31 =	vcvt.f32.s32 v29  }
0x16e: {  	v37 =	vtrunc.f32 v34;
	v8 =	vld.idx.msk [tilespmem:v8+s18+$0x0], $0xffff;
	v6 =	vcvt.f32.s32 v32;
	[tilespmem:s26+$0x8410] =	vst v30  }
0x16f: {  	v7 =	vcvt.f32.s32 v37;
	v5 =	vld.idx.msk [tilespmem:v5+s18+$0x0], $0xffff  }
0x170: {  	v40 =	vld [tilespmem:s25+$0x430]  }
0x171: {  	v47 =	vld [tilespmem:s21+$0x438];
	[tilespmem:s25+$0x10410] =	vst v3  }
0x172: {  	v2 =	vmul.f32 $1.628155060e+02, v2;
	[tilespmem:s14+$0x10410] =	vst v25;
	v42 =	vld.idx.msk [tilespmem:v4+s17+$0x0], $0xffff  }
0x173: {  	[tilespmem:s21+$0x10410] =	vst v8;
	v38 =	vld.idx.msk [tilespmem:v31+s17+$0x0], $0xffff  }
0x174: {  	v2 =	vtrunc.f32 v2;
	v39 =	vld.idx.msk [tilespmem:v6+s17+$0x0], $0xffff;
	[tilespmem:s26+$0x10410] =	vst v5  }
0x175: {  	v2 =	vcvt.f32.s32 v2;
	v3 =	vmul.f32 $1.628155060e+02, v40;
	v44 =	vld.idx.msk [tilespmem:v7+s17+$0x0], $0xffff  }
0x176: {  	[tilespmem:s13+$0x10420] =	vst v1;
	v54 =	vld [tilespmem:s26+$0x438];
	v46 =	vmul.f32 $1.628155060e+02, v41;
	v10 =	vmul.f32 $1.628155060e+02, v35  }
0x177: {  	v8 =	vmul.f32 $1.628155060e+02, v36;
	v45 =	vld [tilespmem:s14+$0x438];
	v3 =	vtrunc.f32 v3;
	[tilespmem:s25+$0x8420] =	vst v42  }
0x178: {  	[tilespmem:s14+$0x8420] =	vst v38;
	v3 =	vcvt.f32.s32 v3;
	v4 =	vld.idx.msk [tilespmem:v4+s18+$0x0], $0xffff;
	v43 =	vtrunc.f32 v10  }
0x179: {  	v8 =	vtrunc.f32 v8;
	v1 =	vld.idx.msk [tilespmem:v31+s18+$0x0], $0xffff;
	[tilespmem:s21+$0x8420] =	vst v39;
	v5 =	vcvt.f32.s32 v43  }
0x17a: {  	v48 =	vtrunc.f32 v46;
	v8 =	vcvt.f32.s32 v8;
	v6 =	vld.idx.msk [tilespmem:v6+s18+$0x0], $0xffff;
	[tilespmem:s26+$0x8420] =	vst v44  }
0x17b: {  	v50 =	vcvt.f32.s32 v48;
	v49 =	vld.idx.msk [tilespmem:v7+s18+$0x0], $0xffff  }
0x17c: {  	v53 =	vld [tilespmem:s25+$0x438]  }
0x17d: {  	v33 =	vld.idx.msk [tilespmem:v2+s17+$0x0], $0xffff;
	[tilespmem:s25+$0x10420] =	vst v4  }
0x17e: {  	[tilespmem:s14+$0x10420] =	vst v1;
	v15 =	vld.idx.msk [tilespmem:v3+s17+$0x0], $0xffff  }
0x17f: {  	v52 =	vmul.f32 $1.628155060e+02, v63;
	[tilespmem:s21+$0x10420] =	vst v6;
	v51 =	vld.idx.msk [tilespmem:v5+s17+$0x0], $0xffff  }
0x180: {  	v57 =	vmul.f32 $1.628155060e+02, v47;
	v10 =	vmul.f32 $1.628155060e+02, v45;
	v6 =	vld.idx.msk [tilespmem:v8+s17+$0x0], $0xffff;
	[tilespmem:s26+$0x10420] =	vst v49  }
0x181: {  	v59 =	vmul.f32 $1.628155060e+02, v53;
	v11 =	vtrunc.f32 v52;
	v56 =	vld.idx.msk [tilespmem:v50+s17+$0x0], $0xffff  }
0x182: {  	[tilespmem:s13+$0x8430] =	vst v33;
	v55 =	vcvt.f32.s32 v11;
	v10 =	vtrunc.f32 v10  }
0x183: {  	v2 =	vld.idx.msk [tilespmem:v2+s18+$0x0], $0xffff;
	v58 =	vcvt.f32.s32 v10;
	v10 =	vtrunc.f32 v59;
	[tilespmem:s25+$0x8430] =	vst v15  }
0x184: {  	v4 =	vmul.f32 $1.628155060e+02, v54;
	v10 =	vcvt.f32.s32 v10;
	v3 =	vld.idx.msk [tilespmem:v3+s18+$0x0], $0xffff;
	[tilespmem:s14+$0x8430] =	vst v51  }
0x185: {  	v60 =	vtrunc.f32 v57;
	[tilespmem:s21+$0x8430] =	vst v6;
	v5 =	vld.idx.msk [tilespmem:v5+s18+$0x0], $0xffff  }
0x186: {  	v4 =	vtrunc.f32 v4;
	v6 =	vcvt.f32.s32 v60;
	v8 =	vld.idx.msk [tilespmem:v8+s18+$0x0], $0xffff;
	[tilespmem:s26+$0x8430] =	vst v56  }
0x187: {  	v4 =	vcvt.f32.s32 v4;
	v7 =	vld.idx.msk [tilespmem:v50+s18+$0x0], $0xffff  }
0x188: {  	[tilespmem:s13+$0x10430] =	vst v2  }
0x189: {  	v2 =	vld.idx.msk [tilespmem:v55+s17+$0x0], $0xffff;
	[tilespmem:s25+$0x10430] =	vst v3  }
0x18a: {  	v3 =	vld.idx.msk [tilespmem:v10+s17+$0x0], $0xffff;
	[tilespmem:s14+$0x10430] =	vst v5  }
0x18b: {  	[tilespmem:s21+$0x10430] =	vst v8;
	v5 =	vld.idx.msk [tilespmem:v58+s17+$0x0], $0xffff  }
0x18c: {  	v8 =	vld.idx.msk [tilespmem:v6+s17+$0x0], $0xffff;
	[tilespmem:s26+$0x10430] =	vst v7  }
0x18d: {  	v7 =	vld.idx.msk [tilespmem:v4+s17+$0x0], $0xffff  }
0x18e: {  	[tilespmem:s13+$0x8438] =	vst v2  }
0x18f: {  	v1 =	vld.idx.msk [tilespmem:v55+s18+$0x0], $0xffff;
	[tilespmem:s25+$0x8438] =	vst v3  }
0x190: {  	v3 =	vld.idx.msk [tilespmem:v10+s18+$0x0], $0xffff;
	[tilespmem:s14+$0x8438] =	vst v5  }
0x191: {  	[tilespmem:s21+$0x8438] =	vst v8;
	v61 =	vld.idx.msk [tilespmem:v58+s18+$0x0], $0xffff  }
0x192: {  	v62 =	vld.idx.msk [tilespmem:v6+s18+$0x0], $0xffff;
	[tilespmem:s26+$0x8438] =	vst v7  }
0x193: {  	[tilespmem:s12+$0x10438] =	vst v0;
	v63 =	vld.idx.msk [tilespmem:v4+s18+$0x0], $0xffff  }
0x194: {  	[tilespmem:s13+$0x10438] =	vst v1  }
0x195: {  	[tilespmem:s25+$0x10438] =	vst v3  }
0x196: {  	p1 =	sne.s32 s19, $0x3;
	[tilespmem:s14+$0x10438] =	vst v61  }
.Ltmp3:
0x197: {  	s12 =	sor.u32 s5, s20;
	[tilespmem:s21+$0x10438] =	vst v62;
	(pc) =	sbr.rel @p1 .LBB2_6-.Ltmp3, $4  }
0x198: {  	s25 =	simm.s32 $0x8000;
	s21 =	sadd.s32 s6, s12;
	[tilespmem:s26+$0x10438] =	vst v63  }
0x199: {  	[hbm4b:s21+s4] =	stream.linear.scatter [tilespmem:s25], [sflag:$0x5], $0x2000, $0x38;
	[tilespmem:$0x18800] =	vst v63  }
0x19a: {  	s31 =	simm.s32 $0x10000;
	s26 =	sadd.s32 s7, s12  }
0x19b: {  	[hbm4b:s26+s4] =	stream.linear.scatter [tilespmem:s31], [sflag:$0x9], $0x2000, $0x38;
	[tilespmem:$0x18800] =	vst v63  }
.Ltmp4:
0x19c: {  	(pc) =	sbr.rel .LBB2_7-.Ltmp4, $4  }
0x19d: {  	_ = 	snop  }
0x19e: {  	_ =	swait.ge [sflag:s28], $0x2000  }
0x19f: {  	[sflag:s28] =	ssyncset.done $0x0  }
0x1a0: {  	[sflag:s28] =	ssyncadd.s32 $0xFFFFE000  }
.LBB2_6:
0x1a1: {  	s0 =	rddreg [dreg:$0x8]  }
.Ltmp5:
0x1a2: {  	s0 =	sadd.s32 s20, s0;
	(pc) =	sbr.rel @p0 .LBB2_8-.Ltmp5, $4  }
0x1a3: {  	[tilespmem:s4], [sflag:$0x1] =	stream.linear.gather [hbm4b:s0+s4], $0x2000, $0x38;
	[tilespmem:$0x18800] =	vst v63  }
0x1a4: {  	_ =	swait.ge [sflag:s28], $0x2000  }
0x1a5: {  	[sflag:s28] =	ssyncset.done $0x0  }
0x1a6: {  	[sflag:s28] =	ssyncadd.s32 $0xFFFFE000  }
.LBB2_7:
0x1a7: {  	_ =	swait.ge [sflag:s29], $0x2000  }
0x1a8: {  	[sflag:s29] =	ssyncset.done $0x0  }
0x1a9: {  	[sflag:s29] =	ssyncadd.s32 $0xFFFFE000  }
0x1aa: {  	_ =	swait.ge [sflag:s30], $0x2000  }
0x1ab: {  	[sflag:s30] =	ssyncset.done $0x0  }
0x1ac: {  	[sflag:s30] =	ssyncadd.s32 $0xFFFFE000  }
.LBB2_8:
0x1ad: {  	s0 =	simm.s32 $0x0  }
0x1ae: {  	s8 =	sand.u32 $0x1800, s0;
	s0 =	sand.u32 $0x380, s0  }
0x1af: {  	s13 =	sor.u32 s0, s8  }
0x1b0: {  	v0 =	vld [tilespmem:s13+$0x2000];
	_ =	sdelay $0x4  }
0x1b1: {  	v0 =	vmul.f32 $1.628155060e+02, v0;
	_ =	sdelay $0x1  }
0x1b2: {  	v0 =	vtrunc.f32 v0  }
0x1b3: {  	v0 =	vcvt.f32.s32 v0;
	_ =	sdelay $0x3  }
0x1b4: {  	v1 =	vld [tilespmem:s13+$0x2010];
	_ =	sdelay $0x1  }
0x1b5: {  	v2 =	vld.idx.msk [tilespmem:v0+s17+$0x0], $0xffff;
	_ =	sdelay $0x2  }
0x1b6: {  	v1 =	vmul.f32 $1.628155060e+02, v1;
	_ =	sdelay $0x1  }
0x1b7: {  	v1 =	vtrunc.f32 v1;
	[tilespmem:s13+$0xA000] =	vst v2  }
0x1b8: {  	v1 =	vcvt.f32.s32 v1;
	v0 =	vld.idx.msk [tilespmem:v0+s18+$0x0], $0xffff;
	_ =	sdelay $0x3  }
0x1b9: {  	v2 =	vld [tilespmem:s13+$0x2020]  }
0x1ba: {  	[tilespmem:s13+$0x12000] =	vst v0  }
0x1bb: {  	v0 =	vld.idx.msk [tilespmem:v1+s17+$0x0], $0xffff;
	_ =	sdelay $0x2  }
0x1bc: {  	v2 =	vmul.f32 $1.628155060e+02, v2;
	_ =	sdelay $0x1  }
0x1bd: {  	s25 =	simm.s32 $0x100;
	s26 =	simm.s32 $0x80;
	[tilespmem:s13+$0xA010] =	vst v0;
	v0 =	vtrunc.f32 v2  }
0x1be: {  	s0 =	sand.u32 $0x1800, s25;
	s8 =	sand.u32 $0x380, s26;
	v1 =	vld.idx.msk [tilespmem:v1+s18+$0x0], $0xffff;
	v0 =	vcvt.f32.s32 v0  }
0x1bf: {  	s14 =	sor.u32 s8, s0  }
0x1c0: {  	v2 =	vld [tilespmem:s14+$0x2000];
	_ =	sdelay $0x1  }
0x1c1: {  	v3 =	vld [tilespmem:s13+$0x2030]  }
0x1c2: {  	[tilespmem:s13+$0x12010] =	vst v1  }
0x1c3: {  	v1 =	vld.idx.msk [tilespmem:v0+s17+$0x0], $0xffff  }
0x1c4: {  	v2 =	vmul.f32 $1.628155060e+02, v2;
	_ =	sdelay $0x1  }
0x1c5: {  	v3 =	vmul.f32 $1.628155060e+02, v3;
	v2 =	vtrunc.f32 v2  }
0x1c6: {  	v2 =	vcvt.f32.s32 v2  }
0x1c7: {  	[tilespmem:s13+$0xA020] =	vst v1;
	v1 =	vtrunc.f32 v3  }
0x1c8: {  	v0 =	vld.idx.msk [tilespmem:v0+s18+$0x0], $0xffff;
	v1 =	vcvt.f32.s32 v1;
	_ =	sdelay $0x1  }
0x1c9: {  	v3 =	vld [tilespmem:s14+$0x2010]  }
0x1ca: {  	v5 =	vld [tilespmem:s13+$0x2040]  }
0x1cb: {  	v4 =	vld.idx.msk [tilespmem:v2+s17+$0x0], $0xffff  }
0x1cc: {  	[tilespmem:s13+$0x12020] =	vst v0  }
0x1cd: {  	v0 =	vld.idx.msk [tilespmem:v1+s17+$0x0], $0xffff  }
0x1ce: {  	v3 =	vmul.f32 $1.628155060e+02, v3;
	_ =	sdelay $0x1  }
0x1cf: {  	[tilespmem:s14+$0xA000] =	vst v4;
	v3 =	vtrunc.f32 v3;
	v4 =	vmul.f32 $1.628155060e+02, v5  }
0x1d0: {  	v2 =	vld.idx.msk [tilespmem:v2+s18+$0x0], $0xffff;
	v3 =	vcvt.f32.s32 v3  }
0x1d1: {  	[tilespmem:s13+$0xA030] =	vst v0;
	v0 =	vtrunc.f32 v4  }
0x1d2: {  	v1 =	vld.idx.msk [tilespmem:v1+s18+$0x0], $0xffff;
	v0 =	vcvt.f32.s32 v0;
	_ =	sdelay $0x1  }
0x1d3: {  	v4 =	vld [tilespmem:s14+$0x2020]  }
0x1d4: {  	v5 =	vld [tilespmem:s13+$0x2050];
	[tilespmem:s14+$0x12000] =	vst v2  }
0x1d5: {  	v2 =	vld.idx.msk [tilespmem:v3+s17+$0x0], $0xffff  }
0x1d6: {  	[tilespmem:s13+$0x12030] =	vst v1  }
0x1d7: {  	v1 =	vld.idx.msk [tilespmem:v0+s17+$0x0], $0xffff  }
0x1d8: {  	v4 =	vmul.f32 $1.628155060e+02, v4  }
0x1d9: {  	s9 =	simm.s32 $0x200;
	s21 =	simm.s32 $0x100  }
0x1da: {  	s0 =	sand.u32 $0x1800, s9;
	s8 =	sand.u32 $0x380, s21;
	[tilespmem:s14+$0xA010] =	vst v2;
	v2 =	vtrunc.f32 v4;
	v4 =	vmul.f32 $1.628155060e+02, v5  }
0x1db: {  	s21 =	sor.u32 s8, s0;
	v3 =	vld.idx.msk [tilespmem:v3+s18+$0x0], $0xffff  }
0x1dc: {  	v2 =	vcvt.f32.s32 v2;
	[tilespmem:s13+$0xA040] =	vst v1;
	v1 =	vtrunc.f32 v4;
	v4 =	vld [tilespmem:s21+$0x2000]  }
0x1dd: {  	v0 =	vld.idx.msk [tilespmem:v0+s18+$0x0], $0xffff;
	v1 =	vcvt.f32.s32 v1;
	_ =	sdelay $0x2  }
0x1de: {  	v5 =	vld [tilespmem:s14+$0x2030]  }
0x1df: {  	v6 =	vld [tilespmem:s13+$0x2060];
	[tilespmem:s14+$0x12010] =	vst v3  }
0x1e0: {  	v3 =	vld.idx.msk [tilespmem:v2+s17+$0x0], $0xffff;
	v4 =	vmul.f32 $1.628155060e+02, v4;
	[tilespmem:s13+$0x12040] =	vst v0  }
0x1e1: {  	v0 =	vld.idx.msk [tilespmem:v1+s17+$0x0], $0xffff  }
0x1e2: {  	v4 =	vtrunc.f32 v4  }
0x1e3: {  	v5 =	vmul.f32 $1.628155060e+02, v5;
	v4 =	vcvt.f32.s32 v4;
	_ =	sdelay $0x1  }
0x1e4: {  	[tilespmem:s14+$0xA020] =	vst v3;
	v3 =	vtrunc.f32 v5;
	v5 =	vmul.f32 $1.628155060e+02, v6;
	v6 =	vld [tilespmem:s21+$0x2010]  }
0x1e5: {  	v2 =	vld.idx.msk [tilespmem:v2+s18+$0x0], $0xffff;
	v3 =	vcvt.f32.s32 v3;
	[tilespmem:s13+$0xA050] =	vst v0  }
0x1e6: {  	v0 =	vld.idx.msk [tilespmem:v1+s18+$0x0], $0xffff;
	v1 =	vtrunc.f32 v5  }
0x1e7: {  	v1 =	vcvt.f32.s32 v1  }
0x1e8: {  	v5 =	vld.idx.msk [tilespmem:v4+s17+$0x0], $0xffff  }
0x1e9: {  	v7 =	vld [tilespmem:s14+$0x2040]  }
0x1ea: {  	[tilespmem:s14+$0x12020] =	vst v2  }
0x1eb: {  	v6 =	vmul.f32 $1.628155060e+02, v6;
	v2 =	vld.idx.msk [tilespmem:v3+s17+$0x0], $0xffff  }
0x1ec: {  	v8 =	vld [tilespmem:s13+$0x2070];
	[tilespmem:s13+$0x12050] =	vst v0  }
0x1ed: {  	[tilespmem:s21+$0xA000] =	vst v5;
	v5 =	vtrunc.f32 v6;
	v0 =	vld.idx.msk [tilespmem:v1+s17+$0x0], $0xffff  }
0x1ee: {  	v6 =	vmul.f32 $1.628155060e+02, v7;
	v4 =	vld.idx.msk [tilespmem:v4+s18+$0x0], $0xffff;
	v5 =	vcvt.f32.s32 v5;
	_ =	sdelay $0x1  }
0x1ef: {  	[tilespmem:s14+$0xA030] =	vst v2;
	v2 =	vtrunc.f32 v6  }
0x1f0: {  	v3 =	vld.idx.msk [tilespmem:v3+s18+$0x0], $0xffff;
	v2 =	vcvt.f32.s32 v2  }
0x1f1: {  	v7 =	vld [tilespmem:s21+$0x2020];
	v6 =	vmul.f32 $1.628155060e+02, v8;
	[tilespmem:s13+$0xA060] =	vst v0  }
0x1f2: {  	[tilespmem:s21+$0x12000] =	vst v4;
	v0 =	vld.idx.msk [tilespmem:v1+s18+$0x0], $0xffff  }
0x1f3: {  	v1 =	vtrunc.f32 v6;
	v4 =	vld.idx.msk [tilespmem:v5+s17+$0x0], $0xffff  }
0x1f4: {  	v6 =	vld [tilespmem:s14+$0x2050];
	v1 =	vcvt.f32.s32 v1  }
0x1f5: {  	[tilespmem:s14+$0x12030] =	vst v3  }
0x1f6: {  	v7 =	vmul.f32 $1.628155060e+02, v7;
	v3 =	vld.idx.msk [tilespmem:v2+s17+$0x0], $0xffff;
	_ =	sdelay $0x1  }
0x1f7: {  	v8 =	vld [tilespmem:s13+$0x2400];
	[tilespmem:s21+$0xA010] =	vst v4;
	v4 =	vtrunc.f32 v7  }
0x1f8: {  	[tilespmem:s13+$0x12060] =	vst v0;
	v6 =	vmul.f32 $1.628155060e+02, v6;
	v5 =	vld.idx.msk [tilespmem:v5+s18+$0x0], $0xffff;
	v4 =	vcvt.f32.s32 v4  }
0x1f9: {  	s25 =	simm.s32 $0x300;
	s26 =	simm.s32 $0x180;
	v0 =	vld.idx.msk [tilespmem:v1+s17+$0x0], $0xffff  }
0x1fa: {  	s0 =	sand.u32 $0x1800, s25;
	s8 =	sand.u32 $0x380, s26;
	[tilespmem:s14+$0xA040] =	vst v3;
	v3 =	vtrunc.f32 v6  }
0x1fb: {  	s25 =	sor.u32 s8, s0;
	v2 =	vld.idx.msk [tilespmem:v2+s18+$0x0], $0xffff;
	v3 =	vcvt.f32.s32 v3  }
0x1fc: {  	v6 =	vld [tilespmem:s25+$0x2000]  }
0x1fd: {  	v7 =	vmul.f32 $1.628155060e+02, v8;
	v8 =	vld [tilespmem:s21+$0x2030];
	[tilespmem:s21+$0x12010] =	vst v5  }
0x1fe: {  	[tilespmem:s13+$0xA070] =	vst v0;
	v5 =	vld.idx.msk [tilespmem:v4+s17+$0x0], $0xffff  }
0x1ff: {  	v0 =	vld.idx.msk [tilespmem:v1+s18+$0x0], $0xffff;
	v1 =	vtrunc.f32 v7  }
0x200: {  	v7 =	vld [tilespmem:s14+$0x2060];
	[tilespmem:s14+$0x12040] =	vst v2;
	v1 =	vcvt.f32.s32 v1  }
0x201: {  	v6 =	vmul.f32 $1.628155060e+02, v6;
	v2 =	vld.idx.msk [tilespmem:v3+s17+$0x0], $0xffff  }
0x202: {  	v10 =	vld [tilespmem:s21+$0x2040];
	v8 =	vmul.f32 $1.628155060e+02, v8  }
0x203: {  	v9 =	vld [tilespmem:s25+$0x2010];
	v6 =	vtrunc.f32 v6;
	[tilespmem:s21+$0xA020] =	vst v5  }
0x204: {  	v8 =	vtrunc.f32 v8;
	v6 =	vcvt.f32.s32 v6;
	[tilespmem:s13+$0x12070] =	vst v0;
	v0 =	vld [tilespmem:s13+$0x2410]  }
0x205: {  	v8 =	vcvt.f32.s32 v8;
	v4 =	vld.idx.msk [tilespmem:v4+s18+$0x0], $0xffff;
	v7 =	vmul.f32 $1.628155060e+02, v7  }
0x206: {  	[tilespmem:s14+$0xA050] =	vst v2;
	v5 =	vld.idx.msk [tilespmem:v1+s17+$0x0], $0xffff  }
0x207: {  	v2 =	vld.idx.msk [tilespmem:v3+s18+$0x0], $0xffff;
	v3 =	vtrunc.f32 v7  }
0x208: {  	v11 =	vld [tilespmem:s25+$0x2030];
	v3 =	vcvt.f32.s32 v3  }
0x209: {  	v13 =	vld [tilespmem:s25+$0x2040];
	v0 =	vmul.f32 $1.628155060e+02, v0  }
0x20a: {  	v7 =	vld.idx.msk [tilespmem:v6+s17+$0x0], $0xffff;
	[tilespmem:s21+$0x12020] =	vst v4  }
0x20b: {  	v4 =	vld.idx.msk [tilespmem:v8+s17+$0x0], $0xffff;
	[tilespmem:s13+$0xA400] =	vst v5;
	v0 =	vtrunc.f32 v0  }
0x20c: {  	s9 =	simm.s32 $0x400;
	s26 =	simm.s32 $0x200;
	v1 =	vld.idx.msk [tilespmem:v1+s18+$0x0], $0xffff;
	v0 =	vcvt.f32.s32 v0  }
0x20d: {  	s0 =	sand.u32 $0x1800, s9;
	s8 =	sand.u32 $0x380, s26;
	v9 =	vmul.f32 $1.628155060e+02, v9;
	v5 =	vld [tilespmem:s14+$0x2070];
	[tilespmem:s14+$0x12050] =	vst v2  }
0x20e: {  	s26 =	sor.u32 s8, s0;
	v2 =	vld.idx.msk [tilespmem:v3+s17+$0x0], $0xffff  }
0x20f: {  	v12 =	vld [tilespmem:s26+$0x2010];
	[tilespmem:s25+$0xA000] =	vst v7;
	v7 =	vtrunc.f32 v9  }
0x210: {  	v6 =	vld.idx.msk [tilespmem:v6+s18+$0x0], $0xffff;
	v7 =	vcvt.f32.s32 v7  }
0x211: {  	v9 =	vmul.f32 $1.628155060e+02, v10;
	[tilespmem:s13+$0x12400] =	vst v1;
	v1 =	vld [tilespmem:s13+$0x2420]  }
0x212: {  	[tilespmem:s21+$0xA030] =	vst v4;
	v5 =	vmul.f32 $1.628155060e+02, v5;
	v4 =	vld.idx.msk [tilespmem:v0+s17+$0x0], $0xffff  }
0x213: {  	v9 =	vtrunc.f32 v9;
	v8 =	vld.idx.msk [tilespmem:v8+s18+$0x0], $0xffff;
	[tilespmem:s14+$0xA060] =	vst v2  }
0x214: {  	v9 =	vcvt.f32.s32 v9;
	v2 =	vld.idx.msk [tilespmem:v3+s18+$0x0], $0xffff;
	v3 =	vtrunc.f32 v5  }
0x215: {  	v10 =	vld [tilespmem:s25+$0x2020];
	[tilespmem:s25+$0x12000] =	vst v6;
	v3 =	vcvt.f32.s32 v3  }
0x216: {  	v5 =	vld.idx.msk [tilespmem:v7+s17+$0x0], $0xffff;
	v1 =	vmul.f32 $1.628155060e+02, v1  }
0x217: {  	v6 =	vld [tilespmem:s21+$0x2050];
	[tilespmem:s13+$0xA410] =	vst v4  }
0x218: {  	v0 =	vld.idx.msk [tilespmem:v0+s18+$0x0], $0xffff;
	v1 =	vtrunc.f32 v1  }
0x219: {  	[tilespmem:s21+$0x12030] =	vst v8;
	v8 =	vld [tilespmem:s14+$0x2400];
	v1 =	vcvt.f32.s32 v1  }
0x21a: {  	v10 =	vmul.f32 $1.628155060e+02, v10;
	v4 =	vld.idx.msk [tilespmem:v9+s17+$0x0], $0xffff;
	[tilespmem:s14+$0x12060] =	vst v2  }
0x21b: {  	[tilespmem:s25+$0xA010] =	vst v5;
	v2 =	vld.idx.msk [tilespmem:v3+s17+$0x0], $0xffff  }
0x21c: {  	v5 =	vld.idx.msk [tilespmem:v7+s18+$0x0], $0xffff;
	v7 =	vtrunc.f32 v10  }
0x21d: {  	v6 =	vmul.f32 $1.628155060e+02, v6;
	[tilespmem:s13+$0x12410] =	vst v0;
	v0 =	vcvt.f32.s32 v7;
	v7 =	vld [tilespmem:s13+$0x2430]  }
0x21e: {  	v10 =	vld [tilespmem:s26+$0x2000]  }
0x21f: {  	v6 =	vtrunc.f32 v6;
	v8 =	vmul.f32 $1.628155060e+02, v8;
	[tilespmem:s21+$0xA040] =	vst v4;
	v4 =	vld.idx.msk [tilespmem:v1+s17+$0x0], $0xffff  }
0x220: {  	v6 =	vcvt.f32.s32 v6;
	v9 =	vld.idx.msk [tilespmem:v9+s18+$0x0], $0xffff;
	[tilespmem:s14+$0xA070] =	vst v2  }
0x221: {  	v2 =	vld.idx.msk [tilespmem:v3+s18+$0x0], $0xffff;
	v3 =	vtrunc.f32 v8  }
0x222: {  	v63 =	vld [tilespmem:s26+$0x2020];
	[tilespmem:s25+$0x12010] =	vst v5;
	v3 =	vcvt.f32.s32 v3;
	v7 =	vmul.f32 $1.628155060e+02, v7  }
0x223: {  	v5 =	vld.idx.msk [tilespmem:v0+s17+$0x0], $0xffff  }
0x224: {  	v8 =	vld [tilespmem:s21+$0x2060];
	[tilespmem:s13+$0xA420] =	vst v4;
	v4 =	vmul.f32 $1.628155060e+02, v10;
	v7 =	vtrunc.f32 v7  }
0x225: {  	[tilespmem:s21+$0x12040] =	vst v9;
	v1 =	vld.idx.msk [tilespmem:v1+s18+$0x0], $0xffff;
	v7 =	vcvt.f32.s32 v7  }
0x226: {  	v9 =	vld.idx.msk [tilespmem:v6+s17+$0x0], $0xffff;
	v4 =	vtrunc.f32 v4  }
0x227: {  	[tilespmem:s14+$0x12070] =	vst v2;
	v2 =	vcvt.f32.s32 v4;
	v4 =	vmul.f32 $1.628155060e+02, v11;
	v11 =	vld [tilespmem:s14+$0x2410]  }
0x228: {  	[tilespmem:s25+$0xA020] =	vst v5;
	v5 =	vld.idx.msk [tilespmem:v3+s17+$0x0], $0xffff  }
0x229: {  	v8 =	vmul.f32 $1.628155060e+02, v8;
	v0 =	vld.idx.msk [tilespmem:v0+s18+$0x0], $0xffff;
	v4 =	vtrunc.f32 v4  }
0x22a: {  	v10 =	vld [tilespmem:s13+$0x2438];
	v4 =	vcvt.f32.s32 v4;
	[tilespmem:s13+$0x12420] =	vst v1  }
0x22b: {  	v8 =	vtrunc.f32 v8;
	[tilespmem:s21+$0xA050] =	vst v9;
	v1 =	vld.idx.msk [tilespmem:v7+s17+$0x0], $0xffff  }
0x22c: {  	v8 =	vcvt.f32.s32 v8;
	v6 =	vld.idx.msk [tilespmem:v6+s18+$0x0], $0xffff;
	v11 =	vmul.f32 $1.628155060e+02, v11  }
0x22d: {  	v9 =	vld.idx.msk [tilespmem:v2+s17+$0x0], $0xffff;
	[tilespmem:s14+$0xA400] =	vst v5  }
0x22e: {  	[tilespmem:s25+$0x12020] =	vst v0;
	v0 =	vld.idx.msk [tilespmem:v3+s18+$0x0], $0xffff;
	v3 =	vtrunc.f32 v11  }
0x22f: {  	v11 =	vcvt.f32.s32 v3;
	v3 =	vmul.f32 $1.628155060e+02, v10;
	v10 =	vld [tilespmem:s21+$0x2070]  }
0x230: {  	v5 =	vld.idx.msk [tilespmem:v4+s17+$0x0], $0xffff;
	[tilespmem:s13+$0xA430] =	vst v1  }
0x231: {  	[tilespmem:s21+$0x12050] =	vst v6;
	v1 =	vmul.f32 $1.628155060e+02, v12;
	v6 =	vld.idx.msk [tilespmem:v7+s18+$0x0], $0xffff;
	v3 =	vtrunc.f32 v3  }
0x232: {  	[tilespmem:s26+$0xA000] =	vst v9;
	v9 =	vld.idx.msk [tilespmem:v8+s17+$0x0], $0xffff;
	v62 =	vcvt.f32.s32 v3  }
0x233: {  	v1 =	vtrunc.f32 v1;
	v2 =	vld.idx.msk [tilespmem:v2+s18+$0x0], $0xffff;
	[tilespmem:s14+$0x12400] =	vst v0;
	v0 =	vmul.f32 $1.628155060e+02, v13  }
0x234: {  	v14 =	vcvt.f32.s32 v1;
	v1 =	vld [tilespmem:s14+$0x2420]  }
0x235: {  	[tilespmem:s25+$0xA030] =	vst v5;
	v5 =	vld.idx.msk [tilespmem:v11+s17+$0x0], $0xffff;
	v0 =	vtrunc.f32 v0  }
0x236: {  	v4 =	vld.idx.msk [tilespmem:v4+s18+$0x0], $0xffff;
	v7 =	vcvt.f32.s32 v0;
	v0 =	vmul.f32 $1.628155060e+02, v10;
	[tilespmem:s13+$0x12430] =	vst v6  }
0x237: {  	[tilespmem:s21+$0xA060] =	vst v9;
	v9 =	vld [tilespmem:s25+$0x2050]  }
0x238: {  	v6 =	vld.idx.msk [tilespmem:v62+s17+$0x0], $0xffff;
	v0 =	vtrunc.f32 v0  }
0x239: {  	[tilespmem:s26+$0x12000] =	vst v2;
	v2 =	vld.idx.msk [tilespmem:v8+s18+$0x0], $0xffff;
	v3 =	vcvt.f32.s32 v0;
	v0 =	vmul.f32 $1.628155060e+02, v1  }
0x23a: {  	v8 =	vld.idx.msk [tilespmem:v14+s17+$0x0], $0xffff;
	[tilespmem:s14+$0xA410] =	vst v5  }
0x23b: {  	[tilespmem:s25+$0x12030] =	vst v4;
	v4 =	vld.idx.msk [tilespmem:v11+s18+$0x0], $0xffff;
	v0 =	vtrunc.f32 v0  }
0x23c: {  	v5 =	vld [tilespmem:s21+$0x2400];
	v1 =	vcvt.f32.s32 v0  }
0x23d: {  	v11 =	vld.idx.msk [tilespmem:v7+s17+$0x0], $0xffff;
	[tilespmem:s13+$0xA438] =	vst v6  }
0x23e: {  	[tilespmem:s21+$0x12060] =	vst v2;
	v2 =	vmul.f32 $1.628155060e+02, v63;
	v0 =	vld.idx.msk [tilespmem:v62+s18+$0x0], $0xffff  }
0x23f: {  	[tilespmem:s26+$0xA010] =	vst v8;
	v6 =	vld.idx.msk [tilespmem:v3+s17+$0x0], $0xffff  }
0x240: {  	v10 =	vld.idx.msk [tilespmem:v14+s18+$0x0], $0xffff;
	[tilespmem:s14+$0x12410] =	vst v4;
	v4 =	vtrunc.f32 v2  }
0x241: {  	s31 =	simm.s32 $0x280;
	s9 =	simm.s32 $0x500;
	v9 =	vmul.f32 $1.628155060e+02, v9;
	v2 =	vld [tilespmem:s14+$0x2430];
	v8 =	vcvt.f32.s32 v4  }
0x242: {  	s8 =	sand.u32 $0x1800, s9;
	s9 =	sand.u32 $0x380, s31;
	s0 =	simm.s32 $0x600;
	[tilespmem:s25+$0xA040] =	vst v11;
	v4 =	vld.idx.msk [tilespmem:v1+s17+$0x0], $0xffff  }
.LBB2_9:
0x243: {  	p2 =	sne.s32 s0, $0x1F00;
	s8 =	sor.u32 s9, s8;
	v7 =	vld.idx.msk [tilespmem:v7+s18+$0x0], $0xffff;
	v9 =	vtrunc.f32 v9  }
0x244: {  	v5 =	vmul.f32 $1.628155060e+02, v5;
	v11 =	vld [tilespmem:s8+$0x2000];
	v9 =	vcvt.f32.s32 v9;
	[tilespmem:s13+$0x12438] =	vst v0;
	s13 =	smov.u32 s14;
	s14 =	smov.u32 s21;
	s21 =	smov.u32 s25  }
0x245: {  	s25 =	smov.u32 s26;
	v0 =	vld [tilespmem:s26+$0x2030];
	[tilespmem:s14+$0xA070] =	vst v6;
	s26 =	smov.u32 s8  }
0x246: {  	v5 =	vtrunc.f32 v5;
	[tilespmem:s25+$0x12010] =	vst v10;
	v3 =	vld.idx.msk [tilespmem:v3+s18+$0x0], $0xffff  }
0x247: {  	v5 =	vcvt.f32.s32 v5;
	v2 =	vmul.f32 $1.628155060e+02, v2;
	v6 =	vld.idx.msk [tilespmem:v8+s17+$0x0], $0xffff  }
0x248: {  	v10 =	vld [tilespmem:s21+$0x2060];
	[tilespmem:s13+$0xA420] =	vst v4  }
0x249: {  	v2 =	vtrunc.f32 v2;
	v4 =	vmul.f32 $1.628155060e+02, v11;
	[tilespmem:s21+$0x12040] =	vst v7;
	v1 =	vld.idx.msk [tilespmem:v1+s18+$0x0], $0xffff  }
0x24a: {  	v2 =	vcvt.f32.s32 v2;
	v7 =	vld.idx.msk [tilespmem:v9+s17+$0x0], $0xffff  }
0x24b: {  	v4 =	vtrunc.f32 v4;
	v11 =	vld [tilespmem:s13+$0x2438]  }
0x24c: {  	v0 =	vmul.f32 $1.628155060e+02, v0;
	v4 =	vcvt.f32.s32 v4;
	[tilespmem:s14+$0x12070] =	vst v3;
	v3 =	vld [tilespmem:s14+$0x2410]  }
0x24d: {  	[tilespmem:s25+$0xA020] =	vst v6;
	v6 =	vld.idx.msk [tilespmem:v5+s17+$0x0], $0xffff  }
0x24e: {  	v0 =	vtrunc.f32 v0;
	v8 =	vld.idx.msk [tilespmem:v8+s18+$0x0], $0xffff  }
0x24f: {  	v0 =	vcvt.f32.s32 v0;
	v10 =	vmul.f32 $1.628155060e+02, v10;
	v12 =	vld [tilespmem:s26+$0x2010];
	[tilespmem:s13+$0x12420] =	vst v1  }
0x250: {  	[tilespmem:s21+$0xA050] =	vst v7;
	v1 =	vld.idx.msk [tilespmem:v2+s17+$0x0], $0xffff  }
0x251: {  	v7 =	vld.idx.msk [tilespmem:v9+s18+$0x0], $0xffff;
	v9 =	vtrunc.f32 v10  }
0x252: {  	v3 =	vmul.f32 $1.628155060e+02, v3;
	v10 =	vld.idx.msk [tilespmem:v4+s17+$0x0], $0xffff;
	v9 =	vcvt.f32.s32 v9  }
0x253: {  	v13 =	vld [tilespmem:s25+$0x2040];
	[tilespmem:s14+$0xA400] =	vst v6  }
0x254: {  	v3 =	vtrunc.f32 v3;
	[tilespmem:s25+$0x12020] =	vst v8;
	v5 =	vld.idx.msk [tilespmem:v5+s18+$0x0], $0xffff  }
0x255: {  	v8 =	vcvt.f32.s32 v3;
	v3 =	vmul.f32 $1.628155060e+02, v11;
	v6 =	vld.idx.msk [tilespmem:v0+s17+$0x0], $0xffff  }
0x256: {  	v11 =	vld [tilespmem:s21+$0x2070];
	[tilespmem:s13+$0xA430] =	vst v1  }
0x257: {  	v1 =	vmul.f32 $1.628155060e+02, v12;
	v3 =	vtrunc.f32 v3;
	[tilespmem:s21+$0x12050] =	vst v7;
	v2 =	vld.idx.msk [tilespmem:v2+s18+$0x0], $0xffff  }
0x258: {  	v12 =	vcvt.f32.s32 v3;
	[tilespmem:s26+$0xA000] =	vst v10;
	v10 =	vld.idx.msk [tilespmem:v9+s17+$0x0], $0xffff  }
0x259: {  	v1 =	vtrunc.f32 v1;
	v3 =	vld.idx.msk [tilespmem:v4+s18+$0x0], $0xffff  }
0x25a: {  	v4 =	vcvt.f32.s32 v1;
	v1 =	vmul.f32 $1.628155060e+02, v13;
	[tilespmem:s14+$0x12400] =	vst v5;
	v5 =	vld [tilespmem:s14+$0x2420]  }
0x25b: {  	[tilespmem:s25+$0xA030] =	vst v6;
	v6 =	vld.idx.msk [tilespmem:v8+s17+$0x0], $0xffff  }
0x25c: {  	v1 =	vtrunc.f32 v1;
	v0 =	vld.idx.msk [tilespmem:v0+s18+$0x0], $0xffff  }
0x25d: {  	v7 =	vcvt.f32.s32 v1;
	v1 =	vmul.f32 $1.628155060e+02, v11;
	v13 =	vld [tilespmem:s26+$0x2020];
	[tilespmem:s13+$0x12430] =	vst v2  }
0x25e: {  	[tilespmem:s21+$0xA060] =	vst v10;
	v2 =	vld.idx.msk [tilespmem:v12+s17+$0x0], $0xffff  }
0x25f: {  	v1 =	vtrunc.f32 v1;
	[tilespmem:s26+$0x12000] =	vst v3;
	v9 =	vld.idx.msk [tilespmem:v9+s18+$0x0], $0xffff  }
0x260: {  	v3 =	vcvt.f32.s32 v1;
	v1 =	vmul.f32 $1.628155060e+02, v5;
	v10 =	vld.idx.msk [tilespmem:v4+s17+$0x0], $0xffff  }
0x261: {  	v11 =	vld [tilespmem:s25+$0x2050];
	[tilespmem:s14+$0xA410] =	vst v6  }
0x262: {  	[tilespmem:s25+$0x12030] =	vst v0;
	v14 =	vld.idx.msk [tilespmem:v8+s18+$0x0], $0xffff;
	v0 =	vtrunc.f32 v1  }
0x263: {  	v15 =	vld.idx.msk [tilespmem:v7+s17+$0x0], $0xffff;
	v1 =	vcvt.f32.s32 v0  }
0x264: {  	v5 =	vld [tilespmem:s21+$0x2400];
	[tilespmem:s13+$0xA438] =	vst v2  }
.Ltmp6:
0x265: {  	v2 =	vmul.f32 $1.628155060e+02, v13;
	[tilespmem:s21+$0x12060] =	vst v9;
	v0 =	vld.idx.msk [tilespmem:v12+s18+$0x0], $0xffff;
	(pc) =	sbr.rel @p2 .LBB2_9-.Ltmp6, $4  }
0x266: {  	[tilespmem:s26+$0xA010] =	vst v10;
	v6 =	vld.idx.msk [tilespmem:v3+s17+$0x0], $0xffff  }
0x267: {  	v2 =	vtrunc.f32 v2;
	v10 =	vld.idx.msk [tilespmem:v4+s18+$0x0], $0xffff  }
0x268: {  	s31 =	sadd.s32 $0x80, s31;
	v9 =	vmul.f32 $1.628155060e+02, v11;
	v8 =	vcvt.f32.s32 v2;
	[tilespmem:s14+$0x12410] =	vst v14;
	v2 =	vld [tilespmem:s14+$0x2430]  }
0x269: {  	s9 =	sand.u32 $0x380, s31;
	s8 =	sand.u32 $0x1800, s0;
	s0 =	sadd.s32 $0x100, s0;
	[tilespmem:s25+$0xA040] =	vst v15;
	v4 =	vld.idx.msk [tilespmem:v1+s17+$0x0], $0xffff  }
0x26a: {  	s31 =	sor.u32 s9, s8  }
0x26b: {  	v11 =	vld [tilespmem:s31+$0x2000];
	_ =	sdelay $0x4  }
0x26c: {  	v11 =	vmul.f32 $1.628155060e+02, v11;
	_ =	sdelay $0x1  }
0x26d: {  	v11 =	vtrunc.f32 v11  }
0x26e: {  	v11 =	vcvt.f32.s32 v11;
	_ =	sdelay $0x3  }
0x26f: {  	v12 =	vld [tilespmem:s31+$0x2010];
	_ =	sdelay $0x1  }
0x270: {  	v13 =	vld.idx.msk [tilespmem:v11+s17+$0x0], $0xffff;
	_ =	sdelay $0x2  }
0x271: {  	v12 =	vmul.f32 $1.628155060e+02, v12;
	_ =	sdelay $0x1  }
0x272: {  	v12 =	vtrunc.f32 v12;
	[tilespmem:s31+$0xA000] =	vst v13  }
0x273: {  	v12 =	vcvt.f32.s32 v12;
	v11 =	vld.idx.msk [tilespmem:v11+s18+$0x0], $0xffff;
	_ =	sdelay $0x3  }
0x274: {  	v29 =	vld [tilespmem:s31+$0x2020]  }
0x275: {  	[tilespmem:s31+$0x12000] =	vst v11  }
0x276: {  	v11 =	vld.idx.msk [tilespmem:v12+s17+$0x0], $0xffff;
	_ =	sdelay $0x2  }
0x277: {  	v13 =	vmul.f32 $1.628155060e+02, v29;
	_ =	sdelay $0x1  }
0x278: {  	v30 =	vtrunc.f32 v13;
	[tilespmem:s31+$0xA010] =	vst v11  }
0x279: {  	v11 =	vcvt.f32.s32 v30;
	v31 =	vld.idx.msk [tilespmem:v12+s18+$0x0], $0xffff  }
0x27a: {  	v14 =	vld [tilespmem:s26+$0x2030]  }
0x27b: {  	[tilespmem:s26+$0x12010] =	vst v10  }
0x27c: {  	v32 =	vld.idx.msk [tilespmem:v8+s17+$0x0], $0xffff  }
0x27d: {  	v34 =	vld [tilespmem:s31+$0x2030]  }
0x27e: {  	[tilespmem:s31+$0x12010] =	vst v31  }
0x27f: {  	v33 =	vmul.f32 $1.628155060e+02, v14;
	v36 =	vld.idx.msk [tilespmem:v11+s17+$0x0], $0xffff;
	_ =	sdelay $0x1  }
0x280: {  	v35 =	vtrunc.f32 v33;
	[tilespmem:s26+$0xA020] =	vst v32  }
0x281: {  	v38 =	vmul.f32 $1.628155060e+02, v34;
	v10 =	vcvt.f32.s32 v35;
	v37 =	vld.idx.msk [tilespmem:v8+s18+$0x0], $0xffff;
	_ =	sdelay $0x1  }
0x282: {  	v40 =	vtrunc.f32 v38;
	[tilespmem:s31+$0xA020] =	vst v36  }
0x283: {  	v42 =	vcvt.f32.s32 v40;
	v41 =	vld.idx.msk [tilespmem:v11+s18+$0x0], $0xffff  }
0x284: {  	v39 =	vld [tilespmem:s26+$0x2040]  }
0x285: {  	[tilespmem:s26+$0x12020] =	vst v37  }
0x286: {  	v43 =	vld.idx.msk [tilespmem:v10+s17+$0x0], $0xffff  }
0x287: {  	v45 =	vld [tilespmem:s31+$0x2040]  }
0x288: {  	[tilespmem:s31+$0x12020] =	vst v41  }
0x289: {  	v44 =	vmul.f32 $1.628155060e+02, v39;
	v47 =	vld.idx.msk [tilespmem:v42+s17+$0x0], $0xffff;
	_ =	sdelay $0x1  }
0x28a: {  	v46 =	vtrunc.f32 v44;
	[tilespmem:s26+$0xA030] =	vst v43  }
0x28b: {  	v48 =	vmul.f32 $1.628155060e+02, v45;
	v8 =	vcvt.f32.s32 v46;
	v10 =	vld.idx.msk [tilespmem:v10+s18+$0x0], $0xffff;
	_ =	sdelay $0x1  }
0x28c: {  	v50 =	vtrunc.f32 v48;
	[tilespmem:s31+$0xA030] =	vst v47  }
0x28d: {  	v52 =	vcvt.f32.s32 v50;
	v51 =	vld.idx.msk [tilespmem:v42+s18+$0x0], $0xffff  }
0x28e: {  	v49 =	vld [tilespmem:s26+$0x2050]  }
0x28f: {  	[tilespmem:s26+$0x12030] =	vst v10  }
0x290: {  	v53 =	vld.idx.msk [tilespmem:v8+s17+$0x0], $0xffff  }
0x291: {  	v9 =	vtrunc.f32 v9;
	v55 =	vld [tilespmem:s31+$0x2050]  }
0x292: {  	v7 =	vld.idx.msk [tilespmem:v7+s18+$0x0], $0xffff;
	v9 =	vcvt.f32.s32 v9;
	[tilespmem:s31+$0x12030] =	vst v51  }
0x293: {  	v54 =	vmul.f32 $1.628155060e+02, v49;
	v57 =	vld.idx.msk [tilespmem:v52+s17+$0x0], $0xffff;
	_ =	sdelay $0x1  }
0x294: {  	v15 =	vld [tilespmem:s25+$0x2060];
	v56 =	vtrunc.f32 v54;
	[tilespmem:s26+$0xA040] =	vst v53  }
0x295: {  	v61 =	vmul.f32 $1.628155060e+02, v55;
	v59 =	vcvt.f32.s32 v56;
	v58 =	vld.idx.msk [tilespmem:v8+s18+$0x0], $0xffff  }
0x296: {  	[tilespmem:s25+$0x12040] =	vst v7  }
0x297: {  	v60 =	vld.idx.msk [tilespmem:v9+s17+$0x0], $0xffff;
	v18 =	vtrunc.f32 v61;
	[tilespmem:s31+$0xA040] =	vst v57  }
0x298: {  	v20 =	vcvt.f32.s32 v18;
	v19 =	vld.idx.msk [tilespmem:v52+s18+$0x0], $0xffff  }
0x299: {  	v63 =	vld [tilespmem:s26+$0x2060]  }
0x29a: {  	v62 =	vmul.f32 $1.628155060e+02, v15;
	[tilespmem:s26+$0x12040] =	vst v58  }
0x29b: {  	v22 =	vld.idx.msk [tilespmem:v59+s17+$0x0], $0xffff  }
0x29c: {  	v24 =	vld [tilespmem:s31+$0x2060];
	v21 =	vtrunc.f32 v62;
	[tilespmem:s25+$0xA050] =	vst v60  }
0x29d: {  	v9 =	vld.idx.msk [tilespmem:v9+s18+$0x0], $0xffff;
	v10 =	vcvt.f32.s32 v21;
	[tilespmem:s31+$0x12040] =	vst v19  }
0x29e: {  	v23 =	vmul.f32 $1.628155060e+02, v63;
	v27 =	vld.idx.msk [tilespmem:v20+s17+$0x0], $0xffff;
	_ =	sdelay $0x1  }
0x29f: {  	v26 =	vtrunc.f32 v23;
	[tilespmem:s26+$0xA050] =	vst v22  }
0x2a0: {  	v28 =	vmul.f32 $1.628155060e+02, v24;
	v7 =	vcvt.f32.s32 v26;
	v8 =	vld.idx.msk [tilespmem:v59+s18+$0x0], $0xffff  }
0x2a1: {  	[tilespmem:s25+$0x12050] =	vst v9  }
0x2a2: {  	v9 =	vld.idx.msk [tilespmem:v10+s17+$0x0], $0xffff;
	v31 =	vtrunc.f32 v28;
	[tilespmem:s31+$0xA050] =	vst v27  }
0x2a3: {  	v33 =	vcvt.f32.s32 v31;
	v32 =	vld.idx.msk [tilespmem:v20+s18+$0x0], $0xffff  }
0x2a4: {  	v30 =	vld [tilespmem:s26+$0x2070]  }
0x2a5: {  	v25 =	vld [tilespmem:s25+$0x2070];
	[tilespmem:s26+$0x12050] =	vst v8  }
0x2a6: {  	v35 =	vld.idx.msk [tilespmem:v7+s17+$0x0], $0xffff  }
0x2a7: {  	v37 =	vld [tilespmem:s31+$0x2070];
	[tilespmem:s25+$0xA060] =	vst v9  }
0x2a8: {  	v10 =	vld.idx.msk [tilespmem:v10+s18+$0x0], $0xffff;
	[tilespmem:s31+$0x12050] =	vst v32  }
0x2a9: {  	v36 =	vmul.f32 $1.628155060e+02, v30;
	v40 =	vld.idx.msk [tilespmem:v33+s17+$0x0], $0xffff  }
0x2aa: {  	[tilespmem:s21+$0xA070] =	vst v6  }
0x2ab: {  	v3 =	vld.idx.msk [tilespmem:v3+s18+$0x0], $0xffff;
	v29 =	vmul.f32 $1.628155060e+02, v25;
	v39 =	vtrunc.f32 v36;
	[tilespmem:s26+$0xA060] =	vst v35  }
0x2ac: {  	[tilespmem:s14+$0xA420] =	vst v4;
	v8 =	vcvt.f32.s32 v39;
	v7 =	vld.idx.msk [tilespmem:v7+s18+$0x0], $0xffff;
	v42 =	vmul.f32 $1.628155060e+02, v37  }
0x2ad: {  	v49 =	vld [tilespmem:s21+$0x2410];
	v34 =	vtrunc.f32 v29;
	[tilespmem:s25+$0x12060] =	vst v10  }
0x2ae: {  	v1 =	vld.idx.msk [tilespmem:v1+s18+$0x0], $0xffff;
	v9 =	vcvt.f32.s32 v34;
	v10 =	vtrunc.f32 v42;
	[tilespmem:s31+$0xA060] =	vst v40  }
0x2af: {  	v10 =	vcvt.f32.s32 v10;
	v45 =	vld.idx.msk [tilespmem:v33+s18+$0x0], $0xffff  }
0x2b0: {  	v43 =	vld [tilespmem:s26+$0x2400]  }
0x2b1: {  	v38 =	vld [tilespmem:s25+$0x2400];
	[tilespmem:s26+$0x12060] =	vst v7  }
0x2b2: {  	v46 =	vld.idx.msk [tilespmem:v8+s17+$0x0], $0xffff  }
0x2b3: {  	v5 =	vmul.f32 $1.628155060e+02, v5;
	v50 =	vld [tilespmem:s31+$0x2400]  }
0x2b4: {  	v41 =	vld.idx.msk [tilespmem:v9+s17+$0x0], $0xffff;
	[tilespmem:s31+$0x12060] =	vst v45  }
0x2b5: {  	v5 =	vtrunc.f32 v5;
	v13 =	vmul.f32 $1.628155060e+02, v43;
	v52 =	vld.idx.msk [tilespmem:v10+s17+$0x0], $0xffff  }
0x2b6: {  	v5 =	vcvt.f32.s32 v5;
	v63 =	vld [tilespmem:s14+$0x2438]  }
0x2b7: {  	v55 =	vld [tilespmem:s25+$0x2410];
	v44 =	vmul.f32 $1.628155060e+02, v38;
	v54 =	vtrunc.f32 v13;
	[tilespmem:s26+$0xA070] =	vst v46  }
0x2b8: {  	v12 =	vmul.f32 $1.628155060e+02, v50;
	v7 =	vcvt.f32.s32 v54;
	v53 =	vld.idx.msk [tilespmem:v8+s18+$0x0], $0xffff  }
0x2b9: {  	v60 =	vld [tilespmem:s26+$0x2410];
	v48 =	vtrunc.f32 v44;
	[tilespmem:s25+$0xA070] =	vst v41  }
0x2ba: {  	v47 =	vld.idx.msk [tilespmem:v9+s18+$0x0], $0xffff;
	v9 =	vcvt.f32.s32 v48;
	v57 =	vtrunc.f32 v12;
	[tilespmem:s31+$0xA070] =	vst v52  }
0x2bb: {  	[tilespmem:s21+$0x12070] =	vst v3;
	v6 =	vcvt.f32.s32 v57;
	v58 =	vld.idx.msk [tilespmem:v10+s18+$0x0], $0xffff  }
0x2bc: {  	v51 =	vld.idx.msk [tilespmem:v5+s17+$0x0], $0xffff  }
0x2bd: {  	v62 =	vld [tilespmem:s31+$0x2410];
	[tilespmem:s26+$0x12070] =	vst v53  }
0x2be: {  	v61 =	vld.idx.msk [tilespmem:v7+s17+$0x0], $0xffff  }
0x2bf: {  	v26 =	vld [tilespmem:s26+$0x2420];
	[tilespmem:s25+$0x12070] =	vst v47  }
0x2c0: {  	v17 =	vmul.f32 $1.628155060e+02, v60;
	v56 =	vld.idx.msk [tilespmem:v9+s17+$0x0], $0xffff;
	[tilespmem:s31+$0x12070] =	vst v58  }
0x2c1: {  	[tilespmem:s21+$0xA400] =	vst v51;
	v18 =	vld.idx.msk [tilespmem:v6+s17+$0x0], $0xffff  }
0x2c2: {  	v3 =	vtrunc.f32 v17;
	v11 =	vmul.f32 $1.628155060e+02, v49;
	v5 =	vld.idx.msk [tilespmem:v5+s18+$0x0], $0xffff  }
0x2c3: {  	v3 =	vcvt.f32.s32 v3;
	v28 =	vld [tilespmem:s31+$0x2420];
	v8 =	vmul.f32 $1.628155060e+02, v55;
	[tilespmem:s26+$0xA400] =	vst v61  }
0x2c4: {  	v21 =	vmul.f32 $1.628155060e+02, v62;
	v11 =	vtrunc.f32 v11;
	v4 =	vld.idx.msk [tilespmem:v7+s18+$0x0], $0xffff  }
0x2c5: {  	v22 =	vld [tilespmem:s25+$0x2420];
	v59 =	vcvt.f32.s32 v11;
	[tilespmem:s25+$0xA400] =	vst v56;
	v8 =	vtrunc.f32 v8  }
0x2c6: {  	v24 =	vtrunc.f32 v21;
	v9 =	vld.idx.msk [tilespmem:v9+s18+$0x0], $0xffff;
	v8 =	vcvt.f32.s32 v8;
	[tilespmem:s31+$0xA400] =	vst v18  }
0x2c7: {  	[tilespmem:s21+$0x12400] =	vst v5;
	v5 =	vcvt.f32.s32 v24;
	v6 =	vld.idx.msk [tilespmem:v6+s18+$0x0], $0xffff  }
0x2c8: {  	v36 =	vld [tilespmem:s25+$0x2430]  }
0x2c9: {  	v20 =	vld [tilespmem:s21+$0x2420];
	[tilespmem:s26+$0x12400] =	vst v4  }
0x2ca: {  	v27 =	vld.idx.msk [tilespmem:v3+s17+$0x0], $0xffff  }
0x2cb: {  	[tilespmem:s25+$0x12400] =	vst v9;
	v19 =	vld.idx.msk [tilespmem:v59+s17+$0x0], $0xffff  }
0x2cc: {  	v23 =	vld.idx.msk [tilespmem:v8+s17+$0x0], $0xffff;
	[tilespmem:s31+$0x12400] =	vst v6  }
0x2cd: {  	v4 =	vmul.f32 $1.628155060e+02, v26;
	v30 =	vld.idx.msk [tilespmem:v5+s17+$0x0], $0xffff  }
0x2ce: {  	v34 =	vmul.f32 $1.628155060e+02, v28;
	v41 =	vld [tilespmem:s31+$0x2430];
	v7 =	vmul.f32 $1.628155060e+02, v20  }
0x2cf: {  	v35 =	vld [tilespmem:s21+$0x2430];
	v12 =	vmul.f32 $1.628155060e+02, v22;
	v4 =	vtrunc.f32 v4;
	[tilespmem:s26+$0xA410] =	vst v27  }
0x2d0: {  	[tilespmem:s21+$0xA410] =	vst v19;
	v29 =	vtrunc.f32 v7;
	v4 =	vcvt.f32.s32 v4;
	v3 =	vld.idx.msk [tilespmem:v3+s18+$0x0], $0xffff  }
0x2d1: {  	v25 =	vld.idx.msk [tilespmem:v59+s18+$0x0], $0xffff;
	[tilespmem:s25+$0xA410] =	vst v23;
	v32 =	vtrunc.f32 v12;
	v31 =	vcvt.f32.s32 v29  }
0x2d2: {  	v37 =	vtrunc.f32 v34;
	v8 =	vld.idx.msk [tilespmem:v8+s18+$0x0], $0xffff;
	v6 =	vcvt.f32.s32 v32;
	[tilespmem:s31+$0xA410] =	vst v30  }
0x2d3: {  	v7 =	vcvt.f32.s32 v37;
	v5 =	vld.idx.msk [tilespmem:v5+s18+$0x0], $0xffff  }
0x2d4: {  	v40 =	vld [tilespmem:s26+$0x2430]  }
0x2d5: {  	v47 =	vld [tilespmem:s25+$0x2438];
	[tilespmem:s26+$0x12410] =	vst v3  }
0x2d6: {  	v2 =	vmul.f32 $1.628155060e+02, v2;
	[tilespmem:s21+$0x12410] =	vst v25;
	v42 =	vld.idx.msk [tilespmem:v4+s17+$0x0], $0xffff  }
0x2d7: {  	[tilespmem:s25+$0x12410] =	vst v8;
	v38 =	vld.idx.msk [tilespmem:v31+s17+$0x0], $0xffff  }
0x2d8: {  	v2 =	vtrunc.f32 v2;
	v39 =	vld.idx.msk [tilespmem:v6+s17+$0x0], $0xffff;
	[tilespmem:s31+$0x12410] =	vst v5  }
0x2d9: {  	v2 =	vcvt.f32.s32 v2;
	v3 =	vmul.f32 $1.628155060e+02, v40;
	v44 =	vld.idx.msk [tilespmem:v7+s17+$0x0], $0xffff  }
0x2da: {  	[tilespmem:s14+$0x12420] =	vst v1;
	v54 =	vld [tilespmem:s31+$0x2438];
	v46 =	vmul.f32 $1.628155060e+02, v41;
	v10 =	vmul.f32 $1.628155060e+02, v35  }
0x2db: {  	v8 =	vmul.f32 $1.628155060e+02, v36;
	v45 =	vld [tilespmem:s21+$0x2438];
	v3 =	vtrunc.f32 v3;
	[tilespmem:s26+$0xA420] =	vst v42  }
0x2dc: {  	[tilespmem:s21+$0xA420] =	vst v38;
	v3 =	vcvt.f32.s32 v3;
	v4 =	vld.idx.msk [tilespmem:v4+s18+$0x0], $0xffff;
	v43 =	vtrunc.f32 v10  }
0x2dd: {  	v8 =	vtrunc.f32 v8;
	v1 =	vld.idx.msk [tilespmem:v31+s18+$0x0], $0xffff;
	[tilespmem:s25+$0xA420] =	vst v39;
	v5 =	vcvt.f32.s32 v43  }
0x2de: {  	v48 =	vtrunc.f32 v46;
	v8 =	vcvt.f32.s32 v8;
	v6 =	vld.idx.msk [tilespmem:v6+s18+$0x0], $0xffff;
	[tilespmem:s31+$0xA420] =	vst v44  }
0x2df: {  	v50 =	vcvt.f32.s32 v48;
	v49 =	vld.idx.msk [tilespmem:v7+s18+$0x0], $0xffff  }
0x2e0: {  	v53 =	vld [tilespmem:s26+$0x2438]  }
0x2e1: {  	v33 =	vld.idx.msk [tilespmem:v2+s17+$0x0], $0xffff;
	[tilespmem:s26+$0x12420] =	vst v4  }
0x2e2: {  	[tilespmem:s21+$0x12420] =	vst v1;
	v15 =	vld.idx.msk [tilespmem:v3+s17+$0x0], $0xffff  }
0x2e3: {  	v52 =	vmul.f32 $1.628155060e+02, v63;
	[tilespmem:s25+$0x12420] =	vst v6;
	v51 =	vld.idx.msk [tilespmem:v5+s17+$0x0], $0xffff  }
0x2e4: {  	v57 =	vmul.f32 $1.628155060e+02, v47;
	v10 =	vmul.f32 $1.628155060e+02, v45;
	v6 =	vld.idx.msk [tilespmem:v8+s17+$0x0], $0xffff;
	[tilespmem:s31+$0x12420] =	vst v49  }
0x2e5: {  	v59 =	vmul.f32 $1.628155060e+02, v53;
	v11 =	vtrunc.f32 v52;
	v56 =	vld.idx.msk [tilespmem:v50+s17+$0x0], $0xffff  }
0x2e6: {  	[tilespmem:s14+$0xA430] =	vst v33;
	v55 =	vcvt.f32.s32 v11;
	v10 =	vtrunc.f32 v10  }
0x2e7: {  	v2 =	vld.idx.msk [tilespmem:v2+s18+$0x0], $0xffff;
	v58 =	vcvt.f32.s32 v10;
	v10 =	vtrunc.f32 v59;
	[tilespmem:s26+$0xA430] =	vst v15  }
0x2e8: {  	v4 =	vmul.f32 $1.628155060e+02, v54;
	v10 =	vcvt.f32.s32 v10;
	v3 =	vld.idx.msk [tilespmem:v3+s18+$0x0], $0xffff;
	[tilespmem:s21+$0xA430] =	vst v51  }
0x2e9: {  	v60 =	vtrunc.f32 v57;
	[tilespmem:s25+$0xA430] =	vst v6;
	v5 =	vld.idx.msk [tilespmem:v5+s18+$0x0], $0xffff  }
0x2ea: {  	v4 =	vtrunc.f32 v4;
	v6 =	vcvt.f32.s32 v60;
	v8 =	vld.idx.msk [tilespmem:v8+s18+$0x0], $0xffff;
	[tilespmem:s31+$0xA430] =	vst v56  }
0x2eb: {  	v4 =	vcvt.f32.s32 v4;
	v7 =	vld.idx.msk [tilespmem:v50+s18+$0x0], $0xffff  }
0x2ec: {  	[tilespmem:s14+$0x12430] =	vst v2  }
0x2ed: {  	v2 =	vld.idx.msk [tilespmem:v55+s17+$0x0], $0xffff;
	[tilespmem:s26+$0x12430] =	vst v3  }
0x2ee: {  	v3 =	vld.idx.msk [tilespmem:v10+s17+$0x0], $0xffff;
	[tilespmem:s21+$0x12430] =	vst v5  }
0x2ef: {  	[tilespmem:s25+$0x12430] =	vst v8;
	v5 =	vld.idx.msk [tilespmem:v58+s17+$0x0], $0xffff  }
0x2f0: {  	v8 =	vld.idx.msk [tilespmem:v6+s17+$0x0], $0xffff;
	[tilespmem:s31+$0x12430] =	vst v7  }
0x2f1: {  	v7 =	vld.idx.msk [tilespmem:v4+s17+$0x0], $0xffff  }
0x2f2: {  	[tilespmem:s14+$0xA438] =	vst v2  }
0x2f3: {  	v1 =	vld.idx.msk [tilespmem:v55+s18+$0x0], $0xffff;
	[tilespmem:s26+$0xA438] =	vst v3  }
0x2f4: {  	v3 =	vld.idx.msk [tilespmem:v10+s18+$0x0], $0xffff;
	[tilespmem:s21+$0xA438] =	vst v5  }
0x2f5: {  	[tilespmem:s25+$0xA438] =	vst v8;
	v61 =	vld.idx.msk [tilespmem:v58+s18+$0x0], $0xffff  }
0x2f6: {  	v62 =	vld.idx.msk [tilespmem:v6+s18+$0x0], $0xffff;
	[tilespmem:s31+$0xA438] =	vst v7  }
0x2f7: {  	[tilespmem:s13+$0x12438] =	vst v0;
	v63 =	vld.idx.msk [tilespmem:v4+s18+$0x0], $0xffff  }
0x2f8: {  	[tilespmem:s14+$0x12438] =	vst v1  }
0x2f9: {  	[tilespmem:s26+$0x12438] =	vst v3  }
0x2fa: {  	[tilespmem:s21+$0x12438] =	vst v61  }
.Ltmp7:
0x2fb: {  	s0 =	sor.u32 $0x400, s12;
	[tilespmem:s25+$0x12438] =	vst v62;
	(pc) =	sbr.rel @p1 .LBB2_12-.Ltmp7, $4  }
0x2fc: {  	s26 =	simm.s32 $0xA000;
	s25 =	sadd.s32 s6, s0;
	[tilespmem:s31+$0x12438] =	vst v63  }
0x2fd: {  	[hbm4b:s25+s4] =	stream.linear.scatter [tilespmem:s26], [sflag:$0x6], $0x2000, $0x38;
	[tilespmem:$0x18800] =	vst v63  }
0x2fe: {  	s0 =	sadd.s32 s7, s0;
	s31 =	simm.s32 $0x12000  }
0x2ff: {  	[hbm4b:s0+s4] =	stream.linear.scatter [tilespmem:s31], [sflag:$0xA], $0x2000, $0x38;
	[tilespmem:$0x18800] =	vst v63  }
.Ltmp8:
0x300: {  	(pc) =	sbr.rel .LBB2_13-.Ltmp8, $4  }
0x301: {  	_ = 	snop  }
0x302: {  	_ =	swait.ge [sflag:s2], $0x2000  }
0x303: {  	[sflag:s2] =	ssyncset.done $0x0  }
0x304: {  	[sflag:s2] =	ssyncadd.s32 $0xFFFFE000  }
.LBB2_12:
0x305: {  	s0 =	rddreg [dreg:$0x9]  }
.Ltmp9:
0x306: {  	s8 =	simm.s32 $0x2000;
	s0 =	sadd.s32 s20, s0;
	(pc) =	sbr.rel @p0 .LBB2_14-.Ltmp9, $4  }
0x307: {  	[tilespmem:s8], [sflag:$0x2] =	stream.linear.gather [hbm4b:s0+s4], $0x2000, $0x38;
	[tilespmem:$0x18800] =	vst v63  }
0x308: {  	_ =	swait.ge [sflag:s2], $0x2000  }
0x309: {  	[sflag:s2] =	ssyncset.done $0x0  }
0x30a: {  	[sflag:s2] =	ssyncadd.s32 $0xFFFFE000  }
.LBB2_13:
0x30b: {  	_ =	swait.ge [sflag:s1], $0x2000  }
0x30c: {  	[sflag:s1] =	ssyncset.done $0x0  }
0x30d: {  	[sflag:s1] =	ssyncadd.s32 $0xFFFFE000  }
0x30e: {  	_ =	swait.ge [sflag:s3], $0x2000  }
0x30f: {  	[sflag:s3] =	ssyncset.done $0x0  }
0x310: {  	[sflag:s3] =	ssyncadd.s32 $0xFFFFE000  }
.LBB2_14:
0x311: {  	s0 =	simm.s32 $0x0  }
0x312: {  	s8 =	sand.u32 $0x1800, s0;
	s0 =	sand.u32 $0x380, s0  }
0x313: {  	s13 =	sor.u32 s0, s8  }
0x314: {  	v0 =	vld [tilespmem:s13+$0x4000];
	_ =	sdelay $0x4  }
0x315: {  	v0 =	vmul.f32 $1.628155060e+02, v0;
	_ =	sdelay $0x1  }
0x316: {  	v0 =	vtrunc.f32 v0  }
0x317: {  	v0 =	vcvt.f32.s32 v0;
	_ =	sdelay $0x3  }
0x318: {  	v1 =	vld [tilespmem:s13+$0x4010];
	_ =	sdelay $0x1  }
0x319: {  	v2 =	vld.idx.msk [tilespmem:v0+s17+$0x0], $0xffff;
	_ =	sdelay $0x2  }
0x31a: {  	v1 =	vmul.f32 $1.628155060e+02, v1;
	_ =	sdelay $0x1  }
0x31b: {  	v1 =	vtrunc.f32 v1;
	[tilespmem:s13+$0xC000] =	vst v2  }
0x31c: {  	v1 =	vcvt.f32.s32 v1;
	v0 =	vld.idx.msk [tilespmem:v0+s18+$0x0], $0xffff;
	_ =	sdelay $0x3  }
0x31d: {  	v2 =	vld [tilespmem:s13+$0x4020]  }
0x31e: {  	[tilespmem:s13+$0x14000] =	vst v0  }
0x31f: {  	v0 =	vld.idx.msk [tilespmem:v1+s17+$0x0], $0xffff;
	_ =	sdelay $0x2  }
0x320: {  	v2 =	vmul.f32 $1.628155060e+02, v2;
	_ =	sdelay $0x1  }
0x321: {  	s25 =	simm.s32 $0x100;
	s26 =	simm.s32 $0x80;
	[tilespmem:s13+$0xC010] =	vst v0;
	v0 =	vtrunc.f32 v2  }
0x322: {  	s0 =	sand.u32 $0x1800, s25;
	s8 =	sand.u32 $0x380, s26;
	v1 =	vld.idx.msk [tilespmem:v1+s18+$0x0], $0xffff;
	v0 =	vcvt.f32.s32 v0  }
0x323: {  	s14 =	sor.u32 s8, s0  }
0x324: {  	v2 =	vld [tilespmem:s14+$0x4000];
	_ =	sdelay $0x1  }
0x325: {  	v3 =	vld [tilespmem:s13+$0x4030]  }
0x326: {  	[tilespmem:s13+$0x14010] =	vst v1  }
0x327: {  	v1 =	vld.idx.msk [tilespmem:v0+s17+$0x0], $0xffff  }
0x328: {  	v2 =	vmul.f32 $1.628155060e+02, v2;
	_ =	sdelay $0x1  }
0x329: {  	v3 =	vmul.f32 $1.628155060e+02, v3;
	v2 =	vtrunc.f32 v2  }
0x32a: {  	v2 =	vcvt.f32.s32 v2  }
0x32b: {  	[tilespmem:s13+$0xC020] =	vst v1;
	v1 =	vtrunc.f32 v3  }
0x32c: {  	v0 =	vld.idx.msk [tilespmem:v0+s18+$0x0], $0xffff;
	v1 =	vcvt.f32.s32 v1;
	_ =	sdelay $0x1  }
0x32d: {  	v3 =	vld [tilespmem:s14+$0x4010]  }
0x32e: {  	v5 =	vld [tilespmem:s13+$0x4040]  }
0x32f: {  	v4 =	vld.idx.msk [tilespmem:v2+s17+$0x0], $0xffff  }
0x330: {  	[tilespmem:s13+$0x14020] =	vst v0  }
0x331: {  	v0 =	vld.idx.msk [tilespmem:v1+s17+$0x0], $0xffff  }
0x332: {  	v3 =	vmul.f32 $1.628155060e+02, v3;
	_ =	sdelay $0x1  }
0x333: {  	[tilespmem:s14+$0xC000] =	vst v4;
	v3 =	vtrunc.f32 v3;
	v4 =	vmul.f32 $1.628155060e+02, v5  }
0x334: {  	v2 =	vld.idx.msk [tilespmem:v2+s18+$0x0], $0xffff;
	v3 =	vcvt.f32.s32 v3  }
0x335: {  	[tilespmem:s13+$0xC030] =	vst v0;
	v0 =	vtrunc.f32 v4  }
0x336: {  	v1 =	vld.idx.msk [tilespmem:v1+s18+$0x0], $0xffff;
	v0 =	vcvt.f32.s32 v0;
	_ =	sdelay $0x1  }
0x337: {  	v4 =	vld [tilespmem:s14+$0x4020]  }
0x338: {  	v5 =	vld [tilespmem:s13+$0x4050];
	[tilespmem:s14+$0x14000] =	vst v2  }
0x339: {  	v2 =	vld.idx.msk [tilespmem:v3+s17+$0x0], $0xffff  }
0x33a: {  	[tilespmem:s13+$0x14030] =	vst v1  }
0x33b: {  	v1 =	vld.idx.msk [tilespmem:v0+s17+$0x0], $0xffff  }
0x33c: {  	v4 =	vmul.f32 $1.628155060e+02, v4  }
0x33d: {  	s9 =	simm.s32 $0x200;
	s21 =	simm.s32 $0x100  }
0x33e: {  	s0 =	sand.u32 $0x1800, s9;
	s8 =	sand.u32 $0x380, s21;
	[tilespmem:s14+$0xC010] =	vst v2;
	v2 =	vtrunc.f32 v4;
	v4 =	vmul.f32 $1.628155060e+02, v5  }
0x33f: {  	s21 =	sor.u32 s8, s0;
	v3 =	vld.idx.msk [tilespmem:v3+s18+$0x0], $0xffff  }
0x340: {  	v2 =	vcvt.f32.s32 v2;
	[tilespmem:s13+$0xC040] =	vst v1;
	v1 =	vtrunc.f32 v4;
	v4 =	vld [tilespmem:s21+$0x4000]  }
0x341: {  	v0 =	vld.idx.msk [tilespmem:v0+s18+$0x0], $0xffff;
	v1 =	vcvt.f32.s32 v1;
	_ =	sdelay $0x2  }
0x342: {  	v5 =	vld [tilespmem:s14+$0x4030]  }
0x343: {  	v6 =	vld [tilespmem:s13+$0x4060];
	[tilespmem:s14+$0x14010] =	vst v3  }
0x344: {  	v3 =	vld.idx.msk [tilespmem:v2+s17+$0x0], $0xffff;
	v4 =	vmul.f32 $1.628155060e+02, v4;
	[tilespmem:s13+$0x14040] =	vst v0  }
0x345: {  	v0 =	vld.idx.msk [tilespmem:v1+s17+$0x0], $0xffff  }
0x346: {  	v4 =	vtrunc.f32 v4  }
0x347: {  	v5 =	vmul.f32 $1.628155060e+02, v5;
	v4 =	vcvt.f32.s32 v4;
	_ =	sdelay $0x1  }
0x348: {  	[tilespmem:s14+$0xC020] =	vst v3;
	v3 =	vtrunc.f32 v5;
	v5 =	vmul.f32 $1.628155060e+02, v6;
	v6 =	vld [tilespmem:s21+$0x4010]  }
0x349: {  	v2 =	vld.idx.msk [tilespmem:v2+s18+$0x0], $0xffff;
	v3 =	vcvt.f32.s32 v3;
	[tilespmem:s13+$0xC050] =	vst v0  }
0x34a: {  	v0 =	vld.idx.msk [tilespmem:v1+s18+$0x0], $0xffff;
	v1 =	vtrunc.f32 v5  }
0x34b: {  	v1 =	vcvt.f32.s32 v1  }
0x34c: {  	v5 =	vld.idx.msk [tilespmem:v4+s17+$0x0], $0xffff  }
0x34d: {  	v7 =	vld [tilespmem:s14+$0x4040]  }
0x34e: {  	[tilespmem:s14+$0x14020] =	vst v2  }
0x34f: {  	v6 =	vmul.f32 $1.628155060e+02, v6;
	v2 =	vld.idx.msk [tilespmem:v3+s17+$0x0], $0xffff  }
0x350: {  	v8 =	vld [tilespmem:s13+$0x4070];
	[tilespmem:s13+$0x14050] =	vst v0  }
0x351: {  	[tilespmem:s21+$0xC000] =	vst v5;
	v5 =	vtrunc.f32 v6;
	v0 =	vld.idx.msk [tilespmem:v1+s17+$0x0], $0xffff  }
0x352: {  	v6 =	vmul.f32 $1.628155060e+02, v7;
	v4 =	vld.idx.msk [tilespmem:v4+s18+$0x0], $0xffff;
	v5 =	vcvt.f32.s32 v5;
	_ =	sdelay $0x1  }
0x353: {  	[tilespmem:s14+$0xC030] =	vst v2;
	v2 =	vtrunc.f32 v6  }
0x354: {  	v3 =	vld.idx.msk [tilespmem:v3+s18+$0x0], $0xffff;
	v2 =	vcvt.f32.s32 v2  }
0x355: {  	v7 =	vld [tilespmem:s21+$0x4020];
	v6 =	vmul.f32 $1.628155060e+02, v8;
	[tilespmem:s13+$0xC060] =	vst v0  }
0x356: {  	[tilespmem:s21+$0x14000] =	vst v4;
	v0 =	vld.idx.msk [tilespmem:v1+s18+$0x0], $0xffff  }
0x357: {  	v1 =	vtrunc.f32 v6;
	v4 =	vld.idx.msk [tilespmem:v5+s17+$0x0], $0xffff  }
0x358: {  	v6 =	vld [tilespmem:s14+$0x4050];
	v1 =	vcvt.f32.s32 v1  }
0x359: {  	[tilespmem:s14+$0x14030] =	vst v3  }
0x35a: {  	v7 =	vmul.f32 $1.628155060e+02, v7;
	v3 =	vld.idx.msk [tilespmem:v2+s17+$0x0], $0xffff;
	_ =	sdelay $0x1  }
0x35b: {  	v8 =	vld [tilespmem:s13+$0x4400];
	[tilespmem:s21+$0xC010] =	vst v4;
	v4 =	vtrunc.f32 v7  }
0x35c: {  	[tilespmem:s13+$0x14060] =	vst v0;
	v6 =	vmul.f32 $1.628155060e+02, v6;
	v5 =	vld.idx.msk [tilespmem:v5+s18+$0x0], $0xffff;
	v4 =	vcvt.f32.s32 v4  }
0x35d: {  	s25 =	simm.s32 $0x300;
	s26 =	simm.s32 $0x180;
	v0 =	vld.idx.msk [tilespmem:v1+s17+$0x0], $0xffff  }
0x35e: {  	s0 =	sand.u32 $0x1800, s25;
	s8 =	sand.u32 $0x380, s26;
	[tilespmem:s14+$0xC040] =	vst v3;
	v3 =	vtrunc.f32 v6  }
0x35f: {  	s25 =	sor.u32 s8, s0;
	v2 =	vld.idx.msk [tilespmem:v2+s18+$0x0], $0xffff;
	v3 =	vcvt.f32.s32 v3  }
0x360: {  	v6 =	vld [tilespmem:s25+$0x4000]  }
0x361: {  	v7 =	vmul.f32 $1.628155060e+02, v8;
	v8 =	vld [tilespmem:s21+$0x4030];
	[tilespmem:s21+$0x14010] =	vst v5  }
0x362: {  	[tilespmem:s13+$0xC070] =	vst v0;
	v5 =	vld.idx.msk [tilespmem:v4+s17+$0x0], $0xffff  }
0x363: {  	v0 =	vld.idx.msk [tilespmem:v1+s18+$0x0], $0xffff;
	v1 =	vtrunc.f32 v7  }
0x364: {  	v7 =	vld [tilespmem:s14+$0x4060];
	[tilespmem:s14+$0x14040] =	vst v2;
	v1 =	vcvt.f32.s32 v1  }
0x365: {  	v6 =	vmul.f32 $1.628155060e+02, v6;
	v2 =	vld.idx.msk [tilespmem:v3+s17+$0x0], $0xffff  }
0x366: {  	v10 =	vld [tilespmem:s21+$0x4040];
	v8 =	vmul.f32 $1.628155060e+02, v8  }
0x367: {  	v9 =	vld [tilespmem:s25+$0x4010];
	v6 =	vtrunc.f32 v6;
	[tilespmem:s21+$0xC020] =	vst v5  }
0x368: {  	v8 =	vtrunc.f32 v8;
	v6 =	vcvt.f32.s32 v6;
	[tilespmem:s13+$0x14070] =	vst v0;
	v0 =	vld [tilespmem:s13+$0x4410]  }
0x369: {  	v8 =	vcvt.f32.s32 v8;
	v4 =	vld.idx.msk [tilespmem:v4+s18+$0x0], $0xffff;
	v7 =	vmul.f32 $1.628155060e+02, v7  }
0x36a: {  	[tilespmem:s14+$0xC050] =	vst v2;
	v5 =	vld.idx.msk [tilespmem:v1+s17+$0x0], $0xffff  }
0x36b: {  	v2 =	vld.idx.msk [tilespmem:v3+s18+$0x0], $0xffff;
	v3 =	vtrunc.f32 v7  }
0x36c: {  	v11 =	vld [tilespmem:s25+$0x4030];
	v3 =	vcvt.f32.s32 v3  }
0x36d: {  	v13 =	vld [tilespmem:s25+$0x4040];
	v0 =	vmul.f32 $1.628155060e+02, v0  }
0x36e: {  	v7 =	vld.idx.msk [tilespmem:v6+s17+$0x0], $0xffff;
	[tilespmem:s21+$0x14020] =	vst v4  }
0x36f: {  	v4 =	vld.idx.msk [tilespmem:v8+s17+$0x0], $0xffff;
	[tilespmem:s13+$0xC400] =	vst v5;
	v0 =	vtrunc.f32 v0  }
0x370: {  	s9 =	simm.s32 $0x400;
	s26 =	simm.s32 $0x200;
	v1 =	vld.idx.msk [tilespmem:v1+s18+$0x0], $0xffff;
	v0 =	vcvt.f32.s32 v0  }
0x371: {  	s0 =	sand.u32 $0x1800, s9;
	s8 =	sand.u32 $0x380, s26;
	v9 =	vmul.f32 $1.628155060e+02, v9;
	v5 =	vld [tilespmem:s14+$0x4070];
	[tilespmem:s14+$0x14050] =	vst v2  }
0x372: {  	s26 =	sor.u32 s8, s0;
	v2 =	vld.idx.msk [tilespmem:v3+s17+$0x0], $0xffff  }
0x373: {  	v12 =	vld [tilespmem:s26+$0x4010];
	[tilespmem:s25+$0xC000] =	vst v7;
	v7 =	vtrunc.f32 v9  }
0x374: {  	v6 =	vld.idx.msk [tilespmem:v6+s18+$0x0], $0xffff;
	v7 =	vcvt.f32.s32 v7  }
0x375: {  	v9 =	vmul.f32 $1.628155060e+02, v10;
	[tilespmem:s13+$0x14400] =	vst v1;
	v1 =	vld [tilespmem:s13+$0x4420]  }
0x376: {  	[tilespmem:s21+$0xC030] =	vst v4;
	v5 =	vmul.f32 $1.628155060e+02, v5;
	v4 =	vld.idx.msk [tilespmem:v0+s17+$0x0], $0xffff  }
0x377: {  	v9 =	vtrunc.f32 v9;
	v8 =	vld.idx.msk [tilespmem:v8+s18+$0x0], $0xffff;
	[tilespmem:s14+$0xC060] =	vst v2  }
0x378: {  	v9 =	vcvt.f32.s32 v9;
	v2 =	vld.idx.msk [tilespmem:v3+s18+$0x0], $0xffff;
	v3 =	vtrunc.f32 v5  }
0x379: {  	v10 =	vld [tilespmem:s25+$0x4020];
	[tilespmem:s25+$0x14000] =	vst v6;
	v3 =	vcvt.f32.s32 v3  }
0x37a: {  	v5 =	vld.idx.msk [tilespmem:v7+s17+$0x0], $0xffff;
	v1 =	vmul.f32 $1.628155060e+02, v1  }
0x37b: {  	v6 =	vld [tilespmem:s21+$0x4050];
	[tilespmem:s13+$0xC410] =	vst v4  }
0x37c: {  	v0 =	vld.idx.msk [tilespmem:v0+s18+$0x0], $0xffff;
	v1 =	vtrunc.f32 v1  }
0x37d: {  	[tilespmem:s21+$0x14030] =	vst v8;
	v8 =	vld [tilespmem:s14+$0x4400];
	v1 =	vcvt.f32.s32 v1  }
0x37e: {  	v10 =	vmul.f32 $1.628155060e+02, v10;
	v4 =	vld.idx.msk [tilespmem:v9+s17+$0x0], $0xffff;
	[tilespmem:s14+$0x14060] =	vst v2  }
0x37f: {  	[tilespmem:s25+$0xC010] =	vst v5;
	v2 =	vld.idx.msk [tilespmem:v3+s17+$0x0], $0xffff  }
0x380: {  	v5 =	vld.idx.msk [tilespmem:v7+s18+$0x0], $0xffff;
	v7 =	vtrunc.f32 v10  }
0x381: {  	v6 =	vmul.f32 $1.628155060e+02, v6;
	[tilespmem:s13+$0x14410] =	vst v0;
	v0 =	vcvt.f32.s32 v7;
	v7 =	vld [tilespmem:s13+$0x4430]  }
0x382: {  	v10 =	vld [tilespmem:s26+$0x4000]  }
0x383: {  	v6 =	vtrunc.f32 v6;
	v8 =	vmul.f32 $1.628155060e+02, v8;
	[tilespmem:s21+$0xC040] =	vst v4;
	v4 =	vld.idx.msk [tilespmem:v1+s17+$0x0], $0xffff  }
0x384: {  	v6 =	vcvt.f32.s32 v6;
	v9 =	vld.idx.msk [tilespmem:v9+s18+$0x0], $0xffff;
	[tilespmem:s14+$0xC070] =	vst v2  }
0x385: {  	v2 =	vld.idx.msk [tilespmem:v3+s18+$0x0], $0xffff;
	v3 =	vtrunc.f32 v8  }
0x386: {  	v63 =	vld [tilespmem:s26+$0x4020];
	[tilespmem:s25+$0x14010] =	vst v5;
	v3 =	vcvt.f32.s32 v3;
	v7 =	vmul.f32 $1.628155060e+02, v7  }
0x387: {  	v5 =	vld.idx.msk [tilespmem:v0+s17+$0x0], $0xffff  }
0x388: {  	v8 =	vld [tilespmem:s21+$0x4060];
	[tilespmem:s13+$0xC420] =	vst v4;
	v4 =	vmul.f32 $1.628155060e+02, v10;
	v7 =	vtrunc.f32 v7  }
0x389: {  	[tilespmem:s21+$0x14040] =	vst v9;
	v1 =	vld.idx.msk [tilespmem:v1+s18+$0x0], $0xffff;
	v7 =	vcvt.f32.s32 v7  }
0x38a: {  	v9 =	vld.idx.msk [tilespmem:v6+s17+$0x0], $0xffff;
	v4 =	vtrunc.f32 v4  }
0x38b: {  	[tilespmem:s14+$0x14070] =	vst v2;
	v2 =	vcvt.f32.s32 v4;
	v4 =	vmul.f32 $1.628155060e+02, v11;
	v11 =	vld [tilespmem:s14+$0x4410]  }
0x38c: {  	[tilespmem:s25+$0xC020] =	vst v5;
	v5 =	vld.idx.msk [tilespmem:v3+s17+$0x0], $0xffff  }
0x38d: {  	v8 =	vmul.f32 $1.628155060e+02, v8;
	v0 =	vld.idx.msk [tilespmem:v0+s18+$0x0], $0xffff;
	v4 =	vtrunc.f32 v4  }
0x38e: {  	v10 =	vld [tilespmem:s13+$0x4438];
	v4 =	vcvt.f32.s32 v4;
	[tilespmem:s13+$0x14420] =	vst v1  }
0x38f: {  	v8 =	vtrunc.f32 v8;
	[tilespmem:s21+$0xC050] =	vst v9;
	v1 =	vld.idx.msk [tilespmem:v7+s17+$0x0], $0xffff  }
0x390: {  	v8 =	vcvt.f32.s32 v8;
	v6 =	vld.idx.msk [tilespmem:v6+s18+$0x0], $0xffff;
	v11 =	vmul.f32 $1.628155060e+02, v11  }
0x391: {  	v9 =	vld.idx.msk [tilespmem:v2+s17+$0x0], $0xffff;
	[tilespmem:s14+$0xC400] =	vst v5  }
0x392: {  	[tilespmem:s25+$0x14020] =	vst v0;
	v0 =	vld.idx.msk [tilespmem:v3+s18+$0x0], $0xffff;
	v3 =	vtrunc.f32 v11  }
0x393: {  	v11 =	vcvt.f32.s32 v3;
	v3 =	vmul.f32 $1.628155060e+02, v10;
	v10 =	vld [tilespmem:s21+$0x4070]  }
0x394: {  	v5 =	vld.idx.msk [tilespmem:v4+s17+$0x0], $0xffff;
	[tilespmem:s13+$0xC430] =	vst v1  }
0x395: {  	[tilespmem:s21+$0x14050] =	vst v6;
	v1 =	vmul.f32 $1.628155060e+02, v12;
	v6 =	vld.idx.msk [tilespmem:v7+s18+$0x0], $0xffff;
	v3 =	vtrunc.f32 v3  }
0x396: {  	[tilespmem:s26+$0xC000] =	vst v9;
	v9 =	vld.idx.msk [tilespmem:v8+s17+$0x0], $0xffff;
	v62 =	vcvt.f32.s32 v3  }
0x397: {  	v1 =	vtrunc.f32 v1;
	v2 =	vld.idx.msk [tilespmem:v2+s18+$0x0], $0xffff;
	[tilespmem:s14+$0x14400] =	vst v0;
	v0 =	vmul.f32 $1.628155060e+02, v13  }
0x398: {  	v14 =	vcvt.f32.s32 v1;
	v1 =	vld [tilespmem:s14+$0x4420]  }
0x399: {  	[tilespmem:s25+$0xC030] =	vst v5;
	v5 =	vld.idx.msk [tilespmem:v11+s17+$0x0], $0xffff;
	v0 =	vtrunc.f32 v0  }
0x39a: {  	v4 =	vld.idx.msk [tilespmem:v4+s18+$0x0], $0xffff;
	v7 =	vcvt.f32.s32 v0;
	v0 =	vmul.f32 $1.628155060e+02, v10;
	[tilespmem:s13+$0x14430] =	vst v6  }
0x39b: {  	[tilespmem:s21+$0xC060] =	vst v9;
	v9 =	vld [tilespmem:s25+$0x4050]  }
0x39c: {  	v6 =	vld.idx.msk [tilespmem:v62+s17+$0x0], $0xffff;
	v0 =	vtrunc.f32 v0  }
0x39d: {  	[tilespmem:s26+$0x14000] =	vst v2;
	v2 =	vld.idx.msk [tilespmem:v8+s18+$0x0], $0xffff;
	v3 =	vcvt.f32.s32 v0;
	v0 =	vmul.f32 $1.628155060e+02, v1  }
0x39e: {  	v8 =	vld.idx.msk [tilespmem:v14+s17+$0x0], $0xffff;
	[tilespmem:s14+$0xC410] =	vst v5  }
0x39f: {  	[tilespmem:s25+$0x14030] =	vst v4;
	v4 =	vld.idx.msk [tilespmem:v11+s18+$0x0], $0xffff;
	v0 =	vtrunc.f32 v0  }
0x3a0: {  	v5 =	vld [tilespmem:s21+$0x4400];
	v1 =	vcvt.f32.s32 v0  }
0x3a1: {  	v11 =	vld.idx.msk [tilespmem:v7+s17+$0x0], $0xffff;
	[tilespmem:s13+$0xC438] =	vst v6  }
0x3a2: {  	[tilespmem:s21+$0x14060] =	vst v2;
	v2 =	vmul.f32 $1.628155060e+02, v63;
	v0 =	vld.idx.msk [tilespmem:v62+s18+$0x0], $0xffff  }
0x3a3: {  	[tilespmem:s26+$0xC010] =	vst v8;
	v6 =	vld.idx.msk [tilespmem:v3+s17+$0x0], $0xffff  }
0x3a4: {  	v10 =	vld.idx.msk [tilespmem:v14+s18+$0x0], $0xffff;
	[tilespmem:s14+$0x14410] =	vst v4;
	v4 =	vtrunc.f32 v2  }
0x3a5: {  	s31 =	simm.s32 $0x280;
	s9 =	simm.s32 $0x500;
	v9 =	vmul.f32 $1.628155060e+02, v9;
	v2 =	vld [tilespmem:s14+$0x4430];
	v8 =	vcvt.f32.s32 v4  }
0x3a6: {  	s8 =	sand.u32 $0x1800, s9;
	s9 =	sand.u32 $0x380, s31;
	s0 =	simm.s32 $0x600;
	[tilespmem:s25+$0xC040] =	vst v11;
	v4 =	vld.idx.msk [tilespmem:v1+s17+$0x0], $0xffff  }
.LBB2_15:
0x3a7: {  	p2 =	sne.s32 s0, $0x1F00;
	s8 =	sor.u32 s9, s8;
	v7 =	vld.idx.msk [tilespmem:v7+s18+$0x0], $0xffff;
	v9 =	vtrunc.f32 v9  }
0x3a8: {  	v5 =	vmul.f32 $1.628155060e+02, v5;
	v11 =	vld [tilespmem:s8+$0x4000];
	v9 =	vcvt.f32.s32 v9;
	[tilespmem:s13+$0x14438] =	vst v0;
	s13 =	smov.u32 s14;
	s14 =	smov.u32 s21;
	s21 =	smov.u32 s25  }
0x3a9: {  	s25 =	smov.u32 s26;
	v0 =	vld [tilespmem:s26+$0x4030];
	[tilespmem:s14+$0xC070] =	vst v6;
	s26 =	smov.u32 s8  }
0x3aa: {  	v5 =	vtrunc.f32 v5;
	[tilespmem:s25+$0x14010] =	vst v10;
	v3 =	vld.idx.msk [tilespmem:v3+s18+$0x0], $0xffff  }
0x3ab: {  	v5 =	vcvt.f32.s32 v5;
	v2 =	vmul.f32 $1.628155060e+02, v2;
	v6 =	vld.idx.msk [tilespmem:v8+s17+$0x0], $0xffff  }
0x3ac: {  	v10 =	vld [tilespmem:s21+$0x4060];
	[tilespmem:s13+$0xC420] =	vst v4  }
0x3ad: {  	v2 =	vtrunc.f32 v2;
	v4 =	vmul.f32 $1.628155060e+02, v11;
	[tilespmem:s21+$0x14040] =	vst v7;
	v1 =	vld.idx.msk [tilespmem:v1+s18+$0x0], $0xffff  }
0x3ae: {  	v2 =	vcvt.f32.s32 v2;
	v7 =	vld.idx.msk [tilespmem:v9+s17+$0x0], $0xffff  }
0x3af: {  	v4 =	vtrunc.f32 v4;
	v11 =	vld [tilespmem:s13+$0x4438]  }
0x3b0: {  	v0 =	vmul.f32 $1.628155060e+02, v0;
	v4 =	vcvt.f32.s32 v4;
	[tilespmem:s14+$0x14070] =	vst v3;
	v3 =	vld [tilespmem:s14+$0x4410]  }
0x3b1: {  	[tilespmem:s25+$0xC020] =	vst v6;
	v6 =	vld.idx.msk [tilespmem:v5+s17+$0x0], $0xffff  }
0x3b2: {  	v0 =	vtrunc.f32 v0;
	v8 =	vld.idx.msk [tilespmem:v8+s18+$0x0], $0xffff  }
0x3b3: {  	v0 =	vcvt.f32.s32 v0;
	v10 =	vmul.f32 $1.628155060e+02, v10;
	v12 =	vld [tilespmem:s26+$0x4010];
	[tilespmem:s13+$0x14420] =	vst v1  }
0x3b4: {  	[tilespmem:s21+$0xC050] =	vst v7;
	v1 =	vld.idx.msk [tilespmem:v2+s17+$0x0], $0xffff  }
0x3b5: {  	v7 =	vld.idx.msk [tilespmem:v9+s18+$0x0], $0xffff;
	v9 =	vtrunc.f32 v10  }
0x3b6: {  	v3 =	vmul.f32 $1.628155060e+02, v3;
	v10 =	vld.idx.msk [tilespmem:v4+s17+$0x0], $0xffff;
	v9 =	vcvt.f32.s32 v9  }
0x3b7: {  	v13 =	vld [tilespmem:s25+$0x4040];
	[tilespmem:s14+$0xC400] =	vst v6  }
0x3b8: {  	v3 =	vtrunc.f32 v3;
	[tilespmem:s25+$0x14020] =	vst v8;
	v5 =	vld.idx.msk [tilespmem:v5+s18+$0x0], $0xffff  }
0x3b9: {  	v8 =	vcvt.f32.s32 v3;
	v3 =	vmul.f32 $1.628155060e+02, v11;
	v6 =	vld.idx.msk [tilespmem:v0+s17+$0x0], $0xffff  }
0x3ba: {  	v11 =	vld [tilespmem:s21+$0x4070];
	[tilespmem:s13+$0xC430] =	vst v1  }
0x3bb: {  	v1 =	vmul.f32 $1.628155060e+02, v12;
	v3 =	vtrunc.f32 v3;
	[tilespmem:s21+$0x14050] =	vst v7;
	v2 =	vld.idx.msk [tilespmem:v2+s18+$0x0], $0xffff  }
0x3bc: {  	v12 =	vcvt.f32.s32 v3;
	[tilespmem:s26+$0xC000] =	vst v10;
	v10 =	vld.idx.msk [tilespmem:v9+s17+$0x0], $0xffff  }
0x3bd: {  	v1 =	vtrunc.f32 v1;
	v3 =	vld.idx.msk [tilespmem:v4+s18+$0x0], $0xffff  }
0x3be: {  	v4 =	vcvt.f32.s32 v1;
	v1 =	vmul.f32 $1.628155060e+02, v13;
	[tilespmem:s14+$0x14400] =	vst v5;
	v5 =	vld [tilespmem:s14+$0x4420]  }
0x3bf: {  	[tilespmem:s25+$0xC030] =	vst v6;
	v6 =	vld.idx.msk [tilespmem:v8+s17+$0x0], $0xffff  }
0x3c0: {  	v1 =	vtrunc.f32 v1;
	v0 =	vld.idx.msk [tilespmem:v0+s18+$0x0], $0xffff  }
0x3c1: {  	v7 =	vcvt.f32.s32 v1;
	v1 =	vmul.f32 $1.628155060e+02, v11;
	v13 =	vld [tilespmem:s26+$0x4020];
	[tilespmem:s13+$0x14430] =	vst v2  }
0x3c2: {  	[tilespmem:s21+$0xC060] =	vst v10;
	v2 =	vld.idx.msk [tilespmem:v12+s17+$0x0], $0xffff  }
0x3c3: {  	v1 =	vtrunc.f32 v1;
	[tilespmem:s26+$0x14000] =	vst v3;
	v9 =	vld.idx.msk [tilespmem:v9+s18+$0x0], $0xffff  }
0x3c4: {  	v3 =	vcvt.f32.s32 v1;
	v1 =	vmul.f32 $1.628155060e+02, v5;
	v10 =	vld.idx.msk [tilespmem:v4+s17+$0x0], $0xffff  }
0x3c5: {  	v11 =	vld [tilespmem:s25+$0x4050];
	[tilespmem:s14+$0xC410] =	vst v6  }
0x3c6: {  	[tilespmem:s25+$0x14030] =	vst v0;
	v14 =	vld.idx.msk [tilespmem:v8+s18+$0x0], $0xffff;
	v0 =	vtrunc.f32 v1  }
0x3c7: {  	v15 =	vld.idx.msk [tilespmem:v7+s17+$0x0], $0xffff;
	v1 =	vcvt.f32.s32 v0  }
0x3c8: {  	v5 =	vld [tilespmem:s21+$0x4400];
	[tilespmem:s13+$0xC438] =	vst v2  }
.Ltmp10:
0x3c9: {  	v2 =	vmul.f32 $1.628155060e+02, v13;
	[tilespmem:s21+$0x14060] =	vst v9;
	v0 =	vld.idx.msk [tilespmem:v12+s18+$0x0], $0xffff;
	(pc) =	sbr.rel @p2 .LBB2_15-.Ltmp10, $4  }
0x3ca: {  	[tilespmem:s26+$0xC010] =	vst v10;
	v6 =	vld.idx.msk [tilespmem:v3+s17+$0x0], $0xffff  }
0x3cb: {  	v2 =	vtrunc.f32 v2;
	v10 =	vld.idx.msk [tilespmem:v4+s18+$0x0], $0xffff  }
0x3cc: {  	s31 =	sadd.s32 $0x80, s31;
	v9 =	vmul.f32 $1.628155060e+02, v11;
	v8 =	vcvt.f32.s32 v2;
	[tilespmem:s14+$0x14410] =	vst v14;
	v2 =	vld [tilespmem:s14+$0x4430]  }
0x3cd: {  	s9 =	sand.u32 $0x380, s31;
	s8 =	sand.u32 $0x1800, s0;
	s0 =	sadd.s32 $0x100, s0;
	[tilespmem:s25+$0xC040] =	vst v15;
	v4 =	vld.idx.msk [tilespmem:v1+s17+$0x0], $0xffff  }
0x3ce: {  	s31 =	sor.u32 s9, s8  }
0x3cf: {  	v11 =	vld [tilespmem:s31+$0x4000];
	_ =	sdelay $0x4  }
0x3d0: {  	v11 =	vmul.f32 $1.628155060e+02, v11;
	_ =	sdelay $0x1  }
0x3d1: {  	v11 =	vtrunc.f32 v11  }
0x3d2: {  	v11 =	vcvt.f32.s32 v11;
	_ =	sdelay $0x3  }
0x3d3: {  	v12 =	vld [tilespmem:s31+$0x4010];
	_ =	sdelay $0x1  }
0x3d4: {  	v13 =	vld.idx.msk [tilespmem:v11+s17+$0x0], $0xffff;
	_ =	sdelay $0x2  }
0x3d5: {  	v12 =	vmul.f32 $1.628155060e+02, v12;
	_ =	sdelay $0x1  }
0x3d6: {  	v12 =	vtrunc.f32 v12;
	[tilespmem:s31+$0xC000] =	vst v13  }
0x3d7: {  	v12 =	vcvt.f32.s32 v12;
	v11 =	vld.idx.msk [tilespmem:v11+s18+$0x0], $0xffff;
	_ =	sdelay $0x3  }
0x3d8: {  	v29 =	vld [tilespmem:s31+$0x4020]  }
0x3d9: {  	[tilespmem:s31+$0x14000] =	vst v11  }
0x3da: {  	v11 =	vld.idx.msk [tilespmem:v12+s17+$0x0], $0xffff;
	_ =	sdelay $0x2  }
0x3db: {  	v13 =	vmul.f32 $1.628155060e+02, v29;
	_ =	sdelay $0x1  }
0x3dc: {  	v30 =	vtrunc.f32 v13;
	[tilespmem:s31+$0xC010] =	vst v11  }
0x3dd: {  	v11 =	vcvt.f32.s32 v30;
	v31 =	vld.idx.msk [tilespmem:v12+s18+$0x0], $0xffff  }
0x3de: {  	v14 =	vld [tilespmem:s26+$0x4030]  }
0x3df: {  	[tilespmem:s26+$0x14010] =	vst v10  }
0x3e0: {  	v32 =	vld.idx.msk [tilespmem:v8+s17+$0x0], $0xffff  }
0x3e1: {  	v34 =	vld [tilespmem:s31+$0x4030]  }
0x3e2: {  	[tilespmem:s31+$0x14010] =	vst v31  }
0x3e3: {  	v33 =	vmul.f32 $1.628155060e+02, v14;
	v36 =	vld.idx.msk [tilespmem:v11+s17+$0x0], $0xffff;
	_ =	sdelay $0x1  }
0x3e4: {  	v35 =	vtrunc.f32 v33;
	[tilespmem:s26+$0xC020] =	vst v32  }
0x3e5: {  	v38 =	vmul.f32 $1.628155060e+02, v34;
	v10 =	vcvt.f32.s32 v35;
	v37 =	vld.idx.msk [tilespmem:v8+s18+$0x0], $0xffff;
	_ =	sdelay $0x1  }
0x3e6: {  	v40 =	vtrunc.f32 v38;
	[tilespmem:s31+$0xC020] =	vst v36  }
0x3e7: {  	v42 =	vcvt.f32.s32 v40;
	v41 =	vld.idx.msk [tilespmem:v11+s18+$0x0], $0xffff  }
0x3e8: {  	v39 =	vld [tilespmem:s26+$0x4040]  }
0x3e9: {  	[tilespmem:s26+$0x14020] =	vst v37  }
0x3ea: {  	v43 =	vld.idx.msk [tilespmem:v10+s17+$0x0], $0xffff  }
0x3eb: {  	v45 =	vld [tilespmem:s31+$0x4040]  }
0x3ec: {  	[tilespmem:s31+$0x14020] =	vst v41  }
0x3ed: {  	v44 =	vmul.f32 $1.628155060e+02, v39;
	v47 =	vld.idx.msk [tilespmem:v42+s17+$0x0], $0xffff;
	_ =	sdelay $0x1  }
0x3ee: {  	v46 =	vtrunc.f32 v44;
	[tilespmem:s26+$0xC030] =	vst v43  }
0x3ef: {  	v48 =	vmul.f32 $1.628155060e+02, v45;
	v8 =	vcvt.f32.s32 v46;
	v10 =	vld.idx.msk [tilespmem:v10+s18+$0x0], $0xffff;
	_ =	sdelay $0x1  }
0x3f0: {  	v50 =	vtrunc.f32 v48;
	[tilespmem:s31+$0xC030] =	vst v47  }
0x3f1: {  	v52 =	vcvt.f32.s32 v50;
	v51 =	vld.idx.msk [tilespmem:v42+s18+$0x0], $0xffff  }
0x3f2: {  	v49 =	vld [tilespmem:s26+$0x4050]  }
0x3f3: {  	[tilespmem:s26+$0x14030] =	vst v10  }
0x3f4: {  	v53 =	vld.idx.msk [tilespmem:v8+s17+$0x0], $0xffff  }
0x3f5: {  	v9 =	vtrunc.f32 v9;
	v55 =	vld [tilespmem:s31+$0x4050]  }
0x3f6: {  	v7 =	vld.idx.msk [tilespmem:v7+s18+$0x0], $0xffff;
	v9 =	vcvt.f32.s32 v9;
	[tilespmem:s31+$0x14030] =	vst v51  }
0x3f7: {  	v54 =	vmul.f32 $1.628155060e+02, v49;
	v57 =	vld.idx.msk [tilespmem:v52+s17+$0x0], $0xffff;
	_ =	sdelay $0x1  }
0x3f8: {  	v15 =	vld [tilespmem:s25+$0x4060];
	v56 =	vtrunc.f32 v54;
	[tilespmem:s26+$0xC040] =	vst v53  }
0x3f9: {  	v61 =	vmul.f32 $1.628155060e+02, v55;
	v59 =	vcvt.f32.s32 v56;
	v58 =	vld.idx.msk [tilespmem:v8+s18+$0x0], $0xffff  }
0x3fa: {  	[tilespmem:s25+$0x14040] =	vst v7  }
0x3fb: {  	v60 =	vld.idx.msk [tilespmem:v9+s17+$0x0], $0xffff;
	v18 =	vtrunc.f32 v61;
	[tilespmem:s31+$0xC040] =	vst v57  }
0x3fc: {  	v20 =	vcvt.f32.s32 v18;
	v19 =	vld.idx.msk [tilespmem:v52+s18+$0x0], $0xffff  }
0x3fd: {  	v63 =	vld [tilespmem:s26+$0x4060]  }
0x3fe: {  	v62 =	vmul.f32 $1.628155060e+02, v15;
	[tilespmem:s26+$0x14040] =	vst v58  }
0x3ff: {  	v22 =	vld.idx.msk [tilespmem:v59+s17+$0x0], $0xffff  }
0x400: {  	v24 =	vld [tilespmem:s31+$0x4060];
	v21 =	vtrunc.f32 v62;
	[tilespmem:s25+$0xC050] =	vst v60  }
0x401: {  	v9 =	vld.idx.msk [tilespmem:v9+s18+$0x0], $0xffff;
	v10 =	vcvt.f32.s32 v21;
	[tilespmem:s31+$0x14040] =	vst v19  }
0x402: {  	v23 =	vmul.f32 $1.628155060e+02, v63;
	v27 =	vld.idx.msk [tilespmem:v20+s17+$0x0], $0xffff;
	_ =	sdelay $0x1  }
0x403: {  	v26 =	vtrunc.f32 v23;
	[tilespmem:s26+$0xC050] =	vst v22  }
0x404: {  	v28 =	vmul.f32 $1.628155060e+02, v24;
	v7 =	vcvt.f32.s32 v26;
	v8 =	vld.idx.msk [tilespmem:v59+s18+$0x0], $0xffff  }
0x405: {  	[tilespmem:s25+$0x14050] =	vst v9  }
0x406: {  	v9 =	vld.idx.msk [tilespmem:v10+s17+$0x0], $0xffff;
	v31 =	vtrunc.f32 v28;
	[tilespmem:s31+$0xC050] =	vst v27  }
0x407: {  	v33 =	vcvt.f32.s32 v31;
	v32 =	vld.idx.msk [tilespmem:v20+s18+$0x0], $0xffff  }
0x408: {  	v30 =	vld [tilespmem:s26+$0x4070]  }
0x409: {  	v25 =	vld [tilespmem:s25+$0x4070];
	[tilespmem:s26+$0x14050] =	vst v8  }
0x40a: {  	v35 =	vld.idx.msk [tilespmem:v7+s17+$0x0], $0xffff  }
0x40b: {  	v37 =	vld [tilespmem:s31+$0x4070];
	[tilespmem:s25+$0xC060] =	vst v9  }
0x40c: {  	v10 =	vld.idx.msk [tilespmem:v10+s18+$0x0], $0xffff;
	[tilespmem:s31+$0x14050] =	vst v32  }
0x40d: {  	v36 =	vmul.f32 $1.628155060e+02, v30;
	v40 =	vld.idx.msk [tilespmem:v33+s17+$0x0], $0xffff  }
0x40e: {  	[tilespmem:s21+$0xC070] =	vst v6  }
0x40f: {  	v3 =	vld.idx.msk [tilespmem:v3+s18+$0x0], $0xffff;
	v29 =	vmul.f32 $1.628155060e+02, v25;
	v39 =	vtrunc.f32 v36;
	[tilespmem:s26+$0xC060] =	vst v35  }
0x410: {  	[tilespmem:s14+$0xC420] =	vst v4;
	v8 =	vcvt.f32.s32 v39;
	v7 =	vld.idx.msk [tilespmem:v7+s18+$0x0], $0xffff;
	v42 =	vmul.f32 $1.628155060e+02, v37  }
0x411: {  	v49 =	vld [tilespmem:s21+$0x4410];
	v34 =	vtrunc.f32 v29;
	[tilespmem:s25+$0x14060] =	vst v10  }
0x412: {  	v1 =	vld.idx.msk [tilespmem:v1+s18+$0x0], $0xffff;
	v9 =	vcvt.f32.s32 v34;
	v10 =	vtrunc.f32 v42;
	[tilespmem:s31+$0xC060] =	vst v40  }
0x413: {  	v10 =	vcvt.f32.s32 v10;
	v45 =	vld.idx.msk [tilespmem:v33+s18+$0x0], $0xffff  }
0x414: {  	v43 =	vld [tilespmem:s26+$0x4400]  }
0x415: {  	v38 =	vld [tilespmem:s25+$0x4400];
	[tilespmem:s26+$0x14060] =	vst v7  }
0x416: {  	v46 =	vld.idx.msk [tilespmem:v8+s17+$0x0], $0xffff  }
0x417: {  	v5 =	vmul.f32 $1.628155060e+02, v5;
	v50 =	vld [tilespmem:s31+$0x4400]  }
0x418: {  	v41 =	vld.idx.msk [tilespmem:v9+s17+$0x0], $0xffff;
	[tilespmem:s31+$0x14060] =	vst v45  }
0x419: {  	v5 =	vtrunc.f32 v5;
	v13 =	vmul.f32 $1.628155060e+02, v43;
	v52 =	vld.idx.msk [tilespmem:v10+s17+$0x0], $0xffff  }
0x41a: {  	v5 =	vcvt.f32.s32 v5;
	v63 =	vld [tilespmem:s14+$0x4438]  }
0x41b: {  	v55 =	vld [tilespmem:s25+$0x4410];
	v44 =	vmul.f32 $1.628155060e+02, v38;
	v54 =	vtrunc.f32 v13;
	[tilespmem:s26+$0xC070] =	vst v46  }
0x41c: {  	v12 =	vmul.f32 $1.628155060e+02, v50;
	v7 =	vcvt.f32.s32 v54;
	v53 =	vld.idx.msk [tilespmem:v8+s18+$0x0], $0xffff  }
0x41d: {  	v60 =	vld [tilespmem:s26+$0x4410];
	v48 =	vtrunc.f32 v44;
	[tilespmem:s25+$0xC070] =	vst v41  }
0x41e: {  	v47 =	vld.idx.msk [tilespmem:v9+s18+$0x0], $0xffff;
	v9 =	vcvt.f32.s32 v48;
	v57 =	vtrunc.f32 v12;
	[tilespmem:s31+$0xC070] =	vst v52  }
0x41f: {  	[tilespmem:s21+$0x14070] =	vst v3;
	v6 =	vcvt.f32.s32 v57;
	v58 =	vld.idx.msk [tilespmem:v10+s18+$0x0], $0xffff  }
0x420: {  	v51 =	vld.idx.msk [tilespmem:v5+s17+$0x0], $0xffff  }
0x421: {  	v62 =	vld [tilespmem:s31+$0x4410];
	[tilespmem:s26+$0x14070] =	vst v53  }
0x422: {  	v61 =	vld.idx.msk [tilespmem:v7+s17+$0x0], $0xffff  }
0x423: {  	v26 =	vld [tilespmem:s26+$0x4420];
	[tilespmem:s25+$0x14070] =	vst v47  }
0x424: {  	v17 =	vmul.f32 $1.628155060e+02, v60;
	v56 =	vld.idx.msk [tilespmem:v9+s17+$0x0], $0xffff;
	[tilespmem:s31+$0x14070] =	vst v58  }
0x425: {  	[tilespmem:s21+$0xC400] =	vst v51;
	v18 =	vld.idx.msk [tilespmem:v6+s17+$0x0], $0xffff  }
0x426: {  	v3 =	vtrunc.f32 v17;
	v11 =	vmul.f32 $1.628155060e+02, v49;
	v5 =	vld.idx.msk [tilespmem:v5+s18+$0x0], $0xffff  }
0x427: {  	v3 =	vcvt.f32.s32 v3;
	v28 =	vld [tilespmem:s31+$0x4420];
	v8 =	vmul.f32 $1.628155060e+02, v55;
	[tilespmem:s26+$0xC400] =	vst v61  }
0x428: {  	v21 =	vmul.f32 $1.628155060e+02, v62;
	v11 =	vtrunc.f32 v11;
	v4 =	vld.idx.msk [tilespmem:v7+s18+$0x0], $0xffff  }
0x429: {  	v22 =	vld [tilespmem:s25+$0x4420];
	v59 =	vcvt.f32.s32 v11;
	[tilespmem:s25+$0xC400] =	vst v56;
	v8 =	vtrunc.f32 v8  }
0x42a: {  	v24 =	vtrunc.f32 v21;
	v9 =	vld.idx.msk [tilespmem:v9+s18+$0x0], $0xffff;
	v8 =	vcvt.f32.s32 v8;
	[tilespmem:s31+$0xC400] =	vst v18  }
0x42b: {  	[tilespmem:s21+$0x14400] =	vst v5;
	v5 =	vcvt.f32.s32 v24;
	v6 =	vld.idx.msk [tilespmem:v6+s18+$0x0], $0xffff  }
0x42c: {  	v36 =	vld [tilespmem:s25+$0x4430]  }
0x42d: {  	v20 =	vld [tilespmem:s21+$0x4420];
	[tilespmem:s26+$0x14400] =	vst v4  }
0x42e: {  	v27 =	vld.idx.msk [tilespmem:v3+s17+$0x0], $0xffff  }
0x42f: {  	[tilespmem:s25+$0x14400] =	vst v9;
	v19 =	vld.idx.msk [tilespmem:v59+s17+$0x0], $0xffff  }
0x430: {  	v23 =	vld.idx.msk [tilespmem:v8+s17+$0x0], $0xffff;
	[tilespmem:s31+$0x14400] =	vst v6  }
0x431: {  	v4 =	vmul.f32 $1.628155060e+02, v26;
	v30 =	vld.idx.msk [tilespmem:v5+s17+$0x0], $0xffff  }
0x432: {  	v34 =	vmul.f32 $1.628155060e+02, v28;
	v41 =	vld [tilespmem:s31+$0x4430];
	v7 =	vmul.f32 $1.628155060e+02, v20  }
0x433: {  	v35 =	vld [tilespmem:s21+$0x4430];
	v12 =	vmul.f32 $1.628155060e+02, v22;
	v4 =	vtrunc.f32 v4;
	[tilespmem:s26+$0xC410] =	vst v27  }
0x434: {  	[tilespmem:s21+$0xC410] =	vst v19;
	v29 =	vtrunc.f32 v7;
	v4 =	vcvt.f32.s32 v4;
	v3 =	vld.idx.msk [tilespmem:v3+s18+$0x0], $0xffff  }
0x435: {  	v25 =	vld.idx.msk [tilespmem:v59+s18+$0x0], $0xffff;
	[tilespmem:s25+$0xC410] =	vst v23;
	v32 =	vtrunc.f32 v12;
	v31 =	vcvt.f32.s32 v29  }
0x436: {  	v37 =	vtrunc.f32 v34;
	v8 =	vld.idx.msk [tilespmem:v8+s18+$0x0], $0xffff;
	v6 =	vcvt.f32.s32 v32;
	[tilespmem:s31+$0xC410] =	vst v30  }
0x437: {  	v7 =	vcvt.f32.s32 v37;
	v5 =	vld.idx.msk [tilespmem:v5+s18+$0x0], $0xffff  }
0x438: {  	v40 =	vld [tilespmem:s26+$0x4430]  }
0x439: {  	v47 =	vld [tilespmem:s25+$0x4438];
	[tilespmem:s26+$0x14410] =	vst v3  }
0x43a: {  	v2 =	vmul.f32 $1.628155060e+02, v2;
	[tilespmem:s21+$0x14410] =	vst v25;
	v42 =	vld.idx.msk [tilespmem:v4+s17+$0x0], $0xffff  }
0x43b: {  	[tilespmem:s25+$0x14410] =	vst v8;
	v38 =	vld.idx.msk [tilespmem:v31+s17+$0x0], $0xffff  }
0x43c: {  	v2 =	vtrunc.f32 v2;
	v39 =	vld.idx.msk [tilespmem:v6+s17+$0x0], $0xffff;
	[tilespmem:s31+$0x14410] =	vst v5  }
0x43d: {  	v2 =	vcvt.f32.s32 v2;
	v3 =	vmul.f32 $1.628155060e+02, v40;
	v44 =	vld.idx.msk [tilespmem:v7+s17+$0x0], $0xffff  }
0x43e: {  	[tilespmem:s14+$0x14420] =	vst v1;
	v54 =	vld [tilespmem:s31+$0x4438];
	v46 =	vmul.f32 $1.628155060e+02, v41;
	v10 =	vmul.f32 $1.628155060e+02, v35  }
0x43f: {  	v8 =	vmul.f32 $1.628155060e+02, v36;
	v45 =	vld [tilespmem:s21+$0x4438];
	v3 =	vtrunc.f32 v3;
	[tilespmem:s26+$0xC420] =	vst v42  }
0x440: {  	[tilespmem:s21+$0xC420] =	vst v38;
	v3 =	vcvt.f32.s32 v3;
	v4 =	vld.idx.msk [tilespmem:v4+s18+$0x0], $0xffff;
	v43 =	vtrunc.f32 v10  }
0x441: {  	v8 =	vtrunc.f32 v8;
	v1 =	vld.idx.msk [tilespmem:v31+s18+$0x0], $0xffff;
	[tilespmem:s25+$0xC420] =	vst v39;
	v5 =	vcvt.f32.s32 v43  }
0x442: {  	v48 =	vtrunc.f32 v46;
	v8 =	vcvt.f32.s32 v8;
	v6 =	vld.idx.msk [tilespmem:v6+s18+$0x0], $0xffff;
	[tilespmem:s31+$0xC420] =	vst v44  }
0x443: {  	v50 =	vcvt.f32.s32 v48;
	v49 =	vld.idx.msk [tilespmem:v7+s18+$0x0], $0xffff  }
0x444: {  	v53 =	vld [tilespmem:s26+$0x4438]  }
0x445: {  	v33 =	vld.idx.msk [tilespmem:v2+s17+$0x0], $0xffff;
	[tilespmem:s26+$0x14420] =	vst v4  }
0x446: {  	[tilespmem:s21+$0x14420] =	vst v1;
	v15 =	vld.idx.msk [tilespmem:v3+s17+$0x0], $0xffff  }
0x447: {  	v52 =	vmul.f32 $1.628155060e+02, v63;
	[tilespmem:s25+$0x14420] =	vst v6;
	v51 =	vld.idx.msk [tilespmem:v5+s17+$0x0], $0xffff  }
0x448: {  	v57 =	vmul.f32 $1.628155060e+02, v47;
	v10 =	vmul.f32 $1.628155060e+02, v45;
	v6 =	vld.idx.msk [tilespmem:v8+s17+$0x0], $0xffff;
	[tilespmem:s31+$0x14420] =	vst v49  }
0x449: {  	v59 =	vmul.f32 $1.628155060e+02, v53;
	v11 =	vtrunc.f32 v52;
	v56 =	vld.idx.msk [tilespmem:v50+s17+$0x0], $0xffff  }
0x44a: {  	[tilespmem:s14+$0xC430] =	vst v33;
	v55 =	vcvt.f32.s32 v11;
	v10 =	vtrunc.f32 v10  }
0x44b: {  	v2 =	vld.idx.msk [tilespmem:v2+s18+$0x0], $0xffff;
	v58 =	vcvt.f32.s32 v10;
	v10 =	vtrunc.f32 v59;
	[tilespmem:s26+$0xC430] =	vst v15  }
0x44c: {  	v4 =	vmul.f32 $1.628155060e+02, v54;
	v10 =	vcvt.f32.s32 v10;
	v3 =	vld.idx.msk [tilespmem:v3+s18+$0x0], $0xffff;
	[tilespmem:s21+$0xC430] =	vst v51  }
0x44d: {  	v60 =	vtrunc.f32 v57;
	[tilespmem:s25+$0xC430] =	vst v6;
	v5 =	vld.idx.msk [tilespmem:v5+s18+$0x0], $0xffff  }
0x44e: {  	v4 =	vtrunc.f32 v4;
	v6 =	vcvt.f32.s32 v60;
	v8 =	vld.idx.msk [tilespmem:v8+s18+$0x0], $0xffff;
	[tilespmem:s31+$0xC430] =	vst v56  }
0x44f: {  	v4 =	vcvt.f32.s32 v4;
	v7 =	vld.idx.msk [tilespmem:v50+s18+$0x0], $0xffff  }
0x450: {  	[tilespmem:s14+$0x14430] =	vst v2  }
0x451: {  	v2 =	vld.idx.msk [tilespmem:v55+s17+$0x0], $0xffff;
	[tilespmem:s26+$0x14430] =	vst v3  }
0x452: {  	v3 =	vld.idx.msk [tilespmem:v10+s17+$0x0], $0xffff;
	[tilespmem:s21+$0x14430] =	vst v5  }
0x453: {  	[tilespmem:s25+$0x14430] =	vst v8;
	v5 =	vld.idx.msk [tilespmem:v58+s17+$0x0], $0xffff  }
0x454: {  	v8 =	vld.idx.msk [tilespmem:v6+s17+$0x0], $0xffff;
	[tilespmem:s31+$0x14430] =	vst v7  }
0x455: {  	v7 =	vld.idx.msk [tilespmem:v4+s17+$0x0], $0xffff  }
0x456: {  	[tilespmem:s14+$0xC438] =	vst v2  }
0x457: {  	v1 =	vld.idx.msk [tilespmem:v55+s18+$0x0], $0xffff;
	[tilespmem:s26+$0xC438] =	vst v3  }
0x458: {  	v3 =	vld.idx.msk [tilespmem:v10+s18+$0x0], $0xffff;
	[tilespmem:s21+$0xC438] =	vst v5  }
0x459: {  	[tilespmem:s25+$0xC438] =	vst v8;
	v61 =	vld.idx.msk [tilespmem:v58+s18+$0x0], $0xffff  }
0x45a: {  	v62 =	vld.idx.msk [tilespmem:v6+s18+$0x0], $0xffff;
	[tilespmem:s31+$0xC438] =	vst v7  }
0x45b: {  	[tilespmem:s13+$0x14438] =	vst v0;
	v63 =	vld.idx.msk [tilespmem:v4+s18+$0x0], $0xffff  }
0x45c: {  	[tilespmem:s14+$0x14438] =	vst v1  }
0x45d: {  	[tilespmem:s26+$0x14438] =	vst v3  }
0x45e: {  	[tilespmem:s21+$0x14438] =	vst v61  }
.Ltmp11:
0x45f: {  	s0 =	sor.u32 $0x800, s12;
	[tilespmem:s25+$0x14438] =	vst v62;
	(pc) =	sbr.rel @p1 .LBB2_18-.Ltmp11, $4  }
0x460: {  	s26 =	simm.s32 $0xC000;
	s25 =	sadd.s32 s6, s0;
	[tilespmem:s31+$0x14438] =	vst v63  }
0x461: {  	[hbm4b:s25+s4] =	stream.linear.scatter [tilespmem:s26], [sflag:$0x7], $0x2000, $0x38;
	[tilespmem:$0x18800] =	vst v63  }
0x462: {  	s0 =	sadd.s32 s7, s0;
	s31 =	simm.s32 $0x14000  }
0x463: {  	[hbm4b:s0+s4] =	stream.linear.scatter [tilespmem:s31], [sflag:$0xB], $0x2000, $0x38;
	[tilespmem:$0x18800] =	vst v63  }
.Ltmp12:
0x464: {  	(pc) =	sbr.rel .LBB2_19-.Ltmp12, $4  }
0x465: {  	_ = 	snop  }
0x466: {  	_ =	swait.ge [sflag:s10], $0x2000  }
0x467: {  	[sflag:s10] =	ssyncset.done $0x0  }
0x468: {  	[sflag:s10] =	ssyncadd.s32 $0xFFFFE000  }
.LBB2_18:
0x469: {  	s0 =	rddreg [dreg:$0xa]  }
.Ltmp13:
0x46a: {  	s8 =	simm.s32 $0x4000;
	s0 =	sadd.s32 s20, s0;
	(pc) =	sbr.rel @p0 .LBB2_20-.Ltmp13, $4  }
0x46b: {  	[tilespmem:s8], [sflag:$0x3] =	stream.linear.gather [hbm4b:s0+s4], $0x2000, $0x38;
	[tilespmem:$0x18800] =	vst v63  }
0x46c: {  	_ =	swait.ge [sflag:s10], $0x2000  }
0x46d: {  	[sflag:s10] =	ssyncset.done $0x0  }
0x46e: {  	[sflag:s10] =	ssyncadd.s32 $0xFFFFE000  }
.LBB2_19:
0x46f: {  	_ =	swait.ge [sflag:s11], $0x2000  }
0x470: {  	[sflag:s11] =	ssyncset.done $0x0  }
0x471: {  	[sflag:s11] =	ssyncadd.s32 $0xFFFFE000  }
0x472: {  	_ =	swait.ge [sflag:s16], $0x2000  }
0x473: {  	[sflag:s16] =	ssyncset.done $0x0  }
0x474: {  	[sflag:s16] =	ssyncadd.s32 $0xFFFFE000  }
.LBB2_20:
0x475: {  	s0 =	simm.s32 $0x0  }
0x476: {  	s8 =	sand.u32 $0x1800, s0;
	s0 =	sand.u32 $0x380, s0  }
0x477: {  	s13 =	sor.u32 s0, s8  }
0x478: {  	v0 =	vld [tilespmem:s13+$0x6000];
	_ =	sdelay $0x4  }
0x479: {  	v0 =	vmul.f32 $1.628155060e+02, v0;
	_ =	sdelay $0x1  }
0x47a: {  	v0 =	vtrunc.f32 v0  }
0x47b: {  	v0 =	vcvt.f32.s32 v0;
	_ =	sdelay $0x3  }
0x47c: {  	v1 =	vld [tilespmem:s13+$0x6010];
	_ =	sdelay $0x1  }
0x47d: {  	v2 =	vld.idx.msk [tilespmem:v0+s17+$0x0], $0xffff;
	_ =	sdelay $0x2  }
0x47e: {  	v1 =	vmul.f32 $1.628155060e+02, v1;
	_ =	sdelay $0x1  }
0x47f: {  	v1 =	vtrunc.f32 v1;
	[tilespmem:s13+$0xE000] =	vst v2  }
0x480: {  	v1 =	vcvt.f32.s32 v1;
	v0 =	vld.idx.msk [tilespmem:v0+s18+$0x0], $0xffff;
	_ =	sdelay $0x3  }
0x481: {  	v2 =	vld [tilespmem:s13+$0x6020]  }
0x482: {  	[tilespmem:s13+$0x16000] =	vst v0  }
0x483: {  	v0 =	vld.idx.msk [tilespmem:v1+s17+$0x0], $0xffff;
	_ =	sdelay $0x2  }
0x484: {  	v2 =	vmul.f32 $1.628155060e+02, v2;
	_ =	sdelay $0x1  }
0x485: {  	s25 =	simm.s32 $0x100;
	s26 =	simm.s32 $0x80;
	[tilespmem:s13+$0xE010] =	vst v0;
	v0 =	vtrunc.f32 v2  }
0x486: {  	s0 =	sand.u32 $0x1800, s25;
	s8 =	sand.u32 $0x380, s26;
	v1 =	vld.idx.msk [tilespmem:v1+s18+$0x0], $0xffff;
	v0 =	vcvt.f32.s32 v0  }
0x487: {  	s14 =	sor.u32 s8, s0  }
0x488: {  	v2 =	vld [tilespmem:s14+$0x6000];
	_ =	sdelay $0x1  }
0x489: {  	v3 =	vld [tilespmem:s13+$0x6030]  }
0x48a: {  	[tilespmem:s13+$0x16010] =	vst v1  }
0x48b: {  	v1 =	vld.idx.msk [tilespmem:v0+s17+$0x0], $0xffff  }
0x48c: {  	v2 =	vmul.f32 $1.628155060e+02, v2;
	_ =	sdelay $0x1  }
0x48d: {  	v3 =	vmul.f32 $1.628155060e+02, v3;
	v2 =	vtrunc.f32 v2  }
0x48e: {  	v2 =	vcvt.f32.s32 v2  }
0x48f: {  	[tilespmem:s13+$0xE020] =	vst v1;
	v1 =	vtrunc.f32 v3  }
0x490: {  	v0 =	vld.idx.msk [tilespmem:v0+s18+$0x0], $0xffff;
	v1 =	vcvt.f32.s32 v1;
	_ =	sdelay $0x1  }
0x491: {  	v3 =	vld [tilespmem:s14+$0x6010]  }
0x492: {  	v5 =	vld [tilespmem:s13+$0x6040]  }
0x493: {  	v4 =	vld.idx.msk [tilespmem:v2+s17+$0x0], $0xffff  }
0x494: {  	[tilespmem:s13+$0x16020] =	vst v0  }
0x495: {  	v0 =	vld.idx.msk [tilespmem:v1+s17+$0x0], $0xffff  }
0x496: {  	v3 =	vmul.f32 $1.628155060e+02, v3;
	_ =	sdelay $0x1  }
0x497: {  	[tilespmem:s14+$0xE000] =	vst v4;
	v3 =	vtrunc.f32 v3;
	v4 =	vmul.f32 $1.628155060e+02, v5  }
0x498: {  	v2 =	vld.idx.msk [tilespmem:v2+s18+$0x0], $0xffff;
	v3 =	vcvt.f32.s32 v3  }
0x499: {  	[tilespmem:s13+$0xE030] =	vst v0;
	v0 =	vtrunc.f32 v4  }
0x49a: {  	v1 =	vld.idx.msk [tilespmem:v1+s18+$0x0], $0xffff;
	v0 =	vcvt.f32.s32 v0;
	_ =	sdelay $0x1  }
0x49b: {  	v4 =	vld [tilespmem:s14+$0x6020]  }
0x49c: {  	v5 =	vld [tilespmem:s13+$0x6050];
	[tilespmem:s14+$0x16000] =	vst v2  }
0x49d: {  	v2 =	vld.idx.msk [tilespmem:v3+s17+$0x0], $0xffff  }
0x49e: {  	[tilespmem:s13+$0x16030] =	vst v1  }
0x49f: {  	v1 =	vld.idx.msk [tilespmem:v0+s17+$0x0], $0xffff  }
0x4a0: {  	v4 =	vmul.f32 $1.628155060e+02, v4  }
0x4a1: {  	s9 =	simm.s32 $0x200;
	s21 =	simm.s32 $0x100  }
0x4a2: {  	s0 =	sand.u32 $0x1800, s9;
	s8 =	sand.u32 $0x380, s21;
	[tilespmem:s14+$0xE010] =	vst v2;
	v2 =	vtrunc.f32 v4;
	v4 =	vmul.f32 $1.628155060e+02, v5  }
0x4a3: {  	s21 =	sor.u32 s8, s0;
	v3 =	vld.idx.msk [tilespmem:v3+s18+$0x0], $0xffff  }
0x4a4: {  	v2 =	vcvt.f32.s32 v2;
	[tilespmem:s13+$0xE040] =	vst v1;
	v1 =	vtrunc.f32 v4;
	v4 =	vld [tilespmem:s21+$0x6000]  }
0x4a5: {  	v0 =	vld.idx.msk [tilespmem:v0+s18+$0x0], $0xffff;
	v1 =	vcvt.f32.s32 v1;
	_ =	sdelay $0x2  }
0x4a6: {  	v5 =	vld [tilespmem:s14+$0x6030]  }
0x4a7: {  	v6 =	vld [tilespmem:s13+$0x6060];
	[tilespmem:s14+$0x16010] =	vst v3  }
0x4a8: {  	v3 =	vld.idx.msk [tilespmem:v2+s17+$0x0], $0xffff;
	v4 =	vmul.f32 $1.628155060e+02, v4;
	[tilespmem:s13+$0x16040] =	vst v0  }
0x4a9: {  	v0 =	vld.idx.msk [tilespmem:v1+s17+$0x0], $0xffff  }
0x4aa: {  	v4 =	vtrunc.f32 v4  }
0x4ab: {  	v5 =	vmul.f32 $1.628155060e+02, v5;
	v4 =	vcvt.f32.s32 v4;
	_ =	sdelay $0x1  }
0x4ac: {  	[tilespmem:s14+$0xE020] =	vst v3;
	v3 =	vtrunc.f32 v5;
	v5 =	vmul.f32 $1.628155060e+02, v6;
	v6 =	vld [tilespmem:s21+$0x6010]  }
0x4ad: {  	v2 =	vld.idx.msk [tilespmem:v2+s18+$0x0], $0xffff;
	v3 =	vcvt.f32.s32 v3;
	[tilespmem:s13+$0xE050] =	vst v0  }
0x4ae: {  	v0 =	vld.idx.msk [tilespmem:v1+s18+$0x0], $0xffff;
	v1 =	vtrunc.f32 v5  }
0x4af: {  	v1 =	vcvt.f32.s32 v1  }
0x4b0: {  	v5 =	vld.idx.msk [tilespmem:v4+s17+$0x0], $0xffff  }
0x4b1: {  	v7 =	vld [tilespmem:s14+$0x6040]  }
0x4b2: {  	[tilespmem:s14+$0x16020] =	vst v2  }
0x4b3: {  	v6 =	vmul.f32 $1.628155060e+02, v6;
	v2 =	vld.idx.msk [tilespmem:v3+s17+$0x0], $0xffff  }
0x4b4: {  	v8 =	vld [tilespmem:s13+$0x6070];
	[tilespmem:s13+$0x16050] =	vst v0  }
0x4b5: {  	[tilespmem:s21+$0xE000] =	vst v5;
	v5 =	vtrunc.f32 v6;
	v0 =	vld.idx.msk [tilespmem:v1+s17+$0x0], $0xffff  }
0x4b6: {  	v6 =	vmul.f32 $1.628155060e+02, v7;
	v4 =	vld.idx.msk [tilespmem:v4+s18+$0x0], $0xffff;
	v5 =	vcvt.f32.s32 v5;
	_ =	sdelay $0x1  }
0x4b7: {  	[tilespmem:s14+$0xE030] =	vst v2;
	v2 =	vtrunc.f32 v6  }
0x4b8: {  	v3 =	vld.idx.msk [tilespmem:v3+s18+$0x0], $0xffff;
	v2 =	vcvt.f32.s32 v2  }
0x4b9: {  	v7 =	vld [tilespmem:s21+$0x6020];
	v6 =	vmul.f32 $1.628155060e+02, v8;
	[tilespmem:s13+$0xE060] =	vst v0  }
0x4ba: {  	[tilespmem:s21+$0x16000] =	vst v4;
	v0 =	vld.idx.msk [tilespmem:v1+s18+$0x0], $0xffff  }
0x4bb: {  	v1 =	vtrunc.f32 v6;
	v4 =	vld.idx.msk [tilespmem:v5+s17+$0x0], $0xffff  }
0x4bc: {  	v6 =	vld [tilespmem:s14+$0x6050];
	v1 =	vcvt.f32.s32 v1  }
0x4bd: {  	[tilespmem:s14+$0x16030] =	vst v3  }
0x4be: {  	v7 =	vmul.f32 $1.628155060e+02, v7;
	v3 =	vld.idx.msk [tilespmem:v2+s17+$0x0], $0xffff;
	_ =	sdelay $0x1  }
0x4bf: {  	v8 =	vld [tilespmem:s13+$0x6400];
	[tilespmem:s21+$0xE010] =	vst v4;
	v4 =	vtrunc.f32 v7  }
0x4c0: {  	[tilespmem:s13+$0x16060] =	vst v0;
	v6 =	vmul.f32 $1.628155060e+02, v6;
	v5 =	vld.idx.msk [tilespmem:v5+s18+$0x0], $0xffff;
	v4 =	vcvt.f32.s32 v4  }
0x4c1: {  	s25 =	simm.s32 $0x300;
	s26 =	simm.s32 $0x180;
	v0 =	vld.idx.msk [tilespmem:v1+s17+$0x0], $0xffff  }
0x4c2: {  	s0 =	sand.u32 $0x1800, s25;
	s8 =	sand.u32 $0x380, s26;
	[tilespmem:s14+$0xE040] =	vst v3;
	v3 =	vtrunc.f32 v6  }
0x4c3: {  	s25 =	sor.u32 s8, s0;
	v2 =	vld.idx.msk [tilespmem:v2+s18+$0x0], $0xffff;
	v3 =	vcvt.f32.s32 v3  }
0x4c4: {  	v6 =	vld [tilespmem:s25+$0x6000]  }
0x4c5: {  	v7 =	vmul.f32 $1.628155060e+02, v8;
	v8 =	vld [tilespmem:s21+$0x6030];
	[tilespmem:s21+$0x16010] =	vst v5  }
0x4c6: {  	[tilespmem:s13+$0xE070] =	vst v0;
	v5 =	vld.idx.msk [tilespmem:v4+s17+$0x0], $0xffff  }
0x4c7: {  	v0 =	vld.idx.msk [tilespmem:v1+s18+$0x0], $0xffff;
	v1 =	vtrunc.f32 v7  }
0x4c8: {  	v7 =	vld [tilespmem:s14+$0x6060];
	[tilespmem:s14+$0x16040] =	vst v2;
	v1 =	vcvt.f32.s32 v1  }
0x4c9: {  	v6 =	vmul.f32 $1.628155060e+02, v6;
	v2 =	vld.idx.msk [tilespmem:v3+s17+$0x0], $0xffff  }
0x4ca: {  	v10 =	vld [tilespmem:s21+$0x6040];
	v8 =	vmul.f32 $1.628155060e+02, v8  }
0x4cb: {  	v9 =	vld [tilespmem:s25+$0x6010];
	v6 =	vtrunc.f32 v6;
	[tilespmem:s21+$0xE020] =	vst v5  }
0x4cc: {  	v8 =	vtrunc.f32 v8;
	v6 =	vcvt.f32.s32 v6;
	[tilespmem:s13+$0x16070] =	vst v0;
	v0 =	vld [tilespmem:s13+$0x6410]  }
0x4cd: {  	v8 =	vcvt.f32.s32 v8;
	v4 =	vld.idx.msk [tilespmem:v4+s18+$0x0], $0xffff;
	v7 =	vmul.f32 $1.628155060e+02, v7  }
0x4ce: {  	[tilespmem:s14+$0xE050] =	vst v2;
	v5 =	vld.idx.msk [tilespmem:v1+s17+$0x0], $0xffff  }
0x4cf: {  	v2 =	vld.idx.msk [tilespmem:v3+s18+$0x0], $0xffff;
	v3 =	vtrunc.f32 v7  }
0x4d0: {  	v11 =	vld [tilespmem:s25+$0x6030];
	v3 =	vcvt.f32.s32 v3  }
0x4d1: {  	v13 =	vld [tilespmem:s25+$0x6040];
	v0 =	vmul.f32 $1.628155060e+02, v0  }
0x4d2: {  	v7 =	vld.idx.msk [tilespmem:v6+s17+$0x0], $0xffff;
	[tilespmem:s21+$0x16020] =	vst v4  }
0x4d3: {  	v4 =	vld.idx.msk [tilespmem:v8+s17+$0x0], $0xffff;
	[tilespmem:s13+$0xE400] =	vst v5;
	v0 =	vtrunc.f32 v0  }
0x4d4: {  	s9 =	simm.s32 $0x400;
	s26 =	simm.s32 $0x200;
	v1 =	vld.idx.msk [tilespmem:v1+s18+$0x0], $0xffff;
	v0 =	vcvt.f32.s32 v0  }
0x4d5: {  	s0 =	sand.u32 $0x1800, s9;
	s8 =	sand.u32 $0x380, s26;
	v9 =	vmul.f32 $1.628155060e+02, v9;
	v5 =	vld [tilespmem:s14+$0x6070];
	[tilespmem:s14+$0x16050] =	vst v2  }
0x4d6: {  	s26 =	sor.u32 s8, s0;
	v2 =	vld.idx.msk [tilespmem:v3+s17+$0x0], $0xffff  }
0x4d7: {  	v12 =	vld [tilespmem:s26+$0x6010];
	[tilespmem:s25+$0xE000] =	vst v7;
	v7 =	vtrunc.f32 v9  }
0x4d8: {  	v6 =	vld.idx.msk [tilespmem:v6+s18+$0x0], $0xffff;
	v7 =	vcvt.f32.s32 v7  }
0x4d9: {  	v9 =	vmul.f32 $1.628155060e+02, v10;
	[tilespmem:s13+$0x16400] =	vst v1;
	v1 =	vld [tilespmem:s13+$0x6420]  }
0x4da: {  	[tilespmem:s21+$0xE030] =	vst v4;
	v5 =	vmul.f32 $1.628155060e+02, v5;
	v4 =	vld.idx.msk [tilespmem:v0+s17+$0x0], $0xffff  }
0x4db: {  	v9 =	vtrunc.f32 v9;
	v8 =	vld.idx.msk [tilespmem:v8+s18+$0x0], $0xffff;
	[tilespmem:s14+$0xE060] =	vst v2  }
0x4dc: {  	v9 =	vcvt.f32.s32 v9;
	v2 =	vld.idx.msk [tilespmem:v3+s18+$0x0], $0xffff;
	v3 =	vtrunc.f32 v5  }
0x4dd: {  	v10 =	vld [tilespmem:s25+$0x6020];
	[tilespmem:s25+$0x16000] =	vst v6;
	v3 =	vcvt.f32.s32 v3  }
0x4de: {  	v5 =	vld.idx.msk [tilespmem:v7+s17+$0x0], $0xffff;
	v1 =	vmul.f32 $1.628155060e+02, v1  }
0x4df: {  	v6 =	vld [tilespmem:s21+$0x6050];
	[tilespmem:s13+$0xE410] =	vst v4  }
0x4e0: {  	v0 =	vld.idx.msk [tilespmem:v0+s18+$0x0], $0xffff;
	v1 =	vtrunc.f32 v1  }
0x4e1: {  	[tilespmem:s21+$0x16030] =	vst v8;
	v8 =	vld [tilespmem:s14+$0x6400];
	v1 =	vcvt.f32.s32 v1  }
0x4e2: {  	v10 =	vmul.f32 $1.628155060e+02, v10;
	v4 =	vld.idx.msk [tilespmem:v9+s17+$0x0], $0xffff;
	[tilespmem:s14+$0x16060] =	vst v2  }
0x4e3: {  	[tilespmem:s25+$0xE010] =	vst v5;
	v2 =	vld.idx.msk [tilespmem:v3+s17+$0x0], $0xffff  }
0x4e4: {  	v5 =	vld.idx.msk [tilespmem:v7+s18+$0x0], $0xffff;
	v7 =	vtrunc.f32 v10  }
0x4e5: {  	v6 =	vmul.f32 $1.628155060e+02, v6;
	[tilespmem:s13+$0x16410] =	vst v0;
	v0 =	vcvt.f32.s32 v7;
	v7 =	vld [tilespmem:s13+$0x6430]  }
0x4e6: {  	v10 =	vld [tilespmem:s26+$0x6000]  }
0x4e7: {  	v6 =	vtrunc.f32 v6;
	v8 =	vmul.f32 $1.628155060e+02, v8;
	[tilespmem:s21+$0xE040] =	vst v4;
	v4 =	vld.idx.msk [tilespmem:v1+s17+$0x0], $0xffff  }
0x4e8: {  	v6 =	vcvt.f32.s32 v6;
	v9 =	vld.idx.msk [tilespmem:v9+s18+$0x0], $0xffff;
	[tilespmem:s14+$0xE070] =	vst v2  }
0x4e9: {  	v2 =	vld.idx.msk [tilespmem:v3+s18+$0x0], $0xffff;
	v3 =	vtrunc.f32 v8  }
0x4ea: {  	v63 =	vld [tilespmem:s26+$0x6020];
	[tilespmem:s25+$0x16010] =	vst v5;
	v3 =	vcvt.f32.s32 v3;
	v7 =	vmul.f32 $1.628155060e+02, v7  }
0x4eb: {  	v5 =	vld.idx.msk [tilespmem:v0+s17+$0x0], $0xffff  }
0x4ec: {  	v8 =	vld [tilespmem:s21+$0x6060];
	[tilespmem:s13+$0xE420] =	vst v4;
	v4 =	vmul.f32 $1.628155060e+02, v10;
	v7 =	vtrunc.f32 v7  }
0x4ed: {  	[tilespmem:s21+$0x16040] =	vst v9;
	v1 =	vld.idx.msk [tilespmem:v1+s18+$0x0], $0xffff;
	v7 =	vcvt.f32.s32 v7  }
0x4ee: {  	v9 =	vld.idx.msk [tilespmem:v6+s17+$0x0], $0xffff;
	v4 =	vtrunc.f32 v4  }
0x4ef: {  	[tilespmem:s14+$0x16070] =	vst v2;
	v2 =	vcvt.f32.s32 v4;
	v4 =	vmul.f32 $1.628155060e+02, v11;
	v11 =	vld [tilespmem:s14+$0x6410]  }
0x4f0: {  	[tilespmem:s25+$0xE020] =	vst v5;
	v5 =	vld.idx.msk [tilespmem:v3+s17+$0x0], $0xffff  }
0x4f1: {  	v8 =	vmul.f32 $1.628155060e+02, v8;
	v0 =	vld.idx.msk [tilespmem:v0+s18+$0x0], $0xffff;
	v4 =	vtrunc.f32 v4  }
0x4f2: {  	v10 =	vld [tilespmem:s13+$0x6438];
	v4 =	vcvt.f32.s32 v4;
	[tilespmem:s13+$0x16420] =	vst v1  }
0x4f3: {  	v8 =	vtrunc.f32 v8;
	[tilespmem:s21+$0xE050] =	vst v9;
	v1 =	vld.idx.msk [tilespmem:v7+s17+$0x0], $0xffff  }
0x4f4: {  	v8 =	vcvt.f32.s32 v8;
	v6 =	vld.idx.msk [tilespmem:v6+s18+$0x0], $0xffff;
	v11 =	vmul.f32 $1.628155060e+02, v11  }
0x4f5: {  	v9 =	vld.idx.msk [tilespmem:v2+s17+$0x0], $0xffff;
	[tilespmem:s14+$0xE400] =	vst v5  }
0x4f6: {  	[tilespmem:s25+$0x16020] =	vst v0;
	v0 =	vld.idx.msk [tilespmem:v3+s18+$0x0], $0xffff;
	v3 =	vtrunc.f32 v11  }
0x4f7: {  	v11 =	vcvt.f32.s32 v3;
	v3 =	vmul.f32 $1.628155060e+02, v10;
	v10 =	vld [tilespmem:s21+$0x6070]  }
0x4f8: {  	v5 =	vld.idx.msk [tilespmem:v4+s17+$0x0], $0xffff;
	[tilespmem:s13+$0xE430] =	vst v1  }
0x4f9: {  	[tilespmem:s21+$0x16050] =	vst v6;
	v1 =	vmul.f32 $1.628155060e+02, v12;
	v6 =	vld.idx.msk [tilespmem:v7+s18+$0x0], $0xffff;
	v3 =	vtrunc.f32 v3  }
0x4fa: {  	[tilespmem:s26+$0xE000] =	vst v9;
	v9 =	vld.idx.msk [tilespmem:v8+s17+$0x0], $0xffff;
	v62 =	vcvt.f32.s32 v3  }
0x4fb: {  	v1 =	vtrunc.f32 v1;
	v2 =	vld.idx.msk [tilespmem:v2+s18+$0x0], $0xffff;
	[tilespmem:s14+$0x16400] =	vst v0;
	v0 =	vmul.f32 $1.628155060e+02, v13  }
0x4fc: {  	v14 =	vcvt.f32.s32 v1;
	v1 =	vld [tilespmem:s14+$0x6420]  }
0x4fd: {  	[tilespmem:s25+$0xE030] =	vst v5;
	v5 =	vld.idx.msk [tilespmem:v11+s17+$0x0], $0xffff;
	v0 =	vtrunc.f32 v0  }
0x4fe: {  	v4 =	vld.idx.msk [tilespmem:v4+s18+$0x0], $0xffff;
	v7 =	vcvt.f32.s32 v0;
	v0 =	vmul.f32 $1.628155060e+02, v10;
	[tilespmem:s13+$0x16430] =	vst v6  }
0x4ff: {  	[tilespmem:s21+$0xE060] =	vst v9;
	v9 =	vld [tilespmem:s25+$0x6050]  }
0x500: {  	v6 =	vld.idx.msk [tilespmem:v62+s17+$0x0], $0xffff;
	v0 =	vtrunc.f32 v0  }
0x501: {  	[tilespmem:s26+$0x16000] =	vst v2;
	v2 =	vld.idx.msk [tilespmem:v8+s18+$0x0], $0xffff;
	v3 =	vcvt.f32.s32 v0;
	v0 =	vmul.f32 $1.628155060e+02, v1  }
0x502: {  	v8 =	vld.idx.msk [tilespmem:v14+s17+$0x0], $0xffff;
	[tilespmem:s14+$0xE410] =	vst v5  }
0x503: {  	[tilespmem:s25+$0x16030] =	vst v4;
	v4 =	vld.idx.msk [tilespmem:v11+s18+$0x0], $0xffff;
	v0 =	vtrunc.f32 v0  }
0x504: {  	v5 =	vld [tilespmem:s21+$0x6400];
	v1 =	vcvt.f32.s32 v0  }
0x505: {  	v11 =	vld.idx.msk [tilespmem:v7+s17+$0x0], $0xffff;
	[tilespmem:s13+$0xE438] =	vst v6  }
0x506: {  	[tilespmem:s21+$0x16060] =	vst v2;
	v2 =	vmul.f32 $1.628155060e+02, v63;
	v0 =	vld.idx.msk [tilespmem:v62+s18+$0x0], $0xffff  }
0x507: {  	[tilespmem:s26+$0xE010] =	vst v8;
	v6 =	vld.idx.msk [tilespmem:v3+s17+$0x0], $0xffff  }
0x508: {  	v10 =	vld.idx.msk [tilespmem:v14+s18+$0x0], $0xffff;
	[tilespmem:s14+$0x16410] =	vst v4;
	v4 =	vtrunc.f32 v2  }
0x509: {  	s31 =	simm.s32 $0x280;
	s9 =	simm.s32 $0x500;
	v9 =	vmul.f32 $1.628155060e+02, v9;
	v2 =	vld [tilespmem:s14+$0x6430];
	v8 =	vcvt.f32.s32 v4  }
0x50a: {  	s8 =	sand.u32 $0x1800, s9;
	s9 =	sand.u32 $0x380, s31;
	s0 =	simm.s32 $0x600;
	[tilespmem:s25+$0xE040] =	vst v11;
	v4 =	vld.idx.msk [tilespmem:v1+s17+$0x0], $0xffff  }
.LBB2_21:
0x50b: {  	p0 =	sne.s32 s0, $0x1F00;
	s8 =	sor.u32 s9, s8;
	v7 =	vld.idx.msk [tilespmem:v7+s18+$0x0], $0xffff;
	v9 =	vtrunc.f32 v9  }
0x50c: {  	v5 =	vmul.f32 $1.628155060e+02, v5;
	v11 =	vld [tilespmem:s8+$0x6000];
	v9 =	vcvt.f32.s32 v9;
	[tilespmem:s13+$0x16438] =	vst v0;
	s13 =	smov.u32 s14;
	s14 =	smov.u32 s21;
	s21 =	smov.u32 s25  }
0x50d: {  	s25 =	smov.u32 s26;
	v0 =	vld [tilespmem:s26+$0x6030];
	[tilespmem:s14+$0xE070] =	vst v6;
	s26 =	smov.u32 s8  }
0x50e: {  	v5 =	vtrunc.f32 v5;
	[tilespmem:s25+$0x16010] =	vst v10;
	v3 =	vld.idx.msk [tilespmem:v3+s18+$0x0], $0xffff  }
0x50f: {  	v5 =	vcvt.f32.s32 v5;
	v2 =	vmul.f32 $1.628155060e+02, v2;
	v6 =	vld.idx.msk [tilespmem:v8+s17+$0x0], $0xffff  }
0x510: {  	v10 =	vld [tilespmem:s21+$0x6060];
	[tilespmem:s13+$0xE420] =	vst v4  }
0x511: {  	v2 =	vtrunc.f32 v2;
	v4 =	vmul.f32 $1.628155060e+02, v11;
	[tilespmem:s21+$0x16040] =	vst v7;
	v1 =	vld.idx.msk [tilespmem:v1+s18+$0x0], $0xffff  }
0x512: {  	v2 =	vcvt.f32.s32 v2;
	v7 =	vld.idx.msk [tilespmem:v9+s17+$0x0], $0xffff  }
0x513: {  	v4 =	vtrunc.f32 v4;
	v11 =	vld [tilespmem:s13+$0x6438]  }
0x514: {  	v0 =	vmul.f32 $1.628155060e+02, v0;
	v4 =	vcvt.f32.s32 v4;
	[tilespmem:s14+$0x16070] =	vst v3;
	v3 =	vld [tilespmem:s14+$0x6410]  }
0x515: {  	[tilespmem:s25+$0xE020] =	vst v6;
	v6 =	vld.idx.msk [tilespmem:v5+s17+$0x0], $0xffff  }
0x516: {  	v0 =	vtrunc.f32 v0;
	v8 =	vld.idx.msk [tilespmem:v8+s18+$0x0], $0xffff  }
0x517: {  	v0 =	vcvt.f32.s32 v0;
	v10 =	vmul.f32 $1.628155060e+02, v10;
	v12 =	vld [tilespmem:s26+$0x6010];
	[tilespmem:s13+$0x16420] =	vst v1  }
0x518: {  	[tilespmem:s21+$0xE050] =	vst v7;
	v1 =	vld.idx.msk [tilespmem:v2+s17+$0x0], $0xffff  }
0x519: {  	v7 =	vld.idx.msk [tilespmem:v9+s18+$0x0], $0xffff;
	v9 =	vtrunc.f32 v10  }
0x51a: {  	v3 =	vmul.f32 $1.628155060e+02, v3;
	v10 =	vld.idx.msk [tilespmem:v4+s17+$0x0], $0xffff;
	v9 =	vcvt.f32.s32 v9  }
0x51b: {  	v13 =	vld [tilespmem:s25+$0x6040];
	[tilespmem:s14+$0xE400] =	vst v6  }
0x51c: {  	v3 =	vtrunc.f32 v3;
	[tilespmem:s25+$0x16020] =	vst v8;
	v5 =	vld.idx.msk [tilespmem:v5+s18+$0x0], $0xffff  }
0x51d: {  	v8 =	vcvt.f32.s32 v3;
	v3 =	vmul.f32 $1.628155060e+02, v11;
	v6 =	vld.idx.msk [tilespmem:v0+s17+$0x0], $0xffff  }
0x51e: {  	v11 =	vld [tilespmem:s21+$0x6070];
	[tilespmem:s13+$0xE430] =	vst v1  }
0x51f: {  	v1 =	vmul.f32 $1.628155060e+02, v12;
	v3 =	vtrunc.f32 v3;
	[tilespmem:s21+$0x16050] =	vst v7;
	v2 =	vld.idx.msk [tilespmem:v2+s18+$0x0], $0xffff  }
0x520: {  	v12 =	vcvt.f32.s32 v3;
	[tilespmem:s26+$0xE000] =	vst v10;
	v10 =	vld.idx.msk [tilespmem:v9+s17+$0x0], $0xffff  }
0x521: {  	v1 =	vtrunc.f32 v1;
	v3 =	vld.idx.msk [tilespmem:v4+s18+$0x0], $0xffff  }
0x522: {  	v4 =	vcvt.f32.s32 v1;
	v1 =	vmul.f32 $1.628155060e+02, v13;
	[tilespmem:s14+$0x16400] =	vst v5;
	v5 =	vld [tilespmem:s14+$0x6420]  }
0x523: {  	[tilespmem:s25+$0xE030] =	vst v6;
	v6 =	vld.idx.msk [tilespmem:v8+s17+$0x0], $0xffff  }
0x524: {  	v1 =	vtrunc.f32 v1;
	v0 =	vld.idx.msk [tilespmem:v0+s18+$0x0], $0xffff  }
0x525: {  	v7 =	vcvt.f32.s32 v1;
	v1 =	vmul.f32 $1.628155060e+02, v11;
	v13 =	vld [tilespmem:s26+$0x6020];
	[tilespmem:s13+$0x16430] =	vst v2  }
0x526: {  	[tilespmem:s21+$0xE060] =	vst v10;
	v2 =	vld.idx.msk [tilespmem:v12+s17+$0x0], $0xffff  }
0x527: {  	v1 =	vtrunc.f32 v1;
	[tilespmem:s26+$0x16000] =	vst v3;
	v9 =	vld.idx.msk [tilespmem:v9+s18+$0x0], $0xffff  }
0x528: {  	v3 =	vcvt.f32.s32 v1;
	v1 =	vmul.f32 $1.628155060e+02, v5;
	v10 =	vld.idx.msk [tilespmem:v4+s17+$0x0], $0xffff  }
0x529: {  	v11 =	vld [tilespmem:s25+$0x6050];
	[tilespmem:s14+$0xE410] =	vst v6  }
0x52a: {  	[tilespmem:s25+$0x16030] =	vst v0;
	v14 =	vld.idx.msk [tilespmem:v8+s18+$0x0], $0xffff;
	v0 =	vtrunc.f32 v1  }
0x52b: {  	v15 =	vld.idx.msk [tilespmem:v7+s17+$0x0], $0xffff;
	v1 =	vcvt.f32.s32 v0  }
0x52c: {  	v5 =	vld [tilespmem:s21+$0x6400];
	[tilespmem:s13+$0xE438] =	vst v2  }
.Ltmp14:
0x52d: {  	v2 =	vmul.f32 $1.628155060e+02, v13;
	[tilespmem:s21+$0x16060] =	vst v9;
	v0 =	vld.idx.msk [tilespmem:v12+s18+$0x0], $0xffff;
	(pc) =	sbr.rel @p0 .LBB2_21-.Ltmp14, $4  }
0x52e: {  	[tilespmem:s26+$0xE010] =	vst v10;
	v6 =	vld.idx.msk [tilespmem:v3+s17+$0x0], $0xffff  }
0x52f: {  	v2 =	vtrunc.f32 v2;
	v10 =	vld.idx.msk [tilespmem:v4+s18+$0x0], $0xffff  }
0x530: {  	s31 =	sadd.s32 $0x80, s31;
	v9 =	vmul.f32 $1.628155060e+02, v11;
	v8 =	vcvt.f32.s32 v2;
	[tilespmem:s14+$0x16410] =	vst v14;
	v2 =	vld [tilespmem:s14+$0x6430]  }
0x531: {  	s9 =	sand.u32 $0x380, s31;
	s8 =	sand.u32 $0x1800, s0;
	s0 =	sadd.s32 $0x100, s0;
	[tilespmem:s25+$0xE040] =	vst v15;
	v4 =	vld.idx.msk [tilespmem:v1+s17+$0x0], $0xffff  }
0x532: {  	s31 =	sor.u32 s9, s8  }
0x533: {  	v11 =	vld [tilespmem:s31+$0x6000];
	_ =	sdelay $0x4  }
0x534: {  	v11 =	vmul.f32 $1.628155060e+02, v11;
	_ =	sdelay $0x1  }
0x535: {  	v11 =	vtrunc.f32 v11  }
0x536: {  	v11 =	vcvt.f32.s32 v11;
	_ =	sdelay $0x3  }
0x537: {  	v12 =	vld [tilespmem:s31+$0x6010];
	_ =	sdelay $0x1  }
0x538: {  	v13 =	vld.idx.msk [tilespmem:v11+s17+$0x0], $0xffff;
	_ =	sdelay $0x2  }
0x539: {  	v12 =	vmul.f32 $1.628155060e+02, v12;
	_ =	sdelay $0x1  }
0x53a: {  	v12 =	vtrunc.f32 v12;
	[tilespmem:s31+$0xE000] =	vst v13  }
0x53b: {  	v12 =	vcvt.f32.s32 v12;
	v11 =	vld.idx.msk [tilespmem:v11+s18+$0x0], $0xffff;
	_ =	sdelay $0x3  }
0x53c: {  	v29 =	vld [tilespmem:s31+$0x6020]  }
0x53d: {  	[tilespmem:s31+$0x16000] =	vst v11  }
0x53e: {  	v11 =	vld.idx.msk [tilespmem:v12+s17+$0x0], $0xffff;
	_ =	sdelay $0x2  }
0x53f: {  	v13 =	vmul.f32 $1.628155060e+02, v29;
	_ =	sdelay $0x1  }
0x540: {  	v30 =	vtrunc.f32 v13;
	[tilespmem:s31+$0xE010] =	vst v11  }
0x541: {  	v11 =	vcvt.f32.s32 v30;
	v31 =	vld.idx.msk [tilespmem:v12+s18+$0x0], $0xffff  }
0x542: {  	v14 =	vld [tilespmem:s26+$0x6030]  }
0x543: {  	[tilespmem:s26+$0x16010] =	vst v10  }
0x544: {  	v32 =	vld.idx.msk [tilespmem:v8+s17+$0x0], $0xffff  }
0x545: {  	v34 =	vld [tilespmem:s31+$0x6030]  }
0x546: {  	[tilespmem:s31+$0x16010] =	vst v31  }
0x547: {  	v33 =	vmul.f32 $1.628155060e+02, v14;
	v36 =	vld.idx.msk [tilespmem:v11+s17+$0x0], $0xffff;
	_ =	sdelay $0x1  }
0x548: {  	v35 =	vtrunc.f32 v33;
	[tilespmem:s26+$0xE020] =	vst v32  }
0x549: {  	v38 =	vmul.f32 $1.628155060e+02, v34;
	v10 =	vcvt.f32.s32 v35;
	v37 =	vld.idx.msk [tilespmem:v8+s18+$0x0], $0xffff;
	_ =	sdelay $0x1  }
0x54a: {  	v40 =	vtrunc.f32 v38;
	[tilespmem:s31+$0xE020] =	vst v36  }
0x54b: {  	v42 =	vcvt.f32.s32 v40;
	v41 =	vld.idx.msk [tilespmem:v11+s18+$0x0], $0xffff  }
0x54c: {  	v39 =	vld [tilespmem:s26+$0x6040]  }
0x54d: {  	[tilespmem:s26+$0x16020] =	vst v37  }
0x54e: {  	v43 =	vld.idx.msk [tilespmem:v10+s17+$0x0], $0xffff  }
0x54f: {  	v45 =	vld [tilespmem:s31+$0x6040]  }
0x550: {  	[tilespmem:s31+$0x16020] =	vst v41  }
0x551: {  	v44 =	vmul.f32 $1.628155060e+02, v39;
	v47 =	vld.idx.msk [tilespmem:v42+s17+$0x0], $0xffff;
	_ =	sdelay $0x1  }
0x552: {  	v46 =	vtrunc.f32 v44;
	[tilespmem:s26+$0xE030] =	vst v43  }
0x553: {  	v48 =	vmul.f32 $1.628155060e+02, v45;
	v8 =	vcvt.f32.s32 v46;
	v10 =	vld.idx.msk [tilespmem:v10+s18+$0x0], $0xffff;
	_ =	sdelay $0x1  }
0x554: {  	v50 =	vtrunc.f32 v48;
	[tilespmem:s31+$0xE030] =	vst v47  }
0x555: {  	v52 =	vcvt.f32.s32 v50;
	v51 =	vld.idx.msk [tilespmem:v42+s18+$0x0], $0xffff  }
0x556: {  	v49 =	vld [tilespmem:s26+$0x6050]  }
0x557: {  	[tilespmem:s26+$0x16030] =	vst v10  }
0x558: {  	v53 =	vld.idx.msk [tilespmem:v8+s17+$0x0], $0xffff  }
0x559: {  	v9 =	vtrunc.f32 v9;
	v55 =	vld [tilespmem:s31+$0x6050]  }
0x55a: {  	v7 =	vld.idx.msk [tilespmem:v7+s18+$0x0], $0xffff;
	v9 =	vcvt.f32.s32 v9;
	[tilespmem:s31+$0x16030] =	vst v51  }
0x55b: {  	v54 =	vmul.f32 $1.628155060e+02, v49;
	v57 =	vld.idx.msk [tilespmem:v52+s17+$0x0], $0xffff;
	_ =	sdelay $0x1  }
0x55c: {  	v15 =	vld [tilespmem:s25+$0x6060];
	v56 =	vtrunc.f32 v54;
	[tilespmem:s26+$0xE040] =	vst v53  }
0x55d: {  	v61 =	vmul.f32 $1.628155060e+02, v55;
	v59 =	vcvt.f32.s32 v56;
	v58 =	vld.idx.msk [tilespmem:v8+s18+$0x0], $0xffff  }
0x55e: {  	[tilespmem:s25+$0x16040] =	vst v7  }
0x55f: {  	v60 =	vld.idx.msk [tilespmem:v9+s17+$0x0], $0xffff;
	v18 =	vtrunc.f32 v61;
	[tilespmem:s31+$0xE040] =	vst v57  }
0x560: {  	v20 =	vcvt.f32.s32 v18;
	v19 =	vld.idx.msk [tilespmem:v52+s18+$0x0], $0xffff  }
0x561: {  	v63 =	vld [tilespmem:s26+$0x6060]  }
0x562: {  	v62 =	vmul.f32 $1.628155060e+02, v15;
	[tilespmem:s26+$0x16040] =	vst v58  }
0x563: {  	v22 =	vld.idx.msk [tilespmem:v59+s17+$0x0], $0xffff  }
0x564: {  	v24 =	vld [tilespmem:s31+$0x6060];
	v21 =	vtrunc.f32 v62;
	[tilespmem:s25+$0xE050] =	vst v60  }
0x565: {  	v9 =	vld.idx.msk [tilespmem:v9+s18+$0x0], $0xffff;
	v10 =	vcvt.f32.s32 v21;
	[tilespmem:s31+$0x16040] =	vst v19  }
0x566: {  	v23 =	vmul.f32 $1.628155060e+02, v63;
	v27 =	vld.idx.msk [tilespmem:v20+s17+$0x0], $0xffff;
	_ =	sdelay $0x1  }
0x567: {  	v26 =	vtrunc.f32 v23;
	[tilespmem:s26+$0xE050] =	vst v22  }
0x568: {  	v28 =	vmul.f32 $1.628155060e+02, v24;
	v7 =	vcvt.f32.s32 v26;
	v8 =	vld.idx.msk [tilespmem:v59+s18+$0x0], $0xffff  }
0x569: {  	[tilespmem:s25+$0x16050] =	vst v9  }
0x56a: {  	v9 =	vld.idx.msk [tilespmem:v10+s17+$0x0], $0xffff;
	v31 =	vtrunc.f32 v28;
	[tilespmem:s31+$0xE050] =	vst v27  }
0x56b: {  	v33 =	vcvt.f32.s32 v31;
	v32 =	vld.idx.msk [tilespmem:v20+s18+$0x0], $0xffff  }
0x56c: {  	v30 =	vld [tilespmem:s26+$0x6070]  }
0x56d: {  	v25 =	vld [tilespmem:s25+$0x6070];
	[tilespmem:s26+$0x16050] =	vst v8  }
0x56e: {  	v35 =	vld.idx.msk [tilespmem:v7+s17+$0x0], $0xffff  }
0x56f: {  	v37 =	vld [tilespmem:s31+$0x6070];
	[tilespmem:s25+$0xE060] =	vst v9  }
0x570: {  	v10 =	vld.idx.msk [tilespmem:v10+s18+$0x0], $0xffff;
	[tilespmem:s31+$0x16050] =	vst v32  }
0x571: {  	v36 =	vmul.f32 $1.628155060e+02, v30;
	v40 =	vld.idx.msk [tilespmem:v33+s17+$0x0], $0xffff  }
0x572: {  	[tilespmem:s21+$0xE070] =	vst v6  }
0x573: {  	v3 =	vld.idx.msk [tilespmem:v3+s18+$0x0], $0xffff;
	v29 =	vmul.f32 $1.628155060e+02, v25;
	v39 =	vtrunc.f32 v36;
	[tilespmem:s26+$0xE060] =	vst v35  }
0x574: {  	[tilespmem:s14+$0xE420] =	vst v4;
	v8 =	vcvt.f32.s32 v39;
	v7 =	vld.idx.msk [tilespmem:v7+s18+$0x0], $0xffff;
	v42 =	vmul.f32 $1.628155060e+02, v37  }
0x575: {  	v49 =	vld [tilespmem:s21+$0x6410];
	v34 =	vtrunc.f32 v29;
	[tilespmem:s25+$0x16060] =	vst v10  }
0x576: {  	v1 =	vld.idx.msk [tilespmem:v1+s18+$0x0], $0xffff;
	v9 =	vcvt.f32.s32 v34;
	v10 =	vtrunc.f32 v42;
	[tilespmem:s31+$0xE060] =	vst v40  }
0x577: {  	v10 =	vcvt.f32.s32 v10;
	v45 =	vld.idx.msk [tilespmem:v33+s18+$0x0], $0xffff  }
0x578: {  	v43 =	vld [tilespmem:s26+$0x6400]  }
0x579: {  	v38 =	vld [tilespmem:s25+$0x6400];
	[tilespmem:s26+$0x16060] =	vst v7  }
0x57a: {  	v46 =	vld.idx.msk [tilespmem:v8+s17+$0x0], $0xffff  }
0x57b: {  	v5 =	vmul.f32 $1.628155060e+02, v5;
	v50 =	vld [tilespmem:s31+$0x6400]  }
0x57c: {  	v41 =	vld.idx.msk [tilespmem:v9+s17+$0x0], $0xffff;
	[tilespmem:s31+$0x16060] =	vst v45  }
0x57d: {  	v5 =	vtrunc.f32 v5;
	v13 =	vmul.f32 $1.628155060e+02, v43;
	v52 =	vld.idx.msk [tilespmem:v10+s17+$0x0], $0xffff  }
0x57e: {  	v5 =	vcvt.f32.s32 v5;
	v63 =	vld [tilespmem:s14+$0x6438]  }
0x57f: {  	v55 =	vld [tilespmem:s25+$0x6410];
	v44 =	vmul.f32 $1.628155060e+02, v38;
	v54 =	vtrunc.f32 v13;
	[tilespmem:s26+$0xE070] =	vst v46  }
0x580: {  	v12 =	vmul.f32 $1.628155060e+02, v50;
	v7 =	vcvt.f32.s32 v54;
	v53 =	vld.idx.msk [tilespmem:v8+s18+$0x0], $0xffff  }
0x581: {  	v60 =	vld [tilespmem:s26+$0x6410];
	v48 =	vtrunc.f32 v44;
	[tilespmem:s25+$0xE070] =	vst v41  }
0x582: {  	v47 =	vld.idx.msk [tilespmem:v9+s18+$0x0], $0xffff;
	v9 =	vcvt.f32.s32 v48;
	v57 =	vtrunc.f32 v12;
	[tilespmem:s31+$0xE070] =	vst v52  }
0x583: {  	[tilespmem:s21+$0x16070] =	vst v3;
	v6 =	vcvt.f32.s32 v57;
	v58 =	vld.idx.msk [tilespmem:v10+s18+$0x0], $0xffff  }
0x584: {  	v51 =	vld.idx.msk [tilespmem:v5+s17+$0x0], $0xffff  }
0x585: {  	v62 =	vld [tilespmem:s31+$0x6410];
	[tilespmem:s26+$0x16070] =	vst v53  }
0x586: {  	v61 =	vld.idx.msk [tilespmem:v7+s17+$0x0], $0xffff  }
0x587: {  	v26 =	vld [tilespmem:s26+$0x6420];
	[tilespmem:s25+$0x16070] =	vst v47  }
0x588: {  	v17 =	vmul.f32 $1.628155060e+02, v60;
	v56 =	vld.idx.msk [tilespmem:v9+s17+$0x0], $0xffff;
	[tilespmem:s31+$0x16070] =	vst v58  }
0x589: {  	[tilespmem:s21+$0xE400] =	vst v51;
	v18 =	vld.idx.msk [tilespmem:v6+s17+$0x0], $0xffff  }
0x58a: {  	v3 =	vtrunc.f32 v17;
	v11 =	vmul.f32 $1.628155060e+02, v49;
	v5 =	vld.idx.msk [tilespmem:v5+s18+$0x0], $0xffff  }
0x58b: {  	v3 =	vcvt.f32.s32 v3;
	v28 =	vld [tilespmem:s31+$0x6420];
	v8 =	vmul.f32 $1.628155060e+02, v55;
	[tilespmem:s26+$0xE400] =	vst v61  }
0x58c: {  	v21 =	vmul.f32 $1.628155060e+02, v62;
	v11 =	vtrunc.f32 v11;
	v4 =	vld.idx.msk [tilespmem:v7+s18+$0x0], $0xffff  }
0x58d: {  	v22 =	vld [tilespmem:s25+$0x6420];
	v59 =	vcvt.f32.s32 v11;
	[tilespmem:s25+$0xE400] =	vst v56;
	v8 =	vtrunc.f32 v8  }
0x58e: {  	v24 =	vtrunc.f32 v21;
	v9 =	vld.idx.msk [tilespmem:v9+s18+$0x0], $0xffff;
	v8 =	vcvt.f32.s32 v8;
	[tilespmem:s31+$0xE400] =	vst v18  }
0x58f: {  	[tilespmem:s21+$0x16400] =	vst v5;
	v5 =	vcvt.f32.s32 v24;
	v6 =	vld.idx.msk [tilespmem:v6+s18+$0x0], $0xffff  }
0x590: {  	v36 =	vld [tilespmem:s25+$0x6430]  }
0x591: {  	v20 =	vld [tilespmem:s21+$0x6420];
	[tilespmem:s26+$0x16400] =	vst v4  }
0x592: {  	v27 =	vld.idx.msk [tilespmem:v3+s17+$0x0], $0xffff  }
0x593: {  	[tilespmem:s25+$0x16400] =	vst v9;
	v19 =	vld.idx.msk [tilespmem:v59+s17+$0x0], $0xffff  }
0x594: {  	v23 =	vld.idx.msk [tilespmem:v8+s17+$0x0], $0xffff;
	[tilespmem:s31+$0x16400] =	vst v6  }
0x595: {  	v4 =	vmul.f32 $1.628155060e+02, v26;
	v30 =	vld.idx.msk [tilespmem:v5+s17+$0x0], $0xffff  }
0x596: {  	v34 =	vmul.f32 $1.628155060e+02, v28;
	v41 =	vld [tilespmem:s31+$0x6430];
	v7 =	vmul.f32 $1.628155060e+02, v20  }
0x597: {  	v35 =	vld [tilespmem:s21+$0x6430];
	v12 =	vmul.f32 $1.628155060e+02, v22;
	v4 =	vtrunc.f32 v4;
	[tilespmem:s26+$0xE410] =	vst v27  }
0x598: {  	[tilespmem:s21+$0xE410] =	vst v19;
	v29 =	vtrunc.f32 v7;
	v4 =	vcvt.f32.s32 v4;
	v3 =	vld.idx.msk [tilespmem:v3+s18+$0x0], $0xffff  }
0x599: {  	v25 =	vld.idx.msk [tilespmem:v59+s18+$0x0], $0xffff;
	[tilespmem:s25+$0xE410] =	vst v23;
	v32 =	vtrunc.f32 v12;
	v31 =	vcvt.f32.s32 v29  }
0x59a: {  	v37 =	vtrunc.f32 v34;
	v8 =	vld.idx.msk [tilespmem:v8+s18+$0x0], $0xffff;
	v6 =	vcvt.f32.s32 v32;
	[tilespmem:s31+$0xE410] =	vst v30  }
0x59b: {  	v7 =	vcvt.f32.s32 v37;
	v5 =	vld.idx.msk [tilespmem:v5+s18+$0x0], $0xffff  }
0x59c: {  	v40 =	vld [tilespmem:s26+$0x6430]  }
0x59d: {  	v47 =	vld [tilespmem:s25+$0x6438];
	[tilespmem:s26+$0x16410] =	vst v3  }
0x59e: {  	v2 =	vmul.f32 $1.628155060e+02, v2;
	[tilespmem:s21+$0x16410] =	vst v25;
	v42 =	vld.idx.msk [tilespmem:v4+s17+$0x0], $0xffff  }
0x59f: {  	[tilespmem:s25+$0x16410] =	vst v8;
	v38 =	vld.idx.msk [tilespmem:v31+s17+$0x0], $0xffff  }
0x5a0: {  	v2 =	vtrunc.f32 v2;
	v39 =	vld.idx.msk [tilespmem:v6+s17+$0x0], $0xffff;
	[tilespmem:s31+$0x16410] =	vst v5  }
0x5a1: {  	v2 =	vcvt.f32.s32 v2;
	v3 =	vmul.f32 $1.628155060e+02, v40;
	v44 =	vld.idx.msk [tilespmem:v7+s17+$0x0], $0xffff  }
0x5a2: {  	[tilespmem:s14+$0x16420] =	vst v1;
	v54 =	vld [tilespmem:s31+$0x6438];
	v46 =	vmul.f32 $1.628155060e+02, v41;
	v10 =	vmul.f32 $1.628155060e+02, v35  }
0x5a3: {  	v8 =	vmul.f32 $1.628155060e+02, v36;
	v45 =	vld [tilespmem:s21+$0x6438];
	v3 =	vtrunc.f32 v3;
	[tilespmem:s26+$0xE420] =	vst v42  }
0x5a4: {  	[tilespmem:s21+$0xE420] =	vst v38;
	v3 =	vcvt.f32.s32 v3;
	v4 =	vld.idx.msk [tilespmem:v4+s18+$0x0], $0xffff;
	v43 =	vtrunc.f32 v10  }
0x5a5: {  	v8 =	vtrunc.f32 v8;
	v1 =	vld.idx.msk [tilespmem:v31+s18+$0x0], $0xffff;
	[tilespmem:s25+$0xE420] =	vst v39;
	v5 =	vcvt.f32.s32 v43  }
0x5a6: {  	v48 =	vtrunc.f32 v46;
	v8 =	vcvt.f32.s32 v8;
	v6 =	vld.idx.msk [tilespmem:v6+s18+$0x0], $0xffff;
	[tilespmem:s31+$0xE420] =	vst v44  }
0x5a7: {  	v50 =	vcvt.f32.s32 v48;
	v49 =	vld.idx.msk [tilespmem:v7+s18+$0x0], $0xffff  }
0x5a8: {  	v53 =	vld [tilespmem:s26+$0x6438]  }
0x5a9: {  	v33 =	vld.idx.msk [tilespmem:v2+s17+$0x0], $0xffff;
	[tilespmem:s26+$0x16420] =	vst v4  }
0x5aa: {  	[tilespmem:s21+$0x16420] =	vst v1;
	v15 =	vld.idx.msk [tilespmem:v3+s17+$0x0], $0xffff  }
0x5ab: {  	v52 =	vmul.f32 $1.628155060e+02, v63;
	[tilespmem:s25+$0x16420] =	vst v6;
	v51 =	vld.idx.msk [tilespmem:v5+s17+$0x0], $0xffff  }
0x5ac: {  	v57 =	vmul.f32 $1.628155060e+02, v47;
	v10 =	vmul.f32 $1.628155060e+02, v45;
	v6 =	vld.idx.msk [tilespmem:v8+s17+$0x0], $0xffff;
	[tilespmem:s31+$0x16420] =	vst v49  }
0x5ad: {  	v59 =	vmul.f32 $1.628155060e+02, v53;
	v11 =	vtrunc.f32 v52;
	v56 =	vld.idx.msk [tilespmem:v50+s17+$0x0], $0xffff  }
0x5ae: {  	[tilespmem:s14+$0xE430] =	vst v33;
	v55 =	vcvt.f32.s32 v11;
	v10 =	vtrunc.f32 v10  }
0x5af: {  	v2 =	vld.idx.msk [tilespmem:v2+s18+$0x0], $0xffff;
	v58 =	vcvt.f32.s32 v10;
	v10 =	vtrunc.f32 v59;
	[tilespmem:s26+$0xE430] =	vst v15  }
0x5b0: {  	v4 =	vmul.f32 $1.628155060e+02, v54;
	v10 =	vcvt.f32.s32 v10;
	v3 =	vld.idx.msk [tilespmem:v3+s18+$0x0], $0xffff;
	[tilespmem:s21+$0xE430] =	vst v51  }
0x5b1: {  	v60 =	vtrunc.f32 v57;
	[tilespmem:s25+$0xE430] =	vst v6;
	v5 =	vld.idx.msk [tilespmem:v5+s18+$0x0], $0xffff  }
0x5b2: {  	v4 =	vtrunc.f32 v4;
	v6 =	vcvt.f32.s32 v60;
	v8 =	vld.idx.msk [tilespmem:v8+s18+$0x0], $0xffff;
	[tilespmem:s31+$0xE430] =	vst v56  }
0x5b3: {  	v4 =	vcvt.f32.s32 v4;
	v7 =	vld.idx.msk [tilespmem:v50+s18+$0x0], $0xffff  }
0x5b4: {  	[tilespmem:s14+$0x16430] =	vst v2  }
0x5b5: {  	v2 =	vld.idx.msk [tilespmem:v55+s17+$0x0], $0xffff;
	[tilespmem:s26+$0x16430] =	vst v3  }
0x5b6: {  	v3 =	vld.idx.msk [tilespmem:v10+s17+$0x0], $0xffff;
	[tilespmem:s21+$0x16430] =	vst v5  }
0x5b7: {  	[tilespmem:s25+$0x16430] =	vst v8;
	v5 =	vld.idx.msk [tilespmem:v58+s17+$0x0], $0xffff  }
0x5b8: {  	v8 =	vld.idx.msk [tilespmem:v6+s17+$0x0], $0xffff;
	[tilespmem:s31+$0x16430] =	vst v7  }
0x5b9: {  	v7 =	vld.idx.msk [tilespmem:v4+s17+$0x0], $0xffff  }
0x5ba: {  	[tilespmem:s14+$0xE438] =	vst v2  }
0x5bb: {  	v1 =	vld.idx.msk [tilespmem:v55+s18+$0x0], $0xffff;
	[tilespmem:s26+$0xE438] =	vst v3  }
0x5bc: {  	v3 =	vld.idx.msk [tilespmem:v10+s18+$0x0], $0xffff;
	[tilespmem:s21+$0xE438] =	vst v5  }
0x5bd: {  	[tilespmem:s25+$0xE438] =	vst v8;
	v61 =	vld.idx.msk [tilespmem:v58+s18+$0x0], $0xffff  }
0x5be: {  	v62 =	vld.idx.msk [tilespmem:v6+s18+$0x0], $0xffff;
	[tilespmem:s31+$0xE438] =	vst v7  }
0x5bf: {  	[tilespmem:s13+$0x16438] =	vst v0;
	v63 =	vld.idx.msk [tilespmem:v4+s18+$0x0], $0xffff  }
0x5c0: {  	[tilespmem:s14+$0x16438] =	vst v1  }
0x5c1: {  	[tilespmem:s26+$0x16438] =	vst v3  }
0x5c2: {  	p0 =	seq.s32 s19, $0x3;
	[tilespmem:s21+$0x16438] =	vst v61  }
.Ltmp15:
0x5c3: {  	s0 =	sor.u32 $0xC00, s12;
	[tilespmem:s25+$0x16438] =	vst v62;
	(pc) =	sbr.rel @p0 .LBB2_24-.Ltmp15, $4  }
0x5c4: {  	[tilespmem:s31+$0x16438] =	vst v63;
	s31 =	sadd.s32 s6, s0  }
0x5c5: {  	[hbm4b:s31+s4] =	stream.linear.scatter [tilespmem:s22], [sflag:$0x8], $0x2000, $0x38;
	[tilespmem:$0x18800] =	vst v63  }
0x5c6: {  	s0 =	sadd.s32 s7, s0  }
0x5c7: {  	[hbm4b:s0+s4] =	stream.linear.scatter [tilespmem:s23], [sflag:$0xC], $0x2000, $0x38;
	[tilespmem:$0x18800] =	vst v63  }
.Ltmp16:
0x5c8: {  	(pc) =	sbr.rel .LBB2_2-.Ltmp16, $3  }
0x5c9: {  	_ =	sdelay $0x1  }
0x5ca: {  	s0 =	sadd.s32 s20, s15;
	s8 =	simm.s32 $0x6000;
	s19 =	sadd.s32 $0x1, s19  }
0x5cb: {  	[tilespmem:s8], [sflag:$0x4] =	stream.linear.gather [hbm4b:s0+s4], $0x2000, $0x38;
	[tilespmem:$0x18800] =	vst v63  }
.LBB2_25:
0x5cc: {  	_ =	sfence.sel $0x180000  }
0x5cd: {  	[bflag:$0x0] =	sbarrier.arrive $0xFFFF  }
0x5ce: {  	_ =	strace $0x90000047  }
0x5cf: {  	s0 =	stileid.u32;
	[bflag:$0x2] =	sbarrier.arrive $0xFFFF  }
0x5d0: {  	p0 =	sne.s32 s0, $0x0;
	s0 =	rddreg [dreg:$0x3]  }
0x5d1: {  	s0 =	sadd.s32 @!p0 $0x100000, s0  }
0x5d2: {  	[sflag:s0] =	ssyncadd.tile.s32 @!p0 $0x1;
	_ =	shalt  }
.Lfunc_end2:
_tile_overlayer_lowered:
.L_overlay_start_2:
0x5d3: {  	(tag) =	ssettag $0x2  }
0x5d4: {  	s0 =	rddreg [dreg:$0x0];
	s2 =	stileid.u32  }
0x5d5: {  	s1 =	rddreg [dreg:$0x1];
	p0 =	sne.s32 s2, $0x0  }
0x5d6: {  	s3 =	rddreg [dreg:$0x2];
	[bflag:$0x3] =	sbarrier.arrive $0xFFFF;
	s2 =	simm.s32 @!p0 $0x1C0F  }
0x5d7: {  	[timem:s3], [sflag:s2] =	dma.local @!p0 [hbm:s0], s1  }
0x5d8: {  	s0 =	simm.s32 @!p0 $0xF  }
0x5d9: {  	_ =	swait.ge @!p0 [sflag:s0], s1  }
0x5da: {  	s1 =	ssub.s32 @!p0 $0x0, s1;
	[sflag:s0] =	ssyncset.done @!p0 $0x0  }
0x5db: {  	[sflag:s0] =	ssyncadd.s32 @!p0 s1  }
0x5dc: {  	[bflag:$0x3] =	sbarrier.arrive $0xFFFF  }
0x5dd: {  	_ =	shalt  }

</sc_bundles>
